<compile_context>
chip_gen: v7x
topology: tpu7x:2x2x1
jax: 0.10.2.dev20260603
libtpu: 0.0.44.dev20260713+nightly
codegen_flags: <defaults>
</compile_context>

<pallas_src>
import functools

import jax
import jax.numpy as jnp
from jax import lax
from jax.experimental import pallas as pl
from jax.experimental.pallas import tpu as pltpu
from jax.experimental.pallas import tpu_sc as plsc

NC = 2
NS = 16
NW = NC * NS
DW = 128
PW = 16
NP = 10240
CH = 200
CHP = 1000
CHS = 200
CHT = 1000


def _silu(v):
    return v * (0.5 * jnp.tanh(0.5 * v) + 0.5)


def _gather_body(epw, ch, t_hbm, row_hbm, col_hbm, outr_hbm, outc_hbm,
                 idxr, idxc, bufr, bufc, sem):
    wid = lax.axis_index("s") * NC + lax.axis_index("c")
    base0 = wid * epw

    def step(i, carry):
        base = base0 + i * ch
        pltpu.sync_copy(row_hbm.at[pl.ds(base, ch)], idxr)
        pltpu.sync_copy(col_hbm.at[pl.ds(base, ch)], idxc)
        a = pltpu.async_copy(t_hbm.at[idxr], bufr, sem)
        b = pltpu.async_copy(t_hbm.at[idxc], bufc, sem)
        a.wait()
        b.wait()
        pltpu.sync_copy(bufr, outr_hbm.at[pl.ds(base, ch)])
        pltpu.sync_copy(bufc, outc_hbm.at[pl.ds(base, ch)])
        return carry

    lax.fori_loop(0, epw // ch, step, 0)


def _gather_x(table, row, col, E):
    epw = E // NW
    return pl.kernel(
        functools.partial(_gather_body, epw, CH),
        out_type=[jax.ShapeDtypeStruct((E, DW), jnp.float32),
                  jax.ShapeDtypeStruct((E, DW), jnp.float32)],
        mesh=plsc.VectorSubcoreMesh(core_axis_name="c", subcore_axis_name="s"),
        scratch_types=[
            pltpu.VMEM((CH,), jnp.int32),
            pltpu.VMEM((CH,), jnp.int32),
            pltpu.VMEM((CH, DW), jnp.float32),
            pltpu.VMEM((CH, DW), jnp.float32),
            pltpu.SemaphoreType.DMA,
        ],
    )(table, row, col)


def _gather_pos(table, row, col, E):
    epw = E // NW
    return pl.kernel(
        functools.partial(_gather_body, epw, CHP),
        out_type=[jax.ShapeDtypeStruct((E, PW), jnp.float32),
                  jax.ShapeDtypeStruct((E, PW), jnp.float32)],
        mesh=plsc.VectorSubcoreMesh(core_axis_name="c", subcore_axis_name="s"),
        scratch_types=[
            pltpu.VMEM((CHP,), jnp.int32),
            pltpu.VMEM((CHP,), jnp.int32),
            pltpu.VMEM((CHP, PW), jnp.float32),
            pltpu.VMEM((CHP, PW), jnp.float32),
            pltpu.SemaphoreType.DMA,
        ],
        compiler_params=pltpu.CompilerParams(use_tc_tiling_on_sc=False),
    )(table, row, col)


def _scatter_body(epw, ch, w, payload_hbm, col_hbm, zeros_hbm, out_hbm,
                  idx, buf, acc):
    cid = lax.axis_index("c")
    sid = lax.axis_index("s")
    wid = sid * NC + cid
    rpt = NP // NS
    pltpu.sync_copy(zeros_hbm, acc.at[pl.ds(sid * rpt, rpt)])
    plsc.subcore_barrier()
    base0 = wid * epw

    def step(i, carry):
        base = base0 + i * ch
        pltpu.sync_copy(col_hbm.at[pl.ds(base, ch)], idx)
        pltpu.sync_copy(payload_hbm.at[pl.ds(base, ch)], buf)
        pltpu.sync_copy(buf, acc.at[idx], add=True)
        return carry

    lax.fori_loop(0, epw // ch, step, 0)
    plsc.subcore_barrier()
    pltpu.sync_copy(acc.at[pl.ds(sid * rpt, rpt)],
                    out_hbm.at[cid, pl.ds(sid * rpt, rpt)])


def _scatter_msg(payload, col, E):
    epw = E // NW
    zeros = jnp.zeros((NP // NS, DW), jnp.float32)
    return pl.kernel(
        functools.partial(_scatter_body, epw, CHS, DW),
        out_type=jax.ShapeDtypeStruct((NC, NP, DW), jnp.float32),
        mesh=plsc.VectorSubcoreMesh(core_axis_name="c", subcore_axis_name="s"),
        scratch_types=[
            pltpu.VMEM((CHS,), jnp.int32),
            pltpu.VMEM((CHS, DW), jnp.float32),
            pltpu.VMEM_SHARED((NP, DW), jnp.float32),
        ],
    )(payload, col, zeros)


def _scatter_tail(payload, col, E):
    epw = E // NW
    zeros = jnp.zeros((NP // NS, PW), jnp.float32)
    return pl.kernel(
        functools.partial(_scatter_body, epw, CHT, PW),
        out_type=jax.ShapeDtypeStruct((NC, NP, PW), jnp.float32),
        mesh=plsc.VectorSubcoreMesh(core_axis_name="c", subcore_axis_name="s"),
        scratch_types=[
            pltpu.VMEM((CHT,), jnp.int32),
            pltpu.VMEM((CHT, PW), jnp.float32),
            pltpu.VMEM_SHARED((NP, PW), jnp.float32),
        ],
        compiler_params=pltpu.CompilerParams(use_tc_tiling_on_sc=False),
    )(payload, col, zeros)


def _shl(x, k):
    z = jnp.zeros((x.shape[0], k), jnp.float32)
    return jnp.concatenate([x[:, k:], z], axis=1)


def _shr(x, k):
    z = jnp.zeros((x.shape[0], k), jnp.float32)
    return jnp.concatenate([z, x[:, :-k]], axis=1)


def _edge_body(D, xr_ref, xc_ref, pr_ref, pc_ref, rbf_ref,
               wr_ref, wc_ref, wb_ref, b1_ref,
               mW2_ref, mb2_ref, mW3_ref, mb3_ref,
               cW2_ref, cb2_ref, cW3c_ref, cb3_ref,
               aW2c_ref, ab2_ref, sw_ref, sc_ref, msg_ref, tail_ref):
    f32 = jnp.float32
    bf16 = jnp.bfloat16
    xr = xr_ref[...].astype(bf16)
    xc = xc_ref[...].astype(bf16)
    pre1 = (jnp.dot(xr, wr_ref[...], preferred_element_type=f32)
            + jnp.dot(xc, wc_ref[...], preferred_element_type=f32)
            + lax.dot_general(rbf_ref[...].astype(bf16), wb_ref[...],
                              (((0,), (0,)), ((), ())),
                              preferred_element_type=f32)
            + b1_ref[...])
    hm = _silu(pre1[:, :D])
    hc = _silu(pre1[:, D:2 * D])
    ha = _silu(pre1[:, 2 * D:])
    h2 = _silu(jnp.dot(hm.astype(bf16), mW2_ref[...],
                       preferred_element_type=f32) + mb2_ref[...])
    msg = jnp.dot(h2.astype(bf16), mW3_ref[...],
                  preferred_element_type=f32) + mb3_ref[...]
    c2 = _silu(jnp.dot(hc.astype(bf16), cW2_ref[...],
                       preferred_element_type=f32) + cb2_ref[...])
    cw = jnp.dot(c2, cW3c_ref[...], preferred_element_type=f32) + cb3_ref[...]
    logit = (jnp.dot(ha, aW2c_ref[...], preferred_element_type=f32)
             + ab2_ref[...])
    w = jnp.exp(logit)
    msg_ref[...] = msg * w

    blk8 = msg.shape[0] // 8
    vec = pc_ref[...] - pr_ref[...]
    sq = vec * vec
    d2 = sq + _shl(sq, 1) + _shl(sq, 2)
    inv = 1.0 / (jnp.sqrt(d2 + 1e-12) + 1e-8)
    lane = lax.broadcasted_iota(jnp.int32, (blk8, 128), 1)
    m0 = (lane & 15) == 0
    invm = jnp.where(m0, inv, 0.0)
    invb = _shr(invm, 1) + _shr(invm, 2) + _shr(invm, 3)
    dirp = _shr(vec, 1) * invb
    l8 = jnp.reshape(logit, (blk8, 8))
    c8 = jnp.reshape(cw, (blk8, 8))
    lp = jnp.dot(l8, sw_ref[...], preferred_element_type=f32)
    cp = jnp.dot(c8, sc_ref[...], preferred_element_type=f32)
    wp = jnp.where(m0, jnp.exp(lp), 0.0)
    tail_ref[...] = wp + cp * dirp


def _edge_mlps(xr, xc, pr8, pc8, rbf, Wr, Wc, Wb, b1, mW2, mb2r, mW3, mb3r,
               cW2, cb2r, cW3c, cb3r, aW2c, ab2r, Sw, Sc, E, D, NB, W1, off):
    BLK = 3200
    grid = (E // BLK,)
    espec = lambda wdt: pl.BlockSpec((BLK, wdt), lambda i: (i, 0))
    pspec = pl.BlockSpec((BLK // 8, 128), lambda i: (i, 0))
    full = lambda s: pl.BlockSpec(s, lambda i: (0, 0))
    return pl.pallas_call(
        functools.partial(_edge_body, D),
        grid=grid,
        in_specs=[
            espec(DW), espec(DW), pspec, pspec,
            pl.BlockSpec((NB, BLK), lambda i: (0, i + off)),
            full((D, W1)), full((D, W1)), full((NB, W1)), full((1, W1)),
            full((D, D)), full((1, D)), full((D, D)), full((1, D)),
            full((D, D)), full((1, D)), full((D, 1)), full((1, 1)),
            full((D // 2, 1)), full((1, 1)), full((8, 128)), full((8, 128)),
        ],
        out_specs=[espec(DW), pspec],
        out_shape=[jax.ShapeDtypeStruct((E, DW), jnp.float32),
                   jax.ShapeDtypeStruct((E // 8, 128), jnp.float32)],
        compiler_params=pltpu.CompilerParams(
            dimension_semantics=("parallel",)),
    )(xr, xc, pr8, pc8, rbf, Wr, Wc, Wb, b1, mW2, mb2r, mW3, mb3r,
      cW2, cb2r, cW3c, cb3r, aW2c, ab2r, Sw, Sc)


def _node_body(D, x_ref, pos_ref, m0_ref, m1_ref, m2_ref, m3_ref,
               t0_ref, t1_ref, t2_ref, t3_ref,
               uW1a_ref, uW1b_ref, ub1_ref, uW2_ref, ub2_ref,
               g_ref, b_ref, xo_ref, po_ref):
    f32 = jnp.float32
    num = (m0_ref[...] + m1_ref[...]) + (m2_ref[...] + m3_ref[...])
    tsum = (t0_ref[...] + t1_ref[...]) + (t2_ref[...] + t3_ref[...])
    den = tsum[:, 0:1]
    ca = tsum[:, 1:4]
    m = num / (den + 1e-8)
    x = x_ref[...]
    h = _silu(jnp.dot(x, uW1a_ref[...], preferred_element_type=f32)
              + jnp.dot(m, uW1b_ref[...], preferred_element_type=f32)
              + ub1_ref[...])
    u = jnp.dot(h, uW2_ref[...], preferred_element_type=f32) + ub2_ref[...]
    pre = x + u
    mean = jnp.mean(pre, axis=1, keepdims=True)
    cent = pre - mean
    var = jnp.mean(cent * cent, axis=1, keepdims=True)
    xo_ref[...] = g_ref[...] * cent / jnp.sqrt(var + 1e-5) + b_ref[...]
    po_ref[...] = pos_ref[...] + ca


def _node_update(x, pos, ms, ts, uW1a, uW1b, ub1r, uW2, ub2r,
                 gr, br, n, D):
    BNK = 1000
    grid = (n // BNK,)
    full = lambda s: pl.BlockSpec(s, lambda i: (0, 0))
    return pl.pallas_call(
        functools.partial(_node_body, D),
        grid=grid,
        in_specs=[
            pl.BlockSpec((BNK, D), lambda i: (i, 0)),
            pl.BlockSpec((BNK, 3), lambda i: (i, 0)),
        ] + [pl.BlockSpec((BNK, DW), lambda i: (i, 0))] * 4
          + [pl.BlockSpec((BNK, PW), lambda i: (i, 0))] * 4
          + [
            full((D, D)), full((D, D)), full((1, D)), full((D, D)), full((1, D)),
            full((1, D)), full((1, D)),
        ],
        out_specs=[
            pl.BlockSpec((BNK, D), lambda i: (i, 0)),
            pl.BlockSpec((BNK, 3), lambda i: (i, 0)),
        ],
        out_shape=[
            jax.ShapeDtypeStruct((n, D), jnp.float32),
            jax.ShapeDtypeStruct((n, 3), jnp.float32),
        ],
        compiler_params=pltpu.CompilerParams(
            dimension_semantics=("parallel",)),
    )(x, pos, *ms, *ts, uW1a, uW1b, ub1r, uW2, ub2r, gr, br)


def kernel(x, pos, edge_index, rbf, mW1, mb1, mW2, mb2, mW3, mb3,
           aW1, ab1, aW2, ab2, cW1, cb1, cW2, cb2, cW3, cb3,
           uW1, ub1, uW2, ub2, gamma, beta):
    n, D = x.shape
    E = edge_index.shape[1]
    NB = rbf.shape[1]
    W1 = 2 * D + D // 2
    row = edge_index[0]
    col = edge_index[1]

    post = jnp.concatenate(
        [pos, jnp.zeros((n, PW - 3), jnp.float32)], axis=1)
    bf16 = jnp.bfloat16
    Wr = jnp.concatenate([mW1[:D], cW1[:D], aW1[:D]], axis=1).astype(bf16)
    Wc = jnp.concatenate([mW1[D:2 * D], cW1[D:2 * D], aW1[D:2 * D]],
                         axis=1).astype(bf16)
    Wb = jnp.concatenate([mW1[2 * D:], cW1[2 * D:], aW1[2 * D:]],
                         axis=1).astype(bf16)
    b1 = jnp.concatenate([mb1, cb1, ab1]).reshape(1, W1)

    ji = jnp.arange(8)[:, None]
    li = jnp.arange(128)[None, :]
    Sw = (li == 16 * ji).astype(jnp.float32)
    Sc = ((li >= 16 * ji + 1) & (li <= 16 * ji + 3)).astype(jnp.float32)

    E2 = E // 2
    rbft = rbf.T
    wts = (mW2.astype(bf16), mb2.reshape(1, D), mW3.astype(bf16),
           mb3.reshape(1, D), cW2.astype(bf16), cb2.reshape(1, D),
           cW3.reshape(D, 1), cb3.reshape(1, 1),
           aW2.reshape(D // 2, 1), ab2.reshape(1, 1))
    ms, ts = [], []
    for h in (0, 1):
        rh = lax.dynamic_slice_in_dim(row, h * E2, E2)
        ch = lax.dynamic_slice_in_dim(col, h * E2, E2)
        xr, xc = _gather_x(x, rh, ch, E2)
        pr, pc = _gather_pos(post, rh, ch, E2)
        pr8 = jnp.reshape(pr, (E2 // 8, 128))
        pc8 = jnp.reshape(pc, (E2 // 8, 128))
        msg_pay, tail_pay = _edge_mlps(
            xr, xc, pr8, pc8, rbft, Wr, Wc, Wb, b1, *wts, Sw, Sc,
            E2, D, NB, W1, h * (E2 // 3200))
        accm = _scatter_msg(msg_pay, ch, E2)
        acct = _scatter_tail(jnp.reshape(tail_pay, (E2, PW)), ch, E2)
        ms += [accm[0, :n], accm[1, :n]]
        ts += [acct[0, :n], acct[1, :n]]
    x_new, pos_new = _node_update(
        x, pos, ms, ts,
        uW1[:D], uW1[D:], ub1.reshape(1, D), uW2, ub2.reshape(1, D),
        gamma.reshape(1, D), beta.reshape(1, D), n, D)
    return (x_new, pos_new)

# --- scband reference (transcript-rebuilt; emitter-appended) ---
"""Pipeline reference for scband-equivariant-message-passing-27891517620925 (READ-ONLY COPY).

The authoritative reference and input builder live on the scoring server;
editing this copy changes nothing except your own understanding.
"""

import jax, jax.numpy as jnp
import numpy as np

N = 10000
E = 320000
D = 128
NB = 32

def _p(key, shape, scale=0.05):
    return jax.random.normal(key, shape, jnp.float32) * scale

def setup_inputs(seed: int = 0):
    key = jax.random.key(seed)
    ks = jax.random.split(key, 30)
    inp = {}
    inp['x'] = jax.random.normal(ks[0], (N, D), jnp.float32)
    inp['pos'] = jax.random.normal(ks[1], (N, 3), jnp.float32)
    inp['edge_index'] = jax.random.randint(ks[2], (2, E), 0, N, dtype=jnp.int32)
    inp['rbf'] = jax.random.uniform(ks[3], (E, NB), dtype=jnp.float32)
    inp['mW1'] = _p(ks[4], (2 * D + NB, D)); inp['mb1'] = jnp.zeros((D,), jnp.float32)
    inp['mW2'] = _p(ks[5], (D, D)); inp['mb2'] = jnp.zeros((D,), jnp.float32)
    inp['mW3'] = _p(ks[6], (D, D)); inp['mb3'] = jnp.zeros((D,), jnp.float32)
    inp['aW1'] = _p(ks[7], (2 * D + NB, D // 2)); inp['ab1'] = jnp.zeros((D // 2,), jnp.float32)
    inp['aW2'] = _p(ks[8], (D // 2, 1)); inp['ab2'] = jnp.zeros((1,), jnp.float32)
    inp['cW1'] = _p(ks[9], (2 * D + NB, D)); inp['cb1'] = jnp.zeros((D,), jnp.float32)
    inp['cW2'] = _p(ks[10], (D, D)); inp['cb2'] = jnp.zeros((D,), jnp.float32)
    inp['cW3'] = _p(ks[11], (D, 1)); inp['cb3'] = jnp.zeros((1,), jnp.float32)
    inp['uW1'] = _p(ks[12], (2 * D, D)); inp['ub1'] = jnp.zeros((D,), jnp.float32)
    inp['uW2'] = _p(ks[13], (D, D)); inp['ub2'] = jnp.zeros((D,), jnp.float32)
    inp['gamma'] = jnp.ones((D,), jnp.float32)
    inp['beta'] = jnp.zeros((D,), jnp.float32)
    return inp

def _silu(v):
    return v * jax.nn.sigmoid(v)

def reference(x, pos, edge_index, rbf, mW1, mb1, mW2, mb2, mW3, mb3, aW1, ab1, aW2, ab2, cW1, cb1, cW2, cb2, cW3, cb3, uW1, ub1, uW2, ub2, gamma, beta):
    n = x.shape[0]
    row = edge_index[0]
    col = edge_index[1]
    edge_vec = pos[col] - pos[row]
    edge_dist = jnp.sqrt(jnp.sum(edge_vec * edge_vec, axis=-1, keepdims=True) + 1e-12)
    edge_dir = edge_vec / (edge_dist + 1e-08)
    msg_input = jnp.concatenate([x[row], x[col], rbf], axis=-1)
    h = _silu(msg_input @ mW1 + mb1)
    h = _silu(h @ mW2 + mb2)
    scalar_msg = h @ mW3 + mb3
    attn_logits = _silu(msg_input @ aW1 + ab1) @ aW2 + ab2
    seg_max = jax.ops.segment_max(attn_logits, col, num_segments=n)
    max_vals = jnp.maximum(seg_max, 0.0)[col]
    exp_vals = jnp.exp(attn_logits - max_vals)
    sum_exp = jax.ops.segment_sum(exp_vals, col, num_segments=n)[col]
    attn = exp_vals / (sum_exp + 1e-08)
    scalar_msg = scalar_msg * attn
    msg_aggr = jax.ops.segment_sum(scalar_msg, col, num_segments=n)
    u = _silu(jnp.concatenate([x, msg_aggr], axis=-1) @ uW1 + ub1) @ uW2 + ub2
    pre = x + u
    mean = jnp.mean(pre, axis=-1, keepdims=True)
    var = jnp.var(pre, axis=-1, keepdims=True)
    x_new = gamma * (pre - mean) / jnp.sqrt(var + 1e-05) + beta
    c = _silu(msg_input @ cW1 + cb1)
    c = _silu(c @ cW2 + cb2)
    coord_w = c @ cW3 + cb3
    coord_aggr = jax.ops.segment_sum(coord_w * edge_dir, col, num_segments=n)
    pos_new = pos + coord_aggr
    return (x_new, pos_new)

if __name__ == "__main__":
    import jax
    _d = setup_inputs()
    print(jax.jit(kernel)(*tuple(_d.values())))

</pallas_src>

<mosaic_0001>
#map = affine_map<(d0, d1) -> (0, 0)>
#map1 = affine_map<(d0, d1) -> (0)>
module attributes {stable_mosaic.version = 14 : i64} {
  func.func @_gather_body(%arg0: i32, %arg1: i32, %arg2: memref<10000x128xf32, #tpu.memory_space<hbm>>, %arg3: memref<160000xi32, #tpu.memory_space<hbm>>, %arg4: memref<160000xi32, #tpu.memory_space<hbm>>, %arg5: memref<160000x128xf32, #tpu.memory_space<hbm>>, %arg6: memref<160000x128xf32, #tpu.memory_space<hbm>>, %arg7: memref<200xi32, #tpu.memory_space<vmem>>, %arg8: memref<200xi32, #tpu.memory_space<vmem>>, %arg9: memref<200x128xf32, #tpu.memory_space<vmem>>, %arg10: memref<200x128xf32, #tpu.memory_space<vmem>>, %arg11: memref<!tpu.dma_semaphore, #tpu.memory_space<semaphore_mem>>) attributes {dimension_semantics = [#tpu.dimension_semantics<core_parallel>, #tpu.dimension_semantics<subcore_parallel>], iteration_bounds = array<i64: 2, 16>, scalar_prefetch = 0 : i64, scratch_operands = 5 : i64, tpu.core_type = #tpu.core_type<sc_vector_subcore>, window_params = [{transform_indices = #map}, {transform_indices = #map1}, {transform_indices = #map1}, {transform_indices = #map}, {transform_indices = #map}]} {
    %mul3A = arith.constant 2 : i32
    %mul3A_0 = arith.muli %arg1, %mul3A : i32
    %add3A = arith.addi %mul3A_0, %arg0 : i32
    %mul3A_1 = arith.constant 5000 : i32
    %mul3A_2 = arith.muli %add3A, %mul3A_1 : i32
    %scan3A = arith.constant 0 : i32
    %scan3A_3 = arith.constant 0 : i32
    %scan3A_4 = arith.constant 25 : i32
    %scan3A_5 = arith.addi %scan3A_3, %scan3A_4 : i32
    %scan3A_6 = arith.constant 1 : i32
    scf.for %scan3A_8 = %scan3A_3 to %scan3A_5 step %scan3A_6  : i32 {
      %mul3A_9 = arith.constant 200 : i32
      %mul3A_10 = arith.muli %scan3A_8, %mul3A_9 : i32
      %add3A_11 = arith.addi %mul3A_2, %mul3A_10 : i32
      "tpu.region"() ({
        %run_scoped3A = tpu.sem_alloc : memref<!tpu.dma_semaphore, #tpu.memory_space<semaphore_mem>>
        %dma_start3A_22 = tpu.memref_slice %arg3[%add3A_11] : memref<160000xi32, #tpu.memory_space<hbm>> -> memref<200xi32, #tpu.memory_space<hbm>>
        %dma_start3A_23 = tpu.memref_slice %arg3[%add3A_11] : memref<160000xi32, #tpu.memory_space<hbm>> -> memref<200xi32, #tpu.memory_space<hbm>>
        tpu.enqueue_dma source(%dma_start3A_23 : memref<200xi32, #tpu.memory_space<hbm>>) target(%arg7 : memref<200xi32, #tpu.memory_space<vmem>>) target_semaphore(%run_scoped3A : memref<!tpu.dma_semaphore, #tpu.memory_space<semaphore_mem>>)
        %dma_wait3A_24 = tpu.memref_slice %arg3[%add3A_11] : memref<160000xi32, #tpu.memory_space<hbm>> -> memref<200xi32, #tpu.memory_space<hbm>>
        %dma_wait3A_25 = tpu.memref_slice %arg3[%add3A_11] : memref<160000xi32, #tpu.memory_space<hbm>> -> memref<200xi32, #tpu.memory_space<hbm>>
        tpu.wait_dma2 semaphore(%run_scoped3A : memref<!tpu.dma_semaphore, #tpu.memory_space<semaphore_mem>>) src(%dma_wait3A_25 : memref<200xi32, #tpu.memory_space<hbm>>) dst(%arg7 : memref<200xi32, #tpu.memory_space<vmem>>)
        tpu.yield
      }) : () -> ()
      "tpu.region"() ({
        %run_scoped3A = tpu.sem_alloc : memref<!tpu.dma_semaphore, #tpu.memory_space<semaphore_mem>>
        %dma_start3A_22 = tpu.memref_slice %arg4[%add3A_11] : memref<160000xi32, #tpu.memory_space<hbm>> -> memref<200xi32, #tpu.memory_space<hbm>>
        %dma_start3A_23 = tpu.memref_slice %arg4[%add3A_11] : memref<160000xi32, #tpu.memory_space<hbm>> -> memref<200xi32, #tpu.memory_space<hbm>>
        tpu.enqueue_dma source(%dma_start3A_23 : memref<200xi32, #tpu.memory_space<hbm>>) target(%arg8 : memref<200xi32, #tpu.memory_space<vmem>>) target_semaphore(%run_scoped3A : memref<!tpu.dma_semaphore, #tpu.memory_space<semaphore_mem>>)
        %dma_wait3A_24 = tpu.memref_slice %arg4[%add3A_11] : memref<160000xi32, #tpu.memory_space<hbm>> -> memref<200xi32, #tpu.memory_space<hbm>>
        %dma_wait3A_25 = tpu.memref_slice %arg4[%add3A_11] : memref<160000xi32, #tpu.memory_space<hbm>> -> memref<200xi32, #tpu.memory_space<hbm>>
        tpu.wait_dma2 semaphore(%run_scoped3A : memref<!tpu.dma_semaphore, #tpu.memory_space<semaphore_mem>>) src(%dma_wait3A_25 : memref<200xi32, #tpu.memory_space<hbm>>) dst(%arg8 : memref<200xi32, #tpu.memory_space<vmem>>)
        tpu.yield
      }) : () -> ()
      %dma_start3A = arith.constant 0 : i32
      %dma_start3A_12 = arith.constant 0 : i32
      %dma_start3A_13 = tpu.memref_slice %arg2[%dma_start3A, %dma_start3A_12] : memref<10000x128xf32, #tpu.memory_space<hbm>> -> memref<10000x128xf32, #tpu.memory_space<hbm>>
      tpu.enqueue_indirect_dma source(%dma_start3A_13 : memref<10000x128xf32, #tpu.memory_space<hbm>>) target(%arg9 : memref<200x128xf32, #tpu.memory_space<vmem>>) offsets(%arg7 : memref<200xi32, #tpu.memory_space<vmem>>) semaphore(%arg11 : memref<!tpu.dma_semaphore, #tpu.memory_space<semaphore_mem>>)
      %dma_start3A_14 = arith.constant 0 : i32
      %dma_start3A_15 = arith.constant 0 : i32
      %dma_start3A_16 = tpu.memref_slice %arg2[%dma_start3A_14, %dma_start3A_15] : memref<10000x128xf32, #tpu.memory_space<hbm>> -> memref<10000x128xf32, #tpu.memory_space<hbm>>
      tpu.enqueue_indirect_dma source(%dma_start3A_16 : memref<10000x128xf32, #tpu.memory_space<hbm>>) target(%arg10 : memref<200x128xf32, #tpu.memory_space<vmem>>) offsets(%arg8 : memref<200xi32, #tpu.memory_space<vmem>>) semaphore(%arg11 : memref<!tpu.dma_semaphore, #tpu.memory_space<semaphore_mem>>)
      %dma_wait3A = arith.constant 0 : i32
      %dma_wait3A_17 = arith.constant 0 : i32
      %dma_wait3A_18 = tpu.memref_slice %arg2[%dma_wait3A, %dma_wait3A_17] : memref<10000x128xf32, #tpu.memory_space<hbm>> -> memref<10000x128xf32, #tpu.memory_space<hbm>>
      tpu.wait_indirect_dma semaphore(%arg11 : memref<!tpu.dma_semaphore, #tpu.memory_space<semaphore_mem>>) src(%dma_wait3A_18 : memref<10000x128xf32, #tpu.memory_space<hbm>>) dst(%arg9 : memref<200x128xf32, #tpu.memory_space<vmem>>)
      %dma_wait3A_19 = arith.constant 0 : i32
      %dma_wait3A_20 = arith.constant 0 : i32
      %dma_wait3A_21 = tpu.memref_slice %arg2[%dma_wait3A_19, %dma_wait3A_20] : memref<10000x128xf32, #tpu.memory_space<hbm>> -> memref<10000x128xf32, #tpu.memory_space<hbm>>
      tpu.wait_indirect_dma semaphore(%arg11 : memref<!tpu.dma_semaphore, #tpu.memory_space<semaphore_mem>>) src(%dma_wait3A_21 : memref<10000x128xf32, #tpu.memory_space<hbm>>) dst(%arg10 : memref<200x128xf32, #tpu.memory_space<vmem>>)
      "tpu.region"() ({
        %run_scoped3A = tpu.sem_alloc : memref<!tpu.dma_semaphore, #tpu.memory_space<semaphore_mem>>
        %dma_start3A_22 = arith.constant 0 : i32
        %dma_start3A_23 = tpu.memref_slice %arg5[%add3A_11, %dma_start3A_22] : memref<160000x128xf32, #tpu.memory_space<hbm>> -> memref<200x128xf32, #tpu.memory_space<hbm>>
        %dma_start3A_24 = arith.constant 0 : i32
        %dma_start3A_25 = tpu.memref_slice %arg5[%add3A_11, %dma_start3A_24] : memref<160000x128xf32, #tpu.memory_space<hbm>> -> memref<200x128xf32, #tpu.memory_space<hbm>>
        tpu.enqueue_dma source(%arg9 : memref<200x128xf32, #tpu.memory_space<vmem>>) target(%dma_start3A_25 : memref<200x128xf32, #tpu.memory_space<hbm>>) target_semaphore(%run_scoped3A : memref<!tpu.dma_semaphore, #tpu.memory_space<semaphore_mem>>)
        %dma_wait3A_26 = arith.constant 0 : i32
        %dma_wait3A_27 = tpu.memref_slice %arg5[%add3A_11, %dma_wait3A_26] : memref<160000x128xf32, #tpu.memory_space<hbm>> -> memref<200x128xf32, #tpu.memory_space<hbm>>
        %dma_wait3A_28 = arith.constant 0 : i32
        %dma_wait3A_29 = tpu.memref_slice %arg5[%add3A_11, %dma_wait3A_28] : memref<160000x128xf32, #tpu.memory_space<hbm>> -> memref<200x128xf32, #tpu.memory_space<hbm>>
        tpu.wait_dma2 semaphore(%run_scoped3A : memref<!tpu.dma_semaphore, #tpu.memory_space<semaphore_mem>>) src(%arg9 : memref<200x128xf32, #tpu.memory_space<vmem>>) dst(%dma_wait3A_29 : memref<200x128xf32, #tpu.memory_space<hbm>>)
        tpu.yield
      }) : () -> ()
      "tpu.region"() ({
        %run_scoped3A = tpu.sem_alloc : memref<!tpu.dma_semaphore, #tpu.memory_space<semaphore_mem>>
        %dma_start3A_22 = arith.constant 0 : i32
        %dma_start3A_23 = tpu.memref_slice %arg6[%add3A_11, %dma_start3A_22] : memref<160000x128xf32, #tpu.memory_space<hbm>> -> memref<200x128xf32, #tpu.memory_space<hbm>>
        %dma_start3A_24 = arith.constant 0 : i32
        %dma_start3A_25 = tpu.memref_slice %arg6[%add3A_11, %dma_start3A_24] : memref<160000x128xf32, #tpu.memory_space<hbm>> -> memref<200x128xf32, #tpu.memory_space<hbm>>
        tpu.enqueue_dma source(%arg10 : memref<200x128xf32, #tpu.memory_space<vmem>>) target(%dma_start3A_25 : memref<200x128xf32, #tpu.memory_space<hbm>>) target_semaphore(%run_scoped3A : memref<!tpu.dma_semaphore, #tpu.memory_space<semaphore_mem>>)
        %dma_wait3A_26 = arith.constant 0 : i32
        %dma_wait3A_27 = tpu.memref_slice %arg6[%add3A_11, %dma_wait3A_26] : memref<160000x128xf32, #tpu.memory_space<hbm>> -> memref<200x128xf32, #tpu.memory_space<hbm>>
        %dma_wait3A_28 = arith.constant 0 : i32
        %dma_wait3A_29 = tpu.memref_slice %arg6[%add3A_11, %dma_wait3A_28] : memref<160000x128xf32, #tpu.memory_space<hbm>> -> memref<200x128xf32, #tpu.memory_space<hbm>>
        tpu.wait_dma2 semaphore(%run_scoped3A : memref<!tpu.dma_semaphore, #tpu.memory_space<semaphore_mem>>) src(%arg10 : memref<200x128xf32, #tpu.memory_space<vmem>>) dst(%dma_wait3A_29 : memref<200x128xf32, #tpu.memory_space<hbm>>)
        tpu.yield
      }) : () -> ()
    }
    %scan3A_7 = arith.constant 25 : i32
    return
  }
}

#map = affine_map<(d0, d1) -> (0, 0)>
#map1 = affine_map<(d0, d1) -> (0)>
module attributes {stable_mosaic.version = 14 : i64} {
  func.func @_gather_body(%arg0: i32, %arg1: i32, %arg2: memref<10000x16xf32, #tpu.memory_space<hbm>>, %arg3: memref<160000xi32, #tpu.memory_space<hbm>>, %arg4: memref<160000xi32, #tpu.memory_space<hbm>>, %arg5: memref<160000x16xf32, #tpu.memory_space<hbm>>, %arg6: memref<160000x16xf32, #tpu.memory_space<hbm>>, %arg7: memref<1000xi32, #tpu.memory_space<vmem>>, %arg8: memref<1000xi32, #tpu.memory_space<vmem>>, %arg9: memref<1000x16xf32, #tpu.memory_space<vmem>>, %arg10: memref<1000x16xf32, #tpu.memory_space<vmem>>, %arg11: memref<!tpu.dma_semaphore, #tpu.memory_space<semaphore_mem>>) attributes {dimension_semantics = [#tpu.dimension_semantics<core_parallel>, #tpu.dimension_semantics<subcore_parallel>], iteration_bounds = array<i64: 2, 16>, scalar_prefetch = 0 : i64, scratch_operands = 5 : i64, tpu.core_type = #tpu.core_type<sc_vector_subcore>, window_params = [{transform_indices = #map}, {transform_indices = #map1}, {transform_indices = #map1}, {transform_indices = #map}, {transform_indices = #map}]} {
    %mul3A = arith.constant 2 : i32
    %mul3A_0 = arith.muli %arg1, %mul3A : i32
    %add3A = arith.addi %mul3A_0, %arg0 : i32
    %mul3A_1 = arith.constant 5000 : i32
    %mul3A_2 = arith.muli %add3A, %mul3A_1 : i32
    %scan3A = arith.constant 0 : i32
    %scan3A_3 = arith.constant 0 : i32
    %scan3A_4 = arith.constant 5 : i32
    %scan3A_5 = arith.addi %scan3A_3, %scan3A_4 : i32
    %scan3A_6 = arith.constant 1 : i32
    scf.for %scan3A_8 = %scan3A_3 to %scan3A_5 step %scan3A_6  : i32 {
      %mul3A_9 = arith.constant 1000 : i32
      %mul3A_10 = arith.muli %scan3A_8, %mul3A_9 : i32
      %add3A_11 = arith.addi %mul3A_2, %mul3A_10 : i32
      "tpu.region"() ({
        %run_scoped3A = tpu.sem_alloc : memref<!tpu.dma_semaphore, #tpu.memory_space<semaphore_mem>>
        %dma_start3A_22 = tpu.memref_slice %arg3[%add3A_11] : memref<160000xi32, #tpu.memory_space<hbm>> -> memref<1000xi32, #tpu.memory_space<hbm>>
        %dma_start3A_23 = tpu.memref_slice %arg3[%add3A_11] : memref<160000xi32, #tpu.memory_space<hbm>> -> memref<1000xi32, #tpu.memory_space<hbm>>
        tpu.enqueue_dma source(%dma_start3A_23 : memref<1000xi32, #tpu.memory_space<hbm>>) target(%arg7 : memref<1000xi32, #tpu.memory_space<vmem>>) target_semaphore(%run_scoped3A : memref<!tpu.dma_semaphore, #tpu.memory_space<semaphore_mem>>)
        %dma_wait3A_24 = tpu.memref_slice %arg3[%add3A_11] : memref<160000xi32, #tpu.memory_space<hbm>> -> memref<1000xi32, #tpu.memory_space<hbm>>
        %dma_wait3A_25 = tpu.memref_slice %arg3[%add3A_11] : memref<160000xi32, #tpu.memory_space<hbm>> -> memref<1000xi32, #tpu.memory_space<hbm>>
        tpu.wait_dma2 semaphore(%run_scoped3A : memref<!tpu.dma_semaphore, #tpu.memory_space<semaphore_mem>>) src(%dma_wait3A_25 : memref<1000xi32, #tpu.memory_space<hbm>>) dst(%arg7 : memref<1000xi32, #tpu.memory_space<vmem>>)
        tpu.yield
      }) : () -> ()
      "tpu.region"() ({
        %run_scoped3A = tpu.sem_alloc : memref<!tpu.dma_semaphore, #tpu.memory_space<semaphore_mem>>
        %dma_start3A_22 = tpu.memref_slice %arg4[%add3A_11] : memref<160000xi32, #tpu.memory_space<hbm>> -> memref<1000xi32, #tpu.memory_space<hbm>>
        %dma_start3A_23 = tpu.memref_slice %arg4[%add3A_11] : memref<160000xi32, #tpu.memory_space<hbm>> -> memref<1000xi32, #tpu.memory_space<hbm>>
        tpu.enqueue_dma source(%dma_start3A_23 : memref<1000xi32, #tpu.memory_space<hbm>>) target(%arg8 : memref<1000xi32, #tpu.memory_space<vmem>>) target_semaphore(%run_scoped3A : memref<!tpu.dma_semaphore, #tpu.memory_space<semaphore_mem>>)
        %dma_wait3A_24 = tpu.memref_slice %arg4[%add3A_11] : memref<160000xi32, #tpu.memory_space<hbm>> -> memref<1000xi32, #tpu.memory_space<hbm>>
        %dma_wait3A_25 = tpu.memref_slice %arg4[%add3A_11] : memref<160000xi32, #tpu.memory_space<hbm>> -> memref<1000xi32, #tpu.memory_space<hbm>>
        tpu.wait_dma2 semaphore(%run_scoped3A : memref<!tpu.dma_semaphore, #tpu.memory_space<semaphore_mem>>) src(%dma_wait3A_25 : memref<1000xi32, #tpu.memory_space<hbm>>) dst(%arg8 : memref<1000xi32, #tpu.memory_space<vmem>>)
        tpu.yield
      }) : () -> ()
      %dma_start3A = arith.constant 0 : i32
      %dma_start3A_12 = arith.constant 0 : i32
      %dma_start3A_13 = tpu.memref_slice %arg2[%dma_start3A, %dma_start3A_12] : memref<10000x16xf32, #tpu.memory_space<hbm>> -> memref<10000x16xf32, #tpu.memory_space<hbm>>
      tpu.enqueue_indirect_dma source(%dma_start3A_13 : memref<10000x16xf32, #tpu.memory_space<hbm>>) target(%arg9 : memref<1000x16xf32, #tpu.memory_space<vmem>>) offsets(%arg7 : memref<1000xi32, #tpu.memory_space<vmem>>) semaphore(%arg11 : memref<!tpu.dma_semaphore, #tpu.memory_space<semaphore_mem>>)
      %dma_start3A_14 = arith.constant 0 : i32
      %dma_start3A_15 = arith.constant 0 : i32
      %dma_start3A_16 = tpu.memref_slice %arg2[%dma_start3A_14, %dma_start3A_15] : memref<10000x16xf32, #tpu.memory_space<hbm>> -> memref<10000x16xf32, #tpu.memory_space<hbm>>
      tpu.enqueue_indirect_dma source(%dma_start3A_16 : memref<10000x16xf32, #tpu.memory_space<hbm>>) target(%arg10 : memref<1000x16xf32, #tpu.memory_space<vmem>>) offsets(%arg8 : memref<1000xi32, #tpu.memory_space<vmem>>) semaphore(%arg11 : memref<!tpu.dma_semaphore, #tpu.memory_space<semaphore_mem>>)
      %dma_wait3A = arith.constant 0 : i32
      %dma_wait3A_17 = arith.constant 0 : i32
      %dma_wait3A_18 = tpu.memref_slice %arg2[%dma_wait3A, %dma_wait3A_17] : memref<10000x16xf32, #tpu.memory_space<hbm>> -> memref<10000x16xf32, #tpu.memory_space<hbm>>
      tpu.wait_indirect_dma semaphore(%arg11 : memref<!tpu.dma_semaphore, #tpu.memory_space<semaphore_mem>>) src(%dma_wait3A_18 : memref<10000x16xf32, #tpu.memory_space<hbm>>) dst(%arg9 : memref<1000x16xf32, #tpu.memory_space<vmem>>)
      %dma_wait3A_19 = arith.constant 0 : i32
      %dma_wait3A_20 = arith.constant 0 : i32
      %dma_wait3A_21 = tpu.memref_slice %arg2[%dma_wait3A_19, %dma_wait3A_20] : memref<10000x16xf32, #tpu.memory_space<hbm>> -> memref<10000x16xf32, #tpu.memory_space<hbm>>
      tpu.wait_indirect_dma semaphore(%arg11 : memref<!tpu.dma_semaphore, #tpu.memory_space<semaphore_mem>>) src(%dma_wait3A_21 : memref<10000x16xf32, #tpu.memory_space<hbm>>) dst(%arg10 : memref<1000x16xf32, #tpu.memory_space<vmem>>)
      "tpu.region"() ({
        %run_scoped3A = tpu.sem_alloc : memref<!tpu.dma_semaphore, #tpu.memory_space<semaphore_mem>>
        %dma_start3A_22 = arith.constant 0 : i32
        %dma_start3A_23 = tpu.memref_slice %arg5[%add3A_11, %dma_start3A_22] : memref<160000x16xf32, #tpu.memory_space<hbm>> -> memref<1000x16xf32, #tpu.memory_space<hbm>>
        %dma_start3A_24 = arith.constant 0 : i32
        %dma_start3A_25 = tpu.memref_slice %arg5[%add3A_11, %dma_start3A_24] : memref<160000x16xf32, #tpu.memory_space<hbm>> -> memref<1000x16xf32, #tpu.memory_space<hbm>>
        tpu.enqueue_dma source(%arg9 : memref<1000x16xf32, #tpu.memory_space<vmem>>) target(%dma_start3A_25 : memref<1000x16xf32, #tpu.memory_space<hbm>>) target_semaphore(%run_scoped3A : memref<!tpu.dma_semaphore, #tpu.memory_space<semaphore_mem>>)
        %dma_wait3A_26 = arith.constant 0 : i32
        %dma_wait3A_27 = tpu.memref_slice %arg5[%add3A_11, %dma_wait3A_26] : memref<160000x16xf32, #tpu.memory_space<hbm>> -> memref<1000x16xf32, #tpu.memory_space<hbm>>
        %dma_wait3A_28 = arith.constant 0 : i32
        %dma_wait3A_29 = tpu.memref_slice %arg5[%add3A_11, %dma_wait3A_28] : memref<160000x16xf32, #tpu.memory_space<hbm>> -> memref<1000x16xf32, #tpu.memory_space<hbm>>
        tpu.wait_dma2 semaphore(%run_scoped3A : memref<!tpu.dma_semaphore, #tpu.memory_space<semaphore_mem>>) src(%arg9 : memref<1000x16xf32, #tpu.memory_space<vmem>>) dst(%dma_wait3A_29 : memref<1000x16xf32, #tpu.memory_space<hbm>>)
        tpu.yield
      }) : () -> ()
      "tpu.region"() ({
        %run_scoped3A = tpu.sem_alloc : memref<!tpu.dma_semaphore, #tpu.memory_space<semaphore_mem>>
        %dma_start3A_22 = arith.constant 0 : i32
        %dma_start3A_23 = tpu.memref_slice %arg6[%add3A_11, %dma_start3A_22] : memref<160000x16xf32, #tpu.memory_space<hbm>> -> memref<1000x16xf32, #tpu.memory_space<hbm>>
        %dma_start3A_24 = arith.constant 0 : i32
        %dma_start3A_25 = tpu.memref_slice %arg6[%add3A_11, %dma_start3A_24] : memref<160000x16xf32, #tpu.memory_space<hbm>> -> memref<1000x16xf32, #tpu.memory_space<hbm>>
        tpu.enqueue_dma source(%arg10 : memref<1000x16xf32, #tpu.memory_space<vmem>>) target(%dma_start3A_25 : memref<1000x16xf32, #tpu.memory_space<hbm>>) target_semaphore(%run_scoped3A : memref<!tpu.dma_semaphore, #tpu.memory_space<semaphore_mem>>)
        %dma_wait3A_26 = arith.constant 0 : i32
        %dma_wait3A_27 = tpu.memref_slice %arg6[%add3A_11, %dma_wait3A_26] : memref<160000x16xf32, #tpu.memory_space<hbm>> -> memref<1000x16xf32, #tpu.memory_space<hbm>>
        %dma_wait3A_28 = arith.constant 0 : i32
        %dma_wait3A_29 = tpu.memref_slice %arg6[%add3A_11, %dma_wait3A_28] : memref<160000x16xf32, #tpu.memory_space<hbm>> -> memref<1000x16xf32, #tpu.memory_space<hbm>>
        tpu.wait_dma2 semaphore(%run_scoped3A : memref<!tpu.dma_semaphore, #tpu.memory_space<semaphore_mem>>) src(%arg10 : memref<1000x16xf32, #tpu.memory_space<vmem>>) dst(%dma_wait3A_29 : memref<1000x16xf32, #tpu.memory_space<hbm>>)
        tpu.yield
      }) : () -> ()
    }
    %scan3A_7 = arith.constant 5 : i32
    return
  }
}

#map = affine_map<(d0, d1) -> (0, 0)>
#map1 = affine_map<(d0, d1) -> (0)>
module attributes {stable_mosaic.version = 14 : i64} {
  func.func @_gather_body(%arg0: i32, %arg1: i32, %arg2: memref<10000x128xf32, #tpu.memory_space<hbm>>, %arg3: memref<160000xi32, #tpu.memory_space<hbm>>, %arg4: memref<160000xi32, #tpu.memory_space<hbm>>, %arg5: memref<160000x128xf32, #tpu.memory_space<hbm>>, %arg6: memref<160000x128xf32, #tpu.memory_space<hbm>>, %arg7: memref<200xi32, #tpu.memory_space<vmem>>, %arg8: memref<200xi32, #tpu.memory_space<vmem>>, %arg9: memref<200x128xf32, #tpu.memory_space<vmem>>, %arg10: memref<200x128xf32, #tpu.memory_space<vmem>>, %arg11: memref<!tpu.dma_semaphore, #tpu.memory_space<semaphore_mem>>) attributes {dimension_semantics = [#tpu.dimension_semantics<core_parallel>, #tpu.dimension_semantics<subcore_parallel>], iteration_bounds = array<i64: 2, 16>, scalar_prefetch = 0 : i64, scratch_operands = 5 : i64, tpu.core_type = #tpu.core_type<sc_vector_subcore>, window_params = [{transform_indices = #map}, {transform_indices = #map1}, {transform_indices = #map1}, {transform_indices = #map}, {transform_indices = #map}]} {
    %mul3A = arith.constant 2 : i32
    %mul3A_0 = arith.muli %arg1, %mul3A : i32
    %add3A = arith.addi %mul3A_0, %arg0 : i32
    %mul3A_1 = arith.constant 5000 : i32
    %mul3A_2 = arith.muli %add3A, %mul3A_1 : i32
    %scan3A = arith.constant 0 : i32
    %scan3A_3 = arith.constant 0 : i32
    %scan3A_4 = arith.constant 25 : i32
    %scan3A_5 = arith.addi %scan3A_3, %scan3A_4 : i32
    %scan3A_6 = arith.constant 1 : i32
    scf.for %scan3A_8 = %scan3A_3 to %scan3A_5 step %scan3A_6  : i32 {
      %mul3A_9 = arith.constant 200 : i32
      %mul3A_10 = arith.muli %scan3A_8, %mul3A_9 : i32
      %add3A_11 = arith.addi %mul3A_2, %mul3A_10 : i32
      "tpu.region"() ({
        %run_scoped3A = tpu.sem_alloc : memref<!tpu.dma_semaphore, #tpu.memory_space<semaphore_mem>>
        %dma_start3A_22 = tpu.memref_slice %arg3[%add3A_11] : memref<160000xi32, #tpu.memory_space<hbm>> -> memref<200xi32, #tpu.memory_space<hbm>>
        %dma_start3A_23 = tpu.memref_slice %arg3[%add3A_11] : memref<160000xi32, #tpu.memory_space<hbm>> -> memref<200xi32, #tpu.memory_space<hbm>>
        tpu.enqueue_dma source(%dma_start3A_23 : memref<200xi32, #tpu.memory_space<hbm>>) target(%arg7 : memref<200xi32, #tpu.memory_space<vmem>>) target_semaphore(%run_scoped3A : memref<!tpu.dma_semaphore, #tpu.memory_space<semaphore_mem>>)
        %dma_wait3A_24 = tpu.memref_slice %arg3[%add3A_11] : memref<160000xi32, #tpu.memory_space<hbm>> -> memref<200xi32, #tpu.memory_space<hbm>>
        %dma_wait3A_25 = tpu.memref_slice %arg3[%add3A_11] : memref<160000xi32, #tpu.memory_space<hbm>> -> memref<200xi32, #tpu.memory_space<hbm>>
        tpu.wait_dma2 semaphore(%run_scoped3A : memref<!tpu.dma_semaphore, #tpu.memory_space<semaphore_mem>>) src(%dma_wait3A_25 : memref<200xi32, #tpu.memory_space<hbm>>) dst(%arg7 : memref<200xi32, #tpu.memory_space<vmem>>)
        tpu.yield
      }) : () -> ()
      "tpu.region"() ({
        %run_scoped3A = tpu.sem_alloc : memref<!tpu.dma_semaphore, #tpu.memory_space<semaphore_mem>>
        %dma_start3A_22 = tpu.memref_slice %arg4[%add3A_11] : memref<160000xi32, #tpu.memory_space<hbm>> -> memref<200xi32, #tpu.memory_space<hbm>>
        %dma_start3A_23 = tpu.memref_slice %arg4[%add3A_11] : memref<160000xi32, #tpu.memory_space<hbm>> -> memref<200xi32, #tpu.memory_space<hbm>>
        tpu.enqueue_dma source(%dma_start3A_23 : memref<200xi32, #tpu.memory_space<hbm>>) target(%arg8 : memref<200xi32, #tpu.memory_space<vmem>>) target_semaphore(%run_scoped3A : memref<!tpu.dma_semaphore, #tpu.memory_space<semaphore_mem>>)
        %dma_wait3A_24 = tpu.memref_slice %arg4[%add3A_11] : memref<160000xi32, #tpu.memory_space<hbm>> -> memref<200xi32, #tpu.memory_space<hbm>>
        %dma_wait3A_25 = tpu.memref_slice %arg4[%add3A_11] : memref<160000xi32, #tpu.memory_space<hbm>> -> memref<200xi32, #tpu.memory_space<hbm>>
        tpu.wait_dma2 semaphore(%run_scoped3A : memref<!tpu.dma_semaphore, #tpu.memory_space<semaphore_mem>>) src(%dma_wait3A_25 : memref<200xi32, #tpu.memory_space<hbm>>) dst(%arg8 : memref<200xi32, #tpu.memory_space<vmem>>)
        tpu.yield
      }) : () -> ()
      %dma_start3A = arith.constant 0 : i32
      %dma_start3A_12 = arith.constant 0 : i32
      %dma_start3A_13 = tpu.memref_slice %arg2[%dma_start3A, %dma_start3A_12] : memref<10000x128xf32, #tpu.memory_space<hbm>> -> memref<10000x128xf32, #tpu.memory_space<hbm>>
      tpu.enqueue_indirect_dma source(%dma_start3A_13 : memref<10000x128xf32, #tpu.memory_space<hbm>>) target(%arg9 : memref<200x128xf32, #tpu.memory_space<vmem>>) offsets(%arg7 : memref<200xi32, #tpu.memory_space<vmem>>) semaphore(%arg11 : memref<!tpu.dma_semaphore, #tpu.memory_space<semaphore_mem>>)
      %dma_start3A_14 = arith.constant 0 : i32
      %dma_start3A_15 = arith.constant 0 : i32
      %dma_start3A_16 = tpu.memref_slice %arg2[%dma_start3A_14, %dma_start3A_15] : memref<10000x128xf32, #tpu.memory_space<hbm>> -> memref<10000x128xf32, #tpu.memory_space<hbm>>
      tpu.enqueue_indirect_dma source(%dma_start3A_16 : memref<10000x128xf32, #tpu.memory_space<hbm>>) target(%arg10 : memref<200x128xf32, #tpu.memory_space<vmem>>) offsets(%arg8 : memref<200xi32, #tpu.memory_space<vmem>>) semaphore(%arg11 : memref<!tpu.dma_semaphore, #tpu.memory_space<semaphore_mem>>)
      %dma_wait3A = arith.constant 0 : i32
      %dma_wait3A_17 = arith.constant 0 : i32
      %dma_wait3A_18 = tpu.memref_slice %arg2[%dma_wait3A, %dma_wait3A_17] : memref<10000x128xf32, #tpu.memory_space<hbm>> -> memref<10000x128xf32, #tpu.memory_space<hbm>>
      tpu.wait_indirect_dma semaphore(%arg11 : memref<!tpu.dma_semaphore, #tpu.memory_space<semaphore_mem>>) src(%dma_wait3A_18 : memref<10000x128xf32, #tpu.memory_space<hbm>>) dst(%arg9 : memref<200x128xf32, #tpu.memory_space<vmem>>)
      %dma_wait3A_19 = arith.constant 0 : i32
      %dma_wait3A_20 = arith.constant 0 : i32
      %dma_wait3A_21 = tpu.memref_slice %arg2[%dma_wait3A_19, %dma_wait3A_20] : memref<10000x128xf32, #tpu.memory_space<hbm>> -> memref<10000x128xf32, #tpu.memory_space<hbm>>
      tpu.wait_indirect_dma semaphore(%arg11 : memref<!tpu.dma_semaphore, #tpu.memory_space<semaphore_mem>>) src(%dma_wait3A_21 : memref<10000x128xf32, #tpu.memory_space<hbm>>) dst(%arg10 : memref<200x128xf32, #tpu.memory_space<vmem>>)
      "tpu.region"() ({
        %run_scoped3A = tpu.sem_alloc : memref<!tpu.dma_semaphore, #tpu.memory_space<semaphore_mem>>
        %dma_start3A_22 = arith.constant 0 : i32
        %dma_start3A_23 = tpu.memref_slice %arg5[%add3A_11, %dma_start3A_22] : memref<160000x128xf32, #tpu.memory_space<hbm>> -> memref<200x128xf32, #tpu.memory_space<hbm>>
        %dma_start3A_24 = arith.constant 0 : i32
        %dma_start3A_25 = tpu.memref_slice %arg5[%add3A_11, %dma_start3A_24] : memref<160000x128xf32, #tpu.memory_space<hbm>> -> memref<200x128xf32, #tpu.memory_space<hbm>>
        tpu.enqueue_dma source(%arg9 : memref<200x128xf32, #tpu.memory_space<vmem>>) target(%dma_start3A_25 : memref<200x128xf32, #tpu.memory_space<hbm>>) target_semaphore(%run_scoped3A : memref<!tpu.dma_semaphore, #tpu.memory_space<semaphore_mem>>)
        %dma_wait3A_26 = arith.constant 0 : i32
        %dma_wait3A_27 = tpu.memref_slice %arg5[%add3A_11, %dma_wait3A_26] : memref<160000x128xf32, #tpu.memory_space<hbm>> -> memref<200x128xf32, #tpu.memory_space<hbm>>
        %dma_wait3A_28 = arith.constant 0 : i32
        %dma_wait3A_29 = tpu.memref_slice %arg5[%add3A_11, %dma_wait3A_28] : memref<160000x128xf32, #tpu.memory_space<hbm>> -> memref<200x128xf32, #tpu.memory_space<hbm>>
        tpu.wait_dma2 semaphore(%run_scoped3A : memref<!tpu.dma_semaphore, #tpu.memory_space<semaphore_mem>>) src(%arg9 : memref<200x128xf32, #tpu.memory_space<vmem>>) dst(%dma_wait3A_29 : memref<200x128xf32, #tpu.memory_space<hbm>>)
        tpu.yield
      }) : () -> ()
      "tpu.region"() ({
        %run_scoped3A = tpu.sem_alloc : memref<!tpu.dma_semaphore, #tpu.memory_space<semaphore_mem>>
        %dma_start3A_22 = arith.constant 0 : i32
        %dma_start3A_23 = tpu.memref_slice %arg6[%add3A_11, %dma_start3A_22] : memref<160000x128xf32, #tpu.memory_space<hbm>> -> memref<200x128xf32, #tpu.memory_space<hbm>>
        %dma_start3A_24 = arith.constant 0 : i32
        %dma_start3A_25 = tpu.memref_slice %arg6[%add3A_11, %dma_start3A_24] : memref<160000x128xf32, #tpu.memory_space<hbm>> -> memref<200x128xf32, #tpu.memory_space<hbm>>
        tpu.enqueue_dma source(%arg10 : memref<200x128xf32, #tpu.memory_space<vmem>>) target(%dma_start3A_25 : memref<200x128xf32, #tpu.memory_space<hbm>>) target_semaphore(%run_scoped3A : memref<!tpu.dma_semaphore, #tpu.memory_space<semaphore_mem>>)
        %dma_wait3A_26 = arith.constant 0 : i32
        %dma_wait3A_27 = tpu.memref_slice %arg6[%add3A_11, %dma_wait3A_26] : memref<160000x128xf32, #tpu.memory_space<hbm>> -> memref<200x128xf32, #tpu.memory_space<hbm>>
        %dma_wait3A_28 = arith.constant 0 : i32
        %dma_wait3A_29 = tpu.memref_slice %arg6[%add3A_11, %dma_wait3A_28] : memref<160000x128xf32, #tpu.memory_space<hbm>> -> memref<200x128xf32, #tpu.memory_space<hbm>>
        tpu.wait_dma2 semaphore(%run_scoped3A : memref<!tpu.dma_semaphore, #tpu.memory_space<semaphore_mem>>) src(%arg10 : memref<200x128xf32, #tpu.memory_space<vmem>>) dst(%dma_wait3A_29 : memref<200x128xf32, #tpu.memory_space<hbm>>)
        tpu.yield
      }) : () -> ()
    }
    %scan3A_7 = arith.constant 25 : i32
    return
  }
}

#map = affine_map<(d0, d1) -> (0, 0)>
#map1 = affine_map<(d0, d1) -> (0)>
module attributes {stable_mosaic.version = 14 : i64} {
  func.func @_gather_body(%arg0: i32, %arg1: i32, %arg2: memref<10000x16xf32, #tpu.memory_space<hbm>>, %arg3: memref<160000xi32, #tpu.memory_space<hbm>>, %arg4: memref<160000xi32, #tpu.memory_space<hbm>>, %arg5: memref<160000x16xf32, #tpu.memory_space<hbm>>, %arg6: memref<160000x16xf32, #tpu.memory_space<hbm>>, %arg7: memref<1000xi32, #tpu.memory_space<vmem>>, %arg8: memref<1000xi32, #tpu.memory_space<vmem>>, %arg9: memref<1000x16xf32, #tpu.memory_space<vmem>>, %arg10: memref<1000x16xf32, #tpu.memory_space<vmem>>, %arg11: memref<!tpu.dma_semaphore, #tpu.memory_space<semaphore_mem>>) attributes {dimension_semantics = [#tpu.dimension_semantics<core_parallel>, #tpu.dimension_semantics<subcore_parallel>], iteration_bounds = array<i64: 2, 16>, scalar_prefetch = 0 : i64, scratch_operands = 5 : i64, tpu.core_type = #tpu.core_type<sc_vector_subcore>, window_params = [{transform_indices = #map}, {transform_indices = #map1}, {transform_indices = #map1}, {transform_indices = #map}, {transform_indices = #map}]} {
    %mul3A = arith.constant 2 : i32
    %mul3A_0 = arith.muli %arg1, %mul3A : i32
    %add3A = arith.addi %mul3A_0, %arg0 : i32
    %mul3A_1 = arith.constant 5000 : i32
    %mul3A_2 = arith.muli %add3A, %mul3A_1 : i32
    %scan3A = arith.constant 0 : i32
    %scan3A_3 = arith.constant 0 : i32
    %scan3A_4 = arith.constant 5 : i32
    %scan3A_5 = arith.addi %scan3A_3, %scan3A_4 : i32
    %scan3A_6 = arith.constant 1 : i32
    scf.for %scan3A_8 = %scan3A_3 to %scan3A_5 step %scan3A_6  : i32 {
      %mul3A_9 = arith.constant 1000 : i32
      %mul3A_10 = arith.muli %scan3A_8, %mul3A_9 : i32
      %add3A_11 = arith.addi %mul3A_2, %mul3A_10 : i32
      "tpu.region"() ({
        %run_scoped3A = tpu.sem_alloc : memref<!tpu.dma_semaphore, #tpu.memory_space<semaphore_mem>>
        %dma_start3A_22 = tpu.memref_slice %arg3[%add3A_11] : memref<160000xi32, #tpu.memory_space<hbm>> -> memref<1000xi32, #tpu.memory_space<hbm>>
        %dma_start3A_23 = tpu.memref_slice %arg3[%add3A_11] : memref<160000xi32, #tpu.memory_space<hbm>> -> memref<1000xi32, #tpu.memory_space<hbm>>
        tpu.enqueue_dma source(%dma_start3A_23 : memref<1000xi32, #tpu.memory_space<hbm>>) target(%arg7 : memref<1000xi32, #tpu.memory_space<vmem>>) target_semaphore(%run_scoped3A : memref<!tpu.dma_semaphore, #tpu.memory_space<semaphore_mem>>)
        %dma_wait3A_24 = tpu.memref_slice %arg3[%add3A_11] : memref<160000xi32, #tpu.memory_space<hbm>> -> memref<1000xi32, #tpu.memory_space<hbm>>
        %dma_wait3A_25 = tpu.memref_slice %arg3[%add3A_11] : memref<160000xi32, #tpu.memory_space<hbm>> -> memref<1000xi32, #tpu.memory_space<hbm>>
        tpu.wait_dma2 semaphore(%run_scoped3A : memref<!tpu.dma_semaphore, #tpu.memory_space<semaphore_mem>>) src(%dma_wait3A_25 : memref<1000xi32, #tpu.memory_space<hbm>>) dst(%arg7 : memref<1000xi32, #tpu.memory_space<vmem>>)
        tpu.yield
      }) : () -> ()
      "tpu.region"() ({
        %run_scoped3A = tpu.sem_alloc : memref<!tpu.dma_semaphore, #tpu.memory_space<semaphore_mem>>
        %dma_start3A_22 = tpu.memref_slice %arg4[%add3A_11] : memref<160000xi32, #tpu.memory_space<hbm>> -> memref<1000xi32, #tpu.memory_space<hbm>>
        %dma_start3A_23 = tpu.memref_slice %arg4[%add3A_11] : memref<160000xi32, #tpu.memory_space<hbm>> -> memref<1000xi32, #tpu.memory_space<hbm>>
        tpu.enqueue_dma source(%dma_start3A_23 : memref<1000xi32, #tpu.memory_space<hbm>>) target(%arg8 : memref<1000xi32, #tpu.memory_space<vmem>>) target_semaphore(%run_scoped3A : memref<!tpu.dma_semaphore, #tpu.memory_space<semaphore_mem>>)
        %dma_wait3A_24 = tpu.memref_slice %arg4[%add3A_11] : memref<160000xi32, #tpu.memory_space<hbm>> -> memref<1000xi32, #tpu.memory_space<hbm>>
        %dma_wait3A_25 = tpu.memref_slice %arg4[%add3A_11] : memref<160000xi32, #tpu.memory_space<hbm>> -> memref<1000xi32, #tpu.memory_space<hbm>>
        tpu.wait_dma2 semaphore(%run_scoped3A : memref<!tpu.dma_semaphore, #tpu.memory_space<semaphore_mem>>) src(%dma_wait3A_25 : memref<1000xi32, #tpu.memory_space<hbm>>) dst(%arg8 : memref<1000xi32, #tpu.memory_space<vmem>>)
        tpu.yield
      }) : () -> ()
      %dma_start3A = arith.constant 0 : i32
      %dma_start3A_12 = arith.constant 0 : i32
      %dma_start3A_13 = tpu.memref_slice %arg2[%dma_start3A, %dma_start3A_12] : memref<10000x16xf32, #tpu.memory_space<hbm>> -> memref<10000x16xf32, #tpu.memory_space<hbm>>
      tpu.enqueue_indirect_dma source(%dma_start3A_13 : memref<10000x16xf32, #tpu.memory_space<hbm>>) target(%arg9 : memref<1000x16xf32, #tpu.memory_space<vmem>>) offsets(%arg7 : memref<1000xi32, #tpu.memory_space<vmem>>) semaphore(%arg11 : memref<!tpu.dma_semaphore, #tpu.memory_space<semaphore_mem>>)
      %dma_start3A_14 = arith.constant 0 : i32
      %dma_start3A_15 = arith.constant 0 : i32
      %dma_start3A_16 = tpu.memref_slice %arg2[%dma_start3A_14, %dma_start3A_15] : memref<10000x16xf32, #tpu.memory_space<hbm>> -> memref<10000x16xf32, #tpu.memory_space<hbm>>
      tpu.enqueue_indirect_dma source(%dma_start3A_16 : memref<10000x16xf32, #tpu.memory_space<hbm>>) target(%arg10 : memref<1000x16xf32, #tpu.memory_space<vmem>>) offsets(%arg8 : memref<1000xi32, #tpu.memory_space<vmem>>) semaphore(%arg11 : memref<!tpu.dma_semaphore, #tpu.memory_space<semaphore_mem>>)
      %dma_wait3A = arith.constant 0 : i32
      %dma_wait3A_17 = arith.constant 0 : i32
      %dma_wait3A_18 = tpu.memref_slice %arg2[%dma_wait3A, %dma_wait3A_17] : memref<10000x16xf32, #tpu.memory_space<hbm>> -> memref<10000x16xf32, #tpu.memory_space<hbm>>
      tpu.wait_indirect_dma semaphore(%arg11 : memref<!tpu.dma_semaphore, #tpu.memory_space<semaphore_mem>>) src(%dma_wait3A_18 : memref<10000x16xf32, #tpu.memory_space<hbm>>) dst(%arg9 : memref<1000x16xf32, #tpu.memory_space<vmem>>)
      %dma_wait3A_19 = arith.constant 0 : i32
      %dma_wait3A_20 = arith.constant 0 : i32
      %dma_wait3A_21 = tpu.memref_slice %arg2[%dma_wait3A_19, %dma_wait3A_20] : memref<10000x16xf32, #tpu.memory_space<hbm>> -> memref<10000x16xf32, #tpu.memory_space<hbm>>
      tpu.wait_indirect_dma semaphore(%arg11 : memref<!tpu.dma_semaphore, #tpu.memory_space<semaphore_mem>>) src(%dma_wait3A_21 : memref<10000x16xf32, #tpu.memory_space<hbm>>) dst(%arg10 : memref<1000x16xf32, #tpu.memory_space<vmem>>)
      "tpu.region"() ({
        %run_scoped3A = tpu.sem_alloc : memref<!tpu.dma_semaphore, #tpu.memory_space<semaphore_mem>>
        %dma_start3A_22 = arith.constant 0 : i32
        %dma_start3A_23 = tpu.memref_slice %arg5[%add3A_11, %dma_start3A_22] : memref<160000x16xf32, #tpu.memory_space<hbm>> -> memref<1000x16xf32, #tpu.memory_space<hbm>>
        %dma_start3A_24 = arith.constant 0 : i32
        %dma_start3A_25 = tpu.memref_slice %arg5[%add3A_11, %dma_start3A_24] : memref<160000x16xf32, #tpu.memory_space<hbm>> -> memref<1000x16xf32, #tpu.memory_space<hbm>>
        tpu.enqueue_dma source(%arg9 : memref<1000x16xf32, #tpu.memory_space<vmem>>) target(%dma_start3A_25 : memref<1000x16xf32, #tpu.memory_space<hbm>>) target_semaphore(%run_scoped3A : memref<!tpu.dma_semaphore, #tpu.memory_space<semaphore_mem>>)
        %dma_wait3A_26 = arith.constant 0 : i32
        %dma_wait3A_27 = tpu.memref_slice %arg5[%add3A_11, %dma_wait3A_26] : memref<160000x16xf32, #tpu.memory_space<hbm>> -> memref<1000x16xf32, #tpu.memory_space<hbm>>
        %dma_wait3A_28 = arith.constant 0 : i32
        %dma_wait3A_29 = tpu.memref_slice %arg5[%add3A_11, %dma_wait3A_28] : memref<160000x16xf32, #tpu.memory_space<hbm>> -> memref<1000x16xf32, #tpu.memory_space<hbm>>
        tpu.wait_dma2 semaphore(%run_scoped3A : memref<!tpu.dma_semaphore, #tpu.memory_space<semaphore_mem>>) src(%arg9 : memref<1000x16xf32, #tpu.memory_space<vmem>>) dst(%dma_wait3A_29 : memref<1000x16xf32, #tpu.memory_space<hbm>>)
        tpu.yield
      }) : () -> ()
      "tpu.region"() ({
        %run_scoped3A = tpu.sem_alloc : memref<!tpu.dma_semaphore, #tpu.memory_space<semaphore_mem>>
        %dma_start3A_22 = arith.constant 0 : i32
        %dma_start3A_23 = tpu.memref_slice %arg6[%add3A_11, %dma_start3A_22] : memref<160000x16xf32, #tpu.memory_space<hbm>> -> memref<1000x16xf32, #tpu.memory_space<hbm>>
        %dma_start3A_24 = arith.constant 0 : i32
        %dma_start3A_25 = tpu.memref_slice %arg6[%add3A_11, %dma_start3A_24] : memref<160000x16xf32, #tpu.memory_space<hbm>> -> memref<1000x16xf32, #tpu.memory_space<hbm>>
        tpu.enqueue_dma source(%arg10 : memref<1000x16xf32, #tpu.memory_space<vmem>>) target(%dma_start3A_25 : memref<1000x16xf32, #tpu.memory_space<hbm>>) target_semaphore(%run_scoped3A : memref<!tpu.dma_semaphore, #tpu.memory_space<semaphore_mem>>)
        %dma_wait3A_26 = arith.constant 0 : i32
        %dma_wait3A_27 = tpu.memref_slice %arg6[%add3A_11, %dma_wait3A_26] : memref<160000x16xf32, #tpu.memory_space<hbm>> -> memref<1000x16xf32, #tpu.memory_space<hbm>>
        %dma_wait3A_28 = arith.constant 0 : i32
        %dma_wait3A_29 = tpu.memref_slice %arg6[%add3A_11, %dma_wait3A_28] : memref<160000x16xf32, #tpu.memory_space<hbm>> -> memref<1000x16xf32, #tpu.memory_space<hbm>>
        tpu.wait_dma2 semaphore(%run_scoped3A : memref<!tpu.dma_semaphore, #tpu.memory_space<semaphore_mem>>) src(%arg10 : memref<1000x16xf32, #tpu.memory_space<vmem>>) dst(%dma_wait3A_29 : memref<1000x16xf32, #tpu.memory_space<hbm>>)
        tpu.yield
      }) : () -> ()
    }
    %scan3A_7 = arith.constant 5 : i32
    return
  }
}

#map = affine_map<(d0, d1) -> (0, 0)>
#map1 = affine_map<(d0, d1) -> (0)>
#map2 = affine_map<(d0, d1) -> (0, 0, 0)>
module attributes {stable_mosaic.version = 14 : i64} {
  func.func @_scatter_body(%arg0: i32, %arg1: i32, %arg2: memref<160000x16xf32, #tpu.memory_space<hbm>>, %arg3: memref<160000xi32, #tpu.memory_space<hbm>>, %arg4: memref<640x16xf32, #tpu.memory_space<hbm>>, %arg5: memref<2x10240x16xf32, #tpu.memory_space<hbm>>, %arg6: memref<1000xi32, #tpu.memory_space<vmem>>, %arg7: memref<1000x16xf32, #tpu.memory_space<vmem>>, %arg8: memref<10240x16xf32, #tpu.memory_space<vmem_shared>>) attributes {dimension_semantics = [#tpu.dimension_semantics<core_parallel>, #tpu.dimension_semantics<subcore_parallel>], iteration_bounds = array<i64: 2, 16>, scalar_prefetch = 0 : i64, scratch_operands = 3 : i64, tpu.core_type = #tpu.core_type<sc_vector_subcore>, window_params = [{transform_indices = #map}, {transform_indices = #map1}, {transform_indices = #map}, {transform_indices = #map2}]} {
    %mul3A = arith.constant 2 : i32
    %mul3A_0 = arith.muli %arg1, %mul3A : i32
    %add3A = arith.addi %mul3A_0, %arg0 : i32
    %mul3A_1 = arith.constant 640 : i32
    %mul3A_2 = arith.muli %arg1, %mul3A_1 : i32
    "tpu.region"() ({
      %run_scoped3A = tpu.sem_alloc : memref<!tpu.dma_semaphore, #tpu.memory_space<semaphore_mem>>
      %dma_start3A = arith.constant 0 : i32
      %dma_start3A_15 = tpu.memref_slice %arg8[%mul3A_2, %dma_start3A] : memref<10240x16xf32, #tpu.memory_space<vmem_shared>> -> memref<640x16xf32, #tpu.memory_space<vmem_shared>>
      tpu.enqueue_dma source(%arg4 : memref<640x16xf32, #tpu.memory_space<hbm>>) target(%dma_start3A_15 : memref<640x16xf32, #tpu.memory_space<vmem_shared>>) target_semaphore(%run_scoped3A : memref<!tpu.dma_semaphore, #tpu.memory_space<semaphore_mem>>)
      %dma_wait3A = arith.constant 0 : i32
      %dma_wait3A_16 = tpu.memref_slice %arg8[%mul3A_2, %dma_wait3A] : memref<10240x16xf32, #tpu.memory_space<vmem_shared>> -> memref<640x16xf32, #tpu.memory_space<vmem_shared>>
      tpu.wait_dma2 semaphore(%run_scoped3A : memref<!tpu.dma_semaphore, #tpu.memory_space<semaphore_mem>>) src(%arg4 : memref<640x16xf32, #tpu.memory_space<hbm>>) dst(%dma_wait3A_16 : memref<640x16xf32, #tpu.memory_space<vmem_shared>>)
      tpu.yield
    }) : () -> ()
    %barrier3A = arith.constant 0 : index
    tpu.barrier barrier_id(%barrier3A)
    %mul3A_3 = arith.constant 5000 : i32
    %mul3A_4 = arith.muli %add3A, %mul3A_3 : i32
    %scan3A = arith.constant 0 : i32
    %scan3A_5 = arith.constant 0 : i32
    %scan3A_6 = arith.constant 5 : i32
    %scan3A_7 = arith.addi %scan3A_5, %scan3A_6 : i32
    %scan3A_8 = arith.constant 1 : i32
    scf.for %scan3A_15 = %scan3A_5 to %scan3A_7 step %scan3A_8  : i32 {
      %mul3A_16 = arith.constant 1000 : i32
      %mul3A_17 = arith.muli %scan3A_15, %mul3A_16 : i32
      %add3A_18 = arith.addi %mul3A_4, %mul3A_17 : i32
      "tpu.region"() ({
        %run_scoped3A = tpu.sem_alloc : memref<!tpu.dma_semaphore, #tpu.memory_space<semaphore_mem>>
        %dma_start3A = tpu.memref_slice %arg3[%add3A_18] : memref<160000xi32, #tpu.memory_space<hbm>> -> memref<1000xi32, #tpu.memory_space<hbm>>
        %dma_start3A_19 = tpu.memref_slice %arg3[%add3A_18] : memref<160000xi32, #tpu.memory_space<hbm>> -> memref<1000xi32, #tpu.memory_space<hbm>>
        tpu.enqueue_dma source(%dma_start3A_19 : memref<1000xi32, #tpu.memory_space<hbm>>) target(%arg6 : memref<1000xi32, #tpu.memory_space<vmem>>) target_semaphore(%run_scoped3A : memref<!tpu.dma_semaphore, #tpu.memory_space<semaphore_mem>>)
        %dma_wait3A = tpu.memref_slice %arg3[%add3A_18] : memref<160000xi32, #tpu.memory_space<hbm>> -> memref<1000xi32, #tpu.memory_space<hbm>>
        %dma_wait3A_20 = tpu.memref_slice %arg3[%add3A_18] : memref<160000xi32, #tpu.memory_space<hbm>> -> memref<1000xi32, #tpu.memory_space<hbm>>
        tpu.wait_dma2 semaphore(%run_scoped3A : memref<!tpu.dma_semaphore, #tpu.memory_space<semaphore_mem>>) src(%dma_wait3A_20 : memref<1000xi32, #tpu.memory_space<hbm>>) dst(%arg6 : memref<1000xi32, #tpu.memory_space<vmem>>)
        tpu.yield
      }) : () -> ()
      "tpu.region"() ({
        %run_scoped3A = tpu.sem_alloc : memref<!tpu.dma_semaphore, #tpu.memory_space<semaphore_mem>>
        %dma_start3A = arith.constant 0 : i32
        %dma_start3A_19 = tpu.memref_slice %arg2[%add3A_18, %dma_start3A] : memref<160000x16xf32, #tpu.memory_space<hbm>> -> memref<1000x16xf32, #tpu.memory_space<hbm>>
        %dma_start3A_20 = arith.constant 0 : i32
        %dma_start3A_21 = tpu.memref_slice %arg2[%add3A_18, %dma_start3A_20] : memref<160000x16xf32, #tpu.memory_space<hbm>> -> memref<1000x16xf32, #tpu.memory_space<hbm>>
        tpu.enqueue_dma source(%dma_start3A_21 : memref<1000x16xf32, #tpu.memory_space<hbm>>) target(%arg7 : memref<1000x16xf32, #tpu.memory_space<vmem>>) target_semaphore(%run_scoped3A : memref<!tpu.dma_semaphore, #tpu.memory_space<semaphore_mem>>)
        %dma_wait3A = arith.constant 0 : i32
        %dma_wait3A_22 = tpu.memref_slice %arg2[%add3A_18, %dma_wait3A] : memref<160000x16xf32, #tpu.memory_space<hbm>> -> memref<1000x16xf32, #tpu.memory_space<hbm>>
        %dma_wait3A_23 = arith.constant 0 : i32
        %dma_wait3A_24 = tpu.memref_slice %arg2[%add3A_18, %dma_wait3A_23] : memref<160000x16xf32, #tpu.memory_space<hbm>> -> memref<1000x16xf32, #tpu.memory_space<hbm>>
        tpu.wait_dma2 semaphore(%run_scoped3A : memref<!tpu.dma_semaphore, #tpu.memory_space<semaphore_mem>>) src(%dma_wait3A_24 : memref<1000x16xf32, #tpu.memory_space<hbm>>) dst(%arg7 : memref<1000x16xf32, #tpu.memory_space<vmem>>)
        tpu.yield
      }) : () -> ()
      "tpu.region"() ({
        %run_scoped3A = tpu.sem_alloc : memref<!tpu.dma_semaphore, #tpu.memory_space<semaphore_mem>>
        %dma_start3A = arith.constant 0 : i32
        %dma_start3A_19 = arith.constant 0 : i32
        %dma_start3A_20 = tpu.memref_slice %arg8[%dma_start3A, %dma_start3A_19] : memref<10240x16xf32, #tpu.memory_space<vmem_shared>> -> memref<10240x16xf32, #tpu.memory_space<vmem_shared>>
        tpu.enqueue_indirect_dma source(%arg7 : memref<1000x16xf32, #tpu.memory_space<vmem>>) target(%dma_start3A_20 : memref<10240x16xf32, #tpu.memory_space<vmem_shared>>) offsets(%arg6 : memref<1000xi32, #tpu.memory_space<vmem>>) semaphore(%run_scoped3A : memref<!tpu.dma_semaphore, #tpu.memory_space<semaphore_mem>>) {add = true}
        %dma_wait3A = arith.constant 0 : i32
        %dma_wait3A_21 = arith.constant 0 : i32
        %dma_wait3A_22 = tpu.memref_slice %arg8[%dma_wait3A, %dma_wait3A_21] : memref<10240x16xf32, #tpu.memory_space<vmem_shared>> -> memref<10240x16xf32, #tpu.memory_space<vmem_shared>>
        tpu.wait_indirect_dma semaphore(%run_scoped3A : memref<!tpu.dma_semaphore, #tpu.memory_space<semaphore_mem>>) src(%arg7 : memref<1000x16xf32, #tpu.memory_space<vmem>>) dst(%dma_wait3A_22 : memref<10240x16xf32, #tpu.memory_space<vmem_shared>>)
        tpu.yield
      }) : () -> ()
    }
    %scan3A_9 = arith.constant 5 : i32
    %barrier3A_10 = arith.constant 0 : index
    tpu.barrier barrier_id(%barrier3A_10)
    %mul3A_11 = arith.constant 640 : i32
    %mul3A_12 = arith.muli %arg1, %mul3A_11 : i32
    %mul3A_13 = arith.constant 640 : i32
    %mul3A_14 = arith.muli %arg1, %mul3A_13 : i32
    "tpu.region"() ({
      %run_scoped3A = tpu.sem_alloc : memref<!tpu.dma_semaphore, #tpu.memory_space<semaphore_mem>>
      %dma_start3A = arith.constant 0 : i32
      %dma_start3A_15 = tpu.memref_slice %arg5[%arg0, %mul3A_14, %dma_start3A] : memref<2x10240x16xf32, #tpu.memory_space<hbm>> -> memref<1x640x16xf32, #tpu.memory_space<hbm>>
      %dma_start3A_16 = tpu.memref_squeeze %dma_start3A_15 : memref<1x640x16xf32, #tpu.memory_space<hbm>> -> memref<640x16xf32, #tpu.memory_space<hbm>>
      %dma_start3A_17 = arith.constant 0 : i32
      %dma_start3A_18 = tpu.memref_slice %arg8[%mul3A_12, %dma_start3A_17] : memref<10240x16xf32, #tpu.memory_space<vmem_shared>> -> memref<640x16xf32, #tpu.memory_space<vmem_shared>>
      tpu.enqueue_dma source(%dma_start3A_18 : memref<640x16xf32, #tpu.memory_space<vmem_shared>>) target(%dma_start3A_16 : memref<640x16xf32, #tpu.memory_space<hbm>>) target_semaphore(%run_scoped3A : memref<!tpu.dma_semaphore, #tpu.memory_space<semaphore_mem>>)
      %dma_wait3A = arith.constant 0 : i32
      %dma_wait3A_19 = tpu.memref_slice %arg5[%arg0, %mul3A_14, %dma_wait3A] : memref<2x10240x16xf32, #tpu.memory_space<hbm>> -> memref<1x640x16xf32, #tpu.memory_space<hbm>>
      %dma_wait3A_20 = tpu.memref_squeeze %dma_wait3A_19 : memref<1x640x16xf32, #tpu.memory_space<hbm>> -> memref<640x16xf32, #tpu.memory_space<hbm>>
      %dma_wait3A_21 = arith.constant 0 : i32
      %dma_wait3A_22 = tpu.memref_slice %arg8[%mul3A_12, %dma_wait3A_21] : memref<10240x16xf32, #tpu.memory_space<vmem_shared>> -> memref<640x16xf32, #tpu.memory_space<vmem_shared>>
      tpu.wait_dma2 semaphore(%run_scoped3A : memref<!tpu.dma_semaphore, #tpu.memory_space<semaphore_mem>>) src(%dma_wait3A_22 : memref<640x16xf32, #tpu.memory_space<vmem_shared>>) dst(%dma_wait3A_20 : memref<640x16xf32, #tpu.memory_space<hbm>>)
      tpu.yield
    }) : () -> ()
    return
  }
}

#map = affine_map<(d0, d1) -> (0, 0)>
#map1 = affine_map<(d0, d1) -> (0)>
#map2 = affine_map<(d0, d1) -> (0, 0, 0)>
module attributes {stable_mosaic.version = 14 : i64} {
  func.func @_scatter_body(%arg0: i32, %arg1: i32, %arg2: memref<160000x16xf32, #tpu.memory_space<hbm>>, %arg3: memref<160000xi32, #tpu.memory_space<hbm>>, %arg4: memref<640x16xf32, #tpu.memory_space<hbm>>, %arg5: memref<2x10240x16xf32, #tpu.memory_space<hbm>>, %arg6: memref<1000xi32, #tpu.memory_space<vmem>>, %arg7: memref<1000x16xf32, #tpu.memory_space<vmem>>, %arg8: memref<10240x16xf32, #tpu.memory_space<vmem_shared>>) attributes {dimension_semantics = [#tpu.dimension_semantics<core_parallel>, #tpu.dimension_semantics<subcore_parallel>], iteration_bounds = array<i64: 2, 16>, scalar_prefetch = 0 : i64, scratch_operands = 3 : i64, tpu.core_type = #tpu.core_type<sc_vector_subcore>, window_params = [{transform_indices = #map}, {transform_indices = #map1}, {transform_indices = #map}, {transform_indices = #map2}]} {
    %mul3A = arith.constant 2 : i32
    %mul3A_0 = arith.muli %arg1, %mul3A : i32
    %add3A = arith.addi %mul3A_0, %arg0 : i32
    %mul3A_1 = arith.constant 640 : i32
    %mul3A_2 = arith.muli %arg1, %mul3A_1 : i32
    "tpu.region"() ({
      %run_scoped3A = tpu.sem_alloc : memref<!tpu.dma_semaphore, #tpu.memory_space<semaphore_mem>>
      %dma_start3A = arith.constant 0 : i32
      %dma_start3A_15 = tpu.memref_slice %arg8[%mul3A_2, %dma_start3A] : memref<10240x16xf32, #tpu.memory_space<vmem_shared>> -> memref<640x16xf32, #tpu.memory_space<vmem_shared>>
      tpu.enqueue_dma source(%arg4 : memref<640x16xf32, #tpu.memory_space<hbm>>) target(%dma_start3A_15 : memref<640x16xf32, #tpu.memory_space<vmem_shared>>) target_semaphore(%run_scoped3A : memref<!tpu.dma_semaphore, #tpu.memory_space<semaphore_mem>>)
      %dma_wait3A = arith.constant 0 : i32
      %dma_wait3A_16 = tpu.memref_slice %arg8[%mul3A_2, %dma_wait3A] : memref<10240x16xf32, #tpu.memory_space<vmem_shared>> -> memref<640x16xf32, #tpu.memory_space<vmem_shared>>
      tpu.wait_dma2 semaphore(%run_scoped3A : memref<!tpu.dma_semaphore, #tpu.memory_space<semaphore_mem>>) src(%arg4 : memref<640x16xf32, #tpu.memory_space<hbm>>) dst(%dma_wait3A_16 : memref<640x16xf32, #tpu.memory_space<vmem_shared>>)
      tpu.yield
    }) : () -> ()
    %barrier3A = arith.constant 0 : index
    tpu.barrier barrier_id(%barrier3A)
    %mul3A_3 = arith.constant 5000 : i32
    %mul3A_4 = arith.muli %add3A, %mul3A_3 : i32
    %scan3A = arith.constant 0 : i32
    %scan3A_5 = arith.constant 0 : i32
    %scan3A_6 = arith.constant 5 : i32
    %scan3A_7 = arith.addi %scan3A_5, %scan3A_6 : i32
    %scan3A_8 = arith.constant 1 : i32
    scf.for %scan3A_15 = %scan3A_5 to %scan3A_7 step %scan3A_8  : i32 {
      %mul3A_16 = arith.constant 1000 : i32
      %mul3A_17 = arith.muli %scan3A_15, %mul3A_16 : i32
      %add3A_18 = arith.addi %mul3A_4, %mul3A_17 : i32
      "tpu.region"() ({
        %run_scoped3A = tpu.sem_alloc : memref<!tpu.dma_semaphore, #tpu.memory_space<semaphore_mem>>
        %dma_start3A = tpu.memref_slice %arg3[%add3A_18] : memref<160000xi32, #tpu.memory_space<hbm>> -> memref<1000xi32, #tpu.memory_space<hbm>>
        %dma_start3A_19 = tpu.memref_slice %arg3[%add3A_18] : memref<160000xi32, #tpu.memory_space<hbm>> -> memref<1000xi32, #tpu.memory_space<hbm>>
        tpu.enqueue_dma source(%dma_start3A_19 : memref<1000xi32, #tpu.memory_space<hbm>>) target(%arg6 : memref<1000xi32, #tpu.memory_space<vmem>>) target_semaphore(%run_scoped3A : memref<!tpu.dma_semaphore, #tpu.memory_space<semaphore_mem>>)
        %dma_wait3A = tpu.memref_slice %arg3[%add3A_18] : memref<160000xi32, #tpu.memory_space<hbm>> -> memref<1000xi32, #tpu.memory_space<hbm>>
        %dma_wait3A_20 = tpu.memref_slice %arg3[%add3A_18] : memref<160000xi32, #tpu.memory_space<hbm>> -> memref<1000xi32, #tpu.memory_space<hbm>>
        tpu.wait_dma2 semaphore(%run_scoped3A : memref<!tpu.dma_semaphore, #tpu.memory_space<semaphore_mem>>) src(%dma_wait3A_20 : memref<1000xi32, #tpu.memory_space<hbm>>) dst(%arg6 : memref<1000xi32, #tpu.memory_space<vmem>>)
        tpu.yield
      }) : () -> ()
      "tpu.region"() ({
        %run_scoped3A = tpu.sem_alloc : memref<!tpu.dma_semaphore, #tpu.memory_space<semaphore_mem>>
        %dma_start3A = arith.constant 0 : i32
        %dma_start3A_19 = tpu.memref_slice %arg2[%add3A_18, %dma_start3A] : memref<160000x16xf32, #tpu.memory_space<hbm>> -> memref<1000x16xf32, #tpu.memory_space<hbm>>
        %dma_start3A_20 = arith.constant 0 : i32
        %dma_start3A_21 = tpu.memref_slice %arg2[%add3A_18, %dma_start3A_20] : memref<160000x16xf32, #tpu.memory_space<hbm>> -> memref<1000x16xf32, #tpu.memory_space<hbm>>
        tpu.enqueue_dma source(%dma_start3A_21 : memref<1000x16xf32, #tpu.memory_space<hbm>>) target(%arg7 : memref<1000x16xf32, #tpu.memory_space<vmem>>) target_semaphore(%run_scoped3A : memref<!tpu.dma_semaphore, #tpu.memory_space<semaphore_mem>>)
        %dma_wait3A = arith.constant 0 : i32
        %dma_wait3A_22 = tpu.memref_slice %arg2[%add3A_18, %dma_wait3A] : memref<160000x16xf32, #tpu.memory_space<hbm>> -> memref<1000x16xf32, #tpu.memory_space<hbm>>
        %dma_wait3A_23 = arith.constant 0 : i32
        %dma_wait3A_24 = tpu.memref_slice %arg2[%add3A_18, %dma_wait3A_23] : memref<160000x16xf32, #tpu.memory_space<hbm>> -> memref<1000x16xf32, #tpu.memory_space<hbm>>
        tpu.wait_dma2 semaphore(%run_scoped3A : memref<!tpu.dma_semaphore, #tpu.memory_space<semaphore_mem>>) src(%dma_wait3A_24 : memref<1000x16xf32, #tpu.memory_space<hbm>>) dst(%arg7 : memref<1000x16xf32, #tpu.memory_space<vmem>>)
        tpu.yield
      }) : () -> ()
      "tpu.region"() ({
        %run_scoped3A = tpu.sem_alloc : memref<!tpu.dma_semaphore, #tpu.memory_space<semaphore_mem>>
        %dma_start3A = arith.constant 0 : i32
        %dma_start3A_19 = arith.constant 0 : i32
        %dma_start3A_20 = tpu.memref_slice %arg8[%dma_start3A, %dma_start3A_19] : memref<10240x16xf32, #tpu.memory_space<vmem_shared>> -> memref<10240x16xf32, #tpu.memory_space<vmem_shared>>
        tpu.enqueue_indirect_dma source(%arg7 : memref<1000x16xf32, #tpu.memory_space<vmem>>) target(%dma_start3A_20 : memref<10240x16xf32, #tpu.memory_space<vmem_shared>>) offsets(%arg6 : memref<1000xi32, #tpu.memory_space<vmem>>) semaphore(%run_scoped3A : memref<!tpu.dma_semaphore, #tpu.memory_space<semaphore_mem>>) {add = true}
        %dma_wait3A = arith.constant 0 : i32
        %dma_wait3A_21 = arith.constant 0 : i32
        %dma_wait3A_22 = tpu.memref_slice %arg8[%dma_wait3A, %dma_wait3A_21] : memref<10240x16xf32, #tpu.memory_space<vmem_shared>> -> memref<10240x16xf32, #tpu.memory_space<vmem_shared>>
        tpu.wait_indirect_dma semaphore(%run_scoped3A : memref<!tpu.dma_semaphore, #tpu.memory_space<semaphore_mem>>) src(%arg7 : memref<1000x16xf32, #tpu.memory_space<vmem>>) dst(%dma_wait3A_22 : memref<10240x16xf32, #tpu.memory_space<vmem_shared>>)
        tpu.yield
      }) : () -> ()
    }
    %scan3A_9 = arith.constant 5 : i32
    %barrier3A_10 = arith.constant 0 : index
    tpu.barrier barrier_id(%barrier3A_10)
    %mul3A_11 = arith.constant 640 : i32
    %mul3A_12 = arith.muli %arg1, %mul3A_11 : i32
    %mul3A_13 = arith.constant 640 : i32
    %mul3A_14 = arith.muli %arg1, %mul3A_13 : i32
    "tpu.region"() ({
      %run_scoped3A = tpu.sem_alloc : memref<!tpu.dma_semaphore, #tpu.memory_space<semaphore_mem>>
      %dma_start3A = arith.constant 0 : i32
      %dma_start3A_15 = tpu.memref_slice %arg5[%arg0, %mul3A_14, %dma_start3A] : memref<2x10240x16xf32, #tpu.memory_space<hbm>> -> memref<1x640x16xf32, #tpu.memory_space<hbm>>
      %dma_start3A_16 = tpu.memref_squeeze %dma_start3A_15 : memref<1x640x16xf32, #tpu.memory_space<hbm>> -> memref<640x16xf32, #tpu.memory_space<hbm>>
      %dma_start3A_17 = arith.constant 0 : i32
      %dma_start3A_18 = tpu.memref_slice %arg8[%mul3A_12, %dma_start3A_17] : memref<10240x16xf32, #tpu.memory_space<vmem_shared>> -> memref<640x16xf32, #tpu.memory_space<vmem_shared>>
      tpu.enqueue_dma source(%dma_start3A_18 : memref<640x16xf32, #tpu.memory_space<vmem_shared>>) target(%dma_start3A_16 : memref<640x16xf32, #tpu.memory_space<hbm>>) target_semaphore(%run_scoped3A : memref<!tpu.dma_semaphore, #tpu.memory_space<semaphore_mem>>)
      %dma_wait3A = arith.constant 0 : i32
      %dma_wait3A_19 = tpu.memref_slice %arg5[%arg0, %mul3A_14, %dma_wait3A] : memref<2x10240x16xf32, #tpu.memory_space<hbm>> -> memref<1x640x16xf32, #tpu.memory_space<hbm>>
      %dma_wait3A_20 = tpu.memref_squeeze %dma_wait3A_19 : memref<1x640x16xf32, #tpu.memory_space<hbm>> -> memref<640x16xf32, #tpu.memory_space<hbm>>
      %dma_wait3A_21 = arith.constant 0 : i32
      %dma_wait3A_22 = tpu.memref_slice %arg8[%mul3A_12, %dma_wait3A_21] : memref<10240x16xf32, #tpu.memory_space<vmem_shared>> -> memref<640x16xf32, #tpu.memory_space<vmem_shared>>
      tpu.wait_dma2 semaphore(%run_scoped3A : memref<!tpu.dma_semaphore, #tpu.memory_space<semaphore_mem>>) src(%dma_wait3A_22 : memref<640x16xf32, #tpu.memory_space<vmem_shared>>) dst(%dma_wait3A_20 : memref<640x16xf32, #tpu.memory_space<hbm>>)
      tpu.yield
    }) : () -> ()
    return
  }
}

#map = affine_map<(d0, d1) -> (0, 0)>
#map1 = affine_map<(d0, d1) -> (0)>
#map2 = affine_map<(d0, d1) -> (0, 0, 0)>
module attributes {stable_mosaic.version = 14 : i64} {
  func.func @_scatter_body(%arg0: i32, %arg1: i32, %arg2: memref<160000x128xf32, #tpu.memory_space<hbm>>, %arg3: memref<160000xi32, #tpu.memory_space<hbm>>, %arg4: memref<640x128xf32, #tpu.memory_space<hbm>>, %arg5: memref<2x10240x128xf32, #tpu.memory_space<hbm>>, %arg6: memref<200xi32, #tpu.memory_space<vmem>>, %arg7: memref<200x128xf32, #tpu.memory_space<vmem>>, %arg8: memref<10240x128xf32, #tpu.memory_space<vmem_shared>>) attributes {dimension_semantics = [#tpu.dimension_semantics<core_parallel>, #tpu.dimension_semantics<subcore_parallel>], iteration_bounds = array<i64: 2, 16>, scalar_prefetch = 0 : i64, scratch_operands = 3 : i64, tpu.core_type = #tpu.core_type<sc_vector_subcore>, window_params = [{transform_indices = #map}, {transform_indices = #map1}, {transform_indices = #map}, {transform_indices = #map2}]} {
    %mul3A = arith.constant 2 : i32
    %mul3A_0 = arith.muli %arg1, %mul3A : i32
    %add3A = arith.addi %mul3A_0, %arg0 : i32
    %mul3A_1 = arith.constant 640 : i32
    %mul3A_2 = arith.muli %arg1, %mul3A_1 : i32
    "tpu.region"() ({
      %run_scoped3A = tpu.sem_alloc : memref<!tpu.dma_semaphore, #tpu.memory_space<semaphore_mem>>
      %dma_start3A = arith.constant 0 : i32
      %dma_start3A_15 = tpu.memref_slice %arg8[%mul3A_2, %dma_start3A] : memref<10240x128xf32, #tpu.memory_space<vmem_shared>> -> memref<640x128xf32, #tpu.memory_space<vmem_shared>>
      tpu.enqueue_dma source(%arg4 : memref<640x128xf32, #tpu.memory_space<hbm>>) target(%dma_start3A_15 : memref<640x128xf32, #tpu.memory_space<vmem_shared>>) target_semaphore(%run_scoped3A : memref<!tpu.dma_semaphore, #tpu.memory_space<semaphore_mem>>)
      %dma_wait3A = arith.constant 0 : i32
      %dma_wait3A_16 = tpu.memref_slice %arg8[%mul3A_2, %dma_wait3A] : memref<10240x128xf32, #tpu.memory_space<vmem_shared>> -> memref<640x128xf32, #tpu.memory_space<vmem_shared>>
      tpu.wait_dma2 semaphore(%run_scoped3A : memref<!tpu.dma_semaphore, #tpu.memory_space<semaphore_mem>>) src(%arg4 : memref<640x128xf32, #tpu.memory_space<hbm>>) dst(%dma_wait3A_16 : memref<640x128xf32, #tpu.memory_space<vmem_shared>>)
      tpu.yield
    }) : () -> ()
    %barrier3A = arith.constant 0 : index
    tpu.barrier barrier_id(%barrier3A)
    %mul3A_3 = arith.constant 5000 : i32
    %mul3A_4 = arith.muli %add3A, %mul3A_3 : i32
    %scan3A = arith.constant 0 : i32
    %scan3A_5 = arith.constant 0 : i32
    %scan3A_6 = arith.constant 25 : i32
    %scan3A_7 = arith.addi %scan3A_5, %scan3A_6 : i32
    %scan3A_8 = arith.constant 1 : i32
    scf.for %scan3A_15 = %scan3A_5 to %scan3A_7 step %scan3A_8  : i32 {
      %mul3A_16 = arith.constant 200 : i32
      %mul3A_17 = arith.muli %scan3A_15, %mul3A_16 : i32
      %add3A_18 = arith.addi %mul3A_4, %mul3A_17 : i32
      "tpu.region"() ({
        %run_scoped3A = tpu.sem_alloc : memref<!tpu.dma_semaphore, #tpu.memory_space<semaphore_mem>>
        %dma_start3A = tpu.memref_slice %arg3[%add3A_18] : memref<160000xi32, #tpu.memory_space<hbm>> -> memref<200xi32, #tpu.memory_space<hbm>>
        %dma_start3A_19 = tpu.memref_slice %arg3[%add3A_18] : memref<160000xi32, #tpu.memory_space<hbm>> -> memref<200xi32, #tpu.memory_space<hbm>>
        tpu.enqueue_dma source(%dma_start3A_19 : memref<200xi32, #tpu.memory_space<hbm>>) target(%arg6 : memref<200xi32, #tpu.memory_space<vmem>>) target_semaphore(%run_scoped3A : memref<!tpu.dma_semaphore, #tpu.memory_space<semaphore_mem>>)
        %dma_wait3A = tpu.memref_slice %arg3[%add3A_18] : memref<160000xi32, #tpu.memory_space<hbm>> -> memref<200xi32, #tpu.memory_space<hbm>>
        %dma_wait3A_20 = tpu.memref_slice %arg3[%add3A_18] : memref<160000xi32, #tpu.memory_space<hbm>> -> memref<200xi32, #tpu.memory_space<hbm>>
        tpu.wait_dma2 semaphore(%run_scoped3A : memref<!tpu.dma_semaphore, #tpu.memory_space<semaphore_mem>>) src(%dma_wait3A_20 : memref<200xi32, #tpu.memory_space<hbm>>) dst(%arg6 : memref<200xi32, #tpu.memory_space<vmem>>)
        tpu.yield
      }) : () -> ()
      "tpu.region"() ({
        %run_scoped3A = tpu.sem_alloc : memref<!tpu.dma_semaphore, #tpu.memory_space<semaphore_mem>>
        %dma_start3A = arith.constant 0 : i32
        %dma_start3A_19 = tpu.memref_slice %arg2[%add3A_18, %dma_start3A] : memref<160000x128xf32, #tpu.memory_space<hbm>> -> memref<200x128xf32, #tpu.memory_space<hbm>>
        %dma_start3A_20 = arith.constant 0 : i32
        %dma_start3A_21 = tpu.memref_slice %arg2[%add3A_18, %dma_start3A_20] : memref<160000x128xf32, #tpu.memory_space<hbm>> -> memref<200x128xf32, #tpu.memory_space<hbm>>
        tpu.enqueue_dma source(%dma_start3A_21 : memref<200x128xf32, #tpu.memory_space<hbm>>) target(%arg7 : memref<200x128xf32, #tpu.memory_space<vmem>>) target_semaphore(%run_scoped3A : memref<!tpu.dma_semaphore, #tpu.memory_space<semaphore_mem>>)
        %dma_wait3A = arith.constant 0 : i32
        %dma_wait3A_22 = tpu.memref_slice %arg2[%add3A_18, %dma_wait3A] : memref<160000x128xf32, #tpu.memory_space<hbm>> -> memref<200x128xf32, #tpu.memory_space<hbm>>
        %dma_wait3A_23 = arith.constant 0 : i32
        %dma_wait3A_24 = tpu.memref_slice %arg2[%add3A_18, %dma_wait3A_23] : memref<160000x128xf32, #tpu.memory_space<hbm>> -> memref<200x128xf32, #tpu.memory_space<hbm>>
        tpu.wait_dma2 semaphore(%run_scoped3A : memref<!tpu.dma_semaphore, #tpu.memory_space<semaphore_mem>>) src(%dma_wait3A_24 : memref<200x128xf32, #tpu.memory_space<hbm>>) dst(%arg7 : memref<200x128xf32, #tpu.memory_space<vmem>>)
        tpu.yield
      }) : () -> ()
      "tpu.region"() ({
        %run_scoped3A = tpu.sem_alloc : memref<!tpu.dma_semaphore, #tpu.memory_space<semaphore_mem>>
        %dma_start3A = arith.constant 0 : i32
        %dma_start3A_19 = arith.constant 0 : i32
        %dma_start3A_20 = tpu.memref_slice %arg8[%dma_start3A, %dma_start3A_19] : memref<10240x128xf32, #tpu.memory_space<vmem_shared>> -> memref<10240x128xf32, #tpu.memory_space<vmem_shared>>
        tpu.enqueue_indirect_dma source(%arg7 : memref<200x128xf32, #tpu.memory_space<vmem>>) target(%dma_start3A_20 : memref<10240x128xf32, #tpu.memory_space<vmem_shared>>) offsets(%arg6 : memref<200xi32, #tpu.memory_space<vmem>>) semaphore(%run_scoped3A : memref<!tpu.dma_semaphore, #tpu.memory_space<semaphore_mem>>) {add = true}
        %dma_wait3A = arith.constant 0 : i32
        %dma_wait3A_21 = arith.constant 0 : i32
        %dma_wait3A_22 = tpu.memref_slice %arg8[%dma_wait3A, %dma_wait3A_21] : memref<10240x128xf32, #tpu.memory_space<vmem_shared>> -> memref<10240x128xf32, #tpu.memory_space<vmem_shared>>
        tpu.wait_indirect_dma semaphore(%run_scoped3A : memref<!tpu.dma_semaphore, #tpu.memory_space<semaphore_mem>>) src(%arg7 : memref<200x128xf32, #tpu.memory_space<vmem>>) dst(%dma_wait3A_22 : memref<10240x128xf32, #tpu.memory_space<vmem_shared>>)
        tpu.yield
      }) : () -> ()
    }
    %scan3A_9 = arith.constant 25 : i32
    %barrier3A_10 = arith.constant 0 : index
    tpu.barrier barrier_id(%barrier3A_10)
    %mul3A_11 = arith.constant 640 : i32
    %mul3A_12 = arith.muli %arg1, %mul3A_11 : i32
    %mul3A_13 = arith.constant 640 : i32
    %mul3A_14 = arith.muli %arg1, %mul3A_13 : i32
    "tpu.region"() ({
      %run_scoped3A = tpu.sem_alloc : memref<!tpu.dma_semaphore, #tpu.memory_space<semaphore_mem>>
      %dma_start3A = arith.constant 0 : i32
      %dma_start3A_15 = tpu.memref_slice %arg5[%arg0, %mul3A_14, %dma_start3A] : memref<2x10240x128xf32, #tpu.memory_space<hbm>> -> memref<1x640x128xf32, #tpu.memory_space<hbm>>
      %dma_start3A_16 = tpu.memref_squeeze %dma_start3A_15 : memref<1x640x128xf32, #tpu.memory_space<hbm>> -> memref<640x128xf32, #tpu.memory_space<hbm>>
      %dma_start3A_17 = arith.constant 0 : i32
      %dma_start3A_18 = tpu.memref_slice %arg8[%mul3A_12, %dma_start3A_17] : memref<10240x128xf32, #tpu.memory_space<vmem_shared>> -> memref<640x128xf32, #tpu.memory_space<vmem_shared>>
      tpu.enqueue_dma source(%dma_start3A_18 : memref<640x128xf32, #tpu.memory_space<vmem_shared>>) target(%dma_start3A_16 : memref<640x128xf32, #tpu.memory_space<hbm>>) target_semaphore(%run_scoped3A : memref<!tpu.dma_semaphore, #tpu.memory_space<semaphore_mem>>)
      %dma_wait3A = arith.constant 0 : i32
      %dma_wait3A_19 = tpu.memref_slice %arg5[%arg0, %mul3A_14, %dma_wait3A] : memref<2x10240x128xf32, #tpu.memory_space<hbm>> -> memref<1x640x128xf32, #tpu.memory_space<hbm>>
      %dma_wait3A_20 = tpu.memref_squeeze %dma_wait3A_19 : memref<1x640x128xf32, #tpu.memory_space<hbm>> -> memref<640x128xf32, #tpu.memory_space<hbm>>
      %dma_wait3A_21 = arith.constant 0 : i32
      %dma_wait3A_22 = tpu.memref_slice %arg8[%mul3A_12, %dma_wait3A_21] : memref<10240x128xf32, #tpu.memory_space<vmem_shared>> -> memref<640x128xf32, #tpu.memory_space<vmem_shared>>
      tpu.wait_dma2 semaphore(%run_scoped3A : memref<!tpu.dma_semaphore, #tpu.memory_space<semaphore_mem>>) src(%dma_wait3A_22 : memref<640x128xf32, #tpu.memory_space<vmem_shared>>) dst(%dma_wait3A_20 : memref<640x128xf32, #tpu.memory_space<hbm>>)
      tpu.yield
    }) : () -> ()
    return
  }
}

#map = affine_map<(d0, d1) -> (0, 0)>
#map1 = affine_map<(d0, d1) -> (0)>
#map2 = affine_map<(d0, d1) -> (0, 0, 0)>
module attributes {stable_mosaic.version = 14 : i64} {
  func.func @_scatter_body(%arg0: i32, %arg1: i32, %arg2: memref<160000x128xf32, #tpu.memory_space<hbm>>, %arg3: memref<160000xi32, #tpu.memory_space<hbm>>, %arg4: memref<640x128xf32, #tpu.memory_space<hbm>>, %arg5: memref<2x10240x128xf32, #tpu.memory_space<hbm>>, %arg6: memref<200xi32, #tpu.memory_space<vmem>>, %arg7: memref<200x128xf32, #tpu.memory_space<vmem>>, %arg8: memref<10240x128xf32, #tpu.memory_space<vmem_shared>>) attributes {dimension_semantics = [#tpu.dimension_semantics<core_parallel>, #tpu.dimension_semantics<subcore_parallel>], iteration_bounds = array<i64: 2, 16>, scalar_prefetch = 0 : i64, scratch_operands = 3 : i64, tpu.core_type = #tpu.core_type<sc_vector_subcore>, window_params = [{transform_indices = #map}, {transform_indices = #map1}, {transform_indices = #map}, {transform_indices = #map2}]} {
    %mul3A = arith.constant 2 : i32
    %mul3A_0 = arith.muli %arg1, %mul3A : i32
    %add3A = arith.addi %mul3A_0, %arg0 : i32
    %mul3A_1 = arith.constant 640 : i32
    %mul3A_2 = arith.muli %arg1, %mul3A_1 : i32
    "tpu.region"() ({
      %run_scoped3A = tpu.sem_alloc : memref<!tpu.dma_semaphore, #tpu.memory_space<semaphore_mem>>
      %dma_start3A = arith.constant 0 : i32
      %dma_start3A_15 = tpu.memref_slice %arg8[%mul3A_2, %dma_start3A] : memref<10240x128xf32, #tpu.memory_space<vmem_shared>> -> memref<640x128xf32, #tpu.memory_space<vmem_shared>>
      tpu.enqueue_dma source(%arg4 : memref<640x128xf32, #tpu.memory_space<hbm>>) target(%dma_start3A_15 : memref<640x128xf32, #tpu.memory_space<vmem_shared>>) target_semaphore(%run_scoped3A : memref<!tpu.dma_semaphore, #tpu.memory_space<semaphore_mem>>)
      %dma_wait3A = arith.constant 0 : i32
      %dma_wait3A_16 = tpu.memref_slice %arg8[%mul3A_2, %dma_wait3A] : memref<10240x128xf32, #tpu.memory_space<vmem_shared>> -> memref<640x128xf32, #tpu.memory_space<vmem_shared>>
      tpu.wait_dma2 semaphore(%run_scoped3A : memref<!tpu.dma_semaphore, #tpu.memory_space<semaphore_mem>>) src(%arg4 : memref<640x128xf32, #tpu.memory_space<hbm>>) dst(%dma_wait3A_16 : memref<640x128xf32, #tpu.memory_space<vmem_shared>>)
      tpu.yield
    }) : () -> ()
    %barrier3A = arith.constant 0 : index
    tpu.barrier barrier_id(%barrier3A)
    %mul3A_3 = arith.constant 5000 : i32
    %mul3A_4 = arith.muli %add3A, %mul3A_3 : i32
    %scan3A = arith.constant 0 : i32
    %scan3A_5 = arith.constant 0 : i32
    %scan3A_6 = arith.constant 25 : i32
    %scan3A_7 = arith.addi %scan3A_5, %scan3A_6 : i32
    %scan3A_8 = arith.constant 1 : i32
    scf.for %scan3A_15 = %scan3A_5 to %scan3A_7 step %scan3A_8  : i32 {
      %mul3A_16 = arith.constant 200 : i32
      %mul3A_17 = arith.muli %scan3A_15, %mul3A_16 : i32
      %add3A_18 = arith.addi %mul3A_4, %mul3A_17 : i32
      "tpu.region"() ({
        %run_scoped3A = tpu.sem_alloc : memref<!tpu.dma_semaphore, #tpu.memory_space<semaphore_mem>>
        %dma_start3A = tpu.memref_slice %arg3[%add3A_18] : memref<160000xi32, #tpu.memory_space<hbm>> -> memref<200xi32, #tpu.memory_space<hbm>>
        %dma_start3A_19 = tpu.memref_slice %arg3[%add3A_18] : memref<160000xi32, #tpu.memory_space<hbm>> -> memref<200xi32, #tpu.memory_space<hbm>>
        tpu.enqueue_dma source(%dma_start3A_19 : memref<200xi32, #tpu.memory_space<hbm>>) target(%arg6 : memref<200xi32, #tpu.memory_space<vmem>>) target_semaphore(%run_scoped3A : memref<!tpu.dma_semaphore, #tpu.memory_space<semaphore_mem>>)
        %dma_wait3A = tpu.memref_slice %arg3[%add3A_18] : memref<160000xi32, #tpu.memory_space<hbm>> -> memref<200xi32, #tpu.memory_space<hbm>>
        %dma_wait3A_20 = tpu.memref_slice %arg3[%add3A_18] : memref<160000xi32, #tpu.memory_space<hbm>> -> memref<200xi32, #tpu.memory_space<hbm>>
        tpu.wait_dma2 semaphore(%run_scoped3A : memref<!tpu.dma_semaphore, #tpu.memory_space<semaphore_mem>>) src(%dma_wait3A_20 : memref<200xi32, #tpu.memory_space<hbm>>) dst(%arg6 : memref<200xi32, #tpu.memory_space<vmem>>)
        tpu.yield
      }) : () -> ()
      "tpu.region"() ({
        %run_scoped3A = tpu.sem_alloc : memref<!tpu.dma_semaphore, #tpu.memory_space<semaphore_mem>>
        %dma_start3A = arith.constant 0 : i32
        %dma_start3A_19 = tpu.memref_slice %arg2[%add3A_18, %dma_start3A] : memref<160000x128xf32, #tpu.memory_space<hbm>> -> memref<200x128xf32, #tpu.memory_space<hbm>>
        %dma_start3A_20 = arith.constant 0 : i32
        %dma_start3A_21 = tpu.memref_slice %arg2[%add3A_18, %dma_start3A_20] : memref<160000x128xf32, #tpu.memory_space<hbm>> -> memref<200x128xf32, #tpu.memory_space<hbm>>
        tpu.enqueue_dma source(%dma_start3A_21 : memref<200x128xf32, #tpu.memory_space<hbm>>) target(%arg7 : memref<200x128xf32, #tpu.memory_space<vmem>>) target_semaphore(%run_scoped3A : memref<!tpu.dma_semaphore, #tpu.memory_space<semaphore_mem>>)
        %dma_wait3A = arith.constant 0 : i32
        %dma_wait3A_22 = tpu.memref_slice %arg2[%add3A_18, %dma_wait3A] : memref<160000x128xf32, #tpu.memory_space<hbm>> -> memref<200x128xf32, #tpu.memory_space<hbm>>
        %dma_wait3A_23 = arith.constant 0 : i32
        %dma_wait3A_24 = tpu.memref_slice %arg2[%add3A_18, %dma_wait3A_23] : memref<160000x128xf32, #tpu.memory_space<hbm>> -> memref<200x128xf32, #tpu.memory_space<hbm>>
        tpu.wait_dma2 semaphore(%run_scoped3A : memref<!tpu.dma_semaphore, #tpu.memory_space<semaphore_mem>>) src(%dma_wait3A_24 : memref<200x128xf32, #tpu.memory_space<hbm>>) dst(%arg7 : memref<200x128xf32, #tpu.memory_space<vmem>>)
        tpu.yield
      }) : () -> ()
      "tpu.region"() ({
        %run_scoped3A = tpu.sem_alloc : memref<!tpu.dma_semaphore, #tpu.memory_space<semaphore_mem>>
        %dma_start3A = arith.constant 0 : i32
        %dma_start3A_19 = arith.constant 0 : i32
        %dma_start3A_20 = tpu.memref_slice %arg8[%dma_start3A, %dma_start3A_19] : memref<10240x128xf32, #tpu.memory_space<vmem_shared>> -> memref<10240x128xf32, #tpu.memory_space<vmem_shared>>
        tpu.enqueue_indirect_dma source(%arg7 : memref<200x128xf32, #tpu.memory_space<vmem>>) target(%dma_start3A_20 : memref<10240x128xf32, #tpu.memory_space<vmem_shared>>) offsets(%arg6 : memref<200xi32, #tpu.memory_space<vmem>>) semaphore(%run_scoped3A : memref<!tpu.dma_semaphore, #tpu.memory_space<semaphore_mem>>) {add = true}
        %dma_wait3A = arith.constant 0 : i32
        %dma_wait3A_21 = arith.constant 0 : i32
        %dma_wait3A_22 = tpu.memref_slice %arg8[%dma_wait3A, %dma_wait3A_21] : memref<10240x128xf32, #tpu.memory_space<vmem_shared>> -> memref<10240x128xf32, #tpu.memory_space<vmem_shared>>
        tpu.wait_indirect_dma semaphore(%run_scoped3A : memref<!tpu.dma_semaphore, #tpu.memory_space<semaphore_mem>>) src(%arg7 : memref<200x128xf32, #tpu.memory_space<vmem>>) dst(%dma_wait3A_22 : memref<10240x128xf32, #tpu.memory_space<vmem_shared>>)
        tpu.yield
      }) : () -> ()
    }
    %scan3A_9 = arith.constant 25 : i32
    %barrier3A_10 = arith.constant 0 : index
    tpu.barrier barrier_id(%barrier3A_10)
    %mul3A_11 = arith.constant 640 : i32
    %mul3A_12 = arith.muli %arg1, %mul3A_11 : i32
    %mul3A_13 = arith.constant 640 : i32
    %mul3A_14 = arith.muli %arg1, %mul3A_13 : i32
    "tpu.region"() ({
      %run_scoped3A = tpu.sem_alloc : memref<!tpu.dma_semaphore, #tpu.memory_space<semaphore_mem>>
      %dma_start3A = arith.constant 0 : i32
      %dma_start3A_15 = tpu.memref_slice %arg5[%arg0, %mul3A_14, %dma_start3A] : memref<2x10240x128xf32, #tpu.memory_space<hbm>> -> memref<1x640x128xf32, #tpu.memory_space<hbm>>
      %dma_start3A_16 = tpu.memref_squeeze %dma_start3A_15 : memref<1x640x128xf32, #tpu.memory_space<hbm>> -> memref<640x128xf32, #tpu.memory_space<hbm>>
      %dma_start3A_17 = arith.constant 0 : i32
      %dma_start3A_18 = tpu.memref_slice %arg8[%mul3A_12, %dma_start3A_17] : memref<10240x128xf32, #tpu.memory_space<vmem_shared>> -> memref<640x128xf32, #tpu.memory_space<vmem_shared>>
      tpu.enqueue_dma source(%dma_start3A_18 : memref<640x128xf32, #tpu.memory_space<vmem_shared>>) target(%dma_start3A_16 : memref<640x128xf32, #tpu.memory_space<hbm>>) target_semaphore(%run_scoped3A : memref<!tpu.dma_semaphore, #tpu.memory_space<semaphore_mem>>)
      %dma_wait3A = arith.constant 0 : i32
      %dma_wait3A_19 = tpu.memref_slice %arg5[%arg0, %mul3A_14, %dma_wait3A] : memref<2x10240x128xf32, #tpu.memory_space<hbm>> -> memref<1x640x128xf32, #tpu.memory_space<hbm>>
      %dma_wait3A_20 = tpu.memref_squeeze %dma_wait3A_19 : memref<1x640x128xf32, #tpu.memory_space<hbm>> -> memref<640x128xf32, #tpu.memory_space<hbm>>
      %dma_wait3A_21 = arith.constant 0 : i32
      %dma_wait3A_22 = tpu.memref_slice %arg8[%mul3A_12, %dma_wait3A_21] : memref<10240x128xf32, #tpu.memory_space<vmem_shared>> -> memref<640x128xf32, #tpu.memory_space<vmem_shared>>
      tpu.wait_dma2 semaphore(%run_scoped3A : memref<!tpu.dma_semaphore, #tpu.memory_space<semaphore_mem>>) src(%dma_wait3A_22 : memref<640x128xf32, #tpu.memory_space<vmem_shared>>) dst(%dma_wait3A_20 : memref<640x128xf32, #tpu.memory_space<hbm>>)
      tpu.yield
    }) : () -> ()
    return
  }
}

module attributes {stable_mosaic.version = 14 : i64} {
  func.func @_edge_body(%arg0: i32, %arg1: memref<3200x128xf32, #tpu.memory_space<vmem>>, %arg2: memref<3200x128xf32, #tpu.memory_space<vmem>>, %arg3: memref<400x128xf32, #tpu.memory_space<vmem>>, %arg4: memref<400x128xf32, #tpu.memory_space<vmem>>, %arg5: memref<32x3200xf32, #tpu.memory_space<vmem>>, %arg6: memref<128x320xbf16, #tpu.memory_space<vmem>>, %arg7: memref<128x320xbf16, #tpu.memory_space<vmem>>, %arg8: memref<32x320xbf16, #tpu.memory_space<vmem>>, %arg9: memref<1x320xf32, #tpu.memory_space<vmem>>, %arg10: memref<128x128xbf16, #tpu.memory_space<vmem>>, %arg11: memref<1x128xf32, #tpu.memory_space<vmem>>, %arg12: memref<128x128xbf16, #tpu.memory_space<vmem>>, %arg13: memref<1x128xf32, #tpu.memory_space<vmem>>, %arg14: memref<128x128xbf16, #tpu.memory_space<vmem>>, %arg15: memref<1x128xf32, #tpu.memory_space<vmem>>, %arg16: memref<128x1xf32, #tpu.memory_space<vmem>>, %arg17: memref<1x1xf32, #tpu.memory_space<vmem>>, %arg18: memref<64x1xf32, #tpu.memory_space<vmem>>, %arg19: memref<1x1xf32, #tpu.memory_space<vmem>>, %arg20: memref<8x128xf32, #tpu.memory_space<vmem>>, %arg21: memref<8x128xf32, #tpu.memory_space<vmem>>, %arg22: memref<3200x128xf32, #tpu.memory_space<vmem>>, %arg23: memref<400x128xf32, #tpu.memory_space<vmem>>) attributes {dimension_semantics = [#tpu.dimension_semantics<parallel>], iteration_bounds = array<i64: 50>, scalar_prefetch = 0 : i64, scratch_operands = 0 : i64, tpu.core_type = #tpu.core_type<tc>, window_params = [{transform_indices = @transform_0, window_bounds = array<i64: 3200, 128>}, {transform_indices = @transform_1, window_bounds = array<i64: 3200, 128>}, {transform_indices = @transform_2, window_bounds = array<i64: 400, 128>}, {transform_indices = @transform_3, window_bounds = array<i64: 400, 128>}, {transform_indices = @transform_4, window_bounds = array<i64: 32, 3200>}, {pipeline_mode = #tpu.pipeline_mode<synchronous>, transform_indices = @transform_5, window_bounds = array<i64: 128, 320>}, {pipeline_mode = #tpu.pipeline_mode<synchronous>, transform_indices = @transform_6, window_bounds = array<i64: 128, 320>}, {pipeline_mode = #tpu.pipeline_mode<synchronous>, transform_indices = @transform_7, window_bounds = array<i64: 32, 320>}, {pipeline_mode = #tpu.pipeline_mode<synchronous>, transform_indices = @transform_8, window_bounds = array<i64: 1, 320>}, {pipeline_mode = #tpu.pipeline_mode<synchronous>, transform_indices = @transform_9, window_bounds = array<i64: 128, 128>}, {pipeline_mode = #tpu.pipeline_mode<synchronous>, transform_indices = @transform_10, window_bounds = array<i64: 1, 128>}, {pipeline_mode = #tpu.pipeline_mode<synchronous>, transform_indices = @transform_11, window_bounds = array<i64: 128, 128>}, {pipeline_mode = #tpu.pipeline_mode<synchronous>, transform_indices = @transform_12, window_bounds = array<i64: 1, 128>}, {pipeline_mode = #tpu.pipeline_mode<synchronous>, transform_indices = @transform_13, window_bounds = array<i64: 128, 128>}, {pipeline_mode = #tpu.pipeline_mode<synchronous>, transform_indices = @transform_14, window_bounds = array<i64: 1, 128>}, {pipeline_mode = #tpu.pipeline_mode<synchronous>, transform_indices = @transform_15, window_bounds = array<i64: 128, 1>}, {pipeline_mode = #tpu.pipeline_mode<synchronous>, transform_indices = @transform_16, window_bounds = array<i64: 1, 1>}, {pipeline_mode = #tpu.pipeline_mode<synchronous>, transform_indices = @transform_17, window_bounds = array<i64: 64, 1>}, {pipeline_mode = #tpu.pipeline_mode<synchronous>, transform_indices = @transform_18, window_bounds = array<i64: 1, 1>}, {pipeline_mode = #tpu.pipeline_mode<synchronous>, transform_indices = @transform_19, window_bounds = array<i64: 8, 128>}, {pipeline_mode = #tpu.pipeline_mode<synchronous>, transform_indices = @transform_20, window_bounds = array<i64: 8, 128>}, {transform_indices = @transform_21, window_bounds = array<i64: 3200, 128>}, {transform_indices = @transform_22, window_bounds = array<i64: 400, 128>}]} {
    %get3A = arith.constant 0 : index
    %get3A_0 = arith.constant 0 : index
    %get3A_1 = vector.load %arg1[%get3A, %get3A_0] : memref<3200x128xf32, #tpu.memory_space<vmem>>, vector<3200x128xf32>
    %convert_element_type3A = arith.truncf %get3A_1 : vector<3200x128xf32> to vector<3200x128xbf16>
    %get3A_2 = arith.constant 0 : index
    %get3A_3 = arith.constant 0 : index
    %get3A_4 = vector.load %arg2[%get3A_2, %get3A_3] : memref<3200x128xf32, #tpu.memory_space<vmem>>, vector<3200x128xf32>
    %convert_element_type3A_5 = arith.truncf %get3A_4 : vector<3200x128xf32> to vector<3200x128xbf16>
    %get3A_6 = arith.constant 0 : index
    %get3A_7 = arith.constant 0 : index
    %get3A_8 = vector.load %arg6[%get3A_6, %get3A_7] : memref<128x320xbf16, #tpu.memory_space<vmem>>, vector<128x320xbf16>
    %dot_general3A = arith.constant dense<0.000000e+00> : vector<3200x320xf32>
    %dot_general3A_9 = tpu.matmul %convert_element_type3A, %get3A_8, %dot_general3A {dimension_numbers = #tpu.dot_dimension_numbers<[1], [0], [0], [1], [0, 0, 1, 1], [], []>, transpose_lhs_hint = false} : vector<3200x128xbf16>, vector<128x320xbf16>, vector<3200x320xf32> -> vector<3200x320xf32>
    %get3A_10 = arith.constant 0 : index
    %get3A_11 = arith.constant 0 : index
    %get3A_12 = vector.load %arg7[%get3A_10, %get3A_11] : memref<128x320xbf16, #tpu.memory_space<vmem>>, vector<128x320xbf16>
    %dot_general3A_13 = arith.constant dense<0.000000e+00> : vector<3200x320xf32>
    %dot_general3A_14 = tpu.matmul %convert_element_type3A_5, %get3A_12, %dot_general3A_13 {dimension_numbers = #tpu.dot_dimension_numbers<[1], [0], [0], [1], [0, 0, 1, 1], [], []>, transpose_lhs_hint = false} : vector<3200x128xbf16>, vector<128x320xbf16>, vector<3200x320xf32> -> vector<3200x320xf32>
    %add3A = arith.addf %dot_general3A_9, %dot_general3A_14 : vector<3200x320xf32>
    %get3A_15 = arith.constant 0 : index
    %get3A_16 = arith.constant 0 : index
    %get3A_17 = vector.load %arg5[%get3A_15, %get3A_16] : memref<32x3200xf32, #tpu.memory_space<vmem>>, vector<32x3200xf32>
    %convert_element_type3A_18 = arith.truncf %get3A_17 : vector<32x3200xf32> to vector<32x3200xbf16>
    %get3A_19 = arith.constant 0 : index
    %get3A_20 = arith.constant 0 : index
    %get3A_21 = vector.load %arg8[%get3A_19, %get3A_20] : memref<32x320xbf16, #tpu.memory_space<vmem>>, vector<32x320xbf16>
    %dot_general3A_22 = arith.constant dense<0.000000e+00> : vector<3200x320xf32>
    %dot_general3A_23 = tpu.matmul %convert_element_type3A_18, %get3A_21, %dot_general3A_22 {dimension_numbers = #tpu.dot_dimension_numbers<[0], [0], [1], [1], [0, 1, 1, 1], [], []>, transpose_lhs_hint = false} : vector<32x3200xbf16>, vector<32x320xbf16>, vector<3200x320xf32> -> vector<3200x320xf32>
    %add3A_24 = arith.addf %add3A, %dot_general3A_23 : vector<3200x320xf32>
    %get3A_25 = arith.constant 0 : index
    %get3A_26 = arith.constant 0 : index
    %get3A_27 = vector.load %arg9[%get3A_25, %get3A_26] : memref<1x320xf32, #tpu.memory_space<vmem>>, vector<1x320xf32>
    %add3A_28 = vector.broadcast %get3A_27 : vector<1x320xf32> to vector<3200x320xf32>
    %add3A_29 = arith.addf %add3A_24, %add3A_28 : vector<3200x320xf32>
    %slice3A = vector.extract_strided_slice %add3A_29 {offsets = [0, 0], sizes = [3200, 128], strides = [1, 1]} : vector<3200x320xf32> to vector<3200x128xf32>
    %logistic3A = arith.negf %slice3A : vector<3200x128xf32>
    %logistic3A_30 = math.exp %logistic3A : vector<3200x128xf32>
    %logistic3A_31 = arith.constant 1.000000e+00 : f32
    %logistic3A_32 = vector.broadcast %logistic3A_31 : f32 to vector<3200x128xf32>
    %logistic3A_33 = arith.addf %logistic3A_32, %logistic3A_30 : vector<3200x128xf32>
    %logistic3A_34 = arith.divf %logistic3A_32, %logistic3A_33 : vector<3200x128xf32>
    %mul3A = arith.mulf %slice3A, %logistic3A_34 : vector<3200x128xf32>
    %slice3A_35 = vector.extract_strided_slice %add3A_29 {offsets = [0, 128], sizes = [3200, 128], strides = [1, 1]} : vector<3200x320xf32> to vector<3200x128xf32>
    %logistic3A_36 = arith.negf %slice3A_35 : vector<3200x128xf32>
    %logistic3A_37 = math.exp %logistic3A_36 : vector<3200x128xf32>
    %logistic3A_38 = arith.constant 1.000000e+00 : f32
    %logistic3A_39 = vector.broadcast %logistic3A_38 : f32 to vector<3200x128xf32>
    %logistic3A_40 = arith.addf %logistic3A_39, %logistic3A_37 : vector<3200x128xf32>
    %logistic3A_41 = arith.divf %logistic3A_39, %logistic3A_40 : vector<3200x128xf32>
    %mul3A_42 = arith.mulf %slice3A_35, %logistic3A_41 : vector<3200x128xf32>
    %slice3A_43 = vector.extract_strided_slice %add3A_29 {offsets = [0, 256], sizes = [3200, 64], strides = [1, 1]} : vector<3200x320xf32> to vector<3200x64xf32>
    %logistic3A_44 = arith.negf %slice3A_43 : vector<3200x64xf32>
    %logistic3A_45 = math.exp %logistic3A_44 : vector<3200x64xf32>
    %logistic3A_46 = arith.constant 1.000000e+00 : f32
    %logistic3A_47 = vector.broadcast %logistic3A_46 : f32 to vector<3200x64xf32>
    %logistic3A_48 = arith.addf %logistic3A_47, %logistic3A_45 : vector<3200x64xf32>
    %logistic3A_49 = arith.divf %logistic3A_47, %logistic3A_48 : vector<3200x64xf32>
    %mul3A_50 = arith.mulf %slice3A_43, %logistic3A_49 : vector<3200x64xf32>
    %convert_element_type3A_51 = arith.truncf %mul3A : vector<3200x128xf32> to vector<3200x128xbf16>
    %get3A_52 = arith.constant 0 : index
    %get3A_53 = arith.constant 0 : index
    %get3A_54 = vector.load %arg10[%get3A_52, %get3A_53] : memref<128x128xbf16, #tpu.memory_space<vmem>>, vector<128x128xbf16>
    %dot_general3A_55 = arith.constant dense<0.000000e+00> : vector<3200x128xf32>
    %dot_general3A_56 = tpu.matmul %convert_element_type3A_51, %get3A_54, %dot_general3A_55 {dimension_numbers = #tpu.dot_dimension_numbers<[1], [0], [0], [1], [0, 0, 1, 1], [], []>, transpose_lhs_hint = false} : vector<3200x128xbf16>, vector<128x128xbf16>, vector<3200x128xf32> -> vector<3200x128xf32>
    %get3A_57 = arith.constant 0 : index
    %get3A_58 = arith.constant 0 : index
    %get3A_59 = vector.load %arg11[%get3A_57, %get3A_58] : memref<1x128xf32, #tpu.memory_space<vmem>>, vector<1x128xf32>
    %add3A_60 = vector.broadcast %get3A_59 : vector<1x128xf32> to vector<3200x128xf32>
    %add3A_61 = arith.addf %dot_general3A_56, %add3A_60 : vector<3200x128xf32>
    %logistic3A_62 = arith.negf %add3A_61 : vector<3200x128xf32>
    %logistic3A_63 = math.exp %logistic3A_62 : vector<3200x128xf32>
    %logistic3A_64 = arith.constant 1.000000e+00 : f32
    %logistic3A_65 = vector.broadcast %logistic3A_64 : f32 to vector<3200x128xf32>
    %logistic3A_66 = arith.addf %logistic3A_65, %logistic3A_63 : vector<3200x128xf32>
    %logistic3A_67 = arith.divf %logistic3A_65, %logistic3A_66 : vector<3200x128xf32>
    %mul3A_68 = arith.mulf %add3A_61, %logistic3A_67 : vector<3200x128xf32>
    %convert_element_type3A_69 = arith.truncf %mul3A_68 : vector<3200x128xf32> to vector<3200x128xbf16>
    %get3A_70 = arith.constant 0 : index
    %get3A_71 = arith.constant 0 : index
    %get3A_72 = vector.load %arg12[%get3A_70, %get3A_71] : memref<128x128xbf16, #tpu.memory_space<vmem>>, vector<128x128xbf16>
    %dot_general3A_73 = arith.constant dense<0.000000e+00> : vector<3200x128xf32>
    %dot_general3A_74 = tpu.matmul %convert_element_type3A_69, %get3A_72, %dot_general3A_73 {dimension_numbers = #tpu.dot_dimension_numbers<[1], [0], [0], [1], [0, 0, 1, 1], [], []>, transpose_lhs_hint = false} : vector<3200x128xbf16>, vector<128x128xbf16>, vector<3200x128xf32> -> vector<3200x128xf32>
    %get3A_75 = arith.constant 0 : index
    %get3A_76 = arith.constant 0 : index
    %get3A_77 = vector.load %arg13[%get3A_75, %get3A_76] : memref<1x128xf32, #tpu.memory_space<vmem>>, vector<1x128xf32>
    %add3A_78 = vector.broadcast %get3A_77 : vector<1x128xf32> to vector<3200x128xf32>
    %add3A_79 = arith.addf %dot_general3A_74, %add3A_78 : vector<3200x128xf32>
    %convert_element_type3A_80 = arith.truncf %mul3A_42 : vector<3200x128xf32> to vector<3200x128xbf16>
    %get3A_81 = arith.constant 0 : index
    %get3A_82 = arith.constant 0 : index
    %get3A_83 = vector.load %arg14[%get3A_81, %get3A_82] : memref<128x128xbf16, #tpu.memory_space<vmem>>, vector<128x128xbf16>
    %dot_general3A_84 = arith.constant dense<0.000000e+00> : vector<3200x128xf32>
    %dot_general3A_85 = tpu.matmul %convert_element_type3A_80, %get3A_83, %dot_general3A_84 {dimension_numbers = #tpu.dot_dimension_numbers<[1], [0], [0], [1], [0, 0, 1, 1], [], []>, transpose_lhs_hint = false} : vector<3200x128xbf16>, vector<128x128xbf16>, vector<3200x128xf32> -> vector<3200x128xf32>
    %get3A_86 = arith.constant 0 : index
    %get3A_87 = arith.constant 0 : index
    %get3A_88 = vector.load %arg15[%get3A_86, %get3A_87] : memref<1x128xf32, #tpu.memory_space<vmem>>, vector<1x128xf32>
    %add3A_89 = vector.broadcast %get3A_88 : vector<1x128xf32> to vector<3200x128xf32>
    %add3A_90 = arith.addf %dot_general3A_85, %add3A_89 : vector<3200x128xf32>
    %logistic3A_91 = arith.negf %add3A_90 : vector<3200x128xf32>
    %logistic3A_92 = math.exp %logistic3A_91 : vector<3200x128xf32>
    %logistic3A_93 = arith.constant 1.000000e+00 : f32
    %logistic3A_94 = vector.broadcast %logistic3A_93 : f32 to vector<3200x128xf32>
    %logistic3A_95 = arith.addf %logistic3A_94, %logistic3A_92 : vector<3200x128xf32>
    %logistic3A_96 = arith.divf %logistic3A_94, %logistic3A_95 : vector<3200x128xf32>
    %mul3A_97 = arith.mulf %add3A_90, %logistic3A_96 : vector<3200x128xf32>
    %get3A_98 = arith.constant 0 : index
    %get3A_99 = arith.constant 0 : index
    %get3A_100 = vector.load %arg16[%get3A_98, %get3A_99] : memref<128x1xf32, #tpu.memory_space<vmem>>, vector<128x1xf32>
    %dot_general3A_101 = arith.constant dense<0.000000e+00> : vector<3200x1xf32>
    %dot_general3A_102 = tpu.matmul %mul3A_97, %get3A_100, %dot_general3A_101 {dimension_numbers = #tpu.dot_dimension_numbers<[1], [0], [0], [1], [0, 0, 1, 1], [], []>, transpose_lhs_hint = false} : vector<3200x128xf32>, vector<128x1xf32>, vector<3200x1xf32> -> vector<3200x1xf32>
    %get3A_103 = arith.constant 0 : index
    %get3A_104 = arith.constant 0 : index
    %get3A_105 = vector.load %arg17[%get3A_103, %get3A_104] : memref<1x1xf32, #tpu.memory_space<vmem>>, vector<1x1xf32>
    %add3A_106 = vector.broadcast %get3A_105 : vector<1x1xf32> to vector<3200x1xf32>
    %add3A_107 = arith.addf %dot_general3A_102, %add3A_106 : vector<3200x1xf32>
    %get3A_108 = arith.constant 0 : index
    %get3A_109 = arith.constant 0 : index
    %get3A_110 = vector.load %arg18[%get3A_108, %get3A_109] : memref<64x1xf32, #tpu.memory_space<vmem>>, vector<64x1xf32>
    %dot_general3A_111 = arith.constant dense<0.000000e+00> : vector<3200x1xf32>
    %dot_general3A_112 = tpu.matmul %mul3A_50, %get3A_110, %dot_general3A_111 {dimension_numbers = #tpu.dot_dimension_numbers<[1], [0], [0], [1], [0, 0, 1, 1], [], []>, transpose_lhs_hint = false} : vector<3200x64xf32>, vector<64x1xf32>, vector<3200x1xf32> -> vector<3200x1xf32>
    %get3A_113 = arith.constant 0 : index
    %get3A_114 = arith.constant 0 : index
    %get3A_115 = vector.load %arg19[%get3A_113, %get3A_114] : memref<1x1xf32, #tpu.memory_space<vmem>>, vector<1x1xf32>
    %add3A_116 = vector.broadcast %get3A_115 : vector<1x1xf32> to vector<3200x1xf32>
    %add3A_117 = arith.addf %dot_general3A_112, %add3A_116 : vector<3200x1xf32>
    %exp3A = math.exp %add3A_117 : vector<3200x1xf32>
    %mul3A_118 = vector.broadcast %exp3A : vector<3200x1xf32> to vector<3200x128xf32>
    %mul3A_119 = arith.mulf %add3A_79, %mul3A_118 : vector<3200x128xf32>
    %swap3A = arith.constant 0 : index
    %swap3A_120 = arith.constant 0 : index
    %swap3A_121 = vector.load %arg22[%swap3A, %swap3A_120] : memref<3200x128xf32, #tpu.memory_space<vmem>>, vector<3200x128xf32>
    tpu.vector_store %arg22[%swap3A, %swap3A_120], %mul3A_119 {strides = array<i32>} : memref<3200x128xf32, #tpu.memory_space<vmem>>, vector<3200x128xf32>,
    %get3A_122 = arith.constant 0 : index
    %get3A_123 = arith.constant 0 : index
    %get3A_124 = vector.load %arg4[%get3A_122, %get3A_123] : memref<400x128xf32, #tpu.memory_space<vmem>>, vector<400x128xf32>
    %get3A_125 = arith.constant 0 : index
    %get3A_126 = arith.constant 0 : index
    %get3A_127 = vector.load %arg3[%get3A_125, %get3A_126] : memref<400x128xf32, #tpu.memory_space<vmem>>, vector<400x128xf32>
    %sub3A = arith.subf %get3A_124, %get3A_127 : vector<400x128xf32>
    %mul3A_128 = arith.mulf %sub3A, %sub3A : vector<400x128xf32>
    %broadcast_in_dim3A = arith.constant 0.000000e+00 : f32
    %broadcast_in_dim3A_129 = vector.broadcast %broadcast_in_dim3A : f32 to vector<400x1xf32>
    %slice3A_130 = vector.extract_strided_slice %mul3A_128 {offsets = [0, 1], sizes = [400, 127], strides = [1, 1]} : vector<400x128xf32> to vector<400x127xf32>
    %concatenate3A = tpu.concatenate %slice3A_130, %broadcast_in_dim3A_129 in 1 : vector<400x127xf32>, vector<400x1xf32> -> vector<400x128xf32>
    %add3A_131 = arith.addf %mul3A_128, %concatenate3A : vector<400x128xf32>
    %broadcast_in_dim3A_132 = arith.constant 0.000000e+00 : f32
    %broadcast_in_dim3A_133 = vector.broadcast %broadcast_in_dim3A_132 : f32 to vector<400x2xf32>
    %slice3A_134 = vector.extract_strided_slice %mul3A_128 {offsets = [0, 2], sizes = [400, 126], strides = [1, 1]} : vector<400x128xf32> to vector<400x126xf32>
    %concatenate3A_135 = tpu.concatenate %slice3A_134, %broadcast_in_dim3A_133 in 1 : vector<400x126xf32>, vector<400x2xf32> -> vector<400x128xf32>
    %add3A_136 = arith.addf %add3A_131, %concatenate3A_135 : vector<400x128xf32>
    %add3A_137 = arith.constant 9.99999996E-13 : f32
    %add3A_138 = vector.broadcast %add3A_137 : f32 to vector<400x128xf32>
    %add3A_139 = arith.addf %add3A_136, %add3A_138 : vector<400x128xf32>
    %sqrt3A = math.sqrt %add3A_139 : vector<400x128xf32>
    %add3A_140 = arith.constant 9.99999993E-9 : f32
    %add3A_141 = vector.broadcast %add3A_140 : f32 to vector<400x128xf32>
    %add3A_142 = arith.addf %sqrt3A, %add3A_141 : vector<400x128xf32>
    %div3A = arith.constant 1.000000e+00 : f32
    %div3A_143 = vector.broadcast %div3A : f32 to vector<400x128xf32>
    %div3A_144 = arith.divf %div3A_143, %add3A_142 : vector<400x128xf32>
    %iota3A = tpu.iota {dimensions = array<i32: 1>} : vector<400x128xi32>
    %and3A = arith.constant 15 : i32
    %and3A_145 = vector.broadcast %and3A : i32 to vector<400x128xi32>
    %and3A_146 = arith.andi %iota3A, %and3A_145 : vector<400x128xi32>
    %eq3A = arith.constant 0 : i32
    %eq3A_147 = vector.broadcast %eq3A : i32 to vector<400x128xi32>
    %eq3A_148 = arith.cmpi eq, %and3A_146, %eq3A_147 : vector<400x128xi32>
    %jit3A = arith.constant 0.000000e+00 : f32
    %broadcast_in_dim3A_149 = vector.broadcast %jit3A : f32 to vector<400x128xf32>
    %select_n3A = arith.select %eq3A_148, %div3A_144, %broadcast_in_dim3A_149 : vector<400x128xi1>, vector<400x128xf32>
    %broadcast_in_dim3A_150 = arith.constant 0.000000e+00 : f32
    %broadcast_in_dim3A_151 = vector.broadcast %broadcast_in_dim3A_150 : f32 to vector<400x1xf32>
    %slice3A_152 = vector.extract_strided_slice %select_n3A {offsets = [0, 0], sizes = [400, 127], strides = [1, 1]} : vector<400x128xf32> to vector<400x127xf32>
    %concatenate3A_153 = tpu.concatenate %broadcast_in_dim3A_151, %slice3A_152 in 1 : vector<400x1xf32>, vector<400x127xf32> -> vector<400x128xf32>
    %broadcast_in_dim3A_154 = arith.constant 0.000000e+00 : f32
    %broadcast_in_dim3A_155 = vector.broadcast %broadcast_in_dim3A_154 : f32 to vector<400x2xf32>
    %slice3A_156 = vector.extract_strided_slice %select_n3A {offsets = [0, 0], sizes = [400, 126], strides = [1, 1]} : vector<400x128xf32> to vector<400x126xf32>
    %concatenate3A_157 = tpu.concatenate %broadcast_in_dim3A_155, %slice3A_156 in 1 : vector<400x2xf32>, vector<400x126xf32> -> vector<400x128xf32>
    %add3A_158 = arith.addf %concatenate3A_153, %concatenate3A_157 : vector<400x128xf32>
    %broadcast_in_dim3A_159 = arith.constant 0.000000e+00 : f32
    %broadcast_in_dim3A_160 = vector.broadcast %broadcast_in_dim3A_159 : f32 to vector<400x3xf32>
    %slice3A_161 = vector.extract_strided_slice %select_n3A {offsets = [0, 0], sizes = [400, 125], strides = [1, 1]} : vector<400x128xf32> to vector<400x125xf32>
    %concatenate3A_162 = tpu.concatenate %broadcast_in_dim3A_160, %slice3A_161 in 1 : vector<400x3xf32>, vector<400x125xf32> -> vector<400x128xf32>
    %add3A_163 = arith.addf %add3A_158, %concatenate3A_162 : vector<400x128xf32>
    %broadcast_in_dim3A_164 = arith.constant 0.000000e+00 : f32
    %broadcast_in_dim3A_165 = vector.broadcast %broadcast_in_dim3A_164 : f32 to vector<400x1xf32>
    %slice3A_166 = vector.extract_strided_slice %sub3A {offsets = [0, 0], sizes = [400, 127], strides = [1, 1]} : vector<400x128xf32> to vector<400x127xf32>
    %concatenate3A_167 = tpu.concatenate %broadcast_in_dim3A_165, %slice3A_166 in 1 : vector<400x1xf32>, vector<400x127xf32> -> vector<400x128xf32>
    %mul3A_168 = arith.mulf %concatenate3A_167, %add3A_163 : vector<400x128xf32>
    %reshape3A = vector.shape_cast %add3A_117 : vector<3200x1xf32> to vector<400x8xf32>
    %reshape3A_169 = vector.shape_cast %add3A_107 : vector<3200x1xf32> to vector<400x8xf32>
    %get3A_170 = arith.constant 0 : index
    %get3A_171 = arith.constant 0 : index
    %get3A_172 = vector.load %arg20[%get3A_170, %get3A_171] : memref<8x128xf32, #tpu.memory_space<vmem>>, vector<8x128xf32>
    %dot_general3A_173 = arith.constant dense<0.000000e+00> : vector<400x128xf32>
    %dot_general3A_174 = tpu.matmul %reshape3A, %get3A_172, %dot_general3A_173 {dimension_numbers = #tpu.dot_dimension_numbers<[1], [0], [0], [1], [0, 0, 1, 1], [], []>, transpose_lhs_hint = false} : vector<400x8xf32>, vector<8x128xf32>, vector<400x128xf32> -> vector<400x128xf32>
    %get3A_175 = arith.constant 0 : index
    %get3A_176 = arith.constant 0 : index
    %get3A_177 = vector.load %arg21[%get3A_175, %get3A_176] : memref<8x128xf32, #tpu.memory_space<vmem>>, vector<8x128xf32>
    %dot_general3A_178 = arith.constant dense<0.000000e+00> : vector<400x128xf32>
    %dot_general3A_179 = tpu.matmul %reshape3A_169, %get3A_177, %dot_general3A_178 {dimension_numbers = #tpu.dot_dimension_numbers<[1], [0], [0], [1], [0, 0, 1, 1], [], []>, transpose_lhs_hint = false} : vector<400x8xf32>, vector<8x128xf32>, vector<400x128xf32> -> vector<400x128xf32>
    %exp3A_180 = math.exp %dot_general3A_174 : vector<400x128xf32>
    %jit3A_181 = arith.constant 0.000000e+00 : f32
    %broadcast_in_dim3A_182 = vector.broadcast %jit3A_181 : f32 to vector<400x128xf32>
    %select_n3A_183 = arith.select %eq3A_148, %exp3A_180, %broadcast_in_dim3A_182 : vector<400x128xi1>, vector<400x128xf32>
    %mul3A_184 = arith.mulf %dot_general3A_179, %mul3A_168 : vector<400x128xf32>
    %add3A_185 = arith.addf %select_n3A_183, %mul3A_184 : vector<400x128xf32>
    %swap3A_186 = arith.constant 0 : index
    %swap3A_187 = arith.constant 0 : index
    %swap3A_188 = vector.load %arg23[%swap3A_186, %swap3A_187] : memref<400x128xf32, #tpu.memory_space<vmem>>, vector<400x128xf32>
    tpu.vector_store %arg23[%swap3A_186, %swap3A_187], %add3A_185 {strides = array<i32>} : memref<400x128xf32, #tpu.memory_space<vmem>>, vector<400x128xf32>,
    return
  }
  func.func @transform_0(%arg0: i32) -> (i32, i32) {
    %c0_i32 = arith.constant 0 : i32
    %c0_i32_0 = arith.constant 0 : i32
    return %arg0, %c0_i32 : i32, i32
  }
  func.func @transform_1(%arg0: i32) -> (i32, i32) {
    %c0_i32 = arith.constant 0 : i32
    %c0_i32_0 = arith.constant 0 : i32
    return %arg0, %c0_i32 : i32, i32
  }
  func.func @transform_2(%arg0: i32) -> (i32, i32) {
    %c0_i32 = arith.constant 0 : i32
    %c0_i32_0 = arith.constant 0 : i32
    return %arg0, %c0_i32 : i32, i32
  }
  func.func @transform_3(%arg0: i32) -> (i32, i32) {
    %c0_i32 = arith.constant 0 : i32
    %c0_i32_0 = arith.constant 0 : i32
    return %arg0, %c0_i32 : i32, i32
  }
  func.func @transform_4(%arg0: i32) -> (i32, i32) {
    %add3A = arith.constant 0 : i32
    %add3A_0 = arith.addi %arg0, %add3A : i32
    %c0_i32 = arith.constant 0 : i32
    %c0_i32_1 = arith.constant 0 : i32
    return %c0_i32, %add3A_0 : i32, i32
  }
  func.func @transform_5(%arg0: i32) -> (i32, i32) {
    %c0_i32 = arith.constant 0 : i32
    %c0_i32_0 = arith.constant 0 : i32
    %c0_i32_1 = arith.constant 0 : i32
    return %c0_i32, %c0_i32_0 : i32, i32
  }
  func.func @transform_6(%arg0: i32) -> (i32, i32) {
    %c0_i32 = arith.constant 0 : i32
    %c0_i32_0 = arith.constant 0 : i32
    %c0_i32_1 = arith.constant 0 : i32
    return %c0_i32, %c0_i32_0 : i32, i32
  }
  func.func @transform_7(%arg0: i32) -> (i32, i32) {
    %c0_i32 = arith.constant 0 : i32
    %c0_i32_0 = arith.constant 0 : i32
    %c0_i32_1 = arith.constant 0 : i32
    return %c0_i32, %c0_i32_0 : i32, i32
  }
  func.func @transform_8(%arg0: i32) -> (i32, i32) {
    %c0_i32 = arith.constant 0 : i32
    %c0_i32_0 = arith.constant 0 : i32
    %c0_i32_1 = arith.constant 0 : i32
    return %c0_i32, %c0_i32_0 : i32, i32
  }
  func.func @transform_9(%arg0: i32) -> (i32, i32) {
    %c0_i32 = arith.constant 0 : i32
    %c0_i32_0 = arith.constant 0 : i32
    %c0_i32_1 = arith.constant 0 : i32
    return %c0_i32, %c0_i32_0 : i32, i32
  }
  func.func @transform_10(%arg0: i32) -> (i32, i32) {
    %c0_i32 = arith.constant 0 : i32
    %c0_i32_0 = arith.constant 0 : i32
    %c0_i32_1 = arith.constant 0 : i32
    return %c0_i32, %c0_i32_0 : i32, i32
  }
  func.func @transform_11(%arg0: i32) -> (i32, i32) {
    %c0_i32 = arith.constant 0 : i32
    %c0_i32_0 = arith.constant 0 : i32
    %c0_i32_1 = arith.constant 0 : i32
    return %c0_i32, %c0_i32_0 : i32, i32
  }
  func.func @transform_12(%arg0: i32) -> (i32, i32) {
    %c0_i32 = arith.constant 0 : i32
    %c0_i32_0 = arith.constant 0 : i32
    %c0_i32_1 = arith.constant 0 : i32
    return %c0_i32, %c0_i32_0 : i32, i32
  }
  func.func @transform_13(%arg0: i32) -> (i32, i32) {
    %c0_i32 = arith.constant 0 : i32
    %c0_i32_0 = arith.constant 0 : i32
    %c0_i32_1 = arith.constant 0 : i32
    return %c0_i32, %c0_i32_0 : i32, i32
  }
  func.func @transform_14(%arg0: i32) -> (i32, i32) {
    %c0_i32 = arith.constant 0 : i32
    %c0_i32_0 = arith.constant 0 : i32
    %c0_i32_1 = arith.constant 0 : i32
    return %c0_i32, %c0_i32_0 : i32, i32
  }
  func.func @transform_15(%arg0: i32) -> (i32, i32) {
    %c0_i32 = arith.constant 0 : i32
    %c0_i32_0 = arith.constant 0 : i32
    %c0_i32_1 = arith.constant 0 : i32
    return %c0_i32, %c0_i32_0 : i32, i32
  }
  func.func @transform_16(%arg0: i32) -> (i32, i32) {
    %c0_i32 = arith.constant 0 : i32
    %c0_i32_0 = arith.constant 0 : i32
    %c0_i32_1 = arith.constant 0 : i32
    return %c0_i32, %c0_i32_0 : i32, i32
  }
  func.func @transform_17(%arg0: i32) -> (i32, i32) {
    %c0_i32 = arith.constant 0 : i32
    %c0_i32_0 = arith.constant 0 : i32
    %c0_i32_1 = arith.constant 0 : i32
    return %c0_i32, %c0_i32_0 : i32, i32
  }
  func.func @transform_18(%arg0: i32) -> (i32, i32) {
    %c0_i32 = arith.constant 0 : i32
    %c0_i32_0 = arith.constant 0 : i32
    %c0_i32_1 = arith.constant 0 : i32
    return %c0_i32, %c0_i32_0 : i32, i32
  }
  func.func @transform_19(%arg0: i32) -> (i32, i32) {
    %c0_i32 = arith.constant 0 : i32
    %c0_i32_0 = arith.constant 0 : i32
    %c0_i32_1 = arith.constant 0 : i32
    return %c0_i32, %c0_i32_0 : i32, i32
  }
  func.func @transform_20(%arg0: i32) -> (i32, i32) {
    %c0_i32 = arith.constant 0 : i32
    %c0_i32_0 = arith.constant 0 : i32
    %c0_i32_1 = arith.constant 0 : i32
    return %c0_i32, %c0_i32_0 : i32, i32
  }
  func.func @transform_21(%arg0: i32) -> (i32, i32) {
    %c0_i32 = arith.constant 0 : i32
    %c0_i32_0 = arith.constant 0 : i32
    return %arg0, %c0_i32 : i32, i32
  }
  func.func @transform_22(%arg0: i32) -> (i32, i32) {
    %c0_i32 = arith.constant 0 : i32
    %c0_i32_0 = arith.constant 0 : i32
    return %arg0, %c0_i32 : i32, i32
  }
}

module attributes {stable_mosaic.version = 14 : i64} {
  func.func @_edge_body(%arg0: i32, %arg1: memref<3200x128xf32, #tpu.memory_space<vmem>>, %arg2: memref<3200x128xf32, #tpu.memory_space<vmem>>, %arg3: memref<400x128xf32, #tpu.memory_space<vmem>>, %arg4: memref<400x128xf32, #tpu.memory_space<vmem>>, %arg5: memref<32x3200xf32, #tpu.memory_space<vmem>>, %arg6: memref<128x320xbf16, #tpu.memory_space<vmem>>, %arg7: memref<128x320xbf16, #tpu.memory_space<vmem>>, %arg8: memref<32x320xbf16, #tpu.memory_space<vmem>>, %arg9: memref<1x320xf32, #tpu.memory_space<vmem>>, %arg10: memref<128x128xbf16, #tpu.memory_space<vmem>>, %arg11: memref<1x128xf32, #tpu.memory_space<vmem>>, %arg12: memref<128x128xbf16, #tpu.memory_space<vmem>>, %arg13: memref<1x128xf32, #tpu.memory_space<vmem>>, %arg14: memref<128x128xbf16, #tpu.memory_space<vmem>>, %arg15: memref<1x128xf32, #tpu.memory_space<vmem>>, %arg16: memref<128x1xf32, #tpu.memory_space<vmem>>, %arg17: memref<1x1xf32, #tpu.memory_space<vmem>>, %arg18: memref<64x1xf32, #tpu.memory_space<vmem>>, %arg19: memref<1x1xf32, #tpu.memory_space<vmem>>, %arg20: memref<8x128xf32, #tpu.memory_space<vmem>>, %arg21: memref<8x128xf32, #tpu.memory_space<vmem>>, %arg22: memref<3200x128xf32, #tpu.memory_space<vmem>>, %arg23: memref<400x128xf32, #tpu.memory_space<vmem>>) attributes {dimension_semantics = [#tpu.dimension_semantics<parallel>], iteration_bounds = array<i64: 50>, scalar_prefetch = 0 : i64, scratch_operands = 0 : i64, tpu.core_type = #tpu.core_type<tc>, window_params = [{transform_indices = @transform_0, window_bounds = array<i64: 3200, 128>}, {transform_indices = @transform_1, window_bounds = array<i64: 3200, 128>}, {transform_indices = @transform_2, window_bounds = array<i64: 400, 128>}, {transform_indices = @transform_3, window_bounds = array<i64: 400, 128>}, {transform_indices = @transform_4, window_bounds = array<i64: 32, 3200>}, {pipeline_mode = #tpu.pipeline_mode<synchronous>, transform_indices = @transform_5, window_bounds = array<i64: 128, 320>}, {pipeline_mode = #tpu.pipeline_mode<synchronous>, transform_indices = @transform_6, window_bounds = array<i64: 128, 320>}, {pipeline_mode = #tpu.pipeline_mode<synchronous>, transform_indices = @transform_7, window_bounds = array<i64: 32, 320>}, {pipeline_mode = #tpu.pipeline_mode<synchronous>, transform_indices = @transform_8, window_bounds = array<i64: 1, 320>}, {pipeline_mode = #tpu.pipeline_mode<synchronous>, transform_indices = @transform_9, window_bounds = array<i64: 128, 128>}, {pipeline_mode = #tpu.pipeline_mode<synchronous>, transform_indices = @transform_10, window_bounds = array<i64: 1, 128>}, {pipeline_mode = #tpu.pipeline_mode<synchronous>, transform_indices = @transform_11, window_bounds = array<i64: 128, 128>}, {pipeline_mode = #tpu.pipeline_mode<synchronous>, transform_indices = @transform_12, window_bounds = array<i64: 1, 128>}, {pipeline_mode = #tpu.pipeline_mode<synchronous>, transform_indices = @transform_13, window_bounds = array<i64: 128, 128>}, {pipeline_mode = #tpu.pipeline_mode<synchronous>, transform_indices = @transform_14, window_bounds = array<i64: 1, 128>}, {pipeline_mode = #tpu.pipeline_mode<synchronous>, transform_indices = @transform_15, window_bounds = array<i64: 128, 1>}, {pipeline_mode = #tpu.pipeline_mode<synchronous>, transform_indices = @transform_16, window_bounds = array<i64: 1, 1>}, {pipeline_mode = #tpu.pipeline_mode<synchronous>, transform_indices = @transform_17, window_bounds = array<i64: 64, 1>}, {pipeline_mode = #tpu.pipeline_mode<synchronous>, transform_indices = @transform_18, window_bounds = array<i64: 1, 1>}, {pipeline_mode = #tpu.pipeline_mode<synchronous>, transform_indices = @transform_19, window_bounds = array<i64: 8, 128>}, {pipeline_mode = #tpu.pipeline_mode<synchronous>, transform_indices = @transform_20, window_bounds = array<i64: 8, 128>}, {transform_indices = @transform_21, window_bounds = array<i64: 3200, 128>}, {transform_indices = @transform_22, window_bounds = array<i64: 400, 128>}]} {
    %get3A = arith.constant 0 : index
    %get3A_0 = arith.constant 0 : index
    %get3A_1 = vector.load %arg1[%get3A, %get3A_0] : memref<3200x128xf32, #tpu.memory_space<vmem>>, vector<3200x128xf32>
    %convert_element_type3A = arith.truncf %get3A_1 : vector<3200x128xf32> to vector<3200x128xbf16>
    %get3A_2 = arith.constant 0 : index
    %get3A_3 = arith.constant 0 : index
    %get3A_4 = vector.load %arg2[%get3A_2, %get3A_3] : memref<3200x128xf32, #tpu.memory_space<vmem>>, vector<3200x128xf32>
    %convert_element_type3A_5 = arith.truncf %get3A_4 : vector<3200x128xf32> to vector<3200x128xbf16>
    %get3A_6 = arith.constant 0 : index
    %get3A_7 = arith.constant 0 : index
    %get3A_8 = vector.load %arg6[%get3A_6, %get3A_7] : memref<128x320xbf16, #tpu.memory_space<vmem>>, vector<128x320xbf16>
    %dot_general3A = arith.constant dense<0.000000e+00> : vector<3200x320xf32>
    %dot_general3A_9 = tpu.matmul %convert_element_type3A, %get3A_8, %dot_general3A {dimension_numbers = #tpu.dot_dimension_numbers<[1], [0], [0], [1], [0, 0, 1, 1], [], []>, transpose_lhs_hint = false} : vector<3200x128xbf16>, vector<128x320xbf16>, vector<3200x320xf32> -> vector<3200x320xf32>
    %get3A_10 = arith.constant 0 : index
    %get3A_11 = arith.constant 0 : index
    %get3A_12 = vector.load %arg7[%get3A_10, %get3A_11] : memref<128x320xbf16, #tpu.memory_space<vmem>>, vector<128x320xbf16>
    %dot_general3A_13 = arith.constant dense<0.000000e+00> : vector<3200x320xf32>
    %dot_general3A_14 = tpu.matmul %convert_element_type3A_5, %get3A_12, %dot_general3A_13 {dimension_numbers = #tpu.dot_dimension_numbers<[1], [0], [0], [1], [0, 0, 1, 1], [], []>, transpose_lhs_hint = false} : vector<3200x128xbf16>, vector<128x320xbf16>, vector<3200x320xf32> -> vector<3200x320xf32>
    %add3A = arith.addf %dot_general3A_9, %dot_general3A_14 : vector<3200x320xf32>
    %get3A_15 = arith.constant 0 : index
    %get3A_16 = arith.constant 0 : index
    %get3A_17 = vector.load %arg5[%get3A_15, %get3A_16] : memref<32x3200xf32, #tpu.memory_space<vmem>>, vector<32x3200xf32>
    %convert_element_type3A_18 = arith.truncf %get3A_17 : vector<32x3200xf32> to vector<32x3200xbf16>
    %get3A_19 = arith.constant 0 : index
    %get3A_20 = arith.constant 0 : index
    %get3A_21 = vector.load %arg8[%get3A_19, %get3A_20] : memref<32x320xbf16, #tpu.memory_space<vmem>>, vector<32x320xbf16>
    %dot_general3A_22 = arith.constant dense<0.000000e+00> : vector<3200x320xf32>
    %dot_general3A_23 = tpu.matmul %convert_element_type3A_18, %get3A_21, %dot_general3A_22 {dimension_numbers = #tpu.dot_dimension_numbers<[0], [0], [1], [1], [0, 1, 1, 1], [], []>, transpose_lhs_hint = false} : vector<32x3200xbf16>, vector<32x320xbf16>, vector<3200x320xf32> -> vector<3200x320xf32>
    %add3A_24 = arith.addf %add3A, %dot_general3A_23 : vector<3200x320xf32>
    %get3A_25 = arith.constant 0 : index
    %get3A_26 = arith.constant 0 : index
    %get3A_27 = vector.load %arg9[%get3A_25, %get3A_26] : memref<1x320xf32, #tpu.memory_space<vmem>>, vector<1x320xf32>
    %add3A_28 = vector.broadcast %get3A_27 : vector<1x320xf32> to vector<3200x320xf32>
    %add3A_29 = arith.addf %add3A_24, %add3A_28 : vector<3200x320xf32>
    %slice3A = vector.extract_strided_slice %add3A_29 {offsets = [0, 0], sizes = [3200, 128], strides = [1, 1]} : vector<3200x320xf32> to vector<3200x128xf32>
    %logistic3A = arith.negf %slice3A : vector<3200x128xf32>
    %logistic3A_30 = math.exp %logistic3A : vector<3200x128xf32>
    %logistic3A_31 = arith.constant 1.000000e+00 : f32
    %logistic3A_32 = vector.broadcast %logistic3A_31 : f32 to vector<3200x128xf32>
    %logistic3A_33 = arith.addf %logistic3A_32, %logistic3A_30 : vector<3200x128xf32>
    %logistic3A_34 = arith.divf %logistic3A_32, %logistic3A_33 : vector<3200x128xf32>
    %mul3A = arith.mulf %slice3A, %logistic3A_34 : vector<3200x128xf32>
    %slice3A_35 = vector.extract_strided_slice %add3A_29 {offsets = [0, 128], sizes = [3200, 128], strides = [1, 1]} : vector<3200x320xf32> to vector<3200x128xf32>
    %logistic3A_36 = arith.negf %slice3A_35 : vector<3200x128xf32>
    %logistic3A_37 = math.exp %logistic3A_36 : vector<3200x128xf32>
    %logistic3A_38 = arith.constant 1.000000e+00 : f32
    %logistic3A_39 = vector.broadcast %logistic3A_38 : f32 to vector<3200x128xf32>
    %logistic3A_40 = arith.addf %logistic3A_39, %logistic3A_37 : vector<3200x128xf32>
    %logistic3A_41 = arith.divf %logistic3A_39, %logistic3A_40 : vector<3200x128xf32>
    %mul3A_42 = arith.mulf %slice3A_35, %logistic3A_41 : vector<3200x128xf32>
    %slice3A_43 = vector.extract_strided_slice %add3A_29 {offsets = [0, 256], sizes = [3200, 64], strides = [1, 1]} : vector<3200x320xf32> to vector<3200x64xf32>
    %logistic3A_44 = arith.negf %slice3A_43 : vector<3200x64xf32>
    %logistic3A_45 = math.exp %logistic3A_44 : vector<3200x64xf32>
    %logistic3A_46 = arith.constant 1.000000e+00 : f32
    %logistic3A_47 = vector.broadcast %logistic3A_46 : f32 to vector<3200x64xf32>
    %logistic3A_48 = arith.addf %logistic3A_47, %logistic3A_45 : vector<3200x64xf32>
    %logistic3A_49 = arith.divf %logistic3A_47, %logistic3A_48 : vector<3200x64xf32>
    %mul3A_50 = arith.mulf %slice3A_43, %logistic3A_49 : vector<3200x64xf32>
    %convert_element_type3A_51 = arith.truncf %mul3A : vector<3200x128xf32> to vector<3200x128xbf16>
    %get3A_52 = arith.constant 0 : index
    %get3A_53 = arith.constant 0 : index
    %get3A_54 = vector.load %arg10[%get3A_52, %get3A_53] : memref<128x128xbf16, #tpu.memory_space<vmem>>, vector<128x128xbf16>
    %dot_general3A_55 = arith.constant dense<0.000000e+00> : vector<3200x128xf32>
    %dot_general3A_56 = tpu.matmul %convert_element_type3A_51, %get3A_54, %dot_general3A_55 {dimension_numbers = #tpu.dot_dimension_numbers<[1], [0], [0], [1], [0, 0, 1, 1], [], []>, transpose_lhs_hint = false} : vector<3200x128xbf16>, vector<128x128xbf16>, vector<3200x128xf32> -> vector<3200x128xf32>
    %get3A_57 = arith.constant 0 : index
    %get3A_58 = arith.constant 0 : index
    %get3A_59 = vector.load %arg11[%get3A_57, %get3A_58] : memref<1x128xf32, #tpu.memory_space<vmem>>, vector<1x128xf32>
    %add3A_60 = vector.broadcast %get3A_59 : vector<1x128xf32> to vector<3200x128xf32>
    %add3A_61 = arith.addf %dot_general3A_56, %add3A_60 : vector<3200x128xf32>
    %logistic3A_62 = arith.negf %add3A_61 : vector<3200x128xf32>
    %logistic3A_63 = math.exp %logistic3A_62 : vector<3200x128xf32>
    %logistic3A_64 = arith.constant 1.000000e+00 : f32
    %logistic3A_65 = vector.broadcast %logistic3A_64 : f32 to vector<3200x128xf32>
    %logistic3A_66 = arith.addf %logistic3A_65, %logistic3A_63 : vector<3200x128xf32>
    %logistic3A_67 = arith.divf %logistic3A_65, %logistic3A_66 : vector<3200x128xf32>
    %mul3A_68 = arith.mulf %add3A_61, %logistic3A_67 : vector<3200x128xf32>
    %convert_element_type3A_69 = arith.truncf %mul3A_68 : vector<3200x128xf32> to vector<3200x128xbf16>
    %get3A_70 = arith.constant 0 : index
    %get3A_71 = arith.constant 0 : index
    %get3A_72 = vector.load %arg12[%get3A_70, %get3A_71] : memref<128x128xbf16, #tpu.memory_space<vmem>>, vector<128x128xbf16>
    %dot_general3A_73 = arith.constant dense<0.000000e+00> : vector<3200x128xf32>
    %dot_general3A_74 = tpu.matmul %convert_element_type3A_69, %get3A_72, %dot_general3A_73 {dimension_numbers = #tpu.dot_dimension_numbers<[1], [0], [0], [1], [0, 0, 1, 1], [], []>, transpose_lhs_hint = false} : vector<3200x128xbf16>, vector<128x128xbf16>, vector<3200x128xf32> -> vector<3200x128xf32>
    %get3A_75 = arith.constant 0 : index
    %get3A_76 = arith.constant 0 : index
    %get3A_77 = vector.load %arg13[%get3A_75, %get3A_76] : memref<1x128xf32, #tpu.memory_space<vmem>>, vector<1x128xf32>
    %add3A_78 = vector.broadcast %get3A_77 : vector<1x128xf32> to vector<3200x128xf32>
    %add3A_79 = arith.addf %dot_general3A_74, %add3A_78 : vector<3200x128xf32>
    %convert_element_type3A_80 = arith.truncf %mul3A_42 : vector<3200x128xf32> to vector<3200x128xbf16>
    %get3A_81 = arith.constant 0 : index
    %get3A_82 = arith.constant 0 : index
    %get3A_83 = vector.load %arg14[%get3A_81, %get3A_82] : memref<128x128xbf16, #tpu.memory_space<vmem>>, vector<128x128xbf16>
    %dot_general3A_84 = arith.constant dense<0.000000e+00> : vector<3200x128xf32>
    %dot_general3A_85 = tpu.matmul %convert_element_type3A_80, %get3A_83, %dot_general3A_84 {dimension_numbers = #tpu.dot_dimension_numbers<[1], [0], [0], [1], [0, 0, 1, 1], [], []>, transpose_lhs_hint = false} : vector<3200x128xbf16>, vector<128x128xbf16>, vector<3200x128xf32> -> vector<3200x128xf32>
    %get3A_86 = arith.constant 0 : index
    %get3A_87 = arith.constant 0 : index
    %get3A_88 = vector.load %arg15[%get3A_86, %get3A_87] : memref<1x128xf32, #tpu.memory_space<vmem>>, vector<1x128xf32>
    %add3A_89 = vector.broadcast %get3A_88 : vector<1x128xf32> to vector<3200x128xf32>
    %add3A_90 = arith.addf %dot_general3A_85, %add3A_89 : vector<3200x128xf32>
    %logistic3A_91 = arith.negf %add3A_90 : vector<3200x128xf32>
    %logistic3A_92 = math.exp %logistic3A_91 : vector<3200x128xf32>
    %logistic3A_93 = arith.constant 1.000000e+00 : f32
    %logistic3A_94 = vector.broadcast %logistic3A_93 : f32 to vector<3200x128xf32>
    %logistic3A_95 = arith.addf %logistic3A_94, %logistic3A_92 : vector<3200x128xf32>
    %logistic3A_96 = arith.divf %logistic3A_94, %logistic3A_95 : vector<3200x128xf32>
    %mul3A_97 = arith.mulf %add3A_90, %logistic3A_96 : vector<3200x128xf32>
    %get3A_98 = arith.constant 0 : index
    %get3A_99 = arith.constant 0 : index
    %get3A_100 = vector.load %arg16[%get3A_98, %get3A_99] : memref<128x1xf32, #tpu.memory_space<vmem>>, vector<128x1xf32>
    %dot_general3A_101 = arith.constant dense<0.000000e+00> : vector<3200x1xf32>
    %dot_general3A_102 = tpu.matmul %mul3A_97, %get3A_100, %dot_general3A_101 {dimension_numbers = #tpu.dot_dimension_numbers<[1], [0], [0], [1], [0, 0, 1, 1], [], []>, transpose_lhs_hint = false} : vector<3200x128xf32>, vector<128x1xf32>, vector<3200x1xf32> -> vector<3200x1xf32>
    %get3A_103 = arith.constant 0 : index
    %get3A_104 = arith.constant 0 : index
    %get3A_105 = vector.load %arg17[%get3A_103, %get3A_104] : memref<1x1xf32, #tpu.memory_space<vmem>>, vector<1x1xf32>
    %add3A_106 = vector.broadcast %get3A_105 : vector<1x1xf32> to vector<3200x1xf32>
    %add3A_107 = arith.addf %dot_general3A_102, %add3A_106 : vector<3200x1xf32>
    %get3A_108 = arith.constant 0 : index
    %get3A_109 = arith.constant 0 : index
    %get3A_110 = vector.load %arg18[%get3A_108, %get3A_109] : memref<64x1xf32, #tpu.memory_space<vmem>>, vector<64x1xf32>
    %dot_general3A_111 = arith.constant dense<0.000000e+00> : vector<3200x1xf32>
    %dot_general3A_112 = tpu.matmul %mul3A_50, %get3A_110, %dot_general3A_111 {dimension_numbers = #tpu.dot_dimension_numbers<[1], [0], [0], [1], [0, 0, 1, 1], [], []>, transpose_lhs_hint = false} : vector<3200x64xf32>, vector<64x1xf32>, vector<3200x1xf32> -> vector<3200x1xf32>
    %get3A_113 = arith.constant 0 : index
    %get3A_114 = arith.constant 0 : index
    %get3A_115 = vector.load %arg19[%get3A_113, %get3A_114] : memref<1x1xf32, #tpu.memory_space<vmem>>, vector<1x1xf32>
    %add3A_116 = vector.broadcast %get3A_115 : vector<1x1xf32> to vector<3200x1xf32>
    %add3A_117 = arith.addf %dot_general3A_112, %add3A_116 : vector<3200x1xf32>
    %exp3A = math.exp %add3A_117 : vector<3200x1xf32>
    %mul3A_118 = vector.broadcast %exp3A : vector<3200x1xf32> to vector<3200x128xf32>
    %mul3A_119 = arith.mulf %add3A_79, %mul3A_118 : vector<3200x128xf32>
    %swap3A = arith.constant 0 : index
    %swap3A_120 = arith.constant 0 : index
    %swap3A_121 = vector.load %arg22[%swap3A, %swap3A_120] : memref<3200x128xf32, #tpu.memory_space<vmem>>, vector<3200x128xf32>
    tpu.vector_store %arg22[%swap3A, %swap3A_120], %mul3A_119 {strides = array<i32>} : memref<3200x128xf32, #tpu.memory_space<vmem>>, vector<3200x128xf32>,
    %get3A_122 = arith.constant 0 : index
    %get3A_123 = arith.constant 0 : index
    %get3A_124 = vector.load %arg4[%get3A_122, %get3A_123] : memref<400x128xf32, #tpu.memory_space<vmem>>, vector<400x128xf32>
    %get3A_125 = arith.constant 0 : index
    %get3A_126 = arith.constant 0 : index
    %get3A_127 = vector.load %arg3[%get3A_125, %get3A_126] : memref<400x128xf32, #tpu.memory_space<vmem>>, vector<400x128xf32>
    %sub3A = arith.subf %get3A_124, %get3A_127 : vector<400x128xf32>
    %mul3A_128 = arith.mulf %sub3A, %sub3A : vector<400x128xf32>
    %broadcast_in_dim3A = arith.constant 0.000000e+00 : f32
    %broadcast_in_dim3A_129 = vector.broadcast %broadcast_in_dim3A : f32 to vector<400x1xf32>
    %slice3A_130 = vector.extract_strided_slice %mul3A_128 {offsets = [0, 1], sizes = [400, 127], strides = [1, 1]} : vector<400x128xf32> to vector<400x127xf32>
    %concatenate3A = tpu.concatenate %slice3A_130, %broadcast_in_dim3A_129 in 1 : vector<400x127xf32>, vector<400x1xf32> -> vector<400x128xf32>
    %add3A_131 = arith.addf %mul3A_128, %concatenate3A : vector<400x128xf32>
    %broadcast_in_dim3A_132 = arith.constant 0.000000e+00 : f32
    %broadcast_in_dim3A_133 = vector.broadcast %broadcast_in_dim3A_132 : f32 to vector<400x2xf32>
    %slice3A_134 = vector.extract_strided_slice %mul3A_128 {offsets = [0, 2], sizes = [400, 126], strides = [1, 1]} : vector<400x128xf32> to vector<400x126xf32>
    %concatenate3A_135 = tpu.concatenate %slice3A_134, %broadcast_in_dim3A_133 in 1 : vector<400x126xf32>, vector<400x2xf32> -> vector<400x128xf32>
    %add3A_136 = arith.addf %add3A_131, %concatenate3A_135 : vector<400x128xf32>
    %add3A_137 = arith.constant 9.99999996E-13 : f32
    %add3A_138 = vector.broadcast %add3A_137 : f32 to vector<400x128xf32>
    %add3A_139 = arith.addf %add3A_136, %add3A_138 : vector<400x128xf32>
    %sqrt3A = math.sqrt %add3A_139 : vector<400x128xf32>
    %add3A_140 = arith.constant 9.99999993E-9 : f32
    %add3A_141 = vector.broadcast %add3A_140 : f32 to vector<400x128xf32>
    %add3A_142 = arith.addf %sqrt3A, %add3A_141 : vector<400x128xf32>
    %div3A = arith.constant 1.000000e+00 : f32
    %div3A_143 = vector.broadcast %div3A : f32 to vector<400x128xf32>
    %div3A_144 = arith.divf %div3A_143, %add3A_142 : vector<400x128xf32>
    %iota3A = tpu.iota {dimensions = array<i32: 1>} : vector<400x128xi32>
    %and3A = arith.constant 15 : i32
    %and3A_145 = vector.broadcast %and3A : i32 to vector<400x128xi32>
    %and3A_146 = arith.andi %iota3A, %and3A_145 : vector<400x128xi32>
    %eq3A = arith.constant 0 : i32
    %eq3A_147 = vector.broadcast %eq3A : i32 to vector<400x128xi32>
    %eq3A_148 = arith.cmpi eq, %and3A_146, %eq3A_147 : vector<400x128xi32>
    %jit3A = arith.constant 0.000000e+00 : f32
    %broadcast_in_dim3A_149 = vector.broadcast %jit3A : f32 to vector<400x128xf32>
    %select_n3A = arith.select %eq3A_148, %div3A_144, %broadcast_in_dim3A_149 : vector<400x128xi1>, vector<400x128xf32>
    %broadcast_in_dim3A_150 = arith.constant 0.000000e+00 : f32
    %broadcast_in_dim3A_151 = vector.broadcast %broadcast_in_dim3A_150 : f32 to vector<400x1xf32>
    %slice3A_152 = vector.extract_strided_slice %select_n3A {offsets = [0, 0], sizes = [400, 127], strides = [1, 1]} : vector<400x128xf32> to vector<400x127xf32>
    %concatenate3A_153 = tpu.concatenate %broadcast_in_dim3A_151, %slice3A_152 in 1 : vector<400x1xf32>, vector<400x127xf32> -> vector<400x128xf32>
    %broadcast_in_dim3A_154 = arith.constant 0.000000e+00 : f32
    %broadcast_in_dim3A_155 = vector.broadcast %broadcast_in_dim3A_154 : f32 to vector<400x2xf32>
    %slice3A_156 = vector.extract_strided_slice %select_n3A {offsets = [0, 0], sizes = [400, 126], strides = [1, 1]} : vector<400x128xf32> to vector<400x126xf32>
    %concatenate3A_157 = tpu.concatenate %broadcast_in_dim3A_155, %slice3A_156 in 1 : vector<400x2xf32>, vector<400x126xf32> -> vector<400x128xf32>
    %add3A_158 = arith.addf %concatenate3A_153, %concatenate3A_157 : vector<400x128xf32>
    %broadcast_in_dim3A_159 = arith.constant 0.000000e+00 : f32
    %broadcast_in_dim3A_160 = vector.broadcast %broadcast_in_dim3A_159 : f32 to vector<400x3xf32>
    %slice3A_161 = vector.extract_strided_slice %select_n3A {offsets = [0, 0], sizes = [400, 125], strides = [1, 1]} : vector<400x128xf32> to vector<400x125xf32>
    %concatenate3A_162 = tpu.concatenate %broadcast_in_dim3A_160, %slice3A_161 in 1 : vector<400x3xf32>, vector<400x125xf32> -> vector<400x128xf32>
    %add3A_163 = arith.addf %add3A_158, %concatenate3A_162 : vector<400x128xf32>
    %broadcast_in_dim3A_164 = arith.constant 0.000000e+00 : f32
    %broadcast_in_dim3A_165 = vector.broadcast %broadcast_in_dim3A_164 : f32 to vector<400x1xf32>
    %slice3A_166 = vector.extract_strided_slice %sub3A {offsets = [0, 0], sizes = [400, 127], strides = [1, 1]} : vector<400x128xf32> to vector<400x127xf32>
    %concatenate3A_167 = tpu.concatenate %broadcast_in_dim3A_165, %slice3A_166 in 1 : vector<400x1xf32>, vector<400x127xf32> -> vector<400x128xf32>
    %mul3A_168 = arith.mulf %concatenate3A_167, %add3A_163 : vector<400x128xf32>
    %reshape3A = vector.shape_cast %add3A_117 : vector<3200x1xf32> to vector<400x8xf32>
    %reshape3A_169 = vector.shape_cast %add3A_107 : vector<3200x1xf32> to vector<400x8xf32>
    %get3A_170 = arith.constant 0 : index
    %get3A_171 = arith.constant 0 : index
    %get3A_172 = vector.load %arg20[%get3A_170, %get3A_171] : memref<8x128xf32, #tpu.memory_space<vmem>>, vector<8x128xf32>
    %dot_general3A_173 = arith.constant dense<0.000000e+00> : vector<400x128xf32>
    %dot_general3A_174 = tpu.matmul %reshape3A, %get3A_172, %dot_general3A_173 {dimension_numbers = #tpu.dot_dimension_numbers<[1], [0], [0], [1], [0, 0, 1, 1], [], []>, transpose_lhs_hint = false} : vector<400x8xf32>, vector<8x128xf32>, vector<400x128xf32> -> vector<400x128xf32>
    %get3A_175 = arith.constant 0 : index
    %get3A_176 = arith.constant 0 : index
    %get3A_177 = vector.load %arg21[%get3A_175, %get3A_176] : memref<8x128xf32, #tpu.memory_space<vmem>>, vector<8x128xf32>
    %dot_general3A_178 = arith.constant dense<0.000000e+00> : vector<400x128xf32>
    %dot_general3A_179 = tpu.matmul %reshape3A_169, %get3A_177, %dot_general3A_178 {dimension_numbers = #tpu.dot_dimension_numbers<[1], [0], [0], [1], [0, 0, 1, 1], [], []>, transpose_lhs_hint = false} : vector<400x8xf32>, vector<8x128xf32>, vector<400x128xf32> -> vector<400x128xf32>
    %exp3A_180 = math.exp %dot_general3A_174 : vector<400x128xf32>
    %jit3A_181 = arith.constant 0.000000e+00 : f32
    %broadcast_in_dim3A_182 = vector.broadcast %jit3A_181 : f32 to vector<400x128xf32>
    %select_n3A_183 = arith.select %eq3A_148, %exp3A_180, %broadcast_in_dim3A_182 : vector<400x128xi1>, vector<400x128xf32>
    %mul3A_184 = arith.mulf %dot_general3A_179, %mul3A_168 : vector<400x128xf32>
    %add3A_185 = arith.addf %select_n3A_183, %mul3A_184 : vector<400x128xf32>
    %swap3A_186 = arith.constant 0 : index
    %swap3A_187 = arith.constant 0 : index
    %swap3A_188 = vector.load %arg23[%swap3A_186, %swap3A_187] : memref<400x128xf32, #tpu.memory_space<vmem>>, vector<400x128xf32>
    tpu.vector_store %arg23[%swap3A_186, %swap3A_187], %add3A_185 {strides = array<i32>} : memref<400x128xf32, #tpu.memory_space<vmem>>, vector<400x128xf32>,
    return
  }
  func.func @transform_0(%arg0: i32) -> (i32, i32) {
    %c0_i32 = arith.constant 0 : i32
    %c0_i32_0 = arith.constant 0 : i32
    return %arg0, %c0_i32 : i32, i32
  }
  func.func @transform_1(%arg0: i32) -> (i32, i32) {
    %c0_i32 = arith.constant 0 : i32
    %c0_i32_0 = arith.constant 0 : i32
    return %arg0, %c0_i32 : i32, i32
  }
  func.func @transform_2(%arg0: i32) -> (i32, i32) {
    %c0_i32 = arith.constant 0 : i32
    %c0_i32_0 = arith.constant 0 : i32
    return %arg0, %c0_i32 : i32, i32
  }
  func.func @transform_3(%arg0: i32) -> (i32, i32) {
    %c0_i32 = arith.constant 0 : i32
    %c0_i32_0 = arith.constant 0 : i32
    return %arg0, %c0_i32 : i32, i32
  }
  func.func @transform_4(%arg0: i32) -> (i32, i32) {
    %add3A = arith.constant 50 : i32
    %add3A_0 = arith.addi %arg0, %add3A : i32
    %c0_i32 = arith.constant 0 : i32
    %c0_i32_1 = arith.constant 0 : i32
    return %c0_i32, %add3A_0 : i32, i32
  }
  func.func @transform_5(%arg0: i32) -> (i32, i32) {
    %c0_i32 = arith.constant 0 : i32
    %c0_i32_0 = arith.constant 0 : i32
    %c0_i32_1 = arith.constant 0 : i32
    return %c0_i32, %c0_i32_0 : i32, i32
  }
  func.func @transform_6(%arg0: i32) -> (i32, i32) {
    %c0_i32 = arith.constant 0 : i32
    %c0_i32_0 = arith.constant 0 : i32
    %c0_i32_1 = arith.constant 0 : i32
    return %c0_i32, %c0_i32_0 : i32, i32
  }
  func.func @transform_7(%arg0: i32) -> (i32, i32) {
    %c0_i32 = arith.constant 0 : i32
    %c0_i32_0 = arith.constant 0 : i32
    %c0_i32_1 = arith.constant 0 : i32
    return %c0_i32, %c0_i32_0 : i32, i32
  }
  func.func @transform_8(%arg0: i32) -> (i32, i32) {
    %c0_i32 = arith.constant 0 : i32
    %c0_i32_0 = arith.constant 0 : i32
    %c0_i32_1 = arith.constant 0 : i32
    return %c0_i32, %c0_i32_0 : i32, i32
  }
  func.func @transform_9(%arg0: i32) -> (i32, i32) {
    %c0_i32 = arith.constant 0 : i32
    %c0_i32_0 = arith.constant 0 : i32
    %c0_i32_1 = arith.constant 0 : i32
    return %c0_i32, %c0_i32_0 : i32, i32
  }
  func.func @transform_10(%arg0: i32) -> (i32, i32) {
    %c0_i32 = arith.constant 0 : i32
    %c0_i32_0 = arith.constant 0 : i32
    %c0_i32_1 = arith.constant 0 : i32
    return %c0_i32, %c0_i32_0 : i32, i32
  }
  func.func @transform_11(%arg0: i32) -> (i32, i32) {
    %c0_i32 = arith.constant 0 : i32
    %c0_i32_0 = arith.constant 0 : i32
    %c0_i32_1 = arith.constant 0 : i32
    return %c0_i32, %c0_i32_0 : i32, i32
  }
  func.func @transform_12(%arg0: i32) -> (i32, i32) {
    %c0_i32 = arith.constant 0 : i32
    %c0_i32_0 = arith.constant 0 : i32
    %c0_i32_1 = arith.constant 0 : i32
    return %c0_i32, %c0_i32_0 : i32, i32
  }
  func.func @transform_13(%arg0: i32) -> (i32, i32) {
    %c0_i32 = arith.constant 0 : i32
    %c0_i32_0 = arith.constant 0 : i32
    %c0_i32_1 = arith.constant 0 : i32
    return %c0_i32, %c0_i32_0 : i32, i32
  }
  func.func @transform_14(%arg0: i32) -> (i32, i32) {
    %c0_i32 = arith.constant 0 : i32
    %c0_i32_0 = arith.constant 0 : i32
    %c0_i32_1 = arith.constant 0 : i32
    return %c0_i32, %c0_i32_0 : i32, i32
  }
  func.func @transform_15(%arg0: i32) -> (i32, i32) {
    %c0_i32 = arith.constant 0 : i32
    %c0_i32_0 = arith.constant 0 : i32
    %c0_i32_1 = arith.constant 0 : i32
    return %c0_i32, %c0_i32_0 : i32, i32
  }
  func.func @transform_16(%arg0: i32) -> (i32, i32) {
    %c0_i32 = arith.constant 0 : i32
    %c0_i32_0 = arith.constant 0 : i32
    %c0_i32_1 = arith.constant 0 : i32
    return %c0_i32, %c0_i32_0 : i32, i32
  }
  func.func @transform_17(%arg0: i32) -> (i32, i32) {
    %c0_i32 = arith.constant 0 : i32
    %c0_i32_0 = arith.constant 0 : i32
    %c0_i32_1 = arith.constant 0 : i32
    return %c0_i32, %c0_i32_0 : i32, i32
  }
  func.func @transform_18(%arg0: i32) -> (i32, i32) {
    %c0_i32 = arith.constant 0 : i32
    %c0_i32_0 = arith.constant 0 : i32
    %c0_i32_1 = arith.constant 0 : i32
    return %c0_i32, %c0_i32_0 : i32, i32
  }
  func.func @transform_19(%arg0: i32) -> (i32, i32) {
    %c0_i32 = arith.constant 0 : i32
    %c0_i32_0 = arith.constant 0 : i32
    %c0_i32_1 = arith.constant 0 : i32
    return %c0_i32, %c0_i32_0 : i32, i32
  }
  func.func @transform_20(%arg0: i32) -> (i32, i32) {
    %c0_i32 = arith.constant 0 : i32
    %c0_i32_0 = arith.constant 0 : i32
    %c0_i32_1 = arith.constant 0 : i32
    return %c0_i32, %c0_i32_0 : i32, i32
  }
  func.func @transform_21(%arg0: i32) -> (i32, i32) {
    %c0_i32 = arith.constant 0 : i32
    %c0_i32_0 = arith.constant 0 : i32
    return %arg0, %c0_i32 : i32, i32
  }
  func.func @transform_22(%arg0: i32) -> (i32, i32) {
    %c0_i32 = arith.constant 0 : i32
    %c0_i32_0 = arith.constant 0 : i32
    return %arg0, %c0_i32 : i32, i32
  }
}

module attributes {stable_mosaic.version = 14 : i64} {
  func.func @_node_body(%arg0: i32, %arg1: memref<1000x128xf32, #tpu.memory_space<vmem>>, %arg2: memref<1000x3xf32, #tpu.memory_space<vmem>>, %arg3: memref<1000x128xf32, #tpu.memory_space<vmem>>, %arg4: memref<1000x128xf32, #tpu.memory_space<vmem>>, %arg5: memref<1000x128xf32, #tpu.memory_space<vmem>>, %arg6: memref<1000x128xf32, #tpu.memory_space<vmem>>, %arg7: memref<1000x16xf32, #tpu.memory_space<vmem>>, %arg8: memref<1000x16xf32, #tpu.memory_space<vmem>>, %arg9: memref<1000x16xf32, #tpu.memory_space<vmem>>, %arg10: memref<1000x16xf32, #tpu.memory_space<vmem>>, %arg11: memref<128x128xf32, #tpu.memory_space<vmem>>, %arg12: memref<128x128xf32, #tpu.memory_space<vmem>>, %arg13: memref<1x128xf32, #tpu.memory_space<vmem>>, %arg14: memref<128x128xf32, #tpu.memory_space<vmem>>, %arg15: memref<1x128xf32, #tpu.memory_space<vmem>>, %arg16: memref<1x128xf32, #tpu.memory_space<vmem>>, %arg17: memref<1x128xf32, #tpu.memory_space<vmem>>, %arg18: memref<1000x128xf32, #tpu.memory_space<vmem>>, %arg19: memref<1000x3xf32, #tpu.memory_space<vmem>>) attributes {dimension_semantics = [#tpu.dimension_semantics<parallel>], iteration_bounds = array<i64: 10>, scalar_prefetch = 0 : i64, scratch_operands = 0 : i64, tpu.core_type = #tpu.core_type<tc>, window_params = [{transform_indices = @transform_0, window_bounds = array<i64: 1000, 128>}, {transform_indices = @transform_1, window_bounds = array<i64: 1000, 3>}, {transform_indices = @transform_2, window_bounds = array<i64: 1000, 128>}, {transform_indices = @transform_3, window_bounds = array<i64: 1000, 128>}, {transform_indices = @transform_4, window_bounds = array<i64: 1000, 128>}, {transform_indices = @transform_5, window_bounds = array<i64: 1000, 128>}, {transform_indices = @transform_6, window_bounds = array<i64: 1000, 16>}, {transform_indices = @transform_7, window_bounds = array<i64: 1000, 16>}, {transform_indices = @transform_8, window_bounds = array<i64: 1000, 16>}, {transform_indices = @transform_9, window_bounds = array<i64: 1000, 16>}, {pipeline_mode = #tpu.pipeline_mode<synchronous>, transform_indices = @transform_10, window_bounds = array<i64: 128, 128>}, {pipeline_mode = #tpu.pipeline_mode<synchronous>, transform_indices = @transform_11, window_bounds = array<i64: 128, 128>}, {pipeline_mode = #tpu.pipeline_mode<synchronous>, transform_indices = @transform_12, window_bounds = array<i64: 1, 128>}, {pipeline_mode = #tpu.pipeline_mode<synchronous>, transform_indices = @transform_13, window_bounds = array<i64: 128, 128>}, {pipeline_mode = #tpu.pipeline_mode<synchronous>, transform_indices = @transform_14, window_bounds = array<i64: 1, 128>}, {pipeline_mode = #tpu.pipeline_mode<synchronous>, transform_indices = @transform_15, window_bounds = array<i64: 1, 128>}, {pipeline_mode = #tpu.pipeline_mode<synchronous>, transform_indices = @transform_16, window_bounds = array<i64: 1, 128>}, {transform_indices = @transform_17, window_bounds = array<i64: 1000, 128>}, {transform_indices = @transform_18, window_bounds = array<i64: 1000, 3>}]} {
    %get3A = arith.constant 0 : index
    %get3A_0 = arith.constant 0 : index
    %get3A_1 = vector.load %arg3[%get3A, %get3A_0] : memref<1000x128xf32, #tpu.memory_space<vmem>>, vector<1000x128xf32>
    %get3A_2 = arith.constant 0 : index
    %get3A_3 = arith.constant 0 : index
    %get3A_4 = vector.load %arg4[%get3A_2, %get3A_3] : memref<1000x128xf32, #tpu.memory_space<vmem>>, vector<1000x128xf32>
    %add3A = arith.addf %get3A_1, %get3A_4 : vector<1000x128xf32>
    %get3A_5 = arith.constant 0 : index
    %get3A_6 = arith.constant 0 : index
    %get3A_7 = vector.load %arg5[%get3A_5, %get3A_6] : memref<1000x128xf32, #tpu.memory_space<vmem>>, vector<1000x128xf32>
    %get3A_8 = arith.constant 0 : index
    %get3A_9 = arith.constant 0 : index
    %get3A_10 = vector.load %arg6[%get3A_8, %get3A_9] : memref<1000x128xf32, #tpu.memory_space<vmem>>, vector<1000x128xf32>
    %add3A_11 = arith.addf %get3A_7, %get3A_10 : vector<1000x128xf32>
    %add3A_12 = arith.addf %add3A, %add3A_11 : vector<1000x128xf32>
    %get3A_13 = arith.constant 0 : index
    %get3A_14 = arith.constant 0 : index
    %get3A_15 = vector.load %arg7[%get3A_13, %get3A_14] : memref<1000x16xf32, #tpu.memory_space<vmem>>, vector<1000x16xf32>
    %get3A_16 = arith.constant 0 : index
    %get3A_17 = arith.constant 0 : index
    %get3A_18 = vector.load %arg8[%get3A_16, %get3A_17] : memref<1000x16xf32, #tpu.memory_space<vmem>>, vector<1000x16xf32>
    %add3A_19 = arith.addf %get3A_15, %get3A_18 : vector<1000x16xf32>
    %get3A_20 = arith.constant 0 : index
    %get3A_21 = arith.constant 0 : index
    %get3A_22 = vector.load %arg9[%get3A_20, %get3A_21] : memref<1000x16xf32, #tpu.memory_space<vmem>>, vector<1000x16xf32>
    %get3A_23 = arith.constant 0 : index
    %get3A_24 = arith.constant 0 : index
    %get3A_25 = vector.load %arg10[%get3A_23, %get3A_24] : memref<1000x16xf32, #tpu.memory_space<vmem>>, vector<1000x16xf32>
    %add3A_26 = arith.addf %get3A_22, %get3A_25 : vector<1000x16xf32>
    %add3A_27 = arith.addf %add3A_19, %add3A_26 : vector<1000x16xf32>
    %slice3A = vector.extract_strided_slice %add3A_27 {offsets = [0, 0], sizes = [1000, 1], strides = [1, 1]} : vector<1000x16xf32> to vector<1000x1xf32>
    %slice3A_28 = vector.extract_strided_slice %add3A_27 {offsets = [0, 1], sizes = [1000, 3], strides = [1, 1]} : vector<1000x16xf32> to vector<1000x3xf32>
    %add3A_29 = arith.constant 9.99999993E-9 : f32
    %add3A_30 = vector.broadcast %add3A_29 : f32 to vector<1000x1xf32>
    %add3A_31 = arith.addf %slice3A, %add3A_30 : vector<1000x1xf32>
    %div3A = vector.broadcast %add3A_31 : vector<1000x1xf32> to vector<1000x128xf32>
    %div3A_32 = arith.divf %add3A_12, %div3A : vector<1000x128xf32>
    %get3A_33 = arith.constant 0 : index
    %get3A_34 = arith.constant 0 : index
    %get3A_35 = vector.load %arg1[%get3A_33, %get3A_34] : memref<1000x128xf32, #tpu.memory_space<vmem>>, vector<1000x128xf32>
    %get3A_36 = arith.constant 0 : index
    %get3A_37 = arith.constant 0 : index
    %get3A_38 = vector.load %arg11[%get3A_36, %get3A_37] : memref<128x128xf32, #tpu.memory_space<vmem>>, vector<128x128xf32>
    %dot_general3A = arith.constant dense<0.000000e+00> : vector<1000x128xf32>
    %dot_general3A_39 = tpu.matmul %get3A_35, %get3A_38, %dot_general3A {dimension_numbers = #tpu.dot_dimension_numbers<[1], [0], [0], [1], [0, 0, 1, 1], [], []>, transpose_lhs_hint = false} : vector<1000x128xf32>, vector<128x128xf32>, vector<1000x128xf32> -> vector<1000x128xf32>
    %get3A_40 = arith.constant 0 : index
    %get3A_41 = arith.constant 0 : index
    %get3A_42 = vector.load %arg12[%get3A_40, %get3A_41] : memref<128x128xf32, #tpu.memory_space<vmem>>, vector<128x128xf32>
    %dot_general3A_43 = arith.constant dense<0.000000e+00> : vector<1000x128xf32>
    %dot_general3A_44 = tpu.matmul %div3A_32, %get3A_42, %dot_general3A_43 {dimension_numbers = #tpu.dot_dimension_numbers<[1], [0], [0], [1], [0, 0, 1, 1], [], []>, transpose_lhs_hint = false} : vector<1000x128xf32>, vector<128x128xf32>, vector<1000x128xf32> -> vector<1000x128xf32>
    %add3A_45 = arith.addf %dot_general3A_39, %dot_general3A_44 : vector<1000x128xf32>
    %get3A_46 = arith.constant 0 : index
    %get3A_47 = arith.constant 0 : index
    %get3A_48 = vector.load %arg13[%get3A_46, %get3A_47] : memref<1x128xf32, #tpu.memory_space<vmem>>, vector<1x128xf32>
    %add3A_49 = vector.broadcast %get3A_48 : vector<1x128xf32> to vector<1000x128xf32>
    %add3A_50 = arith.addf %add3A_45, %add3A_49 : vector<1000x128xf32>
    %logistic3A = arith.negf %add3A_50 : vector<1000x128xf32>
    %logistic3A_51 = math.exp %logistic3A : vector<1000x128xf32>
    %logistic3A_52 = arith.constant 1.000000e+00 : f32
    %logistic3A_53 = vector.broadcast %logistic3A_52 : f32 to vector<1000x128xf32>
    %logistic3A_54 = arith.addf %logistic3A_53, %logistic3A_51 : vector<1000x128xf32>
    %logistic3A_55 = arith.divf %logistic3A_53, %logistic3A_54 : vector<1000x128xf32>
    %mul3A = arith.mulf %add3A_50, %logistic3A_55 : vector<1000x128xf32>
    %get3A_56 = arith.constant 0 : index
    %get3A_57 = arith.constant 0 : index
    %get3A_58 = vector.load %arg14[%get3A_56, %get3A_57] : memref<128x128xf32, #tpu.memory_space<vmem>>, vector<128x128xf32>
    %dot_general3A_59 = arith.constant dense<0.000000e+00> : vector<1000x128xf32>
    %dot_general3A_60 = tpu.matmul %mul3A, %get3A_58, %dot_general3A_59 {dimension_numbers = #tpu.dot_dimension_numbers<[1], [0], [0], [1], [0, 0, 1, 1], [], []>, transpose_lhs_hint = false} : vector<1000x128xf32>, vector<128x128xf32>, vector<1000x128xf32> -> vector<1000x128xf32>
    %get3A_61 = arith.constant 0 : index
    %get3A_62 = arith.constant 0 : index
    %get3A_63 = vector.load %arg15[%get3A_61, %get3A_62] : memref<1x128xf32, #tpu.memory_space<vmem>>, vector<1x128xf32>
    %add3A_64 = vector.broadcast %get3A_63 : vector<1x128xf32> to vector<1000x128xf32>
    %add3A_65 = arith.addf %dot_general3A_60, %add3A_64 : vector<1000x128xf32>
    %add3A_66 = arith.addf %get3A_35, %add3A_65 : vector<1000x128xf32>
    %reduce_sum3A = arith.constant dense<0.000000e+00> : vector<1000xf32>
    %reduce_sum3A_67 = vector.multi_reduction <add>, %add3A_66, %reduce_sum3A [1] : vector<1000x128xf32> to vector<1000xf32>
    %broadcast_in_dim3A = vector.shape_cast %reduce_sum3A_67 : vector<1000xf32> to vector<1000x1xf32>
    %div3A_68 = arith.constant 1.280000e+02 : f32
    %div3A_69 = vector.broadcast %div3A_68 : f32 to vector<1000x1xf32>
    %div3A_70 = arith.divf %broadcast_in_dim3A, %div3A_69 : vector<1000x1xf32>
    %sub3A = vector.broadcast %div3A_70 : vector<1000x1xf32> to vector<1000x128xf32>
    %sub3A_71 = arith.subf %add3A_66, %sub3A : vector<1000x128xf32>
    %mul3A_72 = arith.mulf %sub3A_71, %sub3A_71 : vector<1000x128xf32>
    %reduce_sum3A_73 = arith.constant dense<0.000000e+00> : vector<1000xf32>
    %reduce_sum3A_74 = vector.multi_reduction <add>, %mul3A_72, %reduce_sum3A_73 [1] : vector<1000x128xf32> to vector<1000xf32>
    %broadcast_in_dim3A_75 = vector.shape_cast %reduce_sum3A_74 : vector<1000xf32> to vector<1000x1xf32>
    %div3A_76 = arith.constant 1.280000e+02 : f32
    %div3A_77 = vector.broadcast %div3A_76 : f32 to vector<1000x1xf32>
    %div3A_78 = arith.divf %broadcast_in_dim3A_75, %div3A_77 : vector<1000x1xf32>
    %get3A_79 = arith.constant 0 : index
    %get3A_80 = arith.constant 0 : index
    %get3A_81 = vector.load %arg16[%get3A_79, %get3A_80] : memref<1x128xf32, #tpu.memory_space<vmem>>, vector<1x128xf32>
    %mul3A_82 = vector.broadcast %get3A_81 : vector<1x128xf32> to vector<1000x128xf32>
    %mul3A_83 = arith.mulf %mul3A_82, %sub3A_71 : vector<1000x128xf32>
    %add3A_84 = arith.constant 9.99999974E-6 : f32
    %add3A_85 = vector.broadcast %add3A_84 : f32 to vector<1000x1xf32>
    %add3A_86 = arith.addf %div3A_78, %add3A_85 : vector<1000x1xf32>
    %sqrt3A = math.sqrt %add3A_86 : vector<1000x1xf32>
    %div3A_87 = vector.broadcast %sqrt3A : vector<1000x1xf32> to vector<1000x128xf32>
    %div3A_88 = arith.divf %mul3A_83, %div3A_87 : vector<1000x128xf32>
    %get3A_89 = arith.constant 0 : index
    %get3A_90 = arith.constant 0 : index
    %get3A_91 = vector.load %arg17[%get3A_89, %get3A_90] : memref<1x128xf32, #tpu.memory_space<vmem>>, vector<1x128xf32>
    %add3A_92 = vector.broadcast %get3A_91 : vector<1x128xf32> to vector<1000x128xf32>
    %add3A_93 = arith.addf %div3A_88, %add3A_92 : vector<1000x128xf32>
    %swap3A = arith.constant 0 : index
    %swap3A_94 = arith.constant 0 : index
    %swap3A_95 = vector.load %arg18[%swap3A, %swap3A_94] : memref<1000x128xf32, #tpu.memory_space<vmem>>, vector<1000x128xf32>
    tpu.vector_store %arg18[%swap3A, %swap3A_94], %add3A_93 {strides = array<i32>} : memref<1000x128xf32, #tpu.memory_space<vmem>>, vector<1000x128xf32>,
    %get3A_96 = arith.constant 0 : index
    %get3A_97 = arith.constant 0 : index
    %get3A_98 = vector.load %arg2[%get3A_96, %get3A_97] : memref<1000x3xf32, #tpu.memory_space<vmem>>, vector<1000x3xf32>
    %add3A_99 = arith.addf %get3A_98, %slice3A_28 : vector<1000x3xf32>
    %swap3A_100 = arith.constant 0 : index
    %swap3A_101 = arith.constant 0 : index
    %swap3A_102 = vector.load %arg19[%swap3A_100, %swap3A_101] : memref<1000x3xf32, #tpu.memory_space<vmem>>, vector<1000x3xf32>
    tpu.vector_store %arg19[%swap3A_100, %swap3A_101], %add3A_99 {strides = array<i32>} : memref<1000x3xf32, #tpu.memory_space<vmem>>, vector<1000x3xf32>,
    return
  }
  func.func @transform_0(%arg0: i32) -> (i32, i32) {
    %c0_i32 = arith.constant 0 : i32
    %c0_i32_0 = arith.constant 0 : i32
    return %arg0, %c0_i32 : i32, i32
  }
  func.func @transform_1(%arg0: i32) -> (i32, i32) {
    %c0_i32 = arith.constant 0 : i32
    %c0_i32_0 = arith.constant 0 : i32
    return %arg0, %c0_i32 : i32, i32
  }
  func.func @transform_2(%arg0: i32) -> (i32, i32) {
    %c0_i32 = arith.constant 0 : i32
    %c0_i32_0 = arith.constant 0 : i32
    return %arg0, %c0_i32 : i32, i32
  }
  func.func @transform_3(%arg0: i32) -> (i32, i32) {
    %c0_i32 = arith.constant 0 : i32
    %c0_i32_0 = arith.constant 0 : i32
    return %arg0, %c0_i32 : i32, i32
  }
  func.func @transform_4(%arg0: i32) -> (i32, i32) {
    %c0_i32 = arith.constant 0 : i32
    %c0_i32_0 = arith.constant 0 : i32
    return %arg0, %c0_i32 : i32, i32
  }
  func.func @transform_5(%arg0: i32) -> (i32, i32) {
    %c0_i32 = arith.constant 0 : i32
    %c0_i32_0 = arith.constant 0 : i32
    return %arg0, %c0_i32 : i32, i32
  }
  func.func @transform_6(%arg0: i32) -> (i32, i32) {
    %c0_i32 = arith.constant 0 : i32
    %c0_i32_0 = arith.constant 0 : i32
    return %arg0, %c0_i32 : i32, i32
  }
  func.func @transform_7(%arg0: i32) -> (i32, i32) {
    %c0_i32 = arith.constant 0 : i32
    %c0_i32_0 = arith.constant 0 : i32
    return %arg0, %c0_i32 : i32, i32
  }
  func.func @transform_8(%arg0: i32) -> (i32, i32) {
    %c0_i32 = arith.constant 0 : i32
    %c0_i32_0 = arith.constant 0 : i32
    return %arg0, %c0_i32 : i32, i32
  }
  func.func @transform_9(%arg0: i32) -> (i32, i32) {
    %c0_i32 = arith.constant 0 : i32
    %c0_i32_0 = arith.constant 0 : i32
    return %arg0, %c0_i32 : i32, i32
  }
  func.func @transform_10(%arg0: i32) -> (i32, i32) {
    %c0_i32 = arith.constant 0 : i32
    %c0_i32_0 = arith.constant 0 : i32
    %c0_i32_1 = arith.constant 0 : i32
    return %c0_i32, %c0_i32_0 : i32, i32
  }
  func.func @transform_11(%arg0: i32) -> (i32, i32) {
    %c0_i32 = arith.constant 0 : i32
    %c0_i32_0 = arith.constant 0 : i32
    %c0_i32_1 = arith.constant 0 : i32
    return %c0_i32, %c0_i32_0 : i32, i32
  }
  func.func @transform_12(%arg0: i32) -> (i32, i32) {
    %c0_i32 = arith.constant 0 : i32
    %c0_i32_0 = arith.constant 0 : i32
    %c0_i32_1 = arith.constant 0 : i32
    return %c0_i32, %c0_i32_0 : i32, i32
  }
  func.func @transform_13(%arg0: i32) -> (i32, i32) {
    %c0_i32 = arith.constant 0 : i32
    %c0_i32_0 = arith.constant 0 : i32
    %c0_i32_1 = arith.constant 0 : i32
    return %c0_i32, %c0_i32_0 : i32, i32
  }
  func.func @transform_14(%arg0: i32) -> (i32, i32) {
    %c0_i32 = arith.constant 0 : i32
    %c0_i32_0 = arith.constant 0 : i32
    %c0_i32_1 = arith.constant 0 : i32
    return %c0_i32, %c0_i32_0 : i32, i32
  }
  func.func @transform_15(%arg0: i32) -> (i32, i32) {
    %c0_i32 = arith.constant 0 : i32
    %c0_i32_0 = arith.constant 0 : i32
    %c0_i32_1 = arith.constant 0 : i32
    return %c0_i32, %c0_i32_0 : i32, i32
  }
  func.func @transform_16(%arg0: i32) -> (i32, i32) {
    %c0_i32 = arith.constant 0 : i32
    %c0_i32_0 = arith.constant 0 : i32
    %c0_i32_1 = arith.constant 0 : i32
    return %c0_i32, %c0_i32_0 : i32, i32
  }
  func.func @transform_17(%arg0: i32) -> (i32, i32) {
    %c0_i32 = arith.constant 0 : i32
    %c0_i32_0 = arith.constant 0 : i32
    return %arg0, %c0_i32 : i32, i32
  }
  func.func @transform_18(%arg0: i32) -> (i32, i32) {
    %c0_i32 = arith.constant 0 : i32
    %c0_i32_0 = arith.constant 0 : i32
    return %arg0, %c0_i32 : i32, i32
  }
}

</mosaic_0001>

<sc_bundles>
// kernel: kernel.13.cloned.1.call-start
scs
__scs_entry_jumppad:
0x0: {  	(pc) =	sbr.rel $0x88, $3  }
0x1: {  	(tag) =	ssettag $0x0;
	lr =	simm.s32 $0x1  }
0x2: {  	[smem:$0x3F87] =	sst lr;
	_ =	strace $0xD0000000  }
0x3: {  	_ = 	snop  }
0x4: {  	_ = 	snop  }
0x5: {  	_ = 	snop  }
0x6: {  	_ = 	snop  }
0x7: {  	_ = 	snop  }
__scs_overlays_trampoline_lowered:
0x8: {  	[smem:$0x3F96] =	sst s0  }
0x9: {  	[smem:$0x3F97] =	sst s1  }
0xa: {  	[smem:$0x3F98] =	sst s2  }
0xb: {  	[smem:$0x3F99] =	sst s3  }
0xc: {  	[smem:$0x3F9A] =	sst s4  }
0xd: {  	[smem:$0x3F9B] =	sst s5  }
0xe: {  	[smem:$0x3F9C] =	sst s6  }
0xf: {  	[smem:$0x3F9D] =	sst s7  }
0x10: {  	[smem:$0x3F9E] =	sst s8  }
0x11: {  	[smem:$0x3F9F] =	sst s9;
	s0 =	simm.s32 @!p0 $0x0  }
0x12: {  	s1 =	sld [smem:$0x3F85];
	s0 =	simm.s32 @p0 $0x1  }
0x13: {  	[smem:$0x3FA0] =	sst s0;
	s0 =	simm.s32 @!p1 $0x0  }
0x14: {  	s2 =	sld [smem:$0x3F84];
	s0 =	simm.s32 @p1 $0x1  }
0x15: {  	[smem:$0x3FA1] =	sst s0;
	s0 =	simm.s32 @!p2 $0x0  }
0x16: {  	s3 =	sld [smem:$0x3FDB];
	s0 =	simm.s32 @p2 $0x1  }
0x17: {  	s4 =	simm.s32 $0x1BF5;
	[smem:$0x3FA3] =	sst s0  }
0x18: {  	s0 =	sld [smem:$0x3F86];
	_ =	swait.ge [sflag:s4], $0x0  }
0x19: {  	s7 =	sld [smem:$0x3F87]  }
0x1a: {  	s8 =	sadd.s32 $0xFFFFE003, lr  }
0x1b: {  	s9 =	sadd.s32 $0xFFFFFEF7, lr;
	s5 =	simm.s32 $0xFFFFFFFF;
	p2 =	slt.u32 s8, $0xFFFFF086  }
0x1c: {  	p1 =	slt.u32 s9, $0xF7A;
	s5 =	simm.s32 @!p2 $0x0  }
0x1d: {  	s5 =	simm.s32 @p1 $0x1;
	p0 =	seq.s32 s7, s2  }
0x1e: {  	s7 =	smul.u32 @!p0 $0xF7A, s2;
	p2 =	seq.s32 @!p0 s5, $0x0  }
0x1f: {  	s9 =	smul.u32 $0xF7A, s1;
	s8 =	simm.s32 @!p0 $0x1BF5;
	p2 =	por !p2, p0  }
0x20: {  	[sflag:s8] =	ssyncset.s32 @!p0 $0xFFFFF086;
	s6 =	sadd.s32 @!p0 s3, s7;
	s7 =	simm.s32 @!p0 $0x108  }
0x21: {  	s3 =	sadd.s32 s3, s9;
	s6 =	sadd.s32 @!p0 $0x88, s6;
	s7 =	simm.s32 @p2 $0x1082  }
0x22: {  	[simem:s7], [sflag:s8] =	dma.local @!p0 [hbm:s6], $0xF7A  }
0x23: {  	s9 =	sor.u32 $0xD0000000, s2;
	s6 =	simm.s32 $0x108;
	_ =	swait.ge @!p0 [sflag:s8], $0x0  }
0x24: {  	s3 =	sadd.s32 $0x88, s3;
	s6 =	simm.s32 @!p1 $0x1082;
	[sflag:s4] =	ssyncset.s32 $0xFFFFF086  }
0x25: {  	[simem:s6], [sflag:s4] =	dma.local [hbm:s3], $0xF7A  }
0x26: {  	[smem:$0x3F87] =	sst s1;
	(tag) =	ssettag s2;
	_ =	strace s9  }
0x27: {  	s1 =	sld [smem:$0x3F97]  }
0x28: {  	s2 =	sld [smem:$0x3F98]  }
0x29: {  	s4 =	sld [smem:$0x3F9A]  }
0x2a: {  	p0 =	seq.s32 s5, $0x0;
	s5 =	sld [smem:$0x3F9B]  }
0x2b: {  	s6 =	sld [smem:$0x3F9C]  }
0x2c: {  	s7 =	sld [smem:$0x3F9D]  }
0x2d: {  	s3 =	simm.s32 $0x108;
	s8 =	sld [smem:$0x3F9E]  }
0x2e: {  	s3 =	simm.s32 @!p0 $0x1082;
	s9 =	sld [smem:$0x3F9F]  }
0x2f: {  	lr =	sadd.s32 s0, s3;
	s0 =	sld [smem:$0x3F96]  }
0x30: {  	s3 =	sld [smem:$0x3F99]  }
0x31: {  	[smem:$0x3FA2] =	sst s10  }
0x32: {  	s10 =	sld [smem:$0x3FA0];
	_ =	sdelay $0x3  }
0x33: {  	p0 =	seq.s32 s10, $0x1;
	s10 =	sld [smem:$0x3FA2];
	_ =	sdelay $0x3  }
0x34: {  	[smem:$0x3FA2] =	sst s10  }
0x35: {  	s10 =	sld [smem:$0x3FA1];
	_ =	sdelay $0x3  }
0x36: {  	p1 =	seq.s32 s10, $0x1;
	s10 =	sld [smem:$0x3FA2];
	_ =	sdelay $0x3  }
0x37: {  	[smem:$0x3FA2] =	sst s10  }
0x38: {  	s10 =	sld [smem:$0x3FA3]  }
0x39: {  	_ = 	snop;
	(pc) =	sbr.ind lr, $3  }
0x3a: {  	_ = 	snop  }
0x3b: {  	_ = 	snop  }
0x3c: {  	p2 =	seq.s32 s10, $0x1;
	s10 =	sld [smem:$0x3FA2]  }
0x3d: {  	_ =	shalt  }
0x3e: {  	_ =	shalt  }
0x3f: {  	_ =	shalt  }
0x40: {  	_ =	shalt  }
0x41: {  	_ =	shalt  }
0x42: {  	_ =	shalt  }
0x43: {  	_ =	shalt  }
0x44: {  	_ =	shalt  }
0x45: {  	_ =	shalt  }
0x46: {  	_ =	shalt  }
0x47: {  	_ =	shalt  }
0x48: {  	_ =	shalt  }
0x49: {  	_ =	shalt  }
0x4a: {  	_ =	shalt  }
0x4b: {  	_ =	shalt  }
0x4c: {  	_ =	shalt  }
0x4d: {  	_ =	shalt  }
0x4e: {  	_ =	shalt  }
0x4f: {  	_ =	shalt  }
0x50: {  	_ =	shalt  }
0x51: {  	_ =	shalt  }
0x52: {  	_ =	shalt  }
0x53: {  	_ =	shalt  }
0x54: {  	_ =	shalt  }
0x55: {  	_ =	shalt  }
0x56: {  	_ =	shalt  }
0x57: {  	_ =	shalt  }
0x58: {  	_ =	shalt  }
0x59: {  	_ =	shalt  }
0x5a: {  	_ =	shalt  }
0x5b: {  	_ =	shalt  }
0x5c: {  	_ =	shalt  }
0x5d: {  	_ =	shalt  }
0x5e: {  	_ =	shalt  }
0x5f: {  	_ =	shalt  }
0x60: {  	_ =	shalt  }
0x61: {  	_ =	shalt  }
0x62: {  	_ =	shalt  }
0x63: {  	_ =	shalt  }
0x64: {  	_ =	shalt  }
0x65: {  	_ =	shalt  }
0x66: {  	_ =	shalt  }
0x67: {  	_ =	shalt  }
0x68: {  	_ =	shalt  }
0x69: {  	_ =	shalt  }
0x6a: {  	_ =	shalt  }
0x6b: {  	_ =	shalt  }
0x6c: {  	_ =	shalt  }
0x6d: {  	_ =	shalt  }
0x6e: {  	_ =	shalt  }
0x6f: {  	_ =	shalt  }
0x70: {  	_ =	shalt  }
0x71: {  	_ =	shalt  }
0x72: {  	_ =	shalt  }
0x73: {  	_ =	shalt  }
0x74: {  	_ =	shalt  }
0x75: {  	_ =	shalt  }
0x76: {  	_ =	shalt  }
0x77: {  	_ =	shalt  }
0x78: {  	_ =	shalt  }
0x79: {  	_ =	shalt  }
0x7a: {  	_ =	shalt  }
0x7b: {  	_ =	shalt  }
0x7c: {  	_ =	shalt  }
0x7d: {  	_ =	shalt  }
0x7e: {  	_ =	shalt  }
0x7f: {  	_ =	shalt  }
0x80: {  	_ =	shalt  }
0x81: {  	_ =	shalt  }
0x82: {  	_ =	shalt  }
0x83: {  	_ =	shalt  }
0x84: {  	_ =	shalt  }
0x85: {  	_ =	shalt  }
0x86: {  	_ =	shalt  }
0x87: {  	_ =	shalt  }
.Lfunc_end0:
.L_simem_size_0:
called_computation_lowered:
.L_overlay_start_0:
0x88: {  	s2 =	sld [smem:$0x3FD9]  }
0x89: {  	s3 =	sld [smem:$0x3FFE];
	_ =	sdelay $0x1  }
0x8a: {  	s1 =	srdreg.scid  }
0x8b: {  	s0 =	sand.u32 $0x1, s1  }
0x8c: {  	s17 =	sshll.u32 s0, $0xA;
	s2 =	sadd.s32 s3, s2  }
0x8d: {  	s2 =	sadd.s32 s2, s17  }
0x8e: {  	[smem:$0x3FAE] =	sst s2  }
0x8f: {  	_ = 	snop  }
0x90: {  	s2 =	sld [smem:$0x3FC9];
	(tm) =	ssettm $0x1  }
0x91: {  	s18 =	sld [smem:$0x3FFB];
	_ =	sdelay $0x3  }
0x92: {  	_ =	strace s18  }
0x93: {  	s3 =	sld [smem:$0x3FFC];
	_ =	sdelay $0x3  }
0x94: {  	_ =	strace s3  }
0x95: {  	s3 =	sld [smem:$0x3FFD];
	_ =	sdelay $0x3  }
0x96: {  	_ =	strace s3  }
0x97: {  	_ =	strace $0x8FFFFFFF  }
0x98: {  	s19 =	sld [smem:$0x3FDB];
	_ =	sdelay $0x1  }
0x99: {  	s4 =	simm.s32 $_scs_section_size  }
0x9a: {  	s5 =	simm.s32 $_size__tile_overlayer_lowered;
	s6 =	simm.s32 $_tile_overlayer_lowered  }
0x9b: {  	s22 =	simm.s32 $0x1BFF;
	s21 =	sshll.u32 s6, $0x1;
	s3 =	sadd.s32 s4, s19  }
0x9c: {  	s7 =	simm.s32 $0x0;
	s20 =	sshll.u32 s5, $0x1;
	s5 =	sadd.s32 s21, s3  }
0x9d: {  	[timem:s7], [sflag:s22] =	dma.local [hbm:s5], s20  }
0x9e: {  	_ =	swait.ge [sflag:s22], s20  }
0x9f: {  	s4 =	ssub.s32 $0x0, s20;
	[sflag:s22] =	ssyncset.done $0x0  }
0xa0: {  	[sflag:s22] =	ssyncadd.s32 s4;
	_ =	sdelay $0x1  }
0xa1: {  	s23 =	simm.s32 $0x1B8B  }
0xa2: {  	_ =	swait.ge [sflag:s23], $0x1  }
0xa3: {  	[sflag:s23] =	ssyncset.done $0x0  }
0xa4: {  	s25 =	simm.s32 $0x1B8E;
	s24 =	sld [smem:$0x3FFE];
	[sflag:s23] =	ssyncadd.s32 $0xFFFFFFFF  }
0xa5: {  	s26 =	simm.s32 $execute0_lowered;
	[smem:$0x3FD2] =	sst s25  }
0xa6: {  	s5 =	sshll.u32 s26, $0x1;
	_ =	strace $0x80000046;
	[dreg:$0x1] =	wrdreg $0xFFFFFFFF  }
0xa7: {  	s28 =	simm.s32 $_size_execute0_lowered;
	s3 =	sadd.s32 s3, s5;
	[dreg:$0x0] =	wrdreg $0x0  }
0xa8: {  	s5 =	sshll.u32 s28, $0x1;
	[dreg:$0x2] =	wrdreg s3  }
0xa9: {  	[dreg:$0x3] =	wrdreg s5  }
0xaa: {  	[dreg:$0x4] =	wrdreg $0xC0  }
0xab: {  	_ =	task [dreg:s7], $0x5FFFF  }
0xac: {  	[dreg:$0x1] =	wrdreg $0xFFFFFFFF  }
0xad: {  	[dreg:$0x0] =	wrdreg $0x60  }
0xae: {  	[dreg:$0x2] =	wrdreg s2  }
0xaf: {  	[dreg:$0x3] =	wrdreg s24  }
0xb0: {  	[dreg:$0x4] =	wrdreg $0x9  }
0xb1: {  	_ =	task.clear_ibuf [dreg:s7], $0x5FFFF;
	_ =	strace $0x90000046  }
0xb2: {  	s29 =	simm.s32 $0x9;
	_ =	strace $0x80000048  }
0xb3: {  	_ =	swait.ge [sflag:s29], $0x1  }
0xb4: {  	[sflag:s29] =	ssyncadd.s32 $0xFFFFFFFF  }
0xb5: {  	_ =	strace $0x90000048  }
0xb6: {  	_ =	sfence  }
0xb7: {  	s30 =	sld [smem:$0x0];
	_ =	sdelay $0x2  }
0xb8: {  	s31 =	sshll.u32 s1, $0xD;
	s1 =	sshrl.u32 s1, $0x2  }
0xb9: {  	s3 =	sand.u32 $0x4000, s31;
	s1 =	sadd.s32 s1, s30  }
0xba: {  	s0 =	sor.u32 s3, s0;
	s1 =	sshll.u32 s1, $0x11  }
0xbb: {  	s0 =	sor.u32 s1, s0  }
0xbc: {  	s0 =	sadd.s32 $0x8F2B, s0  }
0xbd: {  	[sflag:s0] =	ssyncadd.remote.s32 $0x1  }
0xbe: {  	_ =	sfence.sel $0xFFFF  }
0xbf: {  	[dreg:$0x0] =	wrdreg $0xFFFFFFFF;
	(pc) =	sbr.abs _section_cstart, $3  }
0xc0: {  	[dreg:$0x1] =	wrdreg $0xFFFFFFFF  }
0xc1: {  	_ =	task.clear_ibuf [dreg:s7], $0x2FFFF;
	_ =	strace $0x9FFFFFFF  }
0xc2: {  	(tm) =	ssettm $0x7FFFFFFF  }
0xc3: {  	_ =	shalt  }
tec
execute0_lowered:
.L_overlay_start_1:
0x0: {  	(tag) =	ssettag $0x1  }
0x1: {  	s2 =	rddreg [dreg:$0x0]  }
0x2: {  	s4 =	rddreg [dreg:$0x1]  }
0x3: {  	s0 =	rddreg [dreg:$0x2]  }
0x4: {  	s5 =	srdreg.scid;
	s1 =	stileid.u32;
	s3 =	simm.s32 $0x0  }
0x5: {  	s11 =	simm.s32 $0xC8;
	s12 =	simm.s32 $0x200;
	s6 =	smul.u32 $0x2710, s1  }
0x6: {  	s13 =	simm.s32 $0x6600;
	s5 =	sand.u32 $0x1, s5;
	s8 =	smul.u32 $0x27100, s1  }
0x7: {  	s14 =	simm.s32 $0x1;
	s15 =	simm.s32 $0x0;
	s7 =	smul.u32 $0x1388, s5  }
0x8: {  	[smem:$0x7FF] =	sst s3;
	s29 =	ssub.s32 $0x2, s5;
	s5 =	smul.u32 $0x13880, s5  }
0x9: {  	_ =	strace $0x80000047;
	s8 =	sadd.s32 s8, s4;
	s9 =	sshrl.u32 s29, $0x1  }
0xa: {  	s6 =	sadd.s32 s7, s6;
	s30 =	ssub.s32 s29, s9;
	s31 =	sadd.s32 s5, s8  }
0xb: {  	s9 =	simm.s32 $0x2;
	s6 =	sshrl.u32 s6, $0x3;
	s5 =	sadd.s32 $0x11E00, s31  }
0xc: {  	s10 =	sadd.s32 s6, s4;
	s4 =	smax.u32 s30, $0x1;
	s6 =	sadd.s32 $0x282E00, s31  }
0xd: {  	s7 =	sadd.s32 $0xCE00, s10;
	s8 =	sadd.s32 $0x7E00, s10;
	s10 =	simm.s32 $0x100  }
.LBB2_1:
0xe: {  	s16 =	sadd.s32 $0x0, s8  }
0xf: {  	[tilespmem:s3], [sflag:$0x2] =	stream.linear.gather [hbm4b:s16+s3], $0xC8, $0x38;
	[tilespmem:$0xCA00] =	vst v63  }
0x10: {  	_ =	swait.ge [sflag:s9], $0xC8  }
0x11: {  	[sflag:s9] =	ssyncset.done $0x0  }
0x12: {  	s31 =	sadd.s32 $0x0, s7;
	[sflag:s9] =	ssyncadd.s32 $0xFFFFFF38  }
0x13: {  	[tilespmem:s10], [sflag:$0x2] =	stream.linear.gather [hbm4b:s31+s3], $0xC8, $0x38;
	[tilespmem:$0xCA00] =	vst v63  }
0x14: {  	_ =	swait.ge [sflag:s9], $0xC8  }
0x15: {  	[sflag:s9] =	ssyncset.done $0x0  }
0x16: {  	[sflag:s9] =	ssyncadd.s32 $0xFFFFFF38  }
0x17: {  	[tilespmem:s12], [sflag:$0x1] =	stream.indirect.gather [hbm4b:s2+s11], $0x80, s3, s11, $0xb8;
	[tilespmem:$0xCA00] =	vst v63  }
0x18: {  	_ = 	snop  }
0x19: {  	[tilespmem:s13], [sflag:$0x1] =	stream.indirect.gather [hbm4b:s2+s11], $0x80, s10, s11, $0xb8;
	[tilespmem:$0xCA00] =	vst v63  }
0x1a: {  	_ =	swait.ge [sflag:s14], $0x6400  }
0x1b: {  	[sflag:s14] =	ssyncset.done $0x0  }
0x1c: {  	[sflag:s14] =	ssyncadd.s32 $0xFFFF9C00  }
0x1d: {  	_ =	swait.ge [sflag:s14], $0x6400  }
0x1e: {  	[sflag:s14] =	ssyncset.done $0x0  }
0x1f: {  	[sflag:s14] =	ssyncadd.s32 $0xFFFF9C00  }
0x20: {  	[hbm4b:s5+s3] =	stream.linear.scatter [tilespmem:s12], [sflag:$0x2], $0x6400, $0x38;
	[tilespmem:$0xCA00] =	vst v63  }
0x21: {  	_ =	swait.ge [sflag:s9], $0x6400  }
0x22: {  	[sflag:s9] =	ssyncset.done $0x0  }
0x23: {  	[sflag:s9] =	ssyncadd.s32 $0xFFFF9C00  }
0x24: {  	[hbm4b:s6+s3] =	stream.linear.scatter [tilespmem:s13], [sflag:$0x2], $0x6400, $0x38;
	[tilespmem:$0xCA00] =	vst v63  }
0x25: {  	s18 =	simm.s32 $0x19;
	s19 =	simm.s32 $0x32;
	_ =	swait.ge [sflag:s9], $0x6400  }
0x26: {  	s17 =	sadd.s32 $0xC80, s5;
	s16 =	sadd.s32 $0xC80, s6;
	[sflag:s9] =	ssyncset.done $0x0  }
.LBB2_2:
0x27: {  	s20 =	sadd.s32 s18, s8  }
0x28: {  	[sflag:s9] =	ssyncadd.s32 $0xFFFF9C00;
	s21 =	smov.u32 s19;
	s22 =	sadd.s32 $0x19, s19  }
0x29: {  	[tilespmem:s3], [sflag:$0x2] =	stream.linear.gather [hbm4b:s20+s3], $0xC8, $0x38;
	[tilespmem:$0xCA00] =	vst v63  }
0x2a: {  	p0 =	sne.s32 s19, $0x258;
	_ =	swait.ge [sflag:s9], $0xC8  }
0x2b: {  	[sflag:s9] =	ssyncset.done $0x0  }
0x2c: {  	s19 =	sadd.s32 s18, s7;
	s18 =	smov.u32 s21;
	[sflag:s9] =	ssyncadd.s32 $0xFFFFFF38  }
0x2d: {  	[tilespmem:s10], [sflag:$0x2] =	stream.linear.gather [hbm4b:s19+s3], $0xC8, $0x38;
	[tilespmem:$0xCA00] =	vst v63  }
0x2e: {  	_ =	swait.ge [sflag:s9], $0xC8  }
0x2f: {  	[sflag:s9] =	ssyncset.done $0x0  }
0x30: {  	[sflag:s9] =	ssyncadd.s32 $0xFFFFFF38  }
0x31: {  	[tilespmem:s12], [sflag:$0x1] =	stream.indirect.gather [hbm4b:s2+s11], $0x80, s3, s11, $0xb8;
	[tilespmem:$0xCA00] =	vst v63  }
0x32: {  	_ = 	snop  }
0x33: {  	[tilespmem:s13], [sflag:$0x1] =	stream.indirect.gather [hbm4b:s2+s11], $0x80, s10, s11, $0xb8;
	[tilespmem:$0xCA00] =	vst v63  }
0x34: {  	_ =	swait.ge [sflag:s14], $0x6400  }
0x35: {  	[sflag:s14] =	ssyncset.done $0x0  }
0x36: {  	[sflag:s14] =	ssyncadd.s32 $0xFFFF9C00  }
0x37: {  	_ =	swait.ge [sflag:s14], $0x6400  }
0x38: {  	[sflag:s14] =	ssyncset.done $0x0  }
0x39: {  	[sflag:s14] =	ssyncadd.s32 $0xFFFF9C00  }
0x3a: {  	[hbm4b:s17+s3] =	stream.linear.scatter [tilespmem:s12], [sflag:$0x2], $0x6400, $0x38;
	[tilespmem:$0xCA00] =	vst v63  }
0x3b: {  	_ =	swait.ge [sflag:s9], $0x6400  }
.Ltmp0:
0x3c: {  	[sflag:s9] =	ssyncset.done $0x0;
	(pc) =	sbr.rel @p0 .LBB2_2-.Ltmp0, $4  }
0x3d: {  	[sflag:s9] =	ssyncadd.s32 $0xFFFF9C00  }
0x3e: {  	[hbm4b:s16+s3] =	stream.linear.scatter [tilespmem:s13], [sflag:$0x2], $0x6400, $0x38;
	[tilespmem:$0xCA00] =	vst v63  }
0x3f: {  	s19 =	smov.u32 s22;
	_ =	swait.ge [sflag:s9], $0x6400  }
0x40: {  	s17 =	sadd.s32 $0xC80, s17;
	s16 =	sadd.s32 $0xC80, s16;
	[sflag:s9] =	ssyncset.done $0x0  }
0x41: {  	s19 =	sadd.s32 s18, s8;
	[sflag:s9] =	ssyncadd.s32 $0xFFFF9C00  }
0x42: {  	[tilespmem:s3], [sflag:$0x2] =	stream.linear.gather [hbm4b:s19+s3], $0xC8, $0x38;
	[tilespmem:$0xCA00] =	vst v63  }
0x43: {  	_ =	swait.ge [sflag:s9], $0xC8  }
0x44: {  	[sflag:s9] =	ssyncset.done $0x0  }
0x45: {  	s31 =	sadd.s32 s18, s7;
	[sflag:s9] =	ssyncadd.s32 $0xFFFFFF38  }
0x46: {  	[tilespmem:s10], [sflag:$0x2] =	stream.linear.gather [hbm4b:s31+s3], $0xC8, $0x38;
	[tilespmem:$0xCA00] =	vst v63  }
0x47: {  	_ =	swait.ge [sflag:s9], $0xC8  }
0x48: {  	[sflag:s9] =	ssyncset.done $0x0  }
0x49: {  	[sflag:s9] =	ssyncadd.s32 $0xFFFFFF38  }
0x4a: {  	[tilespmem:s12], [sflag:$0x1] =	stream.indirect.gather [hbm4b:s2+s11], $0x80, s3, s11, $0xb8;
	[tilespmem:$0xCA00] =	vst v63  }
0x4b: {  	_ = 	snop  }
0x4c: {  	[tilespmem:s13], [sflag:$0x1] =	stream.indirect.gather [hbm4b:s2+s11], $0x80, s10, s11, $0xb8;
	[tilespmem:$0xCA00] =	vst v63  }
0x4d: {  	_ =	swait.ge [sflag:s14], $0x6400  }
0x4e: {  	[sflag:s14] =	ssyncset.done $0x0  }
0x4f: {  	[sflag:s14] =	ssyncadd.s32 $0xFFFF9C00  }
0x50: {  	_ =	swait.ge [sflag:s14], $0x6400  }
0x51: {  	[sflag:s14] =	ssyncset.done $0x0  }
0x52: {  	[sflag:s14] =	ssyncadd.s32 $0xFFFF9C00  }
0x53: {  	[hbm4b:s17+s3] =	stream.linear.scatter [tilespmem:s12], [sflag:$0x2], $0x6400, $0x38;
	[tilespmem:$0xCA00] =	vst v63  }
0x54: {  	s15 =	sadd.s32 $0x1, s15;
	_ =	swait.ge [sflag:s9], $0x6400  }
0x55: {  	p0 =	sne.s32 s15, s4;
	[sflag:s9] =	ssyncset.done $0x0  }
.Ltmp1:
0x56: {  	[sflag:s9] =	ssyncadd.s32 $0xFFFF9C00;
	(pc) =	sbr.rel @p0 .LBB2_1-.Ltmp1, $4  }
0x57: {  	[hbm4b:s16+s3] =	stream.linear.scatter [tilespmem:s13], [sflag:$0x2], $0x6400, $0x38;
	[tilespmem:$0xCA00] =	vst v63  }
0x58: {  	_ =	swait.ge [sflag:s9], $0x6400  }
0x59: {  	[sflag:s9] =	ssyncset.done $0x0  }
0x5a: {  	[sflag:s9] =	ssyncadd.s32 $0xFFFF9C00  }
0x5b: {  	_ =	sfence.sel $0x180000  }
0x5c: {  	[bflag:$0x0] =	sbarrier.arrive $0xFFFF  }
0x5d: {  	p0 =	sne.s32 s1, $0x0;
	_ =	strace $0x90000047  }
0x5e: {  	s0 =	sadd.s32 @!p0 $0x100000, s0;
	[bflag:$0x2] =	sbarrier.arrive $0xFFFF  }
0x5f: {  	[sflag:s0] =	ssyncadd.tile.s32 @!p0 $0x1;
	_ =	shalt  }
.Lfunc_end2:
_tile_overlayer_lowered:
.L_overlay_start_2:
0x60: {  	(tag) =	ssettag $0x2  }
0x61: {  	s0 =	rddreg [dreg:$0x0];
	s2 =	stileid.u32  }
0x62: {  	s1 =	rddreg [dreg:$0x1];
	p0 =	sne.s32 s2, $0x0  }
0x63: {  	s3 =	rddreg [dreg:$0x2];
	[bflag:$0x3] =	sbarrier.arrive $0xFFFF;
	s2 =	simm.s32 @!p0 $0x1C02  }
0x64: {  	[timem:s3], [sflag:s2] =	dma.local @!p0 [hbm:s0], s1  }
0x65: {  	s0 =	simm.s32 @!p0 $0x2  }
0x66: {  	_ =	swait.ge @!p0 [sflag:s0], s1  }
0x67: {  	s1 =	ssub.s32 @!p0 $0x0, s1;
	[sflag:s0] =	ssyncset.done @!p0 $0x0  }
0x68: {  	[sflag:s0] =	ssyncadd.s32 @!p0 s1  }
0x69: {  	[bflag:$0x3] =	sbarrier.arrive $0xFFFF  }
0x6a: {  	_ =	shalt  }

// kernel: kernel.16.cloned.1.call-start
scs
__scs_entry_jumppad:
0x0: {  	(pc) =	sbr.rel $0x88, $3  }
0x1: {  	(tag) =	ssettag $0x0;
	lr =	simm.s32 $0x1  }
0x2: {  	[smem:$0x3F87] =	sst lr;
	_ =	strace $0xD0000000  }
0x3: {  	_ = 	snop  }
0x4: {  	_ = 	snop  }
0x5: {  	_ = 	snop  }
0x6: {  	_ = 	snop  }
0x7: {  	_ = 	snop  }
__scs_overlays_trampoline_lowered:
0x8: {  	[smem:$0x3F96] =	sst s0  }
0x9: {  	[smem:$0x3F97] =	sst s1  }
0xa: {  	[smem:$0x3F98] =	sst s2  }
0xb: {  	[smem:$0x3F99] =	sst s3  }
0xc: {  	[smem:$0x3F9A] =	sst s4  }
0xd: {  	[smem:$0x3F9B] =	sst s5  }
0xe: {  	[smem:$0x3F9C] =	sst s6  }
0xf: {  	[smem:$0x3F9D] =	sst s7  }
0x10: {  	[smem:$0x3F9E] =	sst s8  }
0x11: {  	[smem:$0x3F9F] =	sst s9;
	s0 =	simm.s32 @!p0 $0x0  }
0x12: {  	s1 =	sld [smem:$0x3F85];
	s0 =	simm.s32 @p0 $0x1  }
0x13: {  	[smem:$0x3FA0] =	sst s0;
	s0 =	simm.s32 @!p1 $0x0  }
0x14: {  	s2 =	sld [smem:$0x3F84];
	s0 =	simm.s32 @p1 $0x1  }
0x15: {  	[smem:$0x3FA1] =	sst s0;
	s0 =	simm.s32 @!p2 $0x0  }
0x16: {  	s3 =	sld [smem:$0x3FDB];
	s0 =	simm.s32 @p2 $0x1  }
0x17: {  	s4 =	simm.s32 $0x1BF5;
	[smem:$0x3FA3] =	sst s0  }
0x18: {  	s0 =	sld [smem:$0x3F86];
	_ =	swait.ge [sflag:s4], $0x0  }
0x19: {  	s7 =	sld [smem:$0x3F87]  }
0x1a: {  	s8 =	sadd.s32 $0xFFFFE003, lr  }
0x1b: {  	s9 =	sadd.s32 $0xFFFFFEF7, lr;
	s5 =	simm.s32 $0xFFFFFFFF;
	p2 =	slt.u32 s8, $0xFFFFF086  }
0x1c: {  	p1 =	slt.u32 s9, $0xF7A;
	s5 =	simm.s32 @!p2 $0x0  }
0x1d: {  	s5 =	simm.s32 @p1 $0x1;
	p0 =	seq.s32 s7, s2  }
0x1e: {  	s7 =	smul.u32 @!p0 $0xF7A, s2;
	p2 =	seq.s32 @!p0 s5, $0x0  }
0x1f: {  	s9 =	smul.u32 $0xF7A, s1;
	s8 =	simm.s32 @!p0 $0x1BF5;
	p2 =	por !p2, p0  }
0x20: {  	[sflag:s8] =	ssyncset.s32 @!p0 $0xFFFFF086;
	s6 =	sadd.s32 @!p0 s3, s7;
	s7 =	simm.s32 @!p0 $0x108  }
0x21: {  	s3 =	sadd.s32 s3, s9;
	s6 =	sadd.s32 @!p0 $0x88, s6;
	s7 =	simm.s32 @p2 $0x1082  }
0x22: {  	[simem:s7], [sflag:s8] =	dma.local @!p0 [hbm:s6], $0xF7A  }
0x23: {  	s9 =	sor.u32 $0xD0000000, s2;
	s6 =	simm.s32 $0x108;
	_ =	swait.ge @!p0 [sflag:s8], $0x0  }
0x24: {  	s3 =	sadd.s32 $0x88, s3;
	s6 =	simm.s32 @!p1 $0x1082;
	[sflag:s4] =	ssyncset.s32 $0xFFFFF086  }
0x25: {  	[simem:s6], [sflag:s4] =	dma.local [hbm:s3], $0xF7A  }
0x26: {  	[smem:$0x3F87] =	sst s1;
	(tag) =	ssettag s2;
	_ =	strace s9  }
0x27: {  	s1 =	sld [smem:$0x3F97]  }
0x28: {  	s2 =	sld [smem:$0x3F98]  }
0x29: {  	s4 =	sld [smem:$0x3F9A]  }
0x2a: {  	p0 =	seq.s32 s5, $0x0;
	s5 =	sld [smem:$0x3F9B]  }
0x2b: {  	s6 =	sld [smem:$0x3F9C]  }
0x2c: {  	s7 =	sld [smem:$0x3F9D]  }
0x2d: {  	s3 =	simm.s32 $0x108;
	s8 =	sld [smem:$0x3F9E]  }
0x2e: {  	s3 =	simm.s32 @!p0 $0x1082;
	s9 =	sld [smem:$0x3F9F]  }
0x2f: {  	lr =	sadd.s32 s0, s3;
	s0 =	sld [smem:$0x3F96]  }
0x30: {  	s3 =	sld [smem:$0x3F99]  }
0x31: {  	[smem:$0x3FA2] =	sst s10  }
0x32: {  	s10 =	sld [smem:$0x3FA0];
	_ =	sdelay $0x3  }
0x33: {  	p0 =	seq.s32 s10, $0x1;
	s10 =	sld [smem:$0x3FA2];
	_ =	sdelay $0x3  }
0x34: {  	[smem:$0x3FA2] =	sst s10  }
0x35: {  	s10 =	sld [smem:$0x3FA1];
	_ =	sdelay $0x3  }
0x36: {  	p1 =	seq.s32 s10, $0x1;
	s10 =	sld [smem:$0x3FA2];
	_ =	sdelay $0x3  }
0x37: {  	[smem:$0x3FA2] =	sst s10  }
0x38: {  	s10 =	sld [smem:$0x3FA3]  }
0x39: {  	_ = 	snop;
	(pc) =	sbr.ind lr, $3  }
0x3a: {  	_ = 	snop  }
0x3b: {  	_ = 	snop  }
0x3c: {  	p2 =	seq.s32 s10, $0x1;
	s10 =	sld [smem:$0x3FA2]  }
0x3d: {  	_ =	shalt  }
0x3e: {  	_ =	shalt  }
0x3f: {  	_ =	shalt  }
0x40: {  	_ =	shalt  }
0x41: {  	_ =	shalt  }
0x42: {  	_ =	shalt  }
0x43: {  	_ =	shalt  }
0x44: {  	_ =	shalt  }
0x45: {  	_ =	shalt  }
0x46: {  	_ =	shalt  }
0x47: {  	_ =	shalt  }
0x48: {  	_ =	shalt  }
0x49: {  	_ =	shalt  }
0x4a: {  	_ =	shalt  }
0x4b: {  	_ =	shalt  }
0x4c: {  	_ =	shalt  }
0x4d: {  	_ =	shalt  }
0x4e: {  	_ =	shalt  }
0x4f: {  	_ =	shalt  }
0x50: {  	_ =	shalt  }
0x51: {  	_ =	shalt  }
0x52: {  	_ =	shalt  }
0x53: {  	_ =	shalt  }
0x54: {  	_ =	shalt  }
0x55: {  	_ =	shalt  }
0x56: {  	_ =	shalt  }
0x57: {  	_ =	shalt  }
0x58: {  	_ =	shalt  }
0x59: {  	_ =	shalt  }
0x5a: {  	_ =	shalt  }
0x5b: {  	_ =	shalt  }
0x5c: {  	_ =	shalt  }
0x5d: {  	_ =	shalt  }
0x5e: {  	_ =	shalt  }
0x5f: {  	_ =	shalt  }
0x60: {  	_ =	shalt  }
0x61: {  	_ =	shalt  }
0x62: {  	_ =	shalt  }
0x63: {  	_ =	shalt  }
0x64: {  	_ =	shalt  }
0x65: {  	_ =	shalt  }
0x66: {  	_ =	shalt  }
0x67: {  	_ =	shalt  }
0x68: {  	_ =	shalt  }
0x69: {  	_ =	shalt  }
0x6a: {  	_ =	shalt  }
0x6b: {  	_ =	shalt  }
0x6c: {  	_ =	shalt  }
0x6d: {  	_ =	shalt  }
0x6e: {  	_ =	shalt  }
0x6f: {  	_ =	shalt  }
0x70: {  	_ =	shalt  }
0x71: {  	_ =	shalt  }
0x72: {  	_ =	shalt  }
0x73: {  	_ =	shalt  }
0x74: {  	_ =	shalt  }
0x75: {  	_ =	shalt  }
0x76: {  	_ =	shalt  }
0x77: {  	_ =	shalt  }
0x78: {  	_ =	shalt  }
0x79: {  	_ =	shalt  }
0x7a: {  	_ =	shalt  }
0x7b: {  	_ =	shalt  }
0x7c: {  	_ =	shalt  }
0x7d: {  	_ =	shalt  }
0x7e: {  	_ =	shalt  }
0x7f: {  	_ =	shalt  }
0x80: {  	_ =	shalt  }
0x81: {  	_ =	shalt  }
0x82: {  	_ =	shalt  }
0x83: {  	_ =	shalt  }
0x84: {  	_ =	shalt  }
0x85: {  	_ =	shalt  }
0x86: {  	_ =	shalt  }
0x87: {  	_ =	shalt  }
.Lfunc_end0:
.L_simem_size_0:
called_computation.1_lowered:
.L_overlay_start_0:
0x88: {  	s2 =	sld [smem:$0x3FD9]  }
0x89: {  	s3 =	sld [smem:$0x3FFE];
	_ =	sdelay $0x1  }
0x8a: {  	s1 =	srdreg.scid  }
0x8b: {  	s0 =	sand.u32 $0x1, s1  }
0x8c: {  	s17 =	sshll.u32 s0, $0xA;
	s2 =	sadd.s32 s3, s2  }
0x8d: {  	s2 =	sadd.s32 s2, s17  }
0x8e: {  	[smem:$0x3FAE] =	sst s2  }
0x8f: {  	_ = 	snop  }
0x90: {  	(tm) =	ssettm $0x1  }
0x91: {  	s18 =	sld [smem:$0x3FFB];
	_ =	sdelay $0x3  }
0x92: {  	_ =	strace s18  }
0x93: {  	s2 =	sld [smem:$0x3FFC];
	_ =	sdelay $0x3  }
0x94: {  	_ =	strace s2  }
0x95: {  	s2 =	sld [smem:$0x3FFD];
	_ =	sdelay $0x3  }
0x96: {  	_ =	strace s2  }
0x97: {  	_ =	strace $0x8FFFFFFF  }
0x98: {  	s19 =	sld [smem:$0x3FDB];
	_ =	sdelay $0x1  }
0x99: {  	s20 =	simm.s32 $_scs_section_size  }
0x9a: {  	s4 =	simm.s32 $_size__tile_overlayer_lowered;
	s5 =	simm.s32 $_tile_overlayer_lowered  }
0x9b: {  	s6 =	simm.s32 $0x1BFF;
	s21 =	sshll.u32 s5, $0x1;
	s3 =	sadd.s32 s20, s19  }
0x9c: {  	s22 =	simm.s32 $0x0;
	s4 =	sshll.u32 s4, $0x1;
	s5 =	sadd.s32 s21, s3  }
0x9d: {  	[timem:s22], [sflag:s6] =	dma.local [hbm:s5], s4  }
0x9e: {  	_ =	swait.ge [sflag:s6], s4  }
0x9f: {  	s4 =	ssub.s32 $0x0, s4;
	[sflag:s6] =	ssyncset.done $0x0  }
0xa0: {  	[sflag:s6] =	ssyncadd.s32 s4;
	_ =	sdelay $0x1  }
0xa1: {  	s23 =	simm.s32 $0x1B8B  }
0xa2: {  	_ =	swait.ge [sflag:s23], $0x1  }
0xa3: {  	[sflag:s23] =	ssyncset.done $0x0  }
0xa4: {  	[sflag:s23] =	ssyncadd.s32 $0xFFFFFFFF  }
0xa5: {  	s4 =	sld [smem:$0x0]  }
0xa6: {  	s5 =	sand.u32 $0xFFFFFFFE, s1  }
0xa7: {  	p0 =	sne.s32 s1, s5  }
0xa8: {  	s5 =	sshll.u32 @p0 s5, $0xE  }
0xa9: {  	s5 =	sadd.s32 @p0 $0x11B8D, s5;
	s6 =	sshll.u32 @p0 s4, $0x11  }
0xaa: {  	s5 =	sor.u32 @p0 s6, s5  }
0xab: {  	[sflag:s5] =	ssyncadd.remote.s32 @p0 $0x1;
	_ =	sdelay $0x1  }
0xac: {  	s5 =	simm.s32 @p0 $0x1B8D  }
0xad: {  	_ =	swait.eq @p0 [sflag:s5], $0x1  }
0xae: {  	[sflag:s5] =	ssyncadd.s32 @p0 $0xFFFFFFFF  }
0xaf: {  	s6 =	sshll.u32 @!p0 s1, $0xE  }
0xb0: {  	s6 =	sor.u32 @!p0 $0x4000, s6;
	s5 =	simm.s32 @!p0 $0x1B8D  }
0xb1: {  	s4 =	sshll.u32 @!p0 s4, $0x11;
	s6 =	sadd.s32 @!p0 $0x11B8D, s6;
	_ =	swait.eq @!p0 [sflag:s5], $0x1  }
0xb2: {  	s4 =	sor.u32 @!p0 s4, s6;
	[sflag:s5] =	ssyncadd.s32 @!p0 $0xFFFFFFFF  }
0xb3: {  	s25 =	simm.s32 $0x1B8E;
	s24 =	sld [smem:$0x3FFE];
	[sflag:s4] =	ssyncadd.remote.s32 @!p0 $0x1  }
0xb4: {  	s26 =	simm.s32 $execute0_lowered;
	[smem:$0x3FD2] =	sst s25  }
0xb5: {  	s5 =	sshll.u32 s26, $0x1;
	_ =	strace $0x80000049;
	[dreg:$0x1] =	wrdreg $0xFFFFFFFF  }
0xb6: {  	s28 =	simm.s32 $_size_execute0_lowered;
	s3 =	sadd.s32 s3, s5;
	[dreg:$0x0] =	wrdreg $0x0  }
0xb7: {  	s5 =	sshll.u32 s28, $0x1;
	[dreg:$0x2] =	wrdreg s3  }
0xb8: {  	[dreg:$0x3] =	wrdreg s5  }
0xb9: {  	[dreg:$0x4] =	wrdreg $0xC0  }
0xba: {  	_ =	task [dreg:s22], $0x5FFFF  }
0xbb: {  	[dreg:$0x1] =	wrdreg $0xFFFFFFFF  }
0xbc: {  	[dreg:$0x0] =	wrdreg $0x60  }
0xbd: {  	[dreg:$0x2] =	wrdreg s24  }
0xbe: {  	[dreg:$0x3] =	wrdreg $0xC  }
0xbf: {  	_ =	task.clear_ibuf [dreg:s22], $0x4FFFF;
	_ =	strace $0x90000049  }
0xc0: {  	s29 =	simm.s32 $0xC;
	_ =	strace $0x8000004B  }
0xc1: {  	_ =	swait.ge [sflag:s29], $0x1  }
0xc2: {  	[sflag:s29] =	ssyncadd.s32 $0xFFFFFFFF  }
0xc3: {  	_ =	strace $0x9000004B  }
0xc4: {  	_ =	sfence  }
0xc5: {  	s30 =	sld [smem:$0x0];
	_ =	sdelay $0x2  }
0xc6: {  	s31 =	sshll.u32 s1, $0xD;
	s1 =	sshrl.u32 s1, $0x2  }
0xc7: {  	s4 =	sand.u32 $0x4000, s31;
	s1 =	sadd.s32 s1, s30  }
0xc8: {  	s0 =	sor.u32 s4, s0;
	s1 =	sshll.u32 s1, $0x11  }
0xc9: {  	s0 =	sor.u32 s1, s0  }
0xca: {  	s0 =	sadd.s32 $0x8F2B, s0  }
0xcb: {  	[sflag:s0] =	ssyncadd.remote.s32 $0x1  }
0xcc: {  	_ =	sfence.sel $0xFFFF  }
0xcd: {  	[dreg:$0x0] =	wrdreg $0xFFFFFFFF;
	(pc) =	sbr.abs _section_cstart, $3  }
0xce: {  	[dreg:$0x1] =	wrdreg $0xFFFFFFFF  }
0xcf: {  	_ =	task.clear_ibuf [dreg:s22], $0x2FFFF;
	_ =	strace $0x9FFFFFFF  }
0xd0: {  	(tm) =	ssettm $0x7FFFFFFF  }
0xd1: {  	_ =	shalt  }
tec
execute0_lowered:
.L_overlay_start_1:
0x0: {  	(tag) =	ssettag $0x1  }
0x1: {  	s4 =	rddreg [dreg:$0x0]  }
0x2: {  	s0 =	rddreg [dreg:$0x1]  }
0x3: {  	s3 =	srdreg.scid;
	s1 =	stileid.u32;
	s2 =	simm.s32 $0x0  }
0x4: {  	s10 =	simm.s32 $0x3E8;
	s11 =	simm.s32 $0x7D0;
	s12 =	simm.s32 $0x4650  }
0x5: {  	s13 =	simm.s32 $0x1;
	s14 =	simm.s32 $0x0;
	s6 =	smul.u32 $0x2710, s1  }
0x6: {  	s5 =	sand.u32 $0x1, s3;
	[smem:$0x7FF] =	sst s2;
	s8 =	smul.u32 $0x4E20, s1  }
0x7: {  	s3 =	sadd.s32 $0x4F3E00, s4;
	s7 =	smul.u32 $0x1388, s5;
	s9 =	ssub.s32 $0x2, s5  }
0x8: {  	_ =	strace $0x8000004A;
	s5 =	smul.u32 $0x2710, s5;
	s30 =	sshrl.u32 s9, $0x1  }
0x9: {  	s29 =	sadd.s32 s8, s4;
	s6 =	sadd.s32 s7, s6;
	s8 =	ssub.s32 s9, s30  }
0xa: {  	s7 =	sadd.s32 s5, s29;
	s9 =	simm.s32 $0x2;
	s6 =	sshrl.u32 s6, $0x3  }
0xb: {  	s5 =	sadd.s32 $0x547000, s7;
	s31 =	sadd.s32 s6, s4;
	s4 =	smax.u32 s8, $0x1  }
0xc: {  	s6 =	sadd.s32 $0x4F8E00, s7;
	s7 =	sadd.s32 $0xCE00, s31;
	s8 =	sadd.s32 $0x7E00, s31  }
.LBB2_1:
0xd: {  	s15 =	sadd.s32 $0x0, s8  }
0xe: {  	[tilespmem:s2], [sflag:$0x2] =	stream.linear.gather [hbm4b:s15+s2], $0x3E8, $0x38;
	[tilespmem:$0x84D0] =	vst v63  }
0xf: {  	_ =	swait.ge [sflag:s9], $0x3E8  }
0x10: {  	[sflag:s9] =	ssyncset.done $0x0  }
0x11: {  	s31 =	sadd.s32 $0x0, s7;
	[sflag:s9] =	ssyncadd.s32 $0xFFFFFC18  }
0x12: {  	[tilespmem:s10], [sflag:$0x2] =	stream.linear.gather [hbm4b:s31+s2], $0x3E8, $0x38;
	[tilespmem:$0x84D0] =	vst v63  }
0x13: {  	_ =	swait.ge [sflag:s9], $0x3E8  }
0x14: {  	[sflag:s9] =	ssyncset.done $0x0  }
0x15: {  	[sflag:s9] =	ssyncadd.s32 $0xFFFFFC18  }
0x16: {  	[tilespmem:s11], [sflag:$0x1] =	stream.indirect.gather [hbm4b:s3+s10], $0x10, s2, s10, $0xb8;
	[tilespmem:$0x84D0] =	vst v63  }
0x17: {  	_ = 	snop  }
0x18: {  	[tilespmem:s12], [sflag:$0x1] =	stream.indirect.gather [hbm4b:s3+s10], $0x10, s10, s10, $0xb8;
	[tilespmem:$0x84D0] =	vst v63  }
0x19: {  	_ =	swait.ge [sflag:s13], $0x3E80  }
0x1a: {  	[sflag:s13] =	ssyncset.done $0x0  }
0x1b: {  	[sflag:s13] =	ssyncadd.s32 $0xFFFFC180  }
0x1c: {  	_ =	swait.ge [sflag:s13], $0x3E80  }
0x1d: {  	[sflag:s13] =	ssyncset.done $0x0  }
0x1e: {  	[sflag:s13] =	ssyncadd.s32 $0xFFFFC180  }
0x1f: {  	[hbm4b:s6+s2] =	stream.linear.scatter [tilespmem:s11], [sflag:$0x2], $0x3E80, $0x38;
	[tilespmem:$0x84D0] =	vst v63  }
0x20: {  	_ =	swait.ge [sflag:s9], $0x3E80  }
0x21: {  	[sflag:s9] =	ssyncset.done $0x0  }
0x22: {  	[sflag:s9] =	ssyncadd.s32 $0xFFFFC180  }
0x23: {  	[hbm4b:s5+s2] =	stream.linear.scatter [tilespmem:s12], [sflag:$0x2], $0x3E80, $0x38;
	[tilespmem:$0x84D0] =	vst v63  }
0x24: {  	s17 =	simm.s32 $0x7D;
	s18 =	simm.s32 $0xFA;
	_ =	swait.ge [sflag:s9], $0x3E80  }
0x25: {  	s16 =	sadd.s32 $0x7D0, s6;
	s15 =	sadd.s32 $0x7D0, s5;
	[sflag:s9] =	ssyncset.done $0x0  }
.LBB2_2:
0x26: {  	s19 =	sadd.s32 s17, s8  }
0x27: {  	[sflag:s9] =	ssyncadd.s32 $0xFFFFC180;
	s20 =	smov.u32 s18;
	s21 =	sadd.s32 $0x7D, s18  }
0x28: {  	[tilespmem:s2], [sflag:$0x2] =	stream.linear.gather [hbm4b:s19+s2], $0x3E8, $0x38;
	[tilespmem:$0x84D0] =	vst v63  }
0x29: {  	p0 =	sne.s32 s18, $0x1F4;
	_ =	swait.ge [sflag:s9], $0x3E8  }
0x2a: {  	[sflag:s9] =	ssyncset.done $0x0  }
0x2b: {  	s18 =	sadd.s32 s17, s7;
	s17 =	smov.u32 s20;
	[sflag:s9] =	ssyncadd.s32 $0xFFFFFC18  }
0x2c: {  	[tilespmem:s10], [sflag:$0x2] =	stream.linear.gather [hbm4b:s18+s2], $0x3E8, $0x38;
	[tilespmem:$0x84D0] =	vst v63  }
0x2d: {  	_ =	swait.ge [sflag:s9], $0x3E8  }
0x2e: {  	[sflag:s9] =	ssyncset.done $0x0  }
0x2f: {  	[sflag:s9] =	ssyncadd.s32 $0xFFFFFC18  }
0x30: {  	[tilespmem:s11], [sflag:$0x1] =	stream.indirect.gather [hbm4b:s3+s10], $0x10, s2, s10, $0xb8;
	[tilespmem:$0x84D0] =	vst v63  }
0x31: {  	_ = 	snop  }
0x32: {  	[tilespmem:s12], [sflag:$0x1] =	stream.indirect.gather [hbm4b:s3+s10], $0x10, s10, s10, $0xb8;
	[tilespmem:$0x84D0] =	vst v63  }
0x33: {  	_ =	swait.ge [sflag:s13], $0x3E80  }
0x34: {  	[sflag:s13] =	ssyncset.done $0x0  }
0x35: {  	[sflag:s13] =	ssyncadd.s32 $0xFFFFC180  }
0x36: {  	_ =	swait.ge [sflag:s13], $0x3E80  }
0x37: {  	[sflag:s13] =	ssyncset.done $0x0  }
0x38: {  	[sflag:s13] =	ssyncadd.s32 $0xFFFFC180  }
0x39: {  	[hbm4b:s16+s2] =	stream.linear.scatter [tilespmem:s11], [sflag:$0x2], $0x3E80, $0x38;
	[tilespmem:$0x84D0] =	vst v63  }
0x3a: {  	_ =	swait.ge [sflag:s9], $0x3E80  }
.Ltmp0:
0x3b: {  	[sflag:s9] =	ssyncset.done $0x0;
	(pc) =	sbr.rel @p0 .LBB2_2-.Ltmp0, $4  }
0x3c: {  	[sflag:s9] =	ssyncadd.s32 $0xFFFFC180  }
0x3d: {  	[hbm4b:s15+s2] =	stream.linear.scatter [tilespmem:s12], [sflag:$0x2], $0x3E80, $0x38;
	[tilespmem:$0x84D0] =	vst v63  }
0x3e: {  	s18 =	smov.u32 s21;
	_ =	swait.ge [sflag:s9], $0x3E80  }
0x3f: {  	s16 =	sadd.s32 $0x7D0, s16;
	s15 =	sadd.s32 $0x7D0, s15;
	[sflag:s9] =	ssyncset.done $0x0  }
0x40: {  	s18 =	sadd.s32 s17, s8;
	[sflag:s9] =	ssyncadd.s32 $0xFFFFC180  }
0x41: {  	[tilespmem:s2], [sflag:$0x2] =	stream.linear.gather [hbm4b:s18+s2], $0x3E8, $0x38;
	[tilespmem:$0x84D0] =	vst v63  }
0x42: {  	_ =	swait.ge [sflag:s9], $0x3E8  }
0x43: {  	[sflag:s9] =	ssyncset.done $0x0  }
0x44: {  	s31 =	sadd.s32 s17, s7;
	[sflag:s9] =	ssyncadd.s32 $0xFFFFFC18  }
0x45: {  	[tilespmem:s10], [sflag:$0x2] =	stream.linear.gather [hbm4b:s31+s2], $0x3E8, $0x38;
	[tilespmem:$0x84D0] =	vst v63  }
0x46: {  	_ =	swait.ge [sflag:s9], $0x3E8  }
0x47: {  	[sflag:s9] =	ssyncset.done $0x0  }
0x48: {  	[sflag:s9] =	ssyncadd.s32 $0xFFFFFC18  }
0x49: {  	[tilespmem:s11], [sflag:$0x1] =	stream.indirect.gather [hbm4b:s3+s10], $0x10, s2, s10, $0xb8;
	[tilespmem:$0x84D0] =	vst v63  }
0x4a: {  	_ = 	snop  }
0x4b: {  	[tilespmem:s12], [sflag:$0x1] =	stream.indirect.gather [hbm4b:s3+s10], $0x10, s10, s10, $0xb8;
	[tilespmem:$0x84D0] =	vst v63  }
0x4c: {  	_ =	swait.ge [sflag:s13], $0x3E80  }
0x4d: {  	[sflag:s13] =	ssyncset.done $0x0  }
0x4e: {  	[sflag:s13] =	ssyncadd.s32 $0xFFFFC180  }
0x4f: {  	_ =	swait.ge [sflag:s13], $0x3E80  }
0x50: {  	[sflag:s13] =	ssyncset.done $0x0  }
0x51: {  	[sflag:s13] =	ssyncadd.s32 $0xFFFFC180  }
0x52: {  	[hbm4b:s16+s2] =	stream.linear.scatter [tilespmem:s11], [sflag:$0x2], $0x3E80, $0x38;
	[tilespmem:$0x84D0] =	vst v63  }
0x53: {  	s14 =	sadd.s32 $0x1, s14;
	_ =	swait.ge [sflag:s9], $0x3E80  }
0x54: {  	p0 =	sne.s32 s14, s4;
	[sflag:s9] =	ssyncset.done $0x0  }
.Ltmp1:
0x55: {  	[sflag:s9] =	ssyncadd.s32 $0xFFFFC180;
	(pc) =	sbr.rel @p0 .LBB2_1-.Ltmp1, $4  }
0x56: {  	[hbm4b:s15+s2] =	stream.linear.scatter [tilespmem:s12], [sflag:$0x2], $0x3E80, $0x38;
	[tilespmem:$0x84D0] =	vst v63  }
0x57: {  	_ =	swait.ge [sflag:s9], $0x3E80  }
0x58: {  	[sflag:s9] =	ssyncset.done $0x0  }
0x59: {  	[sflag:s9] =	ssyncadd.s32 $0xFFFFC180  }
0x5a: {  	_ =	sfence.sel $0x180000  }
0x5b: {  	[bflag:$0x0] =	sbarrier.arrive $0xFFFF  }
0x5c: {  	p0 =	sne.s32 s1, $0x0;
	_ =	strace $0x9000004A  }
0x5d: {  	s0 =	sadd.s32 @!p0 $0x100000, s0;
	[bflag:$0x2] =	sbarrier.arrive $0xFFFF  }
0x5e: {  	[sflag:s0] =	ssyncadd.tile.s32 @!p0 $0x1;
	_ =	shalt  }
.Lfunc_end2:
_tile_overlayer_lowered:
.L_overlay_start_2:
0x5f: {  	(tag) =	ssettag $0x2  }
0x60: {  	s0 =	rddreg [dreg:$0x0];
	s2 =	stileid.u32  }
0x61: {  	s1 =	rddreg [dreg:$0x1];
	p0 =	sne.s32 s2, $0x0  }
0x62: {  	s3 =	rddreg [dreg:$0x2];
	[bflag:$0x3] =	sbarrier.arrive $0xFFFF;
	s2 =	simm.s32 @!p0 $0x1C02  }
0x63: {  	[timem:s3], [sflag:s2] =	dma.local @!p0 [hbm:s0], s1  }
0x64: {  	s0 =	simm.s32 @!p0 $0x2  }
0x65: {  	_ =	swait.ge @!p0 [sflag:s0], s1  }
0x66: {  	s1 =	ssub.s32 @!p0 $0x0, s1;
	[sflag:s0] =	ssyncset.done @!p0 $0x0  }
0x67: {  	[sflag:s0] =	ssyncadd.s32 @!p0 s1  }
0x68: {  	[bflag:$0x3] =	sbarrier.arrive $0xFFFF  }
0x69: {  	_ =	shalt  }

// kernel: kernel.19.cloned.1.call-start
scs
__scs_entry_jumppad:
0x0: {  	(pc) =	sbr.rel $0x88, $3  }
0x1: {  	(tag) =	ssettag $0x0;
	lr =	simm.s32 $0x1  }
0x2: {  	[smem:$0x3F87] =	sst lr;
	_ =	strace $0xD0000000  }
0x3: {  	_ = 	snop  }
0x4: {  	_ = 	snop  }
0x5: {  	_ = 	snop  }
0x6: {  	_ = 	snop  }
0x7: {  	_ = 	snop  }
__scs_overlays_trampoline_lowered:
0x8: {  	[smem:$0x3F96] =	sst s0  }
0x9: {  	[smem:$0x3F97] =	sst s1  }
0xa: {  	[smem:$0x3F98] =	sst s2  }
0xb: {  	[smem:$0x3F99] =	sst s3  }
0xc: {  	[smem:$0x3F9A] =	sst s4  }
0xd: {  	[smem:$0x3F9B] =	sst s5  }
0xe: {  	[smem:$0x3F9C] =	sst s6  }
0xf: {  	[smem:$0x3F9D] =	sst s7  }
0x10: {  	[smem:$0x3F9E] =	sst s8  }
0x11: {  	[smem:$0x3F9F] =	sst s9;
	s0 =	simm.s32 @!p0 $0x0  }
0x12: {  	s1 =	sld [smem:$0x3F85];
	s0 =	simm.s32 @p0 $0x1  }
0x13: {  	[smem:$0x3FA0] =	sst s0;
	s0 =	simm.s32 @!p1 $0x0  }
0x14: {  	s2 =	sld [smem:$0x3F84];
	s0 =	simm.s32 @p1 $0x1  }
0x15: {  	[smem:$0x3FA1] =	sst s0;
	s0 =	simm.s32 @!p2 $0x0  }
0x16: {  	s3 =	sld [smem:$0x3FDB];
	s0 =	simm.s32 @p2 $0x1  }
0x17: {  	s4 =	simm.s32 $0x1BF5;
	[smem:$0x3FA3] =	sst s0  }
0x18: {  	s0 =	sld [smem:$0x3F86];
	_ =	swait.ge [sflag:s4], $0x0  }
0x19: {  	s7 =	sld [smem:$0x3F87]  }
0x1a: {  	s8 =	sadd.s32 $0xFFFFE003, lr  }
0x1b: {  	s9 =	sadd.s32 $0xFFFFFEF7, lr;
	s5 =	simm.s32 $0xFFFFFFFF;
	p2 =	slt.u32 s8, $0xFFFFF086  }
0x1c: {  	p1 =	slt.u32 s9, $0xF7A;
	s5 =	simm.s32 @!p2 $0x0  }
0x1d: {  	s5 =	simm.s32 @p1 $0x1;
	p0 =	seq.s32 s7, s2  }
0x1e: {  	s7 =	smul.u32 @!p0 $0xF7A, s2;
	p2 =	seq.s32 @!p0 s5, $0x0  }
0x1f: {  	s9 =	smul.u32 $0xF7A, s1;
	s8 =	simm.s32 @!p0 $0x1BF5;
	p2 =	por !p2, p0  }
0x20: {  	[sflag:s8] =	ssyncset.s32 @!p0 $0xFFFFF086;
	s6 =	sadd.s32 @!p0 s3, s7;
	s7 =	simm.s32 @!p0 $0x108  }
0x21: {  	s3 =	sadd.s32 s3, s9;
	s6 =	sadd.s32 @!p0 $0x88, s6;
	s7 =	simm.s32 @p2 $0x1082  }
0x22: {  	[simem:s7], [sflag:s8] =	dma.local @!p0 [hbm:s6], $0xF7A  }
0x23: {  	s9 =	sor.u32 $0xD0000000, s2;
	s6 =	simm.s32 $0x108;
	_ =	swait.ge @!p0 [sflag:s8], $0x0  }
0x24: {  	s3 =	sadd.s32 $0x88, s3;
	s6 =	simm.s32 @!p1 $0x1082;
	[sflag:s4] =	ssyncset.s32 $0xFFFFF086  }
0x25: {  	[simem:s6], [sflag:s4] =	dma.local [hbm:s3], $0xF7A  }
0x26: {  	[smem:$0x3F87] =	sst s1;
	(tag) =	ssettag s2;
	_ =	strace s9  }
0x27: {  	s1 =	sld [smem:$0x3F97]  }
0x28: {  	s2 =	sld [smem:$0x3F98]  }
0x29: {  	s4 =	sld [smem:$0x3F9A]  }
0x2a: {  	p0 =	seq.s32 s5, $0x0;
	s5 =	sld [smem:$0x3F9B]  }
0x2b: {  	s6 =	sld [smem:$0x3F9C]  }
0x2c: {  	s7 =	sld [smem:$0x3F9D]  }
0x2d: {  	s3 =	simm.s32 $0x108;
	s8 =	sld [smem:$0x3F9E]  }
0x2e: {  	s3 =	simm.s32 @!p0 $0x1082;
	s9 =	sld [smem:$0x3F9F]  }
0x2f: {  	lr =	sadd.s32 s0, s3;
	s0 =	sld [smem:$0x3F96]  }
0x30: {  	s3 =	sld [smem:$0x3F99]  }
0x31: {  	[smem:$0x3FA2] =	sst s10  }
0x32: {  	s10 =	sld [smem:$0x3FA0];
	_ =	sdelay $0x3  }
0x33: {  	p0 =	seq.s32 s10, $0x1;
	s10 =	sld [smem:$0x3FA2];
	_ =	sdelay $0x3  }
0x34: {  	[smem:$0x3FA2] =	sst s10  }
0x35: {  	s10 =	sld [smem:$0x3FA1];
	_ =	sdelay $0x3  }
0x36: {  	p1 =	seq.s32 s10, $0x1;
	s10 =	sld [smem:$0x3FA2];
	_ =	sdelay $0x3  }
0x37: {  	[smem:$0x3FA2] =	sst s10  }
0x38: {  	s10 =	sld [smem:$0x3FA3]  }
0x39: {  	_ = 	snop;
	(pc) =	sbr.ind lr, $3  }
0x3a: {  	_ = 	snop  }
0x3b: {  	_ = 	snop  }
0x3c: {  	p2 =	seq.s32 s10, $0x1;
	s10 =	sld [smem:$0x3FA2]  }
0x3d: {  	_ =	shalt  }
0x3e: {  	_ =	shalt  }
0x3f: {  	_ =	shalt  }
0x40: {  	_ =	shalt  }
0x41: {  	_ =	shalt  }
0x42: {  	_ =	shalt  }
0x43: {  	_ =	shalt  }
0x44: {  	_ =	shalt  }
0x45: {  	_ =	shalt  }
0x46: {  	_ =	shalt  }
0x47: {  	_ =	shalt  }
0x48: {  	_ =	shalt  }
0x49: {  	_ =	shalt  }
0x4a: {  	_ =	shalt  }
0x4b: {  	_ =	shalt  }
0x4c: {  	_ =	shalt  }
0x4d: {  	_ =	shalt  }
0x4e: {  	_ =	shalt  }
0x4f: {  	_ =	shalt  }
0x50: {  	_ =	shalt  }
0x51: {  	_ =	shalt  }
0x52: {  	_ =	shalt  }
0x53: {  	_ =	shalt  }
0x54: {  	_ =	shalt  }
0x55: {  	_ =	shalt  }
0x56: {  	_ =	shalt  }
0x57: {  	_ =	shalt  }
0x58: {  	_ =	shalt  }
0x59: {  	_ =	shalt  }
0x5a: {  	_ =	shalt  }
0x5b: {  	_ =	shalt  }
0x5c: {  	_ =	shalt  }
0x5d: {  	_ =	shalt  }
0x5e: {  	_ =	shalt  }
0x5f: {  	_ =	shalt  }
0x60: {  	_ =	shalt  }
0x61: {  	_ =	shalt  }
0x62: {  	_ =	shalt  }
0x63: {  	_ =	shalt  }
0x64: {  	_ =	shalt  }
0x65: {  	_ =	shalt  }
0x66: {  	_ =	shalt  }
0x67: {  	_ =	shalt  }
0x68: {  	_ =	shalt  }
0x69: {  	_ =	shalt  }
0x6a: {  	_ =	shalt  }
0x6b: {  	_ =	shalt  }
0x6c: {  	_ =	shalt  }
0x6d: {  	_ =	shalt  }
0x6e: {  	_ =	shalt  }
0x6f: {  	_ =	shalt  }
0x70: {  	_ =	shalt  }
0x71: {  	_ =	shalt  }
0x72: {  	_ =	shalt  }
0x73: {  	_ =	shalt  }
0x74: {  	_ =	shalt  }
0x75: {  	_ =	shalt  }
0x76: {  	_ =	shalt  }
0x77: {  	_ =	shalt  }
0x78: {  	_ =	shalt  }
0x79: {  	_ =	shalt  }
0x7a: {  	_ =	shalt  }
0x7b: {  	_ =	shalt  }
0x7c: {  	_ =	shalt  }
0x7d: {  	_ =	shalt  }
0x7e: {  	_ =	shalt  }
0x7f: {  	_ =	shalt  }
0x80: {  	_ =	shalt  }
0x81: {  	_ =	shalt  }
0x82: {  	_ =	shalt  }
0x83: {  	_ =	shalt  }
0x84: {  	_ =	shalt  }
0x85: {  	_ =	shalt  }
0x86: {  	_ =	shalt  }
0x87: {  	_ =	shalt  }
.Lfunc_end0:
.L_simem_size_0:
called_computation.2_lowered:
.L_overlay_start_0:
0x88: {  	s2 =	sld [smem:$0x3FD9]  }
0x89: {  	s3 =	sld [smem:$0x3FFE];
	_ =	sdelay $0x1  }
0x8a: {  	s1 =	srdreg.scid  }
0x8b: {  	s0 =	sand.u32 $0x1, s1  }
0x8c: {  	s17 =	sshll.u32 s0, $0xA;
	s2 =	sadd.s32 s3, s2  }
0x8d: {  	s2 =	sadd.s32 s2, s17  }
0x8e: {  	[smem:$0x3FAE] =	sst s2  }
0x8f: {  	_ = 	snop  }
0x90: {  	(tm) =	ssettm $0x1  }
0x91: {  	s18 =	sld [smem:$0x3FFB];
	_ =	sdelay $0x3  }
0x92: {  	_ =	strace s18  }
0x93: {  	s2 =	sld [smem:$0x3FFC];
	_ =	sdelay $0x3  }
0x94: {  	_ =	strace s2  }
0x95: {  	s2 =	sld [smem:$0x3FFD];
	_ =	sdelay $0x3  }
0x96: {  	_ =	strace s2  }
0x97: {  	_ =	strace $0x8FFFFFFF  }
0x98: {  	s19 =	sld [smem:$0x3FDB];
	_ =	sdelay $0x1  }
0x99: {  	s20 =	simm.s32 $_scs_section_size  }
0x9a: {  	s4 =	simm.s32 $_size__tile_overlayer_lowered;
	s5 =	simm.s32 $_tile_overlayer_lowered  }
0x9b: {  	s6 =	simm.s32 $0x1BFF;
	s21 =	sshll.u32 s5, $0x1;
	s3 =	sadd.s32 s20, s19  }
0x9c: {  	s22 =	simm.s32 $0x0;
	s4 =	sshll.u32 s4, $0x1;
	s5 =	sadd.s32 s21, s3  }
0x9d: {  	[timem:s22], [sflag:s6] =	dma.local [hbm:s5], s4  }
0x9e: {  	_ =	swait.ge [sflag:s6], s4  }
0x9f: {  	s4 =	ssub.s32 $0x0, s4;
	[sflag:s6] =	ssyncset.done $0x0  }
0xa0: {  	[sflag:s6] =	ssyncadd.s32 s4;
	_ =	sdelay $0x1  }
0xa1: {  	s23 =	simm.s32 $0x1B8B  }
0xa2: {  	_ =	swait.ge [sflag:s23], $0x1  }
0xa3: {  	[sflag:s23] =	ssyncset.done $0x0  }
0xa4: {  	[sflag:s23] =	ssyncadd.s32 $0xFFFFFFFF  }
0xa5: {  	s4 =	sld [smem:$0x0]  }
0xa6: {  	s5 =	sand.u32 $0xFFFFFFFE, s1  }
0xa7: {  	p0 =	sne.s32 s1, s5  }
0xa8: {  	s5 =	sshll.u32 @p0 s5, $0xE  }
0xa9: {  	s5 =	sadd.s32 @p0 $0x11B8D, s5;
	s6 =	sshll.u32 @p0 s4, $0x11  }
0xaa: {  	s5 =	sor.u32 @p0 s6, s5  }
0xab: {  	[sflag:s5] =	ssyncadd.remote.s32 @p0 $0x1;
	_ =	sdelay $0x1  }
0xac: {  	s5 =	simm.s32 @p0 $0x1B8D  }
0xad: {  	_ =	swait.eq @p0 [sflag:s5], $0x1  }
0xae: {  	[sflag:s5] =	ssyncadd.s32 @p0 $0xFFFFFFFF  }
0xaf: {  	s6 =	sshll.u32 @!p0 s1, $0xE  }
0xb0: {  	s6 =	sor.u32 @!p0 $0x4000, s6;
	s5 =	simm.s32 @!p0 $0x1B8D  }
0xb1: {  	s4 =	sshll.u32 @!p0 s4, $0x11;
	s6 =	sadd.s32 @!p0 $0x11B8D, s6;
	_ =	swait.eq @!p0 [sflag:s5], $0x1  }
0xb2: {  	s4 =	sor.u32 @!p0 s4, s6;
	[sflag:s5] =	ssyncadd.s32 @!p0 $0xFFFFFFFF  }
0xb3: {  	s25 =	simm.s32 $0x1B8E;
	s24 =	sld [smem:$0x3FFE];
	[sflag:s4] =	ssyncadd.remote.s32 @!p0 $0x1  }
0xb4: {  	s26 =	simm.s32 $execute0_lowered;
	[smem:$0x3FD2] =	sst s25  }
0xb5: {  	s5 =	sshll.u32 s26, $0x1;
	_ =	strace $0x80000058;
	[dreg:$0x1] =	wrdreg $0xFFFFFFFF  }
0xb6: {  	s28 =	simm.s32 $_size_execute0_lowered;
	s3 =	sadd.s32 s3, s5;
	[dreg:$0x0] =	wrdreg $0x0  }
0xb7: {  	s5 =	sshll.u32 s28, $0x1;
	[dreg:$0x2] =	wrdreg s3  }
0xb8: {  	[dreg:$0x3] =	wrdreg s5  }
0xb9: {  	[dreg:$0x4] =	wrdreg $0xC0  }
0xba: {  	_ =	task [dreg:s22], $0x5FFFF  }
0xbb: {  	[dreg:$0x1] =	wrdreg $0xFFFFFFFF  }
0xbc: {  	[dreg:$0x0] =	wrdreg $0x60  }
0xbd: {  	[dreg:$0x2] =	wrdreg s24  }
0xbe: {  	[dreg:$0x3] =	wrdreg $0x65000  }
0xbf: {  	[dreg:$0x4] =	wrdreg $0xA  }
0xc0: {  	_ =	task.clear_ibuf [dreg:s22], $0x5FFFF;
	_ =	strace $0x90000058  }
0xc1: {  	s29 =	simm.s32 $0xA;
	_ =	strace $0x8000005A  }
0xc2: {  	_ =	swait.ge [sflag:s29], $0x1  }
0xc3: {  	[sflag:s29] =	ssyncadd.s32 $0xFFFFFFFF  }
0xc4: {  	_ =	strace $0x9000005A  }
0xc5: {  	_ =	sfence  }
0xc6: {  	s30 =	sld [smem:$0x0];
	_ =	sdelay $0x2  }
0xc7: {  	s31 =	sshll.u32 s1, $0xD;
	s1 =	sshrl.u32 s1, $0x2  }
0xc8: {  	s4 =	sand.u32 $0x4000, s31;
	s1 =	sadd.s32 s1, s30  }
0xc9: {  	s0 =	sor.u32 s4, s0;
	s1 =	sshll.u32 s1, $0x11  }
0xca: {  	s0 =	sor.u32 s1, s0  }
0xcb: {  	s0 =	sadd.s32 $0x8F2B, s0  }
0xcc: {  	[sflag:s0] =	ssyncadd.remote.s32 $0x1  }
0xcd: {  	_ =	sfence.sel $0xFFFF  }
0xce: {  	[dreg:$0x0] =	wrdreg $0xFFFFFFFF;
	(pc) =	sbr.abs _section_cstart, $3  }
0xcf: {  	[dreg:$0x1] =	wrdreg $0xFFFFFFFF  }
0xd0: {  	_ =	task.clear_ibuf [dreg:s22], $0x2FFFF;
	_ =	strace $0x9FFFFFFF  }
0xd1: {  	(tm) =	ssettm $0x7FFFFFFF  }
tec
execute0_lowered:
.L_overlay_start_1:
0x0: {  	(tag) =	ssettag $0x1  }
0x1: {  	s0 =	stileid.u32  }
0x2: {  	s1 =	srdreg.scid;
	s4 =	smul.u32 $0x27100, s0  }
0x3: {  	s5 =	rddreg [dreg:$0x0];
	s7 =	smul.u32 $0x2710, s0  }
0x4: {  	s2 =	rddreg [dreg:$0x1];
	s3 =	simm.s32 $0x0;
	s22 =	smul.u32 $0x14000, s0  }
0x5: {  	s13 =	simm.s32 $0xC8;
	s6 =	sand.u32 $0x1, s1;
	s26 =	smul.u32 $0x50000, s0  }
0x6: {  	s14 =	simm.s32 $0x0;
	s1 =	rddreg [dreg:$0x2];
	s8 =	smul.u32 $0x1388, s6  }
0x7: {  	[smem:$0x7FF] =	sst s3;
	s30 =	sshll.u32 s0, $0x6;
	s9 =	smul.u32 $0x140000, s6  }
0x8: {  	_ =	strace $0x80000059;
	s25 =	ssub.s32 $0x2, s6;
	s6 =	smul.u32 $0x13880, s6  }
0x9: {  	s10 =	sadd.s32 s4, s5;
	s4 =	sadd.s32 $0x7E00, s5;
	s28 =	sshrl.u32 s25, $0x1  }
0xa: {  	s29 =	sshrl.u32 s26, $0x2;
	s7 =	sadd.s32 s8, s7;
	s24 =	sadd.s32 s22, s9  }
0xb: {  	s8 =	ssub.s32 s25, s28;
	s12 =	sadd.s32 s29, s2;
	s31 =	sadd.s32 s6, s10  }
0xc: {  	s23 =	sshrl.u32 s7, $0x3;
	s7 =	sshrl.u32 s24, $0x3;
	s10 =	sshrl.u32 s12, $0x3  }
0xd: {  	s12 =	simm.s32 $0x100;
	s11 =	sadd.s32 s23, s5;
	s7 =	sadd.s32 s7, s5  }
0xe: {  	s5 =	sor.u32 $0x1C01, s30;
	s6 =	sadd.s32 $0x2D1000, s7;
	s7 =	smax.u32 s8, $0x1  }
0xf: {  	s8 =	sadd.s32 $0xB1DA00, s31;
	s9 =	sadd.s32 $0xCE00, s11;
	s11 =	simm.s32 $0x1  }
.LBB2_1:
0x10: {  	[spmem:s10], [sflag:s5] =	dma.local [hbm:s4], $0x2800  }
0x11: {  	_ =	swait.ge [sflag:s11], $0x2800  }
0x12: {  	[sflag:s11] =	ssyncset.done $0x0  }
0x13: {  	[sflag:s11] =	ssyncadd.s32 $0xFFFFD800  }
0x14: {  	s15 =	sadd.s32 $0x0, s9;
	[bflag:$0x0] =	sbarrier.arrive $0xFFFF  }
0x15: {  	[tilespmem:s3], [sflag:$0x1] =	stream.linear.gather [hbm4b:s15+s3], $0xC8, $0x38;
	[tilespmem:$0x1A500] =	vst v63  }
0x16: {  	_ =	swait.ge [sflag:s11], $0xC8  }
0x17: {  	[sflag:s11] =	ssyncset.done $0x0  }
0x18: {  	[sflag:s11] =	ssyncadd.s32 $0xFFFFFF38  }
0x19: {  	[tilespmem:s12], [sflag:$0x1] =	stream.linear.gather [hbm4b:s8+s3], $0x6400, $0x38;
	[tilespmem:$0x1A500] =	vst v63  }
0x1a: {  	_ =	swait.ge [sflag:s11], $0x6400  }
0x1b: {  	[sflag:s11] =	ssyncset.done $0x0  }
0x1c: {  	[sflag:s11] =	ssyncadd.s32 $0xFFFF9C00  }
0x1d: {  	[spmem:s2] =	stream.indirect.scatter.add.f32 [tilespmem:s12], [sflag:$0x1], $0x80, s3, s13, $0xb8;
	[tilespmem:$0x1A500] =	vst v63  }
0x1e: {  	s16 =	simm.s32 $0x19;
	_ =	swait.ge [sflag:s11], $0x6400  }
0x1f: {  	s17 =	simm.s32 $0x32;
	s15 =	sadd.s32 $0xC80, s8;
	[sflag:s11] =	ssyncset.done $0x0  }
.LBB2_2:
0x20: {  	s18 =	sadd.s32 s16, s9  }
0x21: {  	[sflag:s11] =	ssyncadd.s32 $0xFFFF9C00;
	s16 =	smov.u32 s17;
	s19 =	sadd.s32 $0x19, s17  }
0x22: {  	[tilespmem:s3], [sflag:$0x1] =	stream.linear.gather [hbm4b:s18+s3], $0xC8, $0x38;
	[tilespmem:$0x1A500] =	vst v63  }
0x23: {  	p0 =	sne.s32 s17, $0x258;
	_ =	swait.ge [sflag:s11], $0xC8  }
0x24: {  	[sflag:s11] =	ssyncset.done $0x0  }
0x25: {  	[sflag:s11] =	ssyncadd.s32 $0xFFFFFF38  }
0x26: {  	[tilespmem:s12], [sflag:$0x1] =	stream.linear.gather [hbm4b:s15+s3], $0x6400, $0x38;
	[tilespmem:$0x1A500] =	vst v63  }
0x27: {  	_ =	swait.ge [sflag:s11], $0x6400  }
.Ltmp0:
0x28: {  	[sflag:s11] =	ssyncset.done $0x0;
	(pc) =	sbr.rel @p0 .LBB2_2-.Ltmp0, $4  }
0x29: {  	[sflag:s11] =	ssyncadd.s32 $0xFFFF9C00  }
0x2a: {  	[spmem:s2] =	stream.indirect.scatter.add.f32 [tilespmem:s12], [sflag:$0x1], $0x80, s3, s13, $0xb8;
	[tilespmem:$0x1A500] =	vst v63  }
0x2b: {  	_ =	swait.ge [sflag:s11], $0x6400  }
0x2c: {  	s17 =	smov.u32 s19;
	s15 =	sadd.s32 $0xC80, s15;
	[sflag:s11] =	ssyncset.done $0x0  }
0x2d: {  	s16 =	sadd.s32 s16, s9;
	[sflag:s11] =	ssyncadd.s32 $0xFFFF9C00  }
0x2e: {  	[tilespmem:s3], [sflag:$0x1] =	stream.linear.gather [hbm4b:s16+s3], $0xC8, $0x38;
	[tilespmem:$0x1A500] =	vst v63  }
0x2f: {  	_ =	swait.ge [sflag:s11], $0xC8  }
0x30: {  	[sflag:s11] =	ssyncset.done $0x0  }
0x31: {  	[sflag:s11] =	ssyncadd.s32 $0xFFFFFF38  }
0x32: {  	[tilespmem:s12], [sflag:$0x1] =	stream.linear.gather [hbm4b:s15+s3], $0x6400, $0x38;
	[tilespmem:$0x1A500] =	vst v63  }
0x33: {  	_ =	swait.ge [sflag:s11], $0x6400  }
0x34: {  	[sflag:s11] =	ssyncset.done $0x0  }
0x35: {  	[sflag:s11] =	ssyncadd.s32 $0xFFFF9C00  }
0x36: {  	[spmem:s2] =	stream.indirect.scatter.add.f32 [tilespmem:s12], [sflag:$0x1], $0x80, s3, s13, $0xb8;
	[tilespmem:$0x1A500] =	vst v63  }
0x37: {  	_ =	swait.ge [sflag:s11], $0x6400  }
0x38: {  	s14 =	sadd.s32 $0x1, s14;
	[sflag:s11] =	ssyncset.done $0x0  }
0x39: {  	p0 =	sne.s32 s14, s7;
	[sflag:s11] =	ssyncadd.s32 $0xFFFF9C00  }
.Ltmp1:
0x3a: {  	[bflag:$0x0] =	sbarrier.arrive $0xFFFF;
	(pc) =	sbr.rel @p0 .LBB2_1-.Ltmp1, $4  }
0x3b: {  	[hbm:s6], [sflag:s5] =	dma.local [spmem:s10], $0x2800  }
0x3c: {  	_ =	swait.ge [sflag:s11], $0x2800  }
0x3d: {  	[sflag:s11] =	ssyncset.done $0x0  }
0x3e: {  	[sflag:s11] =	ssyncadd.s32 $0xFFFFD800  }
0x3f: {  	_ =	sfence.sel $0x180000  }
0x40: {  	[bflag:$0x0] =	sbarrier.arrive $0xFFFF  }
0x41: {  	p0 =	sne.s32 s0, $0x0;
	_ =	strace $0x90000059  }
0x42: {  	s0 =	sadd.s32 @!p0 $0x100000, s1;
	[bflag:$0x2] =	sbarrier.arrive $0xFFFF  }
0x43: {  	[sflag:s0] =	ssyncadd.tile.s32 @!p0 $0x1;
	_ =	shalt  }
.Lfunc_end2:
_tile_overlayer_lowered:
.L_overlay_start_2:
0x44: {  	(tag) =	ssettag $0x2  }
0x45: {  	s0 =	rddreg [dreg:$0x0];
	s2 =	stileid.u32  }
0x46: {  	s1 =	rddreg [dreg:$0x1];
	p0 =	sne.s32 s2, $0x0  }
0x47: {  	s3 =	rddreg [dreg:$0x2];
	[bflag:$0x3] =	sbarrier.arrive $0xFFFF;
	s2 =	simm.s32 @!p0 $0x1C01  }
0x48: {  	[timem:s3], [sflag:s2] =	dma.local @!p0 [hbm:s0], s1  }
0x49: {  	s0 =	simm.s32 @!p0 $0x1  }
0x4a: {  	_ =	swait.ge @!p0 [sflag:s0], s1  }
0x4b: {  	s1 =	ssub.s32 @!p0 $0x0, s1;
	[sflag:s0] =	ssyncset.done @!p0 $0x0  }
0x4c: {  	[sflag:s0] =	ssyncadd.s32 @!p0 s1  }
0x4d: {  	[bflag:$0x3] =	sbarrier.arrive $0xFFFF  }
0x4e: {  	_ =	shalt  }

// kernel: kernel.22.cloned.1.call-start
scs
__scs_entry_jumppad:
0x0: {  	(pc) =	sbr.rel $0x88, $3  }
0x1: {  	(tag) =	ssettag $0x0;
	lr =	simm.s32 $0x1  }
0x2: {  	[smem:$0x3F87] =	sst lr;
	_ =	strace $0xD0000000  }
0x3: {  	_ = 	snop  }
0x4: {  	_ = 	snop  }
0x5: {  	_ = 	snop  }
0x6: {  	_ = 	snop  }
0x7: {  	_ = 	snop  }
__scs_overlays_trampoline_lowered:
0x8: {  	[smem:$0x3F96] =	sst s0  }
0x9: {  	[smem:$0x3F97] =	sst s1  }
0xa: {  	[smem:$0x3F98] =	sst s2  }
0xb: {  	[smem:$0x3F99] =	sst s3  }
0xc: {  	[smem:$0x3F9A] =	sst s4  }
0xd: {  	[smem:$0x3F9B] =	sst s5  }
0xe: {  	[smem:$0x3F9C] =	sst s6  }
0xf: {  	[smem:$0x3F9D] =	sst s7  }
0x10: {  	[smem:$0x3F9E] =	sst s8  }
0x11: {  	[smem:$0x3F9F] =	sst s9;
	s0 =	simm.s32 @!p0 $0x0  }
0x12: {  	s1 =	sld [smem:$0x3F85];
	s0 =	simm.s32 @p0 $0x1  }
0x13: {  	[smem:$0x3FA0] =	sst s0;
	s0 =	simm.s32 @!p1 $0x0  }
0x14: {  	s2 =	sld [smem:$0x3F84];
	s0 =	simm.s32 @p1 $0x1  }
0x15: {  	[smem:$0x3FA1] =	sst s0;
	s0 =	simm.s32 @!p2 $0x0  }
0x16: {  	s3 =	sld [smem:$0x3FDB];
	s0 =	simm.s32 @p2 $0x1  }
0x17: {  	s4 =	simm.s32 $0x1BF5;
	[smem:$0x3FA3] =	sst s0  }
0x18: {  	s0 =	sld [smem:$0x3F86];
	_ =	swait.ge [sflag:s4], $0x0  }
0x19: {  	s7 =	sld [smem:$0x3F87]  }
0x1a: {  	s8 =	sadd.s32 $0xFFFFE003, lr  }
0x1b: {  	s9 =	sadd.s32 $0xFFFFFEF7, lr;
	s5 =	simm.s32 $0xFFFFFFFF;
	p2 =	slt.u32 s8, $0xFFFFF086  }
0x1c: {  	p1 =	slt.u32 s9, $0xF7A;
	s5 =	simm.s32 @!p2 $0x0  }
0x1d: {  	s5 =	simm.s32 @p1 $0x1;
	p0 =	seq.s32 s7, s2  }
0x1e: {  	s7 =	smul.u32 @!p0 $0xF7A, s2;
	p2 =	seq.s32 @!p0 s5, $0x0  }
0x1f: {  	s9 =	smul.u32 $0xF7A, s1;
	s8 =	simm.s32 @!p0 $0x1BF5;
	p2 =	por !p2, p0  }
0x20: {  	[sflag:s8] =	ssyncset.s32 @!p0 $0xFFFFF086;
	s6 =	sadd.s32 @!p0 s3, s7;
	s7 =	simm.s32 @!p0 $0x108  }
0x21: {  	s3 =	sadd.s32 s3, s9;
	s6 =	sadd.s32 @!p0 $0x88, s6;
	s7 =	simm.s32 @p2 $0x1082  }
0x22: {  	[simem:s7], [sflag:s8] =	dma.local @!p0 [hbm:s6], $0xF7A  }
0x23: {  	s9 =	sor.u32 $0xD0000000, s2;
	s6 =	simm.s32 $0x108;
	_ =	swait.ge @!p0 [sflag:s8], $0x0  }
0x24: {  	s3 =	sadd.s32 $0x88, s3;
	s6 =	simm.s32 @!p1 $0x1082;
	[sflag:s4] =	ssyncset.s32 $0xFFFFF086  }
0x25: {  	[simem:s6], [sflag:s4] =	dma.local [hbm:s3], $0xF7A  }
0x26: {  	[smem:$0x3F87] =	sst s1;
	(tag) =	ssettag s2;
	_ =	strace s9  }
0x27: {  	s1 =	sld [smem:$0x3F97]  }
0x28: {  	s2 =	sld [smem:$0x3F98]  }
0x29: {  	s4 =	sld [smem:$0x3F9A]  }
0x2a: {  	p0 =	seq.s32 s5, $0x0;
	s5 =	sld [smem:$0x3F9B]  }
0x2b: {  	s6 =	sld [smem:$0x3F9C]  }
0x2c: {  	s7 =	sld [smem:$0x3F9D]  }
0x2d: {  	s3 =	simm.s32 $0x108;
	s8 =	sld [smem:$0x3F9E]  }
0x2e: {  	s3 =	simm.s32 @!p0 $0x1082;
	s9 =	sld [smem:$0x3F9F]  }
0x2f: {  	lr =	sadd.s32 s0, s3;
	s0 =	sld [smem:$0x3F96]  }
0x30: {  	s3 =	sld [smem:$0x3F99]  }
0x31: {  	[smem:$0x3FA2] =	sst s10  }
0x32: {  	s10 =	sld [smem:$0x3FA0];
	_ =	sdelay $0x3  }
0x33: {  	p0 =	seq.s32 s10, $0x1;
	s10 =	sld [smem:$0x3FA2];
	_ =	sdelay $0x3  }
0x34: {  	[smem:$0x3FA2] =	sst s10  }
0x35: {  	s10 =	sld [smem:$0x3FA1];
	_ =	sdelay $0x3  }
0x36: {  	p1 =	seq.s32 s10, $0x1;
	s10 =	sld [smem:$0x3FA2];
	_ =	sdelay $0x3  }
0x37: {  	[smem:$0x3FA2] =	sst s10  }
0x38: {  	s10 =	sld [smem:$0x3FA3]  }
0x39: {  	_ = 	snop;
	(pc) =	sbr.ind lr, $3  }
0x3a: {  	_ = 	snop  }
0x3b: {  	_ = 	snop  }
0x3c: {  	p2 =	seq.s32 s10, $0x1;
	s10 =	sld [smem:$0x3FA2]  }
0x3d: {  	_ =	shalt  }
0x3e: {  	_ =	shalt  }
0x3f: {  	_ =	shalt  }
0x40: {  	_ =	shalt  }
0x41: {  	_ =	shalt  }
0x42: {  	_ =	shalt  }
0x43: {  	_ =	shalt  }
0x44: {  	_ =	shalt  }
0x45: {  	_ =	shalt  }
0x46: {  	_ =	shalt  }
0x47: {  	_ =	shalt  }
0x48: {  	_ =	shalt  }
0x49: {  	_ =	shalt  }
0x4a: {  	_ =	shalt  }
0x4b: {  	_ =	shalt  }
0x4c: {  	_ =	shalt  }
0x4d: {  	_ =	shalt  }
0x4e: {  	_ =	shalt  }
0x4f: {  	_ =	shalt  }
0x50: {  	_ =	shalt  }
0x51: {  	_ =	shalt  }
0x52: {  	_ =	shalt  }
0x53: {  	_ =	shalt  }
0x54: {  	_ =	shalt  }
0x55: {  	_ =	shalt  }
0x56: {  	_ =	shalt  }
0x57: {  	_ =	shalt  }
0x58: {  	_ =	shalt  }
0x59: {  	_ =	shalt  }
0x5a: {  	_ =	shalt  }
0x5b: {  	_ =	shalt  }
0x5c: {  	_ =	shalt  }
0x5d: {  	_ =	shalt  }
0x5e: {  	_ =	shalt  }
0x5f: {  	_ =	shalt  }
0x60: {  	_ =	shalt  }
0x61: {  	_ =	shalt  }
0x62: {  	_ =	shalt  }
0x63: {  	_ =	shalt  }
0x64: {  	_ =	shalt  }
0x65: {  	_ =	shalt  }
0x66: {  	_ =	shalt  }
0x67: {  	_ =	shalt  }
0x68: {  	_ =	shalt  }
0x69: {  	_ =	shalt  }
0x6a: {  	_ =	shalt  }
0x6b: {  	_ =	shalt  }
0x6c: {  	_ =	shalt  }
0x6d: {  	_ =	shalt  }
0x6e: {  	_ =	shalt  }
0x6f: {  	_ =	shalt  }
0x70: {  	_ =	shalt  }
0x71: {  	_ =	shalt  }
0x72: {  	_ =	shalt  }
0x73: {  	_ =	shalt  }
0x74: {  	_ =	shalt  }
0x75: {  	_ =	shalt  }
0x76: {  	_ =	shalt  }
0x77: {  	_ =	shalt  }
0x78: {  	_ =	shalt  }
0x79: {  	_ =	shalt  }
0x7a: {  	_ =	shalt  }
0x7b: {  	_ =	shalt  }
0x7c: {  	_ =	shalt  }
0x7d: {  	_ =	shalt  }
0x7e: {  	_ =	shalt  }
0x7f: {  	_ =	shalt  }
0x80: {  	_ =	shalt  }
0x81: {  	_ =	shalt  }
0x82: {  	_ =	shalt  }
0x83: {  	_ =	shalt  }
0x84: {  	_ =	shalt  }
0x85: {  	_ =	shalt  }
0x86: {  	_ =	shalt  }
0x87: {  	_ =	shalt  }
.Lfunc_end0:
.L_simem_size_0:
called_computation.3_lowered:
.L_overlay_start_0:
0x88: {  	s2 =	sld [smem:$0x3FD9]  }
0x89: {  	s3 =	sld [smem:$0x3FFE];
	_ =	sdelay $0x1  }
0x8a: {  	s1 =	srdreg.scid  }
0x8b: {  	s0 =	sand.u32 $0x1, s1  }
0x8c: {  	s15 =	sshll.u32 s0, $0xA;
	s2 =	sadd.s32 s3, s2  }
0x8d: {  	s2 =	sadd.s32 s2, s15  }
0x8e: {  	[smem:$0x3FAE] =	sst s2  }
0x8f: {  	_ = 	snop  }
0x90: {  	s2 =	sld [smem:$0x3FD0];
	_ =	sdelay $0x2  }
0x91: {  	s16 =	simm.s32 $0xD;
	s4 =	simm.s32 $0x10  }
0x92: {  	[smem:s4], [sflag:s16] =	dma.local [hbm:s2], $0x1  }
0x93: {  	_ =	swait.eq [sflag:s16], $0x1  }
0x94: {  	[sflag:s16] =	ssyncset.done $0x0  }
0x95: {  	[sflag:s16] =	ssyncadd.s32 $0xFFFFFFFF  }
0x96: {  	s17 =	sld [smem:$0x11];
	(tm) =	ssettm $0x1  }
0x97: {  	s18 =	sld [smem:$0x3FFB];
	_ =	sdelay $0x3  }
0x98: {  	_ =	strace s18  }
0x99: {  	s2 =	sld [smem:$0x3FFC];
	_ =	sdelay $0x3  }
0x9a: {  	_ =	strace s2  }
0x9b: {  	s2 =	sld [smem:$0x3FFD];
	_ =	sdelay $0x3  }
0x9c: {  	_ =	strace s2  }
0x9d: {  	_ =	strace $0x8FFFFFFF  }
0x9e: {  	s19 =	sld [smem:$0x3FDB];
	_ =	sdelay $0x1  }
0x9f: {  	s20 =	simm.s32 $_scs_section_size  }
0xa0: {  	s5 =	simm.s32 $_size__tile_overlayer_lowered;
	s6 =	simm.s32 $_tile_overlayer_lowered  }
0xa1: {  	s7 =	simm.s32 $0x1BFF;
	s21 =	sshll.u32 s6, $0x1;
	s4 =	sadd.s32 s20, s19  }
0xa2: {  	s22 =	simm.s32 $0x0;
	s5 =	sshll.u32 s5, $0x1;
	s6 =	sadd.s32 s21, s4  }
0xa3: {  	[timem:s22], [sflag:s7] =	dma.local [hbm:s6], s5  }
0xa4: {  	_ =	swait.ge [sflag:s7], s5  }
0xa5: {  	s5 =	ssub.s32 $0x0, s5;
	[sflag:s7] =	ssyncset.done $0x0  }
0xa6: {  	[sflag:s7] =	ssyncadd.s32 s5;
	_ =	sdelay $0x1  }
0xa7: {  	s23 =	simm.s32 $0x1B8B  }
0xa8: {  	_ =	swait.ge [sflag:s23], $0x1  }
0xa9: {  	[sflag:s23] =	ssyncset.done $0x0  }
0xaa: {  	[sflag:s23] =	ssyncadd.s32 $0xFFFFFFFF  }
0xab: {  	s5 =	sld [smem:$0x0]  }
0xac: {  	s6 =	sand.u32 $0xFFFFFFFE, s1  }
0xad: {  	p0 =	sne.s32 s1, s6  }
0xae: {  	s6 =	sshll.u32 @p0 s6, $0xE  }
0xaf: {  	s6 =	sadd.s32 @p0 $0x11B8D, s6;
	s7 =	sshll.u32 @p0 s5, $0x11  }
0xb0: {  	s6 =	sor.u32 @p0 s7, s6  }
0xb1: {  	[sflag:s6] =	ssyncadd.remote.s32 @p0 $0x1;
	_ =	sdelay $0x1  }
0xb2: {  	s6 =	simm.s32 @p0 $0x1B8D  }
0xb3: {  	_ =	swait.eq @p0 [sflag:s6], $0x1  }
0xb4: {  	[sflag:s6] =	ssyncadd.s32 @p0 $0xFFFFFFFF  }
0xb5: {  	s7 =	sshll.u32 @!p0 s1, $0xE  }
0xb6: {  	s7 =	sor.u32 @!p0 $0x4000, s7;
	s6 =	simm.s32 @!p0 $0x1B8D  }
0xb7: {  	s5 =	sshll.u32 @!p0 s5, $0x11;
	s7 =	sadd.s32 @!p0 $0x11B8D, s7;
	_ =	swait.eq @!p0 [sflag:s6], $0x1  }
0xb8: {  	s5 =	sor.u32 @!p0 s5, s7;
	[sflag:s6] =	ssyncadd.s32 @!p0 $0xFFFFFFFF  }
0xb9: {  	s25 =	simm.s32 $0x1B8E;
	s24 =	sld [smem:$0x3FFE];
	[sflag:s5] =	ssyncadd.remote.s32 @!p0 $0x1  }
0xba: {  	s26 =	simm.s32 $execute0_lowered;
	[smem:$0x3FD2] =	sst s25  }
0xbb: {  	s6 =	sshll.u32 s26, $0x1;
	_ =	strace $0x80000052;
	[dreg:$0x1] =	wrdreg $0xFFFFFFFF  }
0xbc: {  	s28 =	simm.s32 $_size_execute0_lowered;
	s4 =	sadd.s32 s4, s6;
	[dreg:$0x0] =	wrdreg $0x0  }
0xbd: {  	s6 =	sshll.u32 s28, $0x1;
	[dreg:$0x2] =	wrdreg s4  }
0xbe: {  	[dreg:$0x3] =	wrdreg s6  }
0xbf: {  	[dreg:$0x4] =	wrdreg $0xC0  }
0xc0: {  	_ =	task [dreg:s22], $0x5FFFF  }
0xc1: {  	[dreg:$0x1] =	wrdreg $0xFFFFFFFF  }
0xc2: {  	[dreg:$0x0] =	wrdreg $0x60  }
0xc3: {  	[dreg:$0x2] =	wrdreg s24  }
0xc4: {  	[dreg:$0x3] =	wrdreg s17  }
0xc5: {  	[dreg:$0x4] =	wrdreg $0x42680  }
0xc6: {  	[dreg:$0x5] =	wrdreg $0x9  }
0xc7: {  	_ =	task.clear_ibuf [dreg:s22], $0x6FFFF;
	_ =	strace $0x90000052  }
0xc8: {  	s29 =	simm.s32 $0x9;
	_ =	strace $0x80000054  }
0xc9: {  	_ =	swait.ge [sflag:s29], $0x1  }
0xca: {  	[sflag:s29] =	ssyncadd.s32 $0xFFFFFFFF  }
0xcb: {  	_ =	strace $0x90000054  }
0xcc: {  	_ =	sfence  }
0xcd: {  	s30 =	sld [smem:$0x0];
	_ =	sdelay $0x2  }
0xce: {  	s31 =	sshll.u32 s1, $0xD;
	s1 =	sshrl.u32 s1, $0x2  }
0xcf: {  	s4 =	sand.u32 $0x4000, s31;
	s1 =	sadd.s32 s1, s30  }
0xd0: {  	s0 =	sor.u32 s4, s0;
	s1 =	sshll.u32 s1, $0x11  }
0xd1: {  	s0 =	sor.u32 s1, s0  }
0xd2: {  	s0 =	sadd.s32 $0x8F2B, s0  }
0xd3: {  	[sflag:s0] =	ssyncadd.remote.s32 $0x1  }
0xd4: {  	_ =	sfence.sel $0xFFFF  }
0xd5: {  	[dreg:$0x0] =	wrdreg $0xFFFFFFFF;
	(pc) =	sbr.abs _section_cstart, $3  }
0xd6: {  	[dreg:$0x1] =	wrdreg $0xFFFFFFFF  }
0xd7: {  	_ =	task.clear_ibuf [dreg:s22], $0x2FFFF;
	_ =	strace $0x9FFFFFFF  }
0xd8: {  	(tm) =	ssettm $0x7FFFFFFF  }
0xd9: {  	_ =	shalt  }
tec
execute0_lowered:
.L_overlay_start_1:
0x0: {  	(tag) =	ssettag $0x1  }
0x1: {  	s19 =	rddreg [dreg:$0x0]  }
0x2: {  	s2 =	rddreg [dreg:$0x1]  }
0x3: {  	s3 =	rddreg [dreg:$0x2]  }
0x4: {  	s0 =	rddreg [dreg:$0x3]  }
0x5: {  	s4 =	simm.s32 $0x0;
	s1 =	stileid.u32;
	s5 =	srdreg.scid  }
0x6: {  	[smem:$0x7FF] =	sst s4;
	s20 =	smul.u32 $0x2800, s1  }
0x7: {  	s21 =	sand.u32 $0x1, s5;
	s26 =	sshll.u32 s1, $0x1;
	s28 =	sshll.u32 s1, $0x6  }
0x8: {  	_ =	strace $0x80000053;
	s9 =	sor.u32 s21, s26;
	s6 =	sadd.s32 s20, s3  }
0x9: {  	s5 =	sor.u32 $0x1C01, s28;
	s7 =	sshrl.u32 s6, $0x3;
	s6 =	simm.s32 $0x1  }
0xa: {  	[spmem:s7], [sflag:s5] =	dma.local [hbm:s2], $0x500  }
0xb: {  	s18 =	smul.u32 $0x1388, s9;
	_ =	swait.ge [sflag:s6], $0x500  }
0xc: {  	[sflag:s6] =	ssyncset.done $0x0  }
0xd: {  	s17 =	sadd.s32 $0xCE00, s19;
	s8 =	sshrl.u32 s18, $0x3;
	[sflag:s6] =	ssyncadd.s32 $0xFFFFFB00  }
0xe: {  	s8 =	sadd.s32 s17, s8;
	[bflag:$0x0] =	sbarrier.arrive $0xFFFF  }
0xf: {  	[tilespmem:s4], [sflag:$0x1] =	stream.linear.gather [hbm4b:s8+s4], $0x3E8, $0x38;
	[tilespmem:$0x6A68] =	vst v63  }
0x10: {  	s9 =	smul.u32 $0x2710, s9;
	_ =	swait.ge [sflag:s6], $0x3E8  }
0x11: {  	s22 =	sadd.s32 $0x4F8E00, s19;
	[sflag:s6] =	ssyncset.done $0x0  }
0x12: {  	s10 =	simm.s32 $0x3E8;
	s9 =	sadd.s32 s22, s9;
	[sflag:s6] =	ssyncadd.s32 $0xFFFFFC18  }
0x13: {  	[tilespmem:s10], [sflag:$0x1] =	stream.linear.gather [hbm4b:s9+s4], $0x3E80, $0x38;
	[tilespmem:$0x6A68] =	vst v63  }
0x14: {  	_ =	swait.ge [sflag:s6], $0x3E80  }
0x15: {  	[sflag:s6] =	ssyncset.done $0x0  }
0x16: {  	[sflag:s6] =	ssyncadd.s32 $0xFFFFC180  }
0x17: {  	[spmem:s3] =	stream.indirect.scatter.add.f32 [tilespmem:s10], [sflag:$0x1], $0x10, s4, s10, $0xb8;
	[tilespmem:$0x6A68] =	vst v63  }
0x18: {  	s12 =	sadd.s32 $0x3E8, s18;
	_ =	swait.ge [sflag:s6], $0x3E80  }
0x19: {  	s11 =	sshrl.u32 s12, $0x3;
	[sflag:s6] =	ssyncset.done $0x0  }
0x1a: {  	s11 =	sadd.s32 s17, s11;
	[sflag:s6] =	ssyncadd.s32 $0xFFFFC180  }
0x1b: {  	[tilespmem:s4], [sflag:$0x1] =	stream.linear.gather [hbm4b:s11+s4], $0x3E8, $0x38;
	[tilespmem:$0x6A68] =	vst v63  }
0x1c: {  	_ =	swait.ge [sflag:s6], $0x3E8  }
0x1d: {  	s12 =	sshll.u32 s12, $0x1;
	[sflag:s6] =	ssyncset.done $0x0  }
0x1e: {  	s12 =	sadd.s32 s22, s12;
	[sflag:s6] =	ssyncadd.s32 $0xFFFFFC18  }
0x1f: {  	[tilespmem:s10], [sflag:$0x1] =	stream.linear.gather [hbm4b:s12+s4], $0x3E80, $0x38;
	[tilespmem:$0x6A68] =	vst v63  }
0x20: {  	_ =	swait.ge [sflag:s6], $0x3E80  }
0x21: {  	[sflag:s6] =	ssyncset.done $0x0  }
0x22: {  	[sflag:s6] =	ssyncadd.s32 $0xFFFFC180  }
0x23: {  	[spmem:s3] =	stream.indirect.scatter.add.f32 [tilespmem:s10], [sflag:$0x1], $0x10, s4, s10, $0xb8;
	[tilespmem:$0x6A68] =	vst v63  }
0x24: {  	s14 =	sadd.s32 $0x7D0, s18;
	_ =	swait.ge [sflag:s6], $0x3E80  }
0x25: {  	s13 =	sshrl.u32 s14, $0x3;
	[sflag:s6] =	ssyncset.done $0x0  }
0x26: {  	s13 =	sadd.s32 s17, s13;
	[sflag:s6] =	ssyncadd.s32 $0xFFFFC180  }
0x27: {  	[tilespmem:s4], [sflag:$0x1] =	stream.linear.gather [hbm4b:s13+s4], $0x3E8, $0x38;
	[tilespmem:$0x6A68] =	vst v63  }
0x28: {  	_ =	swait.ge [sflag:s6], $0x3E8  }
0x29: {  	s14 =	sshll.u32 s14, $0x1;
	[sflag:s6] =	ssyncset.done $0x0  }
0x2a: {  	s14 =	sadd.s32 s22, s14;
	[sflag:s6] =	ssyncadd.s32 $0xFFFFFC18  }
0x2b: {  	[tilespmem:s10], [sflag:$0x1] =	stream.linear.gather [hbm4b:s14+s4], $0x3E80, $0x38;
	[tilespmem:$0x6A68] =	vst v63  }
0x2c: {  	_ =	swait.ge [sflag:s6], $0x3E80  }
0x2d: {  	[sflag:s6] =	ssyncset.done $0x0  }
0x2e: {  	[sflag:s6] =	ssyncadd.s32 $0xFFFFC180  }
0x2f: {  	[spmem:s3] =	stream.indirect.scatter.add.f32 [tilespmem:s10], [sflag:$0x1], $0x10, s4, s10, $0xb8;
	[tilespmem:$0x6A68] =	vst v63  }
0x30: {  	s16 =	sadd.s32 $0xBB8, s18;
	_ =	swait.ge [sflag:s6], $0x3E80  }
0x31: {  	s15 =	sshrl.u32 s16, $0x3;
	[sflag:s6] =	ssyncset.done $0x0  }
0x32: {  	s15 =	sadd.s32 s17, s15;
	[sflag:s6] =	ssyncadd.s32 $0xFFFFC180  }
0x33: {  	[tilespmem:s4], [sflag:$0x1] =	stream.linear.gather [hbm4b:s15+s4], $0x3E8, $0x38;
	[tilespmem:$0x6A68] =	vst v63  }
0x34: {  	_ =	swait.ge [sflag:s6], $0x3E8  }
0x35: {  	s16 =	sshll.u32 s16, $0x1;
	[sflag:s6] =	ssyncset.done $0x0  }
0x36: {  	s16 =	sadd.s32 s22, s16;
	[sflag:s6] =	ssyncadd.s32 $0xFFFFFC18  }
0x37: {  	[tilespmem:s10], [sflag:$0x1] =	stream.linear.gather [hbm4b:s16+s4], $0x3E80, $0x38;
	[tilespmem:$0x6A68] =	vst v63  }
0x38: {  	_ =	swait.ge [sflag:s6], $0x3E80  }
0x39: {  	[sflag:s6] =	ssyncset.done $0x0  }
0x3a: {  	[sflag:s6] =	ssyncadd.s32 $0xFFFFC180  }
0x3b: {  	[spmem:s3] =	stream.indirect.scatter.add.f32 [tilespmem:s10], [sflag:$0x1], $0x10, s4, s10, $0xb8;
	[tilespmem:$0x6A68] =	vst v63  }
0x3c: {  	s18 =	sadd.s32 $0xFA0, s18;
	_ =	swait.ge [sflag:s6], $0x3E80  }
0x3d: {  	s23 =	sshrl.u32 s18, $0x3;
	[sflag:s6] =	ssyncset.done $0x0  }
0x3e: {  	s17 =	sadd.s32 s17, s23;
	[sflag:s6] =	ssyncadd.s32 $0xFFFFC180  }
0x3f: {  	[tilespmem:s4], [sflag:$0x1] =	stream.linear.gather [hbm4b:s17+s4], $0x3E8, $0x38;
	[tilespmem:$0x6A68] =	vst v63  }
0x40: {  	_ =	swait.ge [sflag:s6], $0x3E8  }
0x41: {  	s18 =	sshll.u32 s18, $0x1;
	[sflag:s6] =	ssyncset.done $0x0  }
0x42: {  	s29 =	smul.u32 $0x28000, s21;
	s18 =	sadd.s32 s22, s18;
	[sflag:s6] =	ssyncadd.s32 $0xFFFFFC18  }
0x43: {  	[tilespmem:s10], [sflag:$0x1] =	stream.linear.gather [hbm4b:s18+s4], $0x3E80, $0x38;
	[tilespmem:$0x6A68] =	vst v63  }
0x44: {  	s21 =	ssub.s32 $0x2, s21;
	_ =	swait.ge [sflag:s6], $0x3E80  }
0x45: {  	s30 =	sshrl.u32 s21, $0x1;
	s20 =	sadd.s32 s20, s29;
	[sflag:s6] =	ssyncset.done $0x0  }
0x46: {  	s31 =	ssub.s32 s21, s30;
	s20 =	sshrl.u32 s20, $0x3;
	[sflag:s6] =	ssyncadd.s32 $0xFFFFC180  }
0x47: {  	[spmem:s3] =	stream.indirect.scatter.add.f32 [tilespmem:s10], [sflag:$0x1], $0x10, s4, s10, $0xb8;
	[tilespmem:$0x6A68] =	vst v63  }
0x48: {  	s19 =	sadd.s32 s20, s19;
	s20 =	smax.u32 s31, $0x1;
	_ =	swait.ge [sflag:s6], $0x3E80  }
0x49: {  	p0 =	sne.s32 s20, $0x1;
	[sflag:s6] =	ssyncset.done $0x0  }
.Ltmp0:
0x4a: {  	[sflag:s6] =	ssyncadd.s32 $0xFFFFC180;
	(pc) =	sbr.rel @!p0 .LBB2_2-.Ltmp0, $4  }
0x4b: {  	s19 =	sadd.s32 $0x547000, s19;
	[bflag:$0x0] =	sbarrier.arrive $0xFFFF  }
0x4c: {  	[hbm:s19], [sflag:s5] =	dma.local [spmem:s7], $0x500  }
0x4d: {  	_ =	swait.ge [sflag:s6], $0x500  }
0x4e: {  	s20 =	sadd.s32 $0xFFFFFFFF, s20;
	[sflag:s6] =	ssyncset.done $0x0  }
.LBB2_1:
0x4f: {  	p0 =	sne.s32 s20, $0x1;
	s20 =	sadd.s32 $0xFFFFFFFF, s20;
	[sflag:s6] =	ssyncadd.s32 $0xFFFFFB00  }
0x50: {  	[spmem:s7], [sflag:s5] =	dma.local [hbm:s2], $0x500  }
0x51: {  	_ =	swait.ge [sflag:s6], $0x500  }
0x52: {  	[sflag:s6] =	ssyncset.done $0x0  }
0x53: {  	[sflag:s6] =	ssyncadd.s32 $0xFFFFFB00  }
0x54: {  	[bflag:$0x0] =	sbarrier.arrive $0xFFFF  }
0x55: {  	[tilespmem:s4], [sflag:$0x1] =	stream.linear.gather [hbm4b:s8+s4], $0x3E8, $0x38;
	[tilespmem:$0x6A68] =	vst v63  }
0x56: {  	_ =	swait.ge [sflag:s6], $0x3E8  }
0x57: {  	[sflag:s6] =	ssyncset.done $0x0  }
0x58: {  	[sflag:s6] =	ssyncadd.s32 $0xFFFFFC18  }
0x59: {  	[tilespmem:s10], [sflag:$0x1] =	stream.linear.gather [hbm4b:s9+s4], $0x3E80, $0x38;
	[tilespmem:$0x6A68] =	vst v63  }
0x5a: {  	_ =	swait.ge [sflag:s6], $0x3E80  }
0x5b: {  	[sflag:s6] =	ssyncset.done $0x0  }
0x5c: {  	[sflag:s6] =	ssyncadd.s32 $0xFFFFC180  }
0x5d: {  	[spmem:s3] =	stream.indirect.scatter.add.f32 [tilespmem:s10], [sflag:$0x1], $0x10, s4, s10, $0xb8;
	[tilespmem:$0x6A68] =	vst v63  }
0x5e: {  	_ =	swait.ge [sflag:s6], $0x3E80  }
0x5f: {  	[sflag:s6] =	ssyncset.done $0x0  }
0x60: {  	[sflag:s6] =	ssyncadd.s32 $0xFFFFC180  }
0x61: {  	[tilespmem:s4], [sflag:$0x1] =	stream.linear.gather [hbm4b:s11+s4], $0x3E8, $0x38;
	[tilespmem:$0x6A68] =	vst v63  }
0x62: {  	_ =	swait.ge [sflag:s6], $0x3E8  }
0x63: {  	[sflag:s6] =	ssyncset.done $0x0  }
0x64: {  	[sflag:s6] =	ssyncadd.s32 $0xFFFFFC18  }
0x65: {  	[tilespmem:s10], [sflag:$0x1] =	stream.linear.gather [hbm4b:s12+s4], $0x3E80, $0x38;
	[tilespmem:$0x6A68] =	vst v63  }
0x66: {  	_ =	swait.ge [sflag:s6], $0x3E80  }
0x67: {  	[sflag:s6] =	ssyncset.done $0x0  }
0x68: {  	[sflag:s6] =	ssyncadd.s32 $0xFFFFC180  }
0x69: {  	[spmem:s3] =	stream.indirect.scatter.add.f32 [tilespmem:s10], [sflag:$0x1], $0x10, s4, s10, $0xb8;
	[tilespmem:$0x6A68] =	vst v63  }
0x6a: {  	_ =	swait.ge [sflag:s6], $0x3E80  }
0x6b: {  	[sflag:s6] =	ssyncset.done $0x0  }
0x6c: {  	[sflag:s6] =	ssyncadd.s32 $0xFFFFC180  }
0x6d: {  	[tilespmem:s4], [sflag:$0x1] =	stream.linear.gather [hbm4b:s13+s4], $0x3E8, $0x38;
	[tilespmem:$0x6A68] =	vst v63  }
0x6e: {  	_ =	swait.ge [sflag:s6], $0x3E8  }
0x6f: {  	[sflag:s6] =	ssyncset.done $0x0  }
0x70: {  	[sflag:s6] =	ssyncadd.s32 $0xFFFFFC18  }
0x71: {  	[tilespmem:s10], [sflag:$0x1] =	stream.linear.gather [hbm4b:s14+s4], $0x3E80, $0x38;
	[tilespmem:$0x6A68] =	vst v63  }
0x72: {  	_ =	swait.ge [sflag:s6], $0x3E80  }
0x73: {  	[sflag:s6] =	ssyncset.done $0x0  }
0x74: {  	[sflag:s6] =	ssyncadd.s32 $0xFFFFC180  }
0x75: {  	[spmem:s3] =	stream.indirect.scatter.add.f32 [tilespmem:s10], [sflag:$0x1], $0x10, s4, s10, $0xb8;
	[tilespmem:$0x6A68] =	vst v63  }
0x76: {  	_ =	swait.ge [sflag:s6], $0x3E80  }
0x77: {  	[sflag:s6] =	ssyncset.done $0x0  }
0x78: {  	[sflag:s6] =	ssyncadd.s32 $0xFFFFC180  }
0x79: {  	[tilespmem:s4], [sflag:$0x1] =	stream.linear.gather [hbm4b:s15+s4], $0x3E8, $0x38;
	[tilespmem:$0x6A68] =	vst v63  }
0x7a: {  	_ =	swait.ge [sflag:s6], $0x3E8  }
0x7b: {  	[sflag:s6] =	ssyncset.done $0x0  }
0x7c: {  	[sflag:s6] =	ssyncadd.s32 $0xFFFFFC18  }
0x7d: {  	[tilespmem:s10], [sflag:$0x1] =	stream.linear.gather [hbm4b:s16+s4], $0x3E80, $0x38;
	[tilespmem:$0x6A68] =	vst v63  }
0x7e: {  	_ =	swait.ge [sflag:s6], $0x3E80  }
0x7f: {  	[sflag:s6] =	ssyncset.done $0x0  }
0x80: {  	[sflag:s6] =	ssyncadd.s32 $0xFFFFC180  }
0x81: {  	[spmem:s3] =	stream.indirect.scatter.add.f32 [tilespmem:s10], [sflag:$0x1], $0x10, s4, s10, $0xb8;
	[tilespmem:$0x6A68] =	vst v63  }
0x82: {  	_ =	swait.ge [sflag:s6], $0x3E80  }
0x83: {  	[sflag:s6] =	ssyncset.done $0x0  }
0x84: {  	[sflag:s6] =	ssyncadd.s32 $0xFFFFC180  }
0x85: {  	[tilespmem:s4], [sflag:$0x1] =	stream.linear.gather [hbm4b:s17+s4], $0x3E8, $0x38;
	[tilespmem:$0x6A68] =	vst v63  }
0x86: {  	_ =	swait.ge [sflag:s6], $0x3E8  }
0x87: {  	[sflag:s6] =	ssyncset.done $0x0  }
0x88: {  	[sflag:s6] =	ssyncadd.s32 $0xFFFFFC18  }
0x89: {  	[tilespmem:s10], [sflag:$0x1] =	stream.linear.gather [hbm4b:s18+s4], $0x3E80, $0x38;
	[tilespmem:$0x6A68] =	vst v63  }
0x8a: {  	_ =	swait.ge [sflag:s6], $0x3E80  }
0x8b: {  	[sflag:s6] =	ssyncset.done $0x0  }
0x8c: {  	[sflag:s6] =	ssyncadd.s32 $0xFFFFC180  }
0x8d: {  	[spmem:s3] =	stream.indirect.scatter.add.f32 [tilespmem:s10], [sflag:$0x1], $0x10, s4, s10, $0xb8;
	[tilespmem:$0x6A68] =	vst v63  }
0x8e: {  	_ =	swait.ge [sflag:s6], $0x3E80  }
0x8f: {  	[sflag:s6] =	ssyncset.done $0x0  }
.Ltmp1:
0x90: {  	[sflag:s6] =	ssyncadd.s32 $0xFFFFC180;
	(pc) =	sbr.rel @p0 .LBB2_1-.Ltmp1, $4  }
0x91: {  	[bflag:$0x0] =	sbarrier.arrive $0xFFFF  }
0x92: {  	[hbm:s19], [sflag:s5] =	dma.local [spmem:s7], $0x500  }
0x93: {  	_ =	swait.ge [sflag:s6], $0x500  }
0x94: {  	[sflag:s6] =	ssyncset.done $0x0  }
.LBB2_2:
0x95: {  	[sflag:s6] =	ssyncadd.s32 $0xFFFFFB00  }
0x96: {  	_ =	sfence.sel $0x180000  }
0x97: {  	[bflag:$0x0] =	sbarrier.arrive $0xFFFF  }
0x98: {  	p0 =	sne.s32 s1, $0x0;
	_ =	strace $0x90000053  }
0x99: {  	s0 =	sadd.s32 @!p0 $0x100000, s0;
	[bflag:$0x2] =	sbarrier.arrive $0xFFFF  }
0x9a: {  	[sflag:s0] =	ssyncadd.tile.s32 @!p0 $0x1;
	_ =	shalt  }
.Lfunc_end2:
_tile_overlayer_lowered:
.L_overlay_start_2:
0x9b: {  	(tag) =	ssettag $0x2  }
0x9c: {  	s0 =	rddreg [dreg:$0x0];
	s2 =	stileid.u32  }
0x9d: {  	s1 =	rddreg [dreg:$0x1];
	p0 =	sne.s32 s2, $0x0  }
0x9e: {  	s3 =	rddreg [dreg:$0x2];
	[bflag:$0x3] =	sbarrier.arrive $0xFFFF;
	s2 =	simm.s32 @!p0 $0x1C01  }
0x9f: {  	[timem:s3], [sflag:s2] =	dma.local @!p0 [hbm:s0], s1  }
0xa0: {  	s0 =	simm.s32 @!p0 $0x1  }
0xa1: {  	_ =	swait.ge @!p0 [sflag:s0], s1  }
0xa2: {  	s1 =	ssub.s32 @!p0 $0x0, s1;
	[sflag:s0] =	ssyncset.done @!p0 $0x0  }
0xa3: {  	[sflag:s0] =	ssyncadd.s32 @!p0 s1  }
0xa4: {  	[bflag:$0x3] =	sbarrier.arrive $0xFFFF  }
0xa5: {  	_ =	shalt  }

// kernel: kernel.25.cloned.1.call-start
scs
__scs_entry_jumppad:
0x0: {  	(pc) =	sbr.rel $0x88, $3  }
0x1: {  	(tag) =	ssettag $0x0;
	lr =	simm.s32 $0x1  }
0x2: {  	[smem:$0x3F87] =	sst lr;
	_ =	strace $0xD0000000  }
0x3: {  	_ = 	snop  }
0x4: {  	_ = 	snop  }
0x5: {  	_ = 	snop  }
0x6: {  	_ = 	snop  }
0x7: {  	_ = 	snop  }
__scs_overlays_trampoline_lowered:
0x8: {  	[smem:$0x3F96] =	sst s0  }
0x9: {  	[smem:$0x3F97] =	sst s1  }
0xa: {  	[smem:$0x3F98] =	sst s2  }
0xb: {  	[smem:$0x3F99] =	sst s3  }
0xc: {  	[smem:$0x3F9A] =	sst s4  }
0xd: {  	[smem:$0x3F9B] =	sst s5  }
0xe: {  	[smem:$0x3F9C] =	sst s6  }
0xf: {  	[smem:$0x3F9D] =	sst s7  }
0x10: {  	[smem:$0x3F9E] =	sst s8  }
0x11: {  	[smem:$0x3F9F] =	sst s9;
	s0 =	simm.s32 @!p0 $0x0  }
0x12: {  	s1 =	sld [smem:$0x3F85];
	s0 =	simm.s32 @p0 $0x1  }
0x13: {  	[smem:$0x3FA0] =	sst s0;
	s0 =	simm.s32 @!p1 $0x0  }
0x14: {  	s2 =	sld [smem:$0x3F84];
	s0 =	simm.s32 @p1 $0x1  }
0x15: {  	[smem:$0x3FA1] =	sst s0;
	s0 =	simm.s32 @!p2 $0x0  }
0x16: {  	s3 =	sld [smem:$0x3FDB];
	s0 =	simm.s32 @p2 $0x1  }
0x17: {  	s4 =	simm.s32 $0x1BF5;
	[smem:$0x3FA3] =	sst s0  }
0x18: {  	s0 =	sld [smem:$0x3F86];
	_ =	swait.ge [sflag:s4], $0x0  }
0x19: {  	s7 =	sld [smem:$0x3F87]  }
0x1a: {  	s8 =	sadd.s32 $0xFFFFE003, lr  }
0x1b: {  	s9 =	sadd.s32 $0xFFFFFEF7, lr;
	s5 =	simm.s32 $0xFFFFFFFF;
	p2 =	slt.u32 s8, $0xFFFFF086  }
0x1c: {  	p1 =	slt.u32 s9, $0xF7A;
	s5 =	simm.s32 @!p2 $0x0  }
0x1d: {  	s5 =	simm.s32 @p1 $0x1;
	p0 =	seq.s32 s7, s2  }
0x1e: {  	s7 =	smul.u32 @!p0 $0xF7A, s2;
	p2 =	seq.s32 @!p0 s5, $0x0  }
0x1f: {  	s9 =	smul.u32 $0xF7A, s1;
	s8 =	simm.s32 @!p0 $0x1BF5;
	p2 =	por !p2, p0  }
0x20: {  	[sflag:s8] =	ssyncset.s32 @!p0 $0xFFFFF086;
	s6 =	sadd.s32 @!p0 s3, s7;
	s7 =	simm.s32 @!p0 $0x108  }
0x21: {  	s3 =	sadd.s32 s3, s9;
	s6 =	sadd.s32 @!p0 $0x88, s6;
	s7 =	simm.s32 @p2 $0x1082  }
0x22: {  	[simem:s7], [sflag:s8] =	dma.local @!p0 [hbm:s6], $0xF7A  }
0x23: {  	s9 =	sor.u32 $0xD0000000, s2;
	s6 =	simm.s32 $0x108;
	_ =	swait.ge @!p0 [sflag:s8], $0x0  }
0x24: {  	s3 =	sadd.s32 $0x88, s3;
	s6 =	simm.s32 @!p1 $0x1082;
	[sflag:s4] =	ssyncset.s32 $0xFFFFF086  }
0x25: {  	[simem:s6], [sflag:s4] =	dma.local [hbm:s3], $0xF7A  }
0x26: {  	[smem:$0x3F87] =	sst s1;
	(tag) =	ssettag s2;
	_ =	strace s9  }
0x27: {  	s1 =	sld [smem:$0x3F97]  }
0x28: {  	s2 =	sld [smem:$0x3F98]  }
0x29: {  	s4 =	sld [smem:$0x3F9A]  }
0x2a: {  	p0 =	seq.s32 s5, $0x0;
	s5 =	sld [smem:$0x3F9B]  }
0x2b: {  	s6 =	sld [smem:$0x3F9C]  }
0x2c: {  	s7 =	sld [smem:$0x3F9D]  }
0x2d: {  	s3 =	simm.s32 $0x108;
	s8 =	sld [smem:$0x3F9E]  }
0x2e: {  	s3 =	simm.s32 @!p0 $0x1082;
	s9 =	sld [smem:$0x3F9F]  }
0x2f: {  	lr =	sadd.s32 s0, s3;
	s0 =	sld [smem:$0x3F96]  }
0x30: {  	s3 =	sld [smem:$0x3F99]  }
0x31: {  	[smem:$0x3FA2] =	sst s10  }
0x32: {  	s10 =	sld [smem:$0x3FA0];
	_ =	sdelay $0x3  }
0x33: {  	p0 =	seq.s32 s10, $0x1;
	s10 =	sld [smem:$0x3FA2];
	_ =	sdelay $0x3  }
0x34: {  	[smem:$0x3FA2] =	sst s10  }
0x35: {  	s10 =	sld [smem:$0x3FA1];
	_ =	sdelay $0x3  }
0x36: {  	p1 =	seq.s32 s10, $0x1;
	s10 =	sld [smem:$0x3FA2];
	_ =	sdelay $0x3  }
0x37: {  	[smem:$0x3FA2] =	sst s10  }
0x38: {  	s10 =	sld [smem:$0x3FA3]  }
0x39: {  	_ = 	snop;
	(pc) =	sbr.ind lr, $3  }
0x3a: {  	_ = 	snop  }
0x3b: {  	_ = 	snop  }
0x3c: {  	p2 =	seq.s32 s10, $0x1;
	s10 =	sld [smem:$0x3FA2]  }
0x3d: {  	_ =	shalt  }
0x3e: {  	_ =	shalt  }
0x3f: {  	_ =	shalt  }
0x40: {  	_ =	shalt  }
0x41: {  	_ =	shalt  }
0x42: {  	_ =	shalt  }
0x43: {  	_ =	shalt  }
0x44: {  	_ =	shalt  }
0x45: {  	_ =	shalt  }
0x46: {  	_ =	shalt  }
0x47: {  	_ =	shalt  }
0x48: {  	_ =	shalt  }
0x49: {  	_ =	shalt  }
0x4a: {  	_ =	shalt  }
0x4b: {  	_ =	shalt  }
0x4c: {  	_ =	shalt  }
0x4d: {  	_ =	shalt  }
0x4e: {  	_ =	shalt  }
0x4f: {  	_ =	shalt  }
0x50: {  	_ =	shalt  }
0x51: {  	_ =	shalt  }
0x52: {  	_ =	shalt  }
0x53: {  	_ =	shalt  }
0x54: {  	_ =	shalt  }
0x55: {  	_ =	shalt  }
0x56: {  	_ =	shalt  }
0x57: {  	_ =	shalt  }
0x58: {  	_ =	shalt  }
0x59: {  	_ =	shalt  }
0x5a: {  	_ =	shalt  }
0x5b: {  	_ =	shalt  }
0x5c: {  	_ =	shalt  }
0x5d: {  	_ =	shalt  }
0x5e: {  	_ =	shalt  }
0x5f: {  	_ =	shalt  }
0x60: {  	_ =	shalt  }
0x61: {  	_ =	shalt  }
0x62: {  	_ =	shalt  }
0x63: {  	_ =	shalt  }
0x64: {  	_ =	shalt  }
0x65: {  	_ =	shalt  }
0x66: {  	_ =	shalt  }
0x67: {  	_ =	shalt  }
0x68: {  	_ =	shalt  }
0x69: {  	_ =	shalt  }
0x6a: {  	_ =	shalt  }
0x6b: {  	_ =	shalt  }
0x6c: {  	_ =	shalt  }
0x6d: {  	_ =	shalt  }
0x6e: {  	_ =	shalt  }
0x6f: {  	_ =	shalt  }
0x70: {  	_ =	shalt  }
0x71: {  	_ =	shalt  }
0x72: {  	_ =	shalt  }
0x73: {  	_ =	shalt  }
0x74: {  	_ =	shalt  }
0x75: {  	_ =	shalt  }
0x76: {  	_ =	shalt  }
0x77: {  	_ =	shalt  }
0x78: {  	_ =	shalt  }
0x79: {  	_ =	shalt  }
0x7a: {  	_ =	shalt  }
0x7b: {  	_ =	shalt  }
0x7c: {  	_ =	shalt  }
0x7d: {  	_ =	shalt  }
0x7e: {  	_ =	shalt  }
0x7f: {  	_ =	shalt  }
0x80: {  	_ =	shalt  }
0x81: {  	_ =	shalt  }
0x82: {  	_ =	shalt  }
0x83: {  	_ =	shalt  }
0x84: {  	_ =	shalt  }
0x85: {  	_ =	shalt  }
0x86: {  	_ =	shalt  }
0x87: {  	_ =	shalt  }
.Lfunc_end0:
.L_simem_size_0:
called_computation.4_lowered:
.L_overlay_start_0:
0x88: {  	s2 =	sld [smem:$0x3FD9]  }
0x89: {  	s3 =	sld [smem:$0x3FFE];
	_ =	sdelay $0x1  }
0x8a: {  	s1 =	srdreg.scid  }
0x8b: {  	s0 =	sand.u32 $0x1, s1  }
0x8c: {  	s17 =	sshll.u32 s0, $0xA;
	s2 =	sadd.s32 s3, s2  }
0x8d: {  	s2 =	sadd.s32 s2, s17  }
0x8e: {  	[smem:$0x3FAE] =	sst s2  }
0x8f: {  	_ = 	snop  }
0x90: {  	s18 =	sld [smem:$0x3FC9];
	(tm) =	ssettm $0x1  }
0x91: {  	s19 =	sld [smem:$0x3FFB];
	_ =	sdelay $0x3  }
0x92: {  	_ =	strace s19  }
0x93: {  	s2 =	sld [smem:$0x3FFC];
	_ =	sdelay $0x3  }
0x94: {  	_ =	strace s2  }
0x95: {  	s2 =	sld [smem:$0x3FFD];
	_ =	sdelay $0x3  }
0x96: {  	_ =	strace s2  }
0x97: {  	_ =	strace $0x8FFFFFFF  }
0x98: {  	s20 =	sld [smem:$0x3FDB];
	_ =	sdelay $0x1  }
0x99: {  	s4 =	simm.s32 $_scs_section_size  }
0x9a: {  	s5 =	simm.s32 $_size__tile_overlayer_lowered;
	s6 =	simm.s32 $_tile_overlayer_lowered  }
0x9b: {  	s7 =	simm.s32 $0x1BFF;
	s21 =	sshll.u32 s6, $0x1;
	s4 =	sadd.s32 s4, s20  }
0x9c: {  	s22 =	simm.s32 $0x0;
	s5 =	sshll.u32 s5, $0x1;
	s6 =	sadd.s32 s21, s4  }
0x9d: {  	[timem:s22], [sflag:s7] =	dma.local [hbm:s6], s5  }
0x9e: {  	_ =	swait.ge [sflag:s7], s5  }
0x9f: {  	s5 =	ssub.s32 $0x0, s5;
	[sflag:s7] =	ssyncset.done $0x0  }
0xa0: {  	[sflag:s7] =	ssyncadd.s32 s5;
	_ =	sdelay $0x1  }
0xa1: {  	s23 =	simm.s32 $0x1B8B  }
0xa2: {  	_ =	swait.ge [sflag:s23], $0x1  }
0xa3: {  	[sflag:s23] =	ssyncset.done $0x0  }
0xa4: {  	[sflag:s23] =	ssyncadd.s32 $0xFFFFFFFF  }
0xa5: {  	s5 =	sld [smem:$0x0]  }
0xa6: {  	s6 =	sand.u32 $0xFFFFFFFE, s1  }
0xa7: {  	p0 =	sne.s32 s1, s6  }
0xa8: {  	s6 =	sshll.u32 @p0 s6, $0xE  }
0xa9: {  	s6 =	sadd.s32 @p0 $0x11B8D, s6;
	s7 =	sshll.u32 @p0 s5, $0x11  }
0xaa: {  	s6 =	sor.u32 @p0 s7, s6  }
0xab: {  	[sflag:s6] =	ssyncadd.remote.s32 @p0 $0x1;
	_ =	sdelay $0x1  }
0xac: {  	s6 =	simm.s32 @p0 $0x1B8D  }
0xad: {  	_ =	swait.eq @p0 [sflag:s6], $0x1  }
0xae: {  	[sflag:s6] =	ssyncadd.s32 @p0 $0xFFFFFFFF  }
0xaf: {  	s7 =	sshll.u32 @!p0 s1, $0xE  }
0xb0: {  	s7 =	sor.u32 @!p0 $0x4000, s7;
	s6 =	simm.s32 @!p0 $0x1B8D  }
0xb1: {  	s5 =	sshll.u32 @!p0 s5, $0x11;
	s7 =	sadd.s32 @!p0 $0x11B8D, s7;
	_ =	swait.eq @!p0 [sflag:s6], $0x1  }
0xb2: {  	s5 =	sor.u32 @!p0 s5, s7;
	[sflag:s6] =	ssyncadd.s32 @!p0 $0xFFFFFFFF  }
0xb3: {  	s25 =	simm.s32 $0x1B8E;
	s24 =	sld [smem:$0x3FFE];
	[sflag:s5] =	ssyncadd.remote.s32 @!p0 $0x1  }
0xb4: {  	s26 =	simm.s32 $execute0_lowered;
	[smem:$0x3FD2] =	sst s25  }
0xb5: {  	s6 =	sshll.u32 s26, $0x1;
	_ =	strace $0x8000004C;
	[dreg:$0x1] =	wrdreg $0xFFFFFFFF  }
0xb6: {  	s28 =	simm.s32 $_size_execute0_lowered;
	s4 =	sadd.s32 s4, s6;
	[dreg:$0x0] =	wrdreg $0x0  }
0xb7: {  	s6 =	sshll.u32 s28, $0x1;
	[dreg:$0x2] =	wrdreg s4  }
0xb8: {  	[dreg:$0x3] =	wrdreg s6  }
0xb9: {  	[dreg:$0x4] =	wrdreg $0xC0  }
0xba: {  	_ =	task [dreg:s22], $0x5FFFF  }
0xbb: {  	[dreg:$0x1] =	wrdreg $0xFFFFFFFF  }
0xbc: {  	[dreg:$0x0] =	wrdreg $0x60  }
0xbd: {  	[dreg:$0x2] =	wrdreg s18  }
0xbe: {  	[dreg:$0x3] =	wrdreg s24  }
0xbf: {  	[dreg:$0x4] =	wrdreg $0xA  }
0xc0: {  	_ =	task.clear_ibuf [dreg:s22], $0x5FFFF;
	_ =	strace $0x9000004C  }
0xc1: {  	s29 =	simm.s32 $0xA;
	_ =	strace $0x8000004E  }
0xc2: {  	_ =	swait.ge [sflag:s29], $0x1  }
0xc3: {  	[sflag:s29] =	ssyncadd.s32 $0xFFFFFFFF  }
0xc4: {  	_ =	strace $0x9000004E  }
0xc5: {  	_ =	sfence  }
0xc6: {  	s30 =	sld [smem:$0x0];
	_ =	sdelay $0x2  }
0xc7: {  	s31 =	sshll.u32 s1, $0xD;
	s1 =	sshrl.u32 s1, $0x2  }
0xc8: {  	s4 =	sand.u32 $0x4000, s31;
	s1 =	sadd.s32 s1, s30  }
0xc9: {  	s0 =	sor.u32 s4, s0;
	s1 =	sshll.u32 s1, $0x11  }
0xca: {  	s0 =	sor.u32 s1, s0  }
0xcb: {  	s0 =	sadd.s32 $0x8F2B, s0  }
0xcc: {  	[sflag:s0] =	ssyncadd.remote.s32 $0x1  }
0xcd: {  	_ =	sfence.sel $0xFFFF  }
0xce: {  	[dreg:$0x0] =	wrdreg $0xFFFFFFFF;
	(pc) =	sbr.abs _section_cstart, $3  }
0xcf: {  	[dreg:$0x1] =	wrdreg $0xFFFFFFFF  }
0xd0: {  	_ =	task.clear_ibuf [dreg:s22], $0x2FFFF;
	_ =	strace $0x9FFFFFFF  }
0xd1: {  	(tm) =	ssettm $0x7FFFFFFF  }
tec
execute0_lowered:
.L_overlay_start_1:
0x0: {  	(tag) =	ssettag $0x1  }
0x1: {  	s2 =	rddreg [dreg:$0x0]  }
0x2: {  	s4 =	rddreg [dreg:$0x1]  }
0x3: {  	s0 =	rddreg [dreg:$0x2]  }
0x4: {  	s5 =	srdreg.scid;
	s1 =	stileid.u32;
	s3 =	simm.s32 $0x0  }
0x5: {  	s11 =	simm.s32 $0xC8;
	s12 =	simm.s32 $0x200;
	s6 =	smul.u32 $0x2710, s1  }
0x6: {  	s13 =	simm.s32 $0x6600;
	s5 =	sand.u32 $0x1, s5;
	s8 =	smul.u32 $0x27100, s1  }
0x7: {  	s14 =	simm.s32 $0x1;
	s15 =	simm.s32 $0x0;
	s7 =	smul.u32 $0x1388, s5  }
0x8: {  	[smem:$0x7FF] =	sst s3;
	s29 =	ssub.s32 $0x2, s5;
	s5 =	smul.u32 $0x13880, s5  }
0x9: {  	_ =	strace $0x8000004D;
	s8 =	sadd.s32 s8, s4;
	s9 =	sshrl.u32 s29, $0x1  }
0xa: {  	s6 =	sadd.s32 s7, s6;
	s30 =	ssub.s32 s29, s9;
	s31 =	sadd.s32 s5, s8  }
0xb: {  	s9 =	simm.s32 $0x2;
	s6 =	sshrl.u32 s6, $0x3;
	s5 =	sadd.s32 $0x59F200, s31  }
0xc: {  	s10 =	sadd.s32 s6, s4;
	s4 =	smax.u32 s30, $0x1;
	s6 =	sadd.s32 $0x810200, s31  }
0xd: {  	s7 =	sadd.s32 $0x59A200, s10;
	s8 =	sadd.s32 $0x595200, s10;
	s10 =	simm.s32 $0x100  }
.LBB2_1:
0xe: {  	s16 =	sadd.s32 $0x0, s8  }
0xf: {  	[tilespmem:s3], [sflag:$0x2] =	stream.linear.gather [hbm4b:s16+s3], $0xC8, $0x38;
	[tilespmem:$0xCA00] =	vst v63  }
0x10: {  	_ =	swait.ge [sflag:s9], $0xC8  }
0x11: {  	[sflag:s9] =	ssyncset.done $0x0  }
0x12: {  	s31 =	sadd.s32 $0x0, s7;
	[sflag:s9] =	ssyncadd.s32 $0xFFFFFF38  }
0x13: {  	[tilespmem:s10], [sflag:$0x2] =	stream.linear.gather [hbm4b:s31+s3], $0xC8, $0x38;
	[tilespmem:$0xCA00] =	vst v63  }
0x14: {  	_ =	swait.ge [sflag:s9], $0xC8  }
0x15: {  	[sflag:s9] =	ssyncset.done $0x0  }
0x16: {  	[sflag:s9] =	ssyncadd.s32 $0xFFFFFF38  }
0x17: {  	[tilespmem:s12], [sflag:$0x1] =	stream.indirect.gather [hbm4b:s2+s11], $0x80, s3, s11, $0xb8;
	[tilespmem:$0xCA00] =	vst v63  }
0x18: {  	_ = 	snop  }
0x19: {  	[tilespmem:s13], [sflag:$0x1] =	stream.indirect.gather [hbm4b:s2+s11], $0x80, s10, s11, $0xb8;
	[tilespmem:$0xCA00] =	vst v63  }
0x1a: {  	_ =	swait.ge [sflag:s14], $0x6400  }
0x1b: {  	[sflag:s14] =	ssyncset.done $0x0  }
0x1c: {  	[sflag:s14] =	ssyncadd.s32 $0xFFFF9C00  }
0x1d: {  	_ =	swait.ge [sflag:s14], $0x6400  }
0x1e: {  	[sflag:s14] =	ssyncset.done $0x0  }
0x1f: {  	[sflag:s14] =	ssyncadd.s32 $0xFFFF9C00  }
0x20: {  	[hbm4b:s5+s3] =	stream.linear.scatter [tilespmem:s12], [sflag:$0x2], $0x6400, $0x38;
	[tilespmem:$0xCA00] =	vst v63  }
0x21: {  	_ =	swait.ge [sflag:s9], $0x6400  }
0x22: {  	[sflag:s9] =	ssyncset.done $0x0  }
0x23: {  	[sflag:s9] =	ssyncadd.s32 $0xFFFF9C00  }
0x24: {  	[hbm4b:s6+s3] =	stream.linear.scatter [tilespmem:s13], [sflag:$0x2], $0x6400, $0x38;
	[tilespmem:$0xCA00] =	vst v63  }
0x25: {  	s18 =	simm.s32 $0x19;
	s19 =	simm.s32 $0x32;
	_ =	swait.ge [sflag:s9], $0x6400  }
0x26: {  	s17 =	sadd.s32 $0xC80, s5;
	s16 =	sadd.s32 $0xC80, s6;
	[sflag:s9] =	ssyncset.done $0x0  }
.LBB2_2:
0x27: {  	s20 =	sadd.s32 s18, s8  }
0x28: {  	[sflag:s9] =	ssyncadd.s32 $0xFFFF9C00;
	s21 =	smov.u32 s19;
	s22 =	sadd.s32 $0x19, s19  }
0x29: {  	[tilespmem:s3], [sflag:$0x2] =	stream.linear.gather [hbm4b:s20+s3], $0xC8, $0x38;
	[tilespmem:$0xCA00] =	vst v63  }
0x2a: {  	p0 =	sne.s32 s19, $0x258;
	_ =	swait.ge [sflag:s9], $0xC8  }
0x2b: {  	[sflag:s9] =	ssyncset.done $0x0  }
0x2c: {  	s19 =	sadd.s32 s18, s7;
	s18 =	smov.u32 s21;
	[sflag:s9] =	ssyncadd.s32 $0xFFFFFF38  }
0x2d: {  	[tilespmem:s10], [sflag:$0x2] =	stream.linear.gather [hbm4b:s19+s3], $0xC8, $0x38;
	[tilespmem:$0xCA00] =	vst v63  }
0x2e: {  	_ =	swait.ge [sflag:s9], $0xC8  }
0x2f: {  	[sflag:s9] =	ssyncset.done $0x0  }
0x30: {  	[sflag:s9] =	ssyncadd.s32 $0xFFFFFF38  }
0x31: {  	[tilespmem:s12], [sflag:$0x1] =	stream.indirect.gather [hbm4b:s2+s11], $0x80, s3, s11, $0xb8;
	[tilespmem:$0xCA00] =	vst v63  }
0x32: {  	_ = 	snop  }
0x33: {  	[tilespmem:s13], [sflag:$0x1] =	stream.indirect.gather [hbm4b:s2+s11], $0x80, s10, s11, $0xb8;
	[tilespmem:$0xCA00] =	vst v63  }
0x34: {  	_ =	swait.ge [sflag:s14], $0x6400  }
0x35: {  	[sflag:s14] =	ssyncset.done $0x0  }
0x36: {  	[sflag:s14] =	ssyncadd.s32 $0xFFFF9C00  }
0x37: {  	_ =	swait.ge [sflag:s14], $0x6400  }
0x38: {  	[sflag:s14] =	ssyncset.done $0x0  }
0x39: {  	[sflag:s14] =	ssyncadd.s32 $0xFFFF9C00  }
0x3a: {  	[hbm4b:s17+s3] =	stream.linear.scatter [tilespmem:s12], [sflag:$0x2], $0x6400, $0x38;
	[tilespmem:$0xCA00] =	vst v63  }
0x3b: {  	_ =	swait.ge [sflag:s9], $0x6400  }
.Ltmp0:
0x3c: {  	[sflag:s9] =	ssyncset.done $0x0;
	(pc) =	sbr.rel @p0 .LBB2_2-.Ltmp0, $4  }
0x3d: {  	[sflag:s9] =	ssyncadd.s32 $0xFFFF9C00  }
0x3e: {  	[hbm4b:s16+s3] =	stream.linear.scatter [tilespmem:s13], [sflag:$0x2], $0x6400, $0x38;
	[tilespmem:$0xCA00] =	vst v63  }
0x3f: {  	s19 =	smov.u32 s22;
	_ =	swait.ge [sflag:s9], $0x6400  }
0x40: {  	s17 =	sadd.s32 $0xC80, s17;
	s16 =	sadd.s32 $0xC80, s16;
	[sflag:s9] =	ssyncset.done $0x0  }
0x41: {  	s19 =	sadd.s32 s18, s8;
	[sflag:s9] =	ssyncadd.s32 $0xFFFF9C00  }
0x42: {  	[tilespmem:s3], [sflag:$0x2] =	stream.linear.gather [hbm4b:s19+s3], $0xC8, $0x38;
	[tilespmem:$0xCA00] =	vst v63  }
0x43: {  	_ =	swait.ge [sflag:s9], $0xC8  }
0x44: {  	[sflag:s9] =	ssyncset.done $0x0  }
0x45: {  	s31 =	sadd.s32 s18, s7;
	[sflag:s9] =	ssyncadd.s32 $0xFFFFFF38  }
0x46: {  	[tilespmem:s10], [sflag:$0x2] =	stream.linear.gather [hbm4b:s31+s3], $0xC8, $0x38;
	[tilespmem:$0xCA00] =	vst v63  }
0x47: {  	_ =	swait.ge [sflag:s9], $0xC8  }
0x48: {  	[sflag:s9] =	ssyncset.done $0x0  }
0x49: {  	[sflag:s9] =	ssyncadd.s32 $0xFFFFFF38  }
0x4a: {  	[tilespmem:s12], [sflag:$0x1] =	stream.indirect.gather [hbm4b:s2+s11], $0x80, s3, s11, $0xb8;
	[tilespmem:$0xCA00] =	vst v63  }
0x4b: {  	_ = 	snop  }
0x4c: {  	[tilespmem:s13], [sflag:$0x1] =	stream.indirect.gather [hbm4b:s2+s11], $0x80, s10, s11, $0xb8;
	[tilespmem:$0xCA00] =	vst v63  }
0x4d: {  	_ =	swait.ge [sflag:s14], $0x6400  }
0x4e: {  	[sflag:s14] =	ssyncset.done $0x0  }
0x4f: {  	[sflag:s14] =	ssyncadd.s32 $0xFFFF9C00  }
0x50: {  	_ =	swait.ge [sflag:s14], $0x6400  }
0x51: {  	[sflag:s14] =	ssyncset.done $0x0  }
0x52: {  	[sflag:s14] =	ssyncadd.s32 $0xFFFF9C00  }
0x53: {  	[hbm4b:s17+s3] =	stream.linear.scatter [tilespmem:s12], [sflag:$0x2], $0x6400, $0x38;
	[tilespmem:$0xCA00] =	vst v63  }
0x54: {  	s15 =	sadd.s32 $0x1, s15;
	_ =	swait.ge [sflag:s9], $0x6400  }
0x55: {  	p0 =	sne.s32 s15, s4;
	[sflag:s9] =	ssyncset.done $0x0  }
.Ltmp1:
0x56: {  	[sflag:s9] =	ssyncadd.s32 $0xFFFF9C00;
	(pc) =	sbr.rel @p0 .LBB2_1-.Ltmp1, $4  }
0x57: {  	[hbm4b:s16+s3] =	stream.linear.scatter [tilespmem:s13], [sflag:$0x2], $0x6400, $0x38;
	[tilespmem:$0xCA00] =	vst v63  }
0x58: {  	_ =	swait.ge [sflag:s9], $0x6400  }
0x59: {  	[sflag:s9] =	ssyncset.done $0x0  }
0x5a: {  	[sflag:s9] =	ssyncadd.s32 $0xFFFF9C00  }
0x5b: {  	_ =	sfence.sel $0x180000  }
0x5c: {  	[bflag:$0x0] =	sbarrier.arrive $0xFFFF  }
0x5d: {  	p0 =	sne.s32 s1, $0x0;
	_ =	strace $0x9000004D  }
0x5e: {  	s0 =	sadd.s32 @!p0 $0x100000, s0;
	[bflag:$0x2] =	sbarrier.arrive $0xFFFF  }
0x5f: {  	[sflag:s0] =	ssyncadd.tile.s32 @!p0 $0x1;
	_ =	shalt  }
.Lfunc_end2:
_tile_overlayer_lowered:
.L_overlay_start_2:
0x60: {  	(tag) =	ssettag $0x2  }
0x61: {  	s0 =	rddreg [dreg:$0x0];
	s2 =	stileid.u32  }
0x62: {  	s1 =	rddreg [dreg:$0x1];
	p0 =	sne.s32 s2, $0x0  }
0x63: {  	s3 =	rddreg [dreg:$0x2];
	[bflag:$0x3] =	sbarrier.arrive $0xFFFF;
	s2 =	simm.s32 @!p0 $0x1C02  }
0x64: {  	[timem:s3], [sflag:s2] =	dma.local @!p0 [hbm:s0], s1  }
0x65: {  	s0 =	simm.s32 @!p0 $0x2  }
0x66: {  	_ =	swait.ge @!p0 [sflag:s0], s1  }
0x67: {  	s1 =	ssub.s32 @!p0 $0x0, s1;
	[sflag:s0] =	ssyncset.done @!p0 $0x0  }
0x68: {  	[sflag:s0] =	ssyncadd.s32 @!p0 s1  }
0x69: {  	[bflag:$0x3] =	sbarrier.arrive $0xFFFF  }
0x6a: {  	_ =	shalt  }

// kernel: kernel.28.cloned.1.call-start
scs
__scs_entry_jumppad:
0x0: {  	(pc) =	sbr.rel $0x88, $3  }
0x1: {  	(tag) =	ssettag $0x0;
	lr =	simm.s32 $0x1  }
0x2: {  	[smem:$0x3F87] =	sst lr;
	_ =	strace $0xD0000000  }
0x3: {  	_ = 	snop  }
0x4: {  	_ = 	snop  }
0x5: {  	_ = 	snop  }
0x6: {  	_ = 	snop  }
0x7: {  	_ = 	snop  }
__scs_overlays_trampoline_lowered:
0x8: {  	[smem:$0x3F96] =	sst s0  }
0x9: {  	[smem:$0x3F97] =	sst s1  }
0xa: {  	[smem:$0x3F98] =	sst s2  }
0xb: {  	[smem:$0x3F99] =	sst s3  }
0xc: {  	[smem:$0x3F9A] =	sst s4  }
0xd: {  	[smem:$0x3F9B] =	sst s5  }
0xe: {  	[smem:$0x3F9C] =	sst s6  }
0xf: {  	[smem:$0x3F9D] =	sst s7  }
0x10: {  	[smem:$0x3F9E] =	sst s8  }
0x11: {  	[smem:$0x3F9F] =	sst s9;
	s0 =	simm.s32 @!p0 $0x0  }
0x12: {  	s1 =	sld [smem:$0x3F85];
	s0 =	simm.s32 @p0 $0x1  }
0x13: {  	[smem:$0x3FA0] =	sst s0;
	s0 =	simm.s32 @!p1 $0x0  }
0x14: {  	s2 =	sld [smem:$0x3F84];
	s0 =	simm.s32 @p1 $0x1  }
0x15: {  	[smem:$0x3FA1] =	sst s0;
	s0 =	simm.s32 @!p2 $0x0  }
0x16: {  	s3 =	sld [smem:$0x3FDB];
	s0 =	simm.s32 @p2 $0x1  }
0x17: {  	s4 =	simm.s32 $0x1BF5;
	[smem:$0x3FA3] =	sst s0  }
0x18: {  	s0 =	sld [smem:$0x3F86];
	_ =	swait.ge [sflag:s4], $0x0  }
0x19: {  	s7 =	sld [smem:$0x3F87]  }
0x1a: {  	s8 =	sadd.s32 $0xFFFFE003, lr  }
0x1b: {  	s9 =	sadd.s32 $0xFFFFFEF7, lr;
	s5 =	simm.s32 $0xFFFFFFFF;
	p2 =	slt.u32 s8, $0xFFFFF086  }
0x1c: {  	p1 =	slt.u32 s9, $0xF7A;
	s5 =	simm.s32 @!p2 $0x0  }
0x1d: {  	s5 =	simm.s32 @p1 $0x1;
	p0 =	seq.s32 s7, s2  }
0x1e: {  	s7 =	smul.u32 @!p0 $0xF7A, s2;
	p2 =	seq.s32 @!p0 s5, $0x0  }
0x1f: {  	s9 =	smul.u32 $0xF7A, s1;
	s8 =	simm.s32 @!p0 $0x1BF5;
	p2 =	por !p2, p0  }
0x20: {  	[sflag:s8] =	ssyncset.s32 @!p0 $0xFFFFF086;
	s6 =	sadd.s32 @!p0 s3, s7;
	s7 =	simm.s32 @!p0 $0x108  }
0x21: {  	s3 =	sadd.s32 s3, s9;
	s6 =	sadd.s32 @!p0 $0x88, s6;
	s7 =	simm.s32 @p2 $0x1082  }
0x22: {  	[simem:s7], [sflag:s8] =	dma.local @!p0 [hbm:s6], $0xF7A  }
0x23: {  	s9 =	sor.u32 $0xD0000000, s2;
	s6 =	simm.s32 $0x108;
	_ =	swait.ge @!p0 [sflag:s8], $0x0  }
0x24: {  	s3 =	sadd.s32 $0x88, s3;
	s6 =	simm.s32 @!p1 $0x1082;
	[sflag:s4] =	ssyncset.s32 $0xFFFFF086  }
0x25: {  	[simem:s6], [sflag:s4] =	dma.local [hbm:s3], $0xF7A  }
0x26: {  	[smem:$0x3F87] =	sst s1;
	(tag) =	ssettag s2;
	_ =	strace s9  }
0x27: {  	s1 =	sld [smem:$0x3F97]  }
0x28: {  	s2 =	sld [smem:$0x3F98]  }
0x29: {  	s4 =	sld [smem:$0x3F9A]  }
0x2a: {  	p0 =	seq.s32 s5, $0x0;
	s5 =	sld [smem:$0x3F9B]  }
0x2b: {  	s6 =	sld [smem:$0x3F9C]  }
0x2c: {  	s7 =	sld [smem:$0x3F9D]  }
0x2d: {  	s3 =	simm.s32 $0x108;
	s8 =	sld [smem:$0x3F9E]  }
0x2e: {  	s3 =	simm.s32 @!p0 $0x1082;
	s9 =	sld [smem:$0x3F9F]  }
0x2f: {  	lr =	sadd.s32 s0, s3;
	s0 =	sld [smem:$0x3F96]  }
0x30: {  	s3 =	sld [smem:$0x3F99]  }
0x31: {  	[smem:$0x3FA2] =	sst s10  }
0x32: {  	s10 =	sld [smem:$0x3FA0];
	_ =	sdelay $0x3  }
0x33: {  	p0 =	seq.s32 s10, $0x1;
	s10 =	sld [smem:$0x3FA2];
	_ =	sdelay $0x3  }
0x34: {  	[smem:$0x3FA2] =	sst s10  }
0x35: {  	s10 =	sld [smem:$0x3FA1];
	_ =	sdelay $0x3  }
0x36: {  	p1 =	seq.s32 s10, $0x1;
	s10 =	sld [smem:$0x3FA2];
	_ =	sdelay $0x3  }
0x37: {  	[smem:$0x3FA2] =	sst s10  }
0x38: {  	s10 =	sld [smem:$0x3FA3]  }
0x39: {  	_ = 	snop;
	(pc) =	sbr.ind lr, $3  }
0x3a: {  	_ = 	snop  }
0x3b: {  	_ = 	snop  }
0x3c: {  	p2 =	seq.s32 s10, $0x1;
	s10 =	sld [smem:$0x3FA2]  }
0x3d: {  	_ =	shalt  }
0x3e: {  	_ =	shalt  }
0x3f: {  	_ =	shalt  }
0x40: {  	_ =	shalt  }
0x41: {  	_ =	shalt  }
0x42: {  	_ =	shalt  }
0x43: {  	_ =	shalt  }
0x44: {  	_ =	shalt  }
0x45: {  	_ =	shalt  }
0x46: {  	_ =	shalt  }
0x47: {  	_ =	shalt  }
0x48: {  	_ =	shalt  }
0x49: {  	_ =	shalt  }
0x4a: {  	_ =	shalt  }
0x4b: {  	_ =	shalt  }
0x4c: {  	_ =	shalt  }
0x4d: {  	_ =	shalt  }
0x4e: {  	_ =	shalt  }
0x4f: {  	_ =	shalt  }
0x50: {  	_ =	shalt  }
0x51: {  	_ =	shalt  }
0x52: {  	_ =	shalt  }
0x53: {  	_ =	shalt  }
0x54: {  	_ =	shalt  }
0x55: {  	_ =	shalt  }
0x56: {  	_ =	shalt  }
0x57: {  	_ =	shalt  }
0x58: {  	_ =	shalt  }
0x59: {  	_ =	shalt  }
0x5a: {  	_ =	shalt  }
0x5b: {  	_ =	shalt  }
0x5c: {  	_ =	shalt  }
0x5d: {  	_ =	shalt  }
0x5e: {  	_ =	shalt  }
0x5f: {  	_ =	shalt  }
0x60: {  	_ =	shalt  }
0x61: {  	_ =	shalt  }
0x62: {  	_ =	shalt  }
0x63: {  	_ =	shalt  }
0x64: {  	_ =	shalt  }
0x65: {  	_ =	shalt  }
0x66: {  	_ =	shalt  }
0x67: {  	_ =	shalt  }
0x68: {  	_ =	shalt  }
0x69: {  	_ =	shalt  }
0x6a: {  	_ =	shalt  }
0x6b: {  	_ =	shalt  }
0x6c: {  	_ =	shalt  }
0x6d: {  	_ =	shalt  }
0x6e: {  	_ =	shalt  }
0x6f: {  	_ =	shalt  }
0x70: {  	_ =	shalt  }
0x71: {  	_ =	shalt  }
0x72: {  	_ =	shalt  }
0x73: {  	_ =	shalt  }
0x74: {  	_ =	shalt  }
0x75: {  	_ =	shalt  }
0x76: {  	_ =	shalt  }
0x77: {  	_ =	shalt  }
0x78: {  	_ =	shalt  }
0x79: {  	_ =	shalt  }
0x7a: {  	_ =	shalt  }
0x7b: {  	_ =	shalt  }
0x7c: {  	_ =	shalt  }
0x7d: {  	_ =	shalt  }
0x7e: {  	_ =	shalt  }
0x7f: {  	_ =	shalt  }
0x80: {  	_ =	shalt  }
0x81: {  	_ =	shalt  }
0x82: {  	_ =	shalt  }
0x83: {  	_ =	shalt  }
0x84: {  	_ =	shalt  }
0x85: {  	_ =	shalt  }
0x86: {  	_ =	shalt  }
0x87: {  	_ =	shalt  }
.Lfunc_end0:
.L_simem_size_0:
called_computation.5_lowered:
.L_overlay_start_0:
0x88: {  	s2 =	sld [smem:$0x3FD9]  }
0x89: {  	s3 =	sld [smem:$0x3FFE];
	_ =	sdelay $0x1  }
0x8a: {  	s1 =	srdreg.scid  }
0x8b: {  	s0 =	sand.u32 $0x1, s1  }
0x8c: {  	s17 =	sshll.u32 s0, $0xA;
	s2 =	sadd.s32 s3, s2  }
0x8d: {  	s2 =	sadd.s32 s2, s17  }
0x8e: {  	[smem:$0x3FAE] =	sst s2  }
0x8f: {  	_ = 	snop  }
0x90: {  	(tm) =	ssettm $0x1  }
0x91: {  	s18 =	sld [smem:$0x3FFB];
	_ =	sdelay $0x3  }
0x92: {  	_ =	strace s18  }
0x93: {  	s2 =	sld [smem:$0x3FFC];
	_ =	sdelay $0x3  }
0x94: {  	_ =	strace s2  }
0x95: {  	s2 =	sld [smem:$0x3FFD];
	_ =	sdelay $0x3  }
0x96: {  	_ =	strace s2  }
0x97: {  	_ =	strace $0x8FFFFFFF  }
0x98: {  	s19 =	sld [smem:$0x3FDB];
	_ =	sdelay $0x1  }
0x99: {  	s20 =	simm.s32 $_scs_section_size  }
0x9a: {  	s4 =	simm.s32 $_size__tile_overlayer_lowered;
	s5 =	simm.s32 $_tile_overlayer_lowered  }
0x9b: {  	s6 =	simm.s32 $0x1BFF;
	s21 =	sshll.u32 s5, $0x1;
	s3 =	sadd.s32 s20, s19  }
0x9c: {  	s22 =	simm.s32 $0x0;
	s4 =	sshll.u32 s4, $0x1;
	s5 =	sadd.s32 s21, s3  }
0x9d: {  	[timem:s22], [sflag:s6] =	dma.local [hbm:s5], s4  }
0x9e: {  	_ =	swait.ge [sflag:s6], s4  }
0x9f: {  	s4 =	ssub.s32 $0x0, s4;
	[sflag:s6] =	ssyncset.done $0x0  }
0xa0: {  	[sflag:s6] =	ssyncadd.s32 s4;
	_ =	sdelay $0x1  }
0xa1: {  	s23 =	simm.s32 $0x1B8B  }
0xa2: {  	_ =	swait.ge [sflag:s23], $0x1  }
0xa3: {  	[sflag:s23] =	ssyncset.done $0x0  }
0xa4: {  	[sflag:s23] =	ssyncadd.s32 $0xFFFFFFFF  }
0xa5: {  	s4 =	sld [smem:$0x0]  }
0xa6: {  	s5 =	sand.u32 $0xFFFFFFFE, s1  }
0xa7: {  	p0 =	sne.s32 s1, s5  }
0xa8: {  	s5 =	sshll.u32 @p0 s5, $0xE  }
0xa9: {  	s5 =	sadd.s32 @p0 $0x11B8D, s5;
	s6 =	sshll.u32 @p0 s4, $0x11  }
0xaa: {  	s5 =	sor.u32 @p0 s6, s5  }
0xab: {  	[sflag:s5] =	ssyncadd.remote.s32 @p0 $0x1;
	_ =	sdelay $0x1  }
0xac: {  	s5 =	simm.s32 @p0 $0x1B8D  }
0xad: {  	_ =	swait.eq @p0 [sflag:s5], $0x1  }
0xae: {  	[sflag:s5] =	ssyncadd.s32 @p0 $0xFFFFFFFF  }
0xaf: {  	s6 =	sshll.u32 @!p0 s1, $0xE  }
0xb0: {  	s6 =	sor.u32 @!p0 $0x4000, s6;
	s5 =	simm.s32 @!p0 $0x1B8D  }
0xb1: {  	s4 =	sshll.u32 @!p0 s4, $0x11;
	s6 =	sadd.s32 @!p0 $0x11B8D, s6;
	_ =	swait.eq @!p0 [sflag:s5], $0x1  }
0xb2: {  	s4 =	sor.u32 @!p0 s4, s6;
	[sflag:s5] =	ssyncadd.s32 @!p0 $0xFFFFFFFF  }
0xb3: {  	s25 =	simm.s32 $0x1B8E;
	s24 =	sld [smem:$0x3FFE];
	[sflag:s4] =	ssyncadd.remote.s32 @!p0 $0x1  }
0xb4: {  	s26 =	simm.s32 $execute0_lowered;
	[smem:$0x3FD2] =	sst s25  }
0xb5: {  	s5 =	sshll.u32 s26, $0x1;
	_ =	strace $0x8000004F;
	[dreg:$0x1] =	wrdreg $0xFFFFFFFF  }
0xb6: {  	s28 =	simm.s32 $_size_execute0_lowered;
	s3 =	sadd.s32 s3, s5;
	[dreg:$0x0] =	wrdreg $0x0  }
0xb7: {  	s5 =	sshll.u32 s28, $0x1;
	[dreg:$0x2] =	wrdreg s3  }
0xb8: {  	[dreg:$0x3] =	wrdreg s5  }
0xb9: {  	[dreg:$0x4] =	wrdreg $0xC0  }
0xba: {  	_ =	task [dreg:s22], $0x5FFFF  }
0xbb: {  	[dreg:$0x1] =	wrdreg $0xFFFFFFFF  }
0xbc: {  	[dreg:$0x0] =	wrdreg $0x60  }
0xbd: {  	[dreg:$0x2] =	wrdreg s24  }
0xbe: {  	[dreg:$0x3] =	wrdreg $0xB  }
0xbf: {  	_ =	task.clear_ibuf [dreg:s22], $0x4FFFF;
	_ =	strace $0x9000004F  }
0xc0: {  	s29 =	simm.s32 $0xB;
	_ =	strace $0x80000051  }
0xc1: {  	_ =	swait.ge [sflag:s29], $0x1  }
0xc2: {  	[sflag:s29] =	ssyncadd.s32 $0xFFFFFFFF  }
0xc3: {  	_ =	strace $0x90000051  }
0xc4: {  	_ =	sfence  }
0xc5: {  	s30 =	sld [smem:$0x0];
	_ =	sdelay $0x2  }
0xc6: {  	s31 =	sshll.u32 s1, $0xD;
	s1 =	sshrl.u32 s1, $0x2  }
0xc7: {  	s4 =	sand.u32 $0x4000, s31;
	s1 =	sadd.s32 s1, s30  }
0xc8: {  	s0 =	sor.u32 s4, s0;
	s1 =	sshll.u32 s1, $0x11  }
0xc9: {  	s0 =	sor.u32 s1, s0  }
0xca: {  	s0 =	sadd.s32 $0x8F2B, s0  }
0xcb: {  	[sflag:s0] =	ssyncadd.remote.s32 $0x1  }
0xcc: {  	_ =	sfence.sel $0xFFFF  }
0xcd: {  	[dreg:$0x0] =	wrdreg $0xFFFFFFFF;
	(pc) =	sbr.abs _section_cstart, $3  }
0xce: {  	[dreg:$0x1] =	wrdreg $0xFFFFFFFF  }
0xcf: {  	_ =	task.clear_ibuf [dreg:s22], $0x2FFFF;
	_ =	strace $0x9FFFFFFF  }
0xd0: {  	(tm) =	ssettm $0x7FFFFFFF  }
0xd1: {  	_ =	shalt  }
tec
execute0_lowered:
.L_overlay_start_1:
0x0: {  	(tag) =	ssettag $0x1  }
0x1: {  	s4 =	rddreg [dreg:$0x0]  }
0x2: {  	s0 =	rddreg [dreg:$0x1]  }
0x3: {  	s3 =	srdreg.scid;
	s1 =	stileid.u32;
	s2 =	simm.s32 $0x0  }
0x4: {  	s10 =	simm.s32 $0x3E8;
	s11 =	simm.s32 $0x7D0;
	s6 =	smul.u32 $0x2710, s1  }
0x5: {  	s12 =	simm.s32 $0x4650;
	s5 =	sand.u32 $0x1, s3;
	s8 =	smul.u32 $0x4E20, s1  }
0x6: {  	s13 =	simm.s32 $0x1;
	s14 =	simm.s32 $0x0;
	s7 =	smul.u32 $0x1388, s5  }
0x7: {  	[smem:$0x7FF] =	sst s2;
	s3 =	sadd.s32 $0x4F3E00, s4;
	s28 =	smul.u32 $0x2710, s5  }
0x8: {  	_ =	strace $0x80000050;
	s5 =	ssub.s32 $0x2, s5;
	s8 =	sadd.s32 s8, s4  }
0x9: {  	s29 =	sshrl.u32 s5, $0x1;
	s6 =	sadd.s32 s7, s6;
	s30 =	sadd.s32 s28, s8  }
0xa: {  	s31 =	ssub.s32 s5, s29;
	s6 =	sshrl.u32 s6, $0x3;
	s5 =	sadd.s32 $0xA81200, s30  }
0xb: {  	s9 =	sadd.s32 s6, s4;
	s4 =	sadd.s32 $0xACF400, s30;
	s6 =	smax.u32 s31, $0x1  }
0xc: {  	s7 =	sadd.s32 $0x59A200, s9;
	s8 =	sadd.s32 $0x595200, s9;
	s9 =	simm.s32 $0x2  }
.LBB2_1:
0xd: {  	s15 =	sadd.s32 $0x0, s8  }
0xe: {  	[tilespmem:s2], [sflag:$0x2] =	stream.linear.gather [hbm4b:s15+s2], $0x3E8, $0x38;
	[tilespmem:$0x84D0] =	vst v63  }
0xf: {  	_ =	swait.ge [sflag:s9], $0x3E8  }
0x10: {  	[sflag:s9] =	ssyncset.done $0x0  }
0x11: {  	s31 =	sadd.s32 $0x0, s7;
	[sflag:s9] =	ssyncadd.s32 $0xFFFFFC18  }
0x12: {  	[tilespmem:s10], [sflag:$0x2] =	stream.linear.gather [hbm4b:s31+s2], $0x3E8, $0x38;
	[tilespmem:$0x84D0] =	vst v63  }
0x13: {  	_ =	swait.ge [sflag:s9], $0x3E8  }
0x14: {  	[sflag:s9] =	ssyncset.done $0x0  }
0x15: {  	[sflag:s9] =	ssyncadd.s32 $0xFFFFFC18  }
0x16: {  	[tilespmem:s11], [sflag:$0x1] =	stream.indirect.gather [hbm4b:s3+s10], $0x10, s2, s10, $0xb8;
	[tilespmem:$0x84D0] =	vst v63  }
0x17: {  	_ = 	snop  }
0x18: {  	[tilespmem:s12], [sflag:$0x1] =	stream.indirect.gather [hbm4b:s3+s10], $0x10, s10, s10, $0xb8;
	[tilespmem:$0x84D0] =	vst v63  }
0x19: {  	_ =	swait.ge [sflag:s13], $0x3E80  }
0x1a: {  	[sflag:s13] =	ssyncset.done $0x0  }
0x1b: {  	[sflag:s13] =	ssyncadd.s32 $0xFFFFC180  }
0x1c: {  	_ =	swait.ge [sflag:s13], $0x3E80  }
0x1d: {  	[sflag:s13] =	ssyncset.done $0x0  }
0x1e: {  	[sflag:s13] =	ssyncadd.s32 $0xFFFFC180  }
0x1f: {  	[hbm4b:s5+s2] =	stream.linear.scatter [tilespmem:s11], [sflag:$0x2], $0x3E80, $0x38;
	[tilespmem:$0x84D0] =	vst v63  }
0x20: {  	_ =	swait.ge [sflag:s9], $0x3E80  }
0x21: {  	[sflag:s9] =	ssyncset.done $0x0  }
0x22: {  	[sflag:s9] =	ssyncadd.s32 $0xFFFFC180  }
0x23: {  	[hbm4b:s4+s2] =	stream.linear.scatter [tilespmem:s12], [sflag:$0x2], $0x3E80, $0x38;
	[tilespmem:$0x84D0] =	vst v63  }
0x24: {  	s17 =	simm.s32 $0x7D;
	s18 =	simm.s32 $0xFA;
	_ =	swait.ge [sflag:s9], $0x3E80  }
0x25: {  	s16 =	sadd.s32 $0x7D0, s5;
	s15 =	sadd.s32 $0x7D0, s4;
	[sflag:s9] =	ssyncset.done $0x0  }
.LBB2_2:
0x26: {  	s19 =	sadd.s32 s17, s8  }
0x27: {  	[sflag:s9] =	ssyncadd.s32 $0xFFFFC180;
	s20 =	smov.u32 s18;
	s21 =	sadd.s32 $0x7D, s18  }
0x28: {  	[tilespmem:s2], [sflag:$0x2] =	stream.linear.gather [hbm4b:s19+s2], $0x3E8, $0x38;
	[tilespmem:$0x84D0] =	vst v63  }
0x29: {  	p0 =	sne.s32 s18, $0x1F4;
	_ =	swait.ge [sflag:s9], $0x3E8  }
0x2a: {  	[sflag:s9] =	ssyncset.done $0x0  }
0x2b: {  	s18 =	sadd.s32 s17, s7;
	s17 =	smov.u32 s20;
	[sflag:s9] =	ssyncadd.s32 $0xFFFFFC18  }
0x2c: {  	[tilespmem:s10], [sflag:$0x2] =	stream.linear.gather [hbm4b:s18+s2], $0x3E8, $0x38;
	[tilespmem:$0x84D0] =	vst v63  }
0x2d: {  	_ =	swait.ge [sflag:s9], $0x3E8  }
0x2e: {  	[sflag:s9] =	ssyncset.done $0x0  }
0x2f: {  	[sflag:s9] =	ssyncadd.s32 $0xFFFFFC18  }
0x30: {  	[tilespmem:s11], [sflag:$0x1] =	stream.indirect.gather [hbm4b:s3+s10], $0x10, s2, s10, $0xb8;
	[tilespmem:$0x84D0] =	vst v63  }
0x31: {  	_ = 	snop  }
0x32: {  	[tilespmem:s12], [sflag:$0x1] =	stream.indirect.gather [hbm4b:s3+s10], $0x10, s10, s10, $0xb8;
	[tilespmem:$0x84D0] =	vst v63  }
0x33: {  	_ =	swait.ge [sflag:s13], $0x3E80  }
0x34: {  	[sflag:s13] =	ssyncset.done $0x0  }
0x35: {  	[sflag:s13] =	ssyncadd.s32 $0xFFFFC180  }
0x36: {  	_ =	swait.ge [sflag:s13], $0x3E80  }
0x37: {  	[sflag:s13] =	ssyncset.done $0x0  }
0x38: {  	[sflag:s13] =	ssyncadd.s32 $0xFFFFC180  }
0x39: {  	[hbm4b:s16+s2] =	stream.linear.scatter [tilespmem:s11], [sflag:$0x2], $0x3E80, $0x38;
	[tilespmem:$0x84D0] =	vst v63  }
0x3a: {  	_ =	swait.ge [sflag:s9], $0x3E80  }
.Ltmp0:
0x3b: {  	[sflag:s9] =	ssyncset.done $0x0;
	(pc) =	sbr.rel @p0 .LBB2_2-.Ltmp0, $4  }
0x3c: {  	[sflag:s9] =	ssyncadd.s32 $0xFFFFC180  }
0x3d: {  	[hbm4b:s15+s2] =	stream.linear.scatter [tilespmem:s12], [sflag:$0x2], $0x3E80, $0x38;
	[tilespmem:$0x84D0] =	vst v63  }
0x3e: {  	s18 =	smov.u32 s21;
	_ =	swait.ge [sflag:s9], $0x3E80  }
0x3f: {  	s16 =	sadd.s32 $0x7D0, s16;
	s15 =	sadd.s32 $0x7D0, s15;
	[sflag:s9] =	ssyncset.done $0x0  }
0x40: {  	s18 =	sadd.s32 s17, s8;
	[sflag:s9] =	ssyncadd.s32 $0xFFFFC180  }
0x41: {  	[tilespmem:s2], [sflag:$0x2] =	stream.linear.gather [hbm4b:s18+s2], $0x3E8, $0x38;
	[tilespmem:$0x84D0] =	vst v63  }
0x42: {  	_ =	swait.ge [sflag:s9], $0x3E8  }
0x43: {  	[sflag:s9] =	ssyncset.done $0x0  }
0x44: {  	s31 =	sadd.s32 s17, s7;
	[sflag:s9] =	ssyncadd.s32 $0xFFFFFC18  }
0x45: {  	[tilespmem:s10], [sflag:$0x2] =	stream.linear.gather [hbm4b:s31+s2], $0x3E8, $0x38;
	[tilespmem:$0x84D0] =	vst v63  }
0x46: {  	_ =	swait.ge [sflag:s9], $0x3E8  }
0x47: {  	[sflag:s9] =	ssyncset.done $0x0  }
0x48: {  	[sflag:s9] =	ssyncadd.s32 $0xFFFFFC18  }
0x49: {  	[tilespmem:s11], [sflag:$0x1] =	stream.indirect.gather [hbm4b:s3+s10], $0x10, s2, s10, $0xb8;
	[tilespmem:$0x84D0] =	vst v63  }
0x4a: {  	_ = 	snop  }
0x4b: {  	[tilespmem:s12], [sflag:$0x1] =	stream.indirect.gather [hbm4b:s3+s10], $0x10, s10, s10, $0xb8;
	[tilespmem:$0x84D0] =	vst v63  }
0x4c: {  	_ =	swait.ge [sflag:s13], $0x3E80  }
0x4d: {  	[sflag:s13] =	ssyncset.done $0x0  }
0x4e: {  	[sflag:s13] =	ssyncadd.s32 $0xFFFFC180  }
0x4f: {  	_ =	swait.ge [sflag:s13], $0x3E80  }
0x50: {  	[sflag:s13] =	ssyncset.done $0x0  }
0x51: {  	[sflag:s13] =	ssyncadd.s32 $0xFFFFC180  }
0x52: {  	[hbm4b:s16+s2] =	stream.linear.scatter [tilespmem:s11], [sflag:$0x2], $0x3E80, $0x38;
	[tilespmem:$0x84D0] =	vst v63  }
0x53: {  	s14 =	sadd.s32 $0x1, s14;
	_ =	swait.ge [sflag:s9], $0x3E80  }
0x54: {  	p0 =	sne.s32 s14, s6;
	[sflag:s9] =	ssyncset.done $0x0  }
.Ltmp1:
0x55: {  	[sflag:s9] =	ssyncadd.s32 $0xFFFFC180;
	(pc) =	sbr.rel @p0 .LBB2_1-.Ltmp1, $4  }
0x56: {  	[hbm4b:s15+s2] =	stream.linear.scatter [tilespmem:s12], [sflag:$0x2], $0x3E80, $0x38;
	[tilespmem:$0x84D0] =	vst v63  }
0x57: {  	_ =	swait.ge [sflag:s9], $0x3E80  }
0x58: {  	[sflag:s9] =	ssyncset.done $0x0  }
0x59: {  	[sflag:s9] =	ssyncadd.s32 $0xFFFFC180  }
0x5a: {  	_ =	sfence.sel $0x180000  }
0x5b: {  	[bflag:$0x0] =	sbarrier.arrive $0xFFFF  }
0x5c: {  	p0 =	sne.s32 s1, $0x0;
	_ =	strace $0x90000050  }
0x5d: {  	s0 =	sadd.s32 @!p0 $0x100000, s0;
	[bflag:$0x2] =	sbarrier.arrive $0xFFFF  }
0x5e: {  	[sflag:s0] =	ssyncadd.tile.s32 @!p0 $0x1;
	_ =	shalt  }
.Lfunc_end2:
_tile_overlayer_lowered:
.L_overlay_start_2:
0x5f: {  	(tag) =	ssettag $0x2  }
0x60: {  	s0 =	rddreg [dreg:$0x0];
	s2 =	stileid.u32  }
0x61: {  	s1 =	rddreg [dreg:$0x1];
	p0 =	sne.s32 s2, $0x0  }
0x62: {  	s3 =	rddreg [dreg:$0x2];
	[bflag:$0x3] =	sbarrier.arrive $0xFFFF;
	s2 =	simm.s32 @!p0 $0x1C02  }
0x63: {  	[timem:s3], [sflag:s2] =	dma.local @!p0 [hbm:s0], s1  }
0x64: {  	s0 =	simm.s32 @!p0 $0x2  }
0x65: {  	_ =	swait.ge @!p0 [sflag:s0], s1  }
0x66: {  	s1 =	ssub.s32 @!p0 $0x0, s1;
	[sflag:s0] =	ssyncset.done @!p0 $0x0  }
0x67: {  	[sflag:s0] =	ssyncadd.s32 @!p0 s1  }
0x68: {  	[bflag:$0x3] =	sbarrier.arrive $0xFFFF  }
0x69: {  	_ =	shalt  }

// kernel: kernel.31.cloned.1.call-start
scs
__scs_entry_jumppad:
0x0: {  	(pc) =	sbr.rel $0x88, $3  }
0x1: {  	(tag) =	ssettag $0x0;
	lr =	simm.s32 $0x1  }
0x2: {  	[smem:$0x3F87] =	sst lr;
	_ =	strace $0xD0000000  }
0x3: {  	_ = 	snop  }
0x4: {  	_ = 	snop  }
0x5: {  	_ = 	snop  }
0x6: {  	_ = 	snop  }
0x7: {  	_ = 	snop  }
__scs_overlays_trampoline_lowered:
0x8: {  	[smem:$0x3F96] =	sst s0  }
0x9: {  	[smem:$0x3F97] =	sst s1  }
0xa: {  	[smem:$0x3F98] =	sst s2  }
0xb: {  	[smem:$0x3F99] =	sst s3  }
0xc: {  	[smem:$0x3F9A] =	sst s4  }
0xd: {  	[smem:$0x3F9B] =	sst s5  }
0xe: {  	[smem:$0x3F9C] =	sst s6  }
0xf: {  	[smem:$0x3F9D] =	sst s7  }
0x10: {  	[smem:$0x3F9E] =	sst s8  }
0x11: {  	[smem:$0x3F9F] =	sst s9;
	s0 =	simm.s32 @!p0 $0x0  }
0x12: {  	s1 =	sld [smem:$0x3F85];
	s0 =	simm.s32 @p0 $0x1  }
0x13: {  	[smem:$0x3FA0] =	sst s0;
	s0 =	simm.s32 @!p1 $0x0  }
0x14: {  	s2 =	sld [smem:$0x3F84];
	s0 =	simm.s32 @p1 $0x1  }
0x15: {  	[smem:$0x3FA1] =	sst s0;
	s0 =	simm.s32 @!p2 $0x0  }
0x16: {  	s3 =	sld [smem:$0x3FDB];
	s0 =	simm.s32 @p2 $0x1  }
0x17: {  	s4 =	simm.s32 $0x1BF5;
	[smem:$0x3FA3] =	sst s0  }
0x18: {  	s0 =	sld [smem:$0x3F86];
	_ =	swait.ge [sflag:s4], $0x0  }
0x19: {  	s7 =	sld [smem:$0x3F87]  }
0x1a: {  	s8 =	sadd.s32 $0xFFFFE003, lr  }
0x1b: {  	s9 =	sadd.s32 $0xFFFFFEF7, lr;
	s5 =	simm.s32 $0xFFFFFFFF;
	p2 =	slt.u32 s8, $0xFFFFF086  }
0x1c: {  	p1 =	slt.u32 s9, $0xF7A;
	s5 =	simm.s32 @!p2 $0x0  }
0x1d: {  	s5 =	simm.s32 @p1 $0x1;
	p0 =	seq.s32 s7, s2  }
0x1e: {  	s7 =	smul.u32 @!p0 $0xF7A, s2;
	p2 =	seq.s32 @!p0 s5, $0x0  }
0x1f: {  	s9 =	smul.u32 $0xF7A, s1;
	s8 =	simm.s32 @!p0 $0x1BF5;
	p2 =	por !p2, p0  }
0x20: {  	[sflag:s8] =	ssyncset.s32 @!p0 $0xFFFFF086;
	s6 =	sadd.s32 @!p0 s3, s7;
	s7 =	simm.s32 @!p0 $0x108  }
0x21: {  	s3 =	sadd.s32 s3, s9;
	s6 =	sadd.s32 @!p0 $0x88, s6;
	s7 =	simm.s32 @p2 $0x1082  }
0x22: {  	[simem:s7], [sflag:s8] =	dma.local @!p0 [hbm:s6], $0xF7A  }
0x23: {  	s9 =	sor.u32 $0xD0000000, s2;
	s6 =	simm.s32 $0x108;
	_ =	swait.ge @!p0 [sflag:s8], $0x0  }
0x24: {  	s3 =	sadd.s32 $0x88, s3;
	s6 =	simm.s32 @!p1 $0x1082;
	[sflag:s4] =	ssyncset.s32 $0xFFFFF086  }
0x25: {  	[simem:s6], [sflag:s4] =	dma.local [hbm:s3], $0xF7A  }
0x26: {  	[smem:$0x3F87] =	sst s1;
	(tag) =	ssettag s2;
	_ =	strace s9  }
0x27: {  	s1 =	sld [smem:$0x3F97]  }
0x28: {  	s2 =	sld [smem:$0x3F98]  }
0x29: {  	s4 =	sld [smem:$0x3F9A]  }
0x2a: {  	p0 =	seq.s32 s5, $0x0;
	s5 =	sld [smem:$0x3F9B]  }
0x2b: {  	s6 =	sld [smem:$0x3F9C]  }
0x2c: {  	s7 =	sld [smem:$0x3F9D]  }
0x2d: {  	s3 =	simm.s32 $0x108;
	s8 =	sld [smem:$0x3F9E]  }
0x2e: {  	s3 =	simm.s32 @!p0 $0x1082;
	s9 =	sld [smem:$0x3F9F]  }
0x2f: {  	lr =	sadd.s32 s0, s3;
	s0 =	sld [smem:$0x3F96]  }
0x30: {  	s3 =	sld [smem:$0x3F99]  }
0x31: {  	[smem:$0x3FA2] =	sst s10  }
0x32: {  	s10 =	sld [smem:$0x3FA0];
	_ =	sdelay $0x3  }
0x33: {  	p0 =	seq.s32 s10, $0x1;
	s10 =	sld [smem:$0x3FA2];
	_ =	sdelay $0x3  }
0x34: {  	[smem:$0x3FA2] =	sst s10  }
0x35: {  	s10 =	sld [smem:$0x3FA1];
	_ =	sdelay $0x3  }
0x36: {  	p1 =	seq.s32 s10, $0x1;
	s10 =	sld [smem:$0x3FA2];
	_ =	sdelay $0x3  }
0x37: {  	[smem:$0x3FA2] =	sst s10  }
0x38: {  	s10 =	sld [smem:$0x3FA3]  }
0x39: {  	_ = 	snop;
	(pc) =	sbr.ind lr, $3  }
0x3a: {  	_ = 	snop  }
0x3b: {  	_ = 	snop  }
0x3c: {  	p2 =	seq.s32 s10, $0x1;
	s10 =	sld [smem:$0x3FA2]  }
0x3d: {  	_ =	shalt  }
0x3e: {  	_ =	shalt  }
0x3f: {  	_ =	shalt  }
0x40: {  	_ =	shalt  }
0x41: {  	_ =	shalt  }
0x42: {  	_ =	shalt  }
0x43: {  	_ =	shalt  }
0x44: {  	_ =	shalt  }
0x45: {  	_ =	shalt  }
0x46: {  	_ =	shalt  }
0x47: {  	_ =	shalt  }
0x48: {  	_ =	shalt  }
0x49: {  	_ =	shalt  }
0x4a: {  	_ =	shalt  }
0x4b: {  	_ =	shalt  }
0x4c: {  	_ =	shalt  }
0x4d: {  	_ =	shalt  }
0x4e: {  	_ =	shalt  }
0x4f: {  	_ =	shalt  }
0x50: {  	_ =	shalt  }
0x51: {  	_ =	shalt  }
0x52: {  	_ =	shalt  }
0x53: {  	_ =	shalt  }
0x54: {  	_ =	shalt  }
0x55: {  	_ =	shalt  }
0x56: {  	_ =	shalt  }
0x57: {  	_ =	shalt  }
0x58: {  	_ =	shalt  }
0x59: {  	_ =	shalt  }
0x5a: {  	_ =	shalt  }
0x5b: {  	_ =	shalt  }
0x5c: {  	_ =	shalt  }
0x5d: {  	_ =	shalt  }
0x5e: {  	_ =	shalt  }
0x5f: {  	_ =	shalt  }
0x60: {  	_ =	shalt  }
0x61: {  	_ =	shalt  }
0x62: {  	_ =	shalt  }
0x63: {  	_ =	shalt  }
0x64: {  	_ =	shalt  }
0x65: {  	_ =	shalt  }
0x66: {  	_ =	shalt  }
0x67: {  	_ =	shalt  }
0x68: {  	_ =	shalt  }
0x69: {  	_ =	shalt  }
0x6a: {  	_ =	shalt  }
0x6b: {  	_ =	shalt  }
0x6c: {  	_ =	shalt  }
0x6d: {  	_ =	shalt  }
0x6e: {  	_ =	shalt  }
0x6f: {  	_ =	shalt  }
0x70: {  	_ =	shalt  }
0x71: {  	_ =	shalt  }
0x72: {  	_ =	shalt  }
0x73: {  	_ =	shalt  }
0x74: {  	_ =	shalt  }
0x75: {  	_ =	shalt  }
0x76: {  	_ =	shalt  }
0x77: {  	_ =	shalt  }
0x78: {  	_ =	shalt  }
0x79: {  	_ =	shalt  }
0x7a: {  	_ =	shalt  }
0x7b: {  	_ =	shalt  }
0x7c: {  	_ =	shalt  }
0x7d: {  	_ =	shalt  }
0x7e: {  	_ =	shalt  }
0x7f: {  	_ =	shalt  }
0x80: {  	_ =	shalt  }
0x81: {  	_ =	shalt  }
0x82: {  	_ =	shalt  }
0x83: {  	_ =	shalt  }
0x84: {  	_ =	shalt  }
0x85: {  	_ =	shalt  }
0x86: {  	_ =	shalt  }
0x87: {  	_ =	shalt  }
.Lfunc_end0:
.L_simem_size_0:
called_computation.6_lowered:
.L_overlay_start_0:
0x88: {  	s2 =	sld [smem:$0x3FD9]  }
0x89: {  	s3 =	sld [smem:$0x3FFE];
	_ =	sdelay $0x1  }
0x8a: {  	s1 =	srdreg.scid  }
0x8b: {  	s0 =	sand.u32 $0x1, s1  }
0x8c: {  	s17 =	sshll.u32 s0, $0xA;
	s2 =	sadd.s32 s3, s2  }
0x8d: {  	s2 =	sadd.s32 s2, s17  }
0x8e: {  	[smem:$0x3FAE] =	sst s2  }
0x8f: {  	_ = 	snop  }
0x90: {  	(tm) =	ssettm $0x1  }
0x91: {  	s18 =	sld [smem:$0x3FFB];
	_ =	sdelay $0x3  }
0x92: {  	_ =	strace s18  }
0x93: {  	s2 =	sld [smem:$0x3FFC];
	_ =	sdelay $0x3  }
0x94: {  	_ =	strace s2  }
0x95: {  	s2 =	sld [smem:$0x3FFD];
	_ =	sdelay $0x3  }
0x96: {  	_ =	strace s2  }
0x97: {  	_ =	strace $0x8FFFFFFF  }
0x98: {  	s19 =	sld [smem:$0x3FDB];
	_ =	sdelay $0x1  }
0x99: {  	s20 =	simm.s32 $_scs_section_size  }
0x9a: {  	s4 =	simm.s32 $_size__tile_overlayer_lowered;
	s5 =	simm.s32 $_tile_overlayer_lowered  }
0x9b: {  	s6 =	simm.s32 $0x1BFF;
	s21 =	sshll.u32 s5, $0x1;
	s3 =	sadd.s32 s20, s19  }
0x9c: {  	s22 =	simm.s32 $0x0;
	s4 =	sshll.u32 s4, $0x1;
	s5 =	sadd.s32 s21, s3  }
0x9d: {  	[timem:s22], [sflag:s6] =	dma.local [hbm:s5], s4  }
0x9e: {  	_ =	swait.ge [sflag:s6], s4  }
0x9f: {  	s4 =	ssub.s32 $0x0, s4;
	[sflag:s6] =	ssyncset.done $0x0  }
0xa0: {  	[sflag:s6] =	ssyncadd.s32 s4;
	_ =	sdelay $0x1  }
0xa1: {  	s23 =	simm.s32 $0x1B8B  }
0xa2: {  	_ =	swait.ge [sflag:s23], $0x1  }
0xa3: {  	[sflag:s23] =	ssyncset.done $0x0  }
0xa4: {  	[sflag:s23] =	ssyncadd.s32 $0xFFFFFFFF  }
0xa5: {  	s4 =	sld [smem:$0x0]  }
0xa6: {  	s5 =	sand.u32 $0xFFFFFFFE, s1  }
0xa7: {  	p0 =	sne.s32 s1, s5  }
0xa8: {  	s5 =	sshll.u32 @p0 s5, $0xE  }
0xa9: {  	s5 =	sadd.s32 @p0 $0x11B8D, s5;
	s6 =	sshll.u32 @p0 s4, $0x11  }
0xaa: {  	s5 =	sor.u32 @p0 s6, s5  }
0xab: {  	[sflag:s5] =	ssyncadd.remote.s32 @p0 $0x1;
	_ =	sdelay $0x1  }
0xac: {  	s5 =	simm.s32 @p0 $0x1B8D  }
0xad: {  	_ =	swait.eq @p0 [sflag:s5], $0x1  }
0xae: {  	[sflag:s5] =	ssyncadd.s32 @p0 $0xFFFFFFFF  }
0xaf: {  	s6 =	sshll.u32 @!p0 s1, $0xE  }
0xb0: {  	s6 =	sor.u32 @!p0 $0x4000, s6;
	s5 =	simm.s32 @!p0 $0x1B8D  }
0xb1: {  	s4 =	sshll.u32 @!p0 s4, $0x11;
	s6 =	sadd.s32 @!p0 $0x11B8D, s6;
	_ =	swait.eq @!p0 [sflag:s5], $0x1  }
0xb2: {  	s4 =	sor.u32 @!p0 s4, s6;
	[sflag:s5] =	ssyncadd.s32 @!p0 $0xFFFFFFFF  }
0xb3: {  	s25 =	simm.s32 $0x1B8E;
	s24 =	sld [smem:$0x3FFE];
	[sflag:s4] =	ssyncadd.remote.s32 @!p0 $0x1  }
0xb4: {  	s26 =	simm.s32 $execute0_lowered;
	[smem:$0x3FD2] =	sst s25  }
0xb5: {  	s5 =	sshll.u32 s26, $0x1;
	_ =	strace $0x8000005B;
	[dreg:$0x1] =	wrdreg $0xFFFFFFFF  }
0xb6: {  	s28 =	simm.s32 $_size_execute0_lowered;
	s3 =	sadd.s32 s3, s5;
	[dreg:$0x0] =	wrdreg $0x0  }
0xb7: {  	s5 =	sshll.u32 s28, $0x1;
	[dreg:$0x2] =	wrdreg s3  }
0xb8: {  	[dreg:$0x3] =	wrdreg s5  }
0xb9: {  	[dreg:$0x4] =	wrdreg $0xC0  }
0xba: {  	_ =	task [dreg:s22], $0x5FFFF  }
0xbb: {  	[dreg:$0x1] =	wrdreg $0xFFFFFFFF  }
0xbc: {  	[dreg:$0x0] =	wrdreg $0x60  }
0xbd: {  	[dreg:$0x2] =	wrdreg s24  }
0xbe: {  	[dreg:$0x3] =	wrdreg $0x65000  }
0xbf: {  	[dreg:$0x4] =	wrdreg $0xB  }
0xc0: {  	_ =	task.clear_ibuf [dreg:s22], $0x5FFFF;
	_ =	strace $0x9000005B  }
0xc1: {  	s29 =	simm.s32 $0xB;
	_ =	strace $0x8000005D  }
0xc2: {  	_ =	swait.ge [sflag:s29], $0x1  }
0xc3: {  	[sflag:s29] =	ssyncadd.s32 $0xFFFFFFFF  }
0xc4: {  	_ =	strace $0x9000005D  }
0xc5: {  	_ =	sfence  }
0xc6: {  	s30 =	sld [smem:$0x0];
	_ =	sdelay $0x2  }
0xc7: {  	s31 =	sshll.u32 s1, $0xD;
	s1 =	sshrl.u32 s1, $0x2  }
0xc8: {  	s4 =	sand.u32 $0x4000, s31;
	s1 =	sadd.s32 s1, s30  }
0xc9: {  	s0 =	sor.u32 s4, s0;
	s1 =	sshll.u32 s1, $0x11  }
0xca: {  	s0 =	sor.u32 s1, s0  }
0xcb: {  	s0 =	sadd.s32 $0x8F2B, s0  }
0xcc: {  	[sflag:s0] =	ssyncadd.remote.s32 $0x1  }
0xcd: {  	_ =	sfence.sel $0xFFFF  }
0xce: {  	[dreg:$0x0] =	wrdreg $0xFFFFFFFF;
	(pc) =	sbr.abs _section_cstart, $3  }
0xcf: {  	[dreg:$0x1] =	wrdreg $0xFFFFFFFF  }
0xd0: {  	_ =	task.clear_ibuf [dreg:s22], $0x2FFFF;
	_ =	strace $0x9FFFFFFF  }
0xd1: {  	(tm) =	ssettm $0x7FFFFFFF  }
tec
execute0_lowered:
.L_overlay_start_1:
0x0: {  	(tag) =	ssettag $0x1  }
0x1: {  	s0 =	stileid.u32  }
0x2: {  	s1 =	srdreg.scid;
	s4 =	smul.u32 $0x27100, s0  }
0x3: {  	s5 =	rddreg [dreg:$0x0];
	s7 =	smul.u32 $0x2710, s0  }
0x4: {  	s2 =	rddreg [dreg:$0x1];
	s3 =	simm.s32 $0x0;
	s22 =	smul.u32 $0x14000, s0  }
0x5: {  	s13 =	simm.s32 $0xC8;
	s6 =	sand.u32 $0x1, s1;
	s26 =	smul.u32 $0x50000, s0  }
0x6: {  	s14 =	simm.s32 $0x0;
	s1 =	rddreg [dreg:$0x2];
	s8 =	smul.u32 $0x1388, s6  }
0x7: {  	[smem:$0x7FF] =	sst s3;
	s30 =	sshll.u32 s0, $0x6;
	s9 =	smul.u32 $0x140000, s6  }
0x8: {  	_ =	strace $0x8000005C;
	s25 =	ssub.s32 $0x2, s6;
	s6 =	smul.u32 $0x13880, s6  }
0x9: {  	s10 =	sadd.s32 s4, s5;
	s4 =	sadd.s32 $0x7E00, s5;
	s28 =	sshrl.u32 s25, $0x1  }
0xa: {  	s29 =	sshrl.u32 s26, $0x2;
	s7 =	sadd.s32 s8, s7;
	s24 =	sadd.s32 s22, s9  }
0xb: {  	s8 =	ssub.s32 s25, s28;
	s12 =	sadd.s32 s29, s2;
	s31 =	sadd.s32 s6, s10  }
0xc: {  	s23 =	sshrl.u32 s7, $0x3;
	s7 =	sshrl.u32 s24, $0x3;
	s10 =	sshrl.u32 s12, $0x3  }
0xd: {  	s12 =	simm.s32 $0x100;
	s11 =	sadd.s32 s23, s5;
	s7 =	sadd.s32 s7, s5  }
0xe: {  	s5 =	sor.u32 $0x1C01, s30;
	s6 =	sadd.s32 $0x321000, s7;
	s7 =	smax.u32 s8, $0x1  }
0xf: {  	s8 =	sadd.s32 $0x11E00, s31;
	s9 =	sadd.s32 $0x59A200, s11;
	s11 =	simm.s32 $0x1  }
.LBB2_1:
0x10: {  	[spmem:s10], [sflag:s5] =	dma.local [hbm:s4], $0x2800  }
0x11: {  	_ =	swait.ge [sflag:s11], $0x2800  }
0x12: {  	[sflag:s11] =	ssyncset.done $0x0  }
0x13: {  	[sflag:s11] =	ssyncadd.s32 $0xFFFFD800  }
0x14: {  	s15 =	sadd.s32 $0x0, s9;
	[bflag:$0x0] =	sbarrier.arrive $0xFFFF  }
0x15: {  	[tilespmem:s3], [sflag:$0x1] =	stream.linear.gather [hbm4b:s15+s3], $0xC8, $0x38;
	[tilespmem:$0x1A500] =	vst v63  }
0x16: {  	_ =	swait.ge [sflag:s11], $0xC8  }
0x17: {  	[sflag:s11] =	ssyncset.done $0x0  }
0x18: {  	[sflag:s11] =	ssyncadd.s32 $0xFFFFFF38  }
0x19: {  	[tilespmem:s12], [sflag:$0x1] =	stream.linear.gather [hbm4b:s8+s3], $0x6400, $0x38;
	[tilespmem:$0x1A500] =	vst v63  }
0x1a: {  	_ =	swait.ge [sflag:s11], $0x6400  }
0x1b: {  	[sflag:s11] =	ssyncset.done $0x0  }
0x1c: {  	[sflag:s11] =	ssyncadd.s32 $0xFFFF9C00  }
0x1d: {  	[spmem:s2] =	stream.indirect.scatter.add.f32 [tilespmem:s12], [sflag:$0x1], $0x80, s3, s13, $0xb8;
	[tilespmem:$0x1A500] =	vst v63  }
0x1e: {  	s16 =	simm.s32 $0x19;
	_ =	swait.ge [sflag:s11], $0x6400  }
0x1f: {  	s17 =	simm.s32 $0x32;
	s15 =	sadd.s32 $0xC80, s8;
	[sflag:s11] =	ssyncset.done $0x0  }
.LBB2_2:
0x20: {  	s18 =	sadd.s32 s16, s9  }
0x21: {  	[sflag:s11] =	ssyncadd.s32 $0xFFFF9C00;
	s16 =	smov.u32 s17;
	s19 =	sadd.s32 $0x19, s17  }
0x22: {  	[tilespmem:s3], [sflag:$0x1] =	stream.linear.gather [hbm4b:s18+s3], $0xC8, $0x38;
	[tilespmem:$0x1A500] =	vst v63  }
0x23: {  	p0 =	sne.s32 s17, $0x258;
	_ =	swait.ge [sflag:s11], $0xC8  }
0x24: {  	[sflag:s11] =	ssyncset.done $0x0  }
0x25: {  	[sflag:s11] =	ssyncadd.s32 $0xFFFFFF38  }
0x26: {  	[tilespmem:s12], [sflag:$0x1] =	stream.linear.gather [hbm4b:s15+s3], $0x6400, $0x38;
	[tilespmem:$0x1A500] =	vst v63  }
0x27: {  	_ =	swait.ge [sflag:s11], $0x6400  }
.Ltmp0:
0x28: {  	[sflag:s11] =	ssyncset.done $0x0;
	(pc) =	sbr.rel @p0 .LBB2_2-.Ltmp0, $4  }
0x29: {  	[sflag:s11] =	ssyncadd.s32 $0xFFFF9C00  }
0x2a: {  	[spmem:s2] =	stream.indirect.scatter.add.f32 [tilespmem:s12], [sflag:$0x1], $0x80, s3, s13, $0xb8;
	[tilespmem:$0x1A500] =	vst v63  }
0x2b: {  	_ =	swait.ge [sflag:s11], $0x6400  }
0x2c: {  	s17 =	smov.u32 s19;
	s15 =	sadd.s32 $0xC80, s15;
	[sflag:s11] =	ssyncset.done $0x0  }
0x2d: {  	s16 =	sadd.s32 s16, s9;
	[sflag:s11] =	ssyncadd.s32 $0xFFFF9C00  }
0x2e: {  	[tilespmem:s3], [sflag:$0x1] =	stream.linear.gather [hbm4b:s16+s3], $0xC8, $0x38;
	[tilespmem:$0x1A500] =	vst v63  }
0x2f: {  	_ =	swait.ge [sflag:s11], $0xC8  }
0x30: {  	[sflag:s11] =	ssyncset.done $0x0  }
0x31: {  	[sflag:s11] =	ssyncadd.s32 $0xFFFFFF38  }
0x32: {  	[tilespmem:s12], [sflag:$0x1] =	stream.linear.gather [hbm4b:s15+s3], $0x6400, $0x38;
	[tilespmem:$0x1A500] =	vst v63  }
0x33: {  	_ =	swait.ge [sflag:s11], $0x6400  }
0x34: {  	[sflag:s11] =	ssyncset.done $0x0  }
0x35: {  	[sflag:s11] =	ssyncadd.s32 $0xFFFF9C00  }
0x36: {  	[spmem:s2] =	stream.indirect.scatter.add.f32 [tilespmem:s12], [sflag:$0x1], $0x80, s3, s13, $0xb8;
	[tilespmem:$0x1A500] =	vst v63  }
0x37: {  	_ =	swait.ge [sflag:s11], $0x6400  }
0x38: {  	s14 =	sadd.s32 $0x1, s14;
	[sflag:s11] =	ssyncset.done $0x0  }
0x39: {  	p0 =	sne.s32 s14, s7;
	[sflag:s11] =	ssyncadd.s32 $0xFFFF9C00  }
.Ltmp1:
0x3a: {  	[bflag:$0x0] =	sbarrier.arrive $0xFFFF;
	(pc) =	sbr.rel @p0 .LBB2_1-.Ltmp1, $4  }
0x3b: {  	[hbm:s6], [sflag:s5] =	dma.local [spmem:s10], $0x2800  }
0x3c: {  	_ =	swait.ge [sflag:s11], $0x2800  }
0x3d: {  	[sflag:s11] =	ssyncset.done $0x0  }
0x3e: {  	[sflag:s11] =	ssyncadd.s32 $0xFFFFD800  }
0x3f: {  	_ =	sfence.sel $0x180000  }
0x40: {  	[bflag:$0x0] =	sbarrier.arrive $0xFFFF  }
0x41: {  	p0 =	sne.s32 s0, $0x0;
	_ =	strace $0x9000005C  }
0x42: {  	s0 =	sadd.s32 @!p0 $0x100000, s1;
	[bflag:$0x2] =	sbarrier.arrive $0xFFFF  }
0x43: {  	[sflag:s0] =	ssyncadd.tile.s32 @!p0 $0x1;
	_ =	shalt  }
.Lfunc_end2:
_tile_overlayer_lowered:
.L_overlay_start_2:
0x44: {  	(tag) =	ssettag $0x2  }
0x45: {  	s0 =	rddreg [dreg:$0x0];
	s2 =	stileid.u32  }
0x46: {  	s1 =	rddreg [dreg:$0x1];
	p0 =	sne.s32 s2, $0x0  }
0x47: {  	s3 =	rddreg [dreg:$0x2];
	[bflag:$0x3] =	sbarrier.arrive $0xFFFF;
	s2 =	simm.s32 @!p0 $0x1C01  }
0x48: {  	[timem:s3], [sflag:s2] =	dma.local @!p0 [hbm:s0], s1  }
0x49: {  	s0 =	simm.s32 @!p0 $0x1  }
0x4a: {  	_ =	swait.ge @!p0 [sflag:s0], s1  }
0x4b: {  	s1 =	ssub.s32 @!p0 $0x0, s1;
	[sflag:s0] =	ssyncset.done @!p0 $0x0  }
0x4c: {  	[sflag:s0] =	ssyncadd.s32 @!p0 s1  }
0x4d: {  	[bflag:$0x3] =	sbarrier.arrive $0xFFFF  }
0x4e: {  	_ =	shalt  }

// kernel: kernel.34.cloned.1.call-start
scs
__scs_entry_jumppad:
0x0: {  	(pc) =	sbr.rel $0x88, $3  }
0x1: {  	(tag) =	ssettag $0x0;
	lr =	simm.s32 $0x1  }
0x2: {  	[smem:$0x3F87] =	sst lr;
	_ =	strace $0xD0000000  }
0x3: {  	_ = 	snop  }
0x4: {  	_ = 	snop  }
0x5: {  	_ = 	snop  }
0x6: {  	_ = 	snop  }
0x7: {  	_ = 	snop  }
__scs_overlays_trampoline_lowered:
0x8: {  	[smem:$0x3F96] =	sst s0  }
0x9: {  	[smem:$0x3F97] =	sst s1  }
0xa: {  	[smem:$0x3F98] =	sst s2  }
0xb: {  	[smem:$0x3F99] =	sst s3  }
0xc: {  	[smem:$0x3F9A] =	sst s4  }
0xd: {  	[smem:$0x3F9B] =	sst s5  }
0xe: {  	[smem:$0x3F9C] =	sst s6  }
0xf: {  	[smem:$0x3F9D] =	sst s7  }
0x10: {  	[smem:$0x3F9E] =	sst s8  }
0x11: {  	[smem:$0x3F9F] =	sst s9;
	s0 =	simm.s32 @!p0 $0x0  }
0x12: {  	s1 =	sld [smem:$0x3F85];
	s0 =	simm.s32 @p0 $0x1  }
0x13: {  	[smem:$0x3FA0] =	sst s0;
	s0 =	simm.s32 @!p1 $0x0  }
0x14: {  	s2 =	sld [smem:$0x3F84];
	s0 =	simm.s32 @p1 $0x1  }
0x15: {  	[smem:$0x3FA1] =	sst s0;
	s0 =	simm.s32 @!p2 $0x0  }
0x16: {  	s3 =	sld [smem:$0x3FDB];
	s0 =	simm.s32 @p2 $0x1  }
0x17: {  	s4 =	simm.s32 $0x1BF5;
	[smem:$0x3FA3] =	sst s0  }
0x18: {  	s0 =	sld [smem:$0x3F86];
	_ =	swait.ge [sflag:s4], $0x0  }
0x19: {  	s7 =	sld [smem:$0x3F87]  }
0x1a: {  	s8 =	sadd.s32 $0xFFFFE003, lr  }
0x1b: {  	s9 =	sadd.s32 $0xFFFFFEF7, lr;
	s5 =	simm.s32 $0xFFFFFFFF;
	p2 =	slt.u32 s8, $0xFFFFF086  }
0x1c: {  	p1 =	slt.u32 s9, $0xF7A;
	s5 =	simm.s32 @!p2 $0x0  }
0x1d: {  	s5 =	simm.s32 @p1 $0x1;
	p0 =	seq.s32 s7, s2  }
0x1e: {  	s7 =	smul.u32 @!p0 $0xF7A, s2;
	p2 =	seq.s32 @!p0 s5, $0x0  }
0x1f: {  	s9 =	smul.u32 $0xF7A, s1;
	s8 =	simm.s32 @!p0 $0x1BF5;
	p2 =	por !p2, p0  }
0x20: {  	[sflag:s8] =	ssyncset.s32 @!p0 $0xFFFFF086;
	s6 =	sadd.s32 @!p0 s3, s7;
	s7 =	simm.s32 @!p0 $0x108  }
0x21: {  	s3 =	sadd.s32 s3, s9;
	s6 =	sadd.s32 @!p0 $0x88, s6;
	s7 =	simm.s32 @p2 $0x1082  }
0x22: {  	[simem:s7], [sflag:s8] =	dma.local @!p0 [hbm:s6], $0xF7A  }
0x23: {  	s9 =	sor.u32 $0xD0000000, s2;
	s6 =	simm.s32 $0x108;
	_ =	swait.ge @!p0 [sflag:s8], $0x0  }
0x24: {  	s3 =	sadd.s32 $0x88, s3;
	s6 =	simm.s32 @!p1 $0x1082;
	[sflag:s4] =	ssyncset.s32 $0xFFFFF086  }
0x25: {  	[simem:s6], [sflag:s4] =	dma.local [hbm:s3], $0xF7A  }
0x26: {  	[smem:$0x3F87] =	sst s1;
	(tag) =	ssettag s2;
	_ =	strace s9  }
0x27: {  	s1 =	sld [smem:$0x3F97]  }
0x28: {  	s2 =	sld [smem:$0x3F98]  }
0x29: {  	s4 =	sld [smem:$0x3F9A]  }
0x2a: {  	p0 =	seq.s32 s5, $0x0;
	s5 =	sld [smem:$0x3F9B]  }
0x2b: {  	s6 =	sld [smem:$0x3F9C]  }
0x2c: {  	s7 =	sld [smem:$0x3F9D]  }
0x2d: {  	s3 =	simm.s32 $0x108;
	s8 =	sld [smem:$0x3F9E]  }
0x2e: {  	s3 =	simm.s32 @!p0 $0x1082;
	s9 =	sld [smem:$0x3F9F]  }
0x2f: {  	lr =	sadd.s32 s0, s3;
	s0 =	sld [smem:$0x3F96]  }
0x30: {  	s3 =	sld [smem:$0x3F99]  }
0x31: {  	[smem:$0x3FA2] =	sst s10  }
0x32: {  	s10 =	sld [smem:$0x3FA0];
	_ =	sdelay $0x3  }
0x33: {  	p0 =	seq.s32 s10, $0x1;
	s10 =	sld [smem:$0x3FA2];
	_ =	sdelay $0x3  }
0x34: {  	[smem:$0x3FA2] =	sst s10  }
0x35: {  	s10 =	sld [smem:$0x3FA1];
	_ =	sdelay $0x3  }
0x36: {  	p1 =	seq.s32 s10, $0x1;
	s10 =	sld [smem:$0x3FA2];
	_ =	sdelay $0x3  }
0x37: {  	[smem:$0x3FA2] =	sst s10  }
0x38: {  	s10 =	sld [smem:$0x3FA3]  }
0x39: {  	_ = 	snop;
	(pc) =	sbr.ind lr, $3  }
0x3a: {  	_ = 	snop  }
0x3b: {  	_ = 	snop  }
0x3c: {  	p2 =	seq.s32 s10, $0x1;
	s10 =	sld [smem:$0x3FA2]  }
0x3d: {  	_ =	shalt  }
0x3e: {  	_ =	shalt  }
0x3f: {  	_ =	shalt  }
0x40: {  	_ =	shalt  }
0x41: {  	_ =	shalt  }
0x42: {  	_ =	shalt  }
0x43: {  	_ =	shalt  }
0x44: {  	_ =	shalt  }
0x45: {  	_ =	shalt  }
0x46: {  	_ =	shalt  }
0x47: {  	_ =	shalt  }
0x48: {  	_ =	shalt  }
0x49: {  	_ =	shalt  }
0x4a: {  	_ =	shalt  }
0x4b: {  	_ =	shalt  }
0x4c: {  	_ =	shalt  }
0x4d: {  	_ =	shalt  }
0x4e: {  	_ =	shalt  }
0x4f: {  	_ =	shalt  }
0x50: {  	_ =	shalt  }
0x51: {  	_ =	shalt  }
0x52: {  	_ =	shalt  }
0x53: {  	_ =	shalt  }
0x54: {  	_ =	shalt  }
0x55: {  	_ =	shalt  }
0x56: {  	_ =	shalt  }
0x57: {  	_ =	shalt  }
0x58: {  	_ =	shalt  }
0x59: {  	_ =	shalt  }
0x5a: {  	_ =	shalt  }
0x5b: {  	_ =	shalt  }
0x5c: {  	_ =	shalt  }
0x5d: {  	_ =	shalt  }
0x5e: {  	_ =	shalt  }
0x5f: {  	_ =	shalt  }
0x60: {  	_ =	shalt  }
0x61: {  	_ =	shalt  }
0x62: {  	_ =	shalt  }
0x63: {  	_ =	shalt  }
0x64: {  	_ =	shalt  }
0x65: {  	_ =	shalt  }
0x66: {  	_ =	shalt  }
0x67: {  	_ =	shalt  }
0x68: {  	_ =	shalt  }
0x69: {  	_ =	shalt  }
0x6a: {  	_ =	shalt  }
0x6b: {  	_ =	shalt  }
0x6c: {  	_ =	shalt  }
0x6d: {  	_ =	shalt  }
0x6e: {  	_ =	shalt  }
0x6f: {  	_ =	shalt  }
0x70: {  	_ =	shalt  }
0x71: {  	_ =	shalt  }
0x72: {  	_ =	shalt  }
0x73: {  	_ =	shalt  }
0x74: {  	_ =	shalt  }
0x75: {  	_ =	shalt  }
0x76: {  	_ =	shalt  }
0x77: {  	_ =	shalt  }
0x78: {  	_ =	shalt  }
0x79: {  	_ =	shalt  }
0x7a: {  	_ =	shalt  }
0x7b: {  	_ =	shalt  }
0x7c: {  	_ =	shalt  }
0x7d: {  	_ =	shalt  }
0x7e: {  	_ =	shalt  }
0x7f: {  	_ =	shalt  }
0x80: {  	_ =	shalt  }
0x81: {  	_ =	shalt  }
0x82: {  	_ =	shalt  }
0x83: {  	_ =	shalt  }
0x84: {  	_ =	shalt  }
0x85: {  	_ =	shalt  }
0x86: {  	_ =	shalt  }
0x87: {  	_ =	shalt  }
.Lfunc_end0:
.L_simem_size_0:
called_computation.7_lowered:
.L_overlay_start_0:
0x88: {  	s2 =	sld [smem:$0x3FD9]  }
0x89: {  	s3 =	sld [smem:$0x3FFE];
	_ =	sdelay $0x1  }
0x8a: {  	s1 =	srdreg.scid  }
0x8b: {  	s0 =	sand.u32 $0x1, s1  }
0x8c: {  	s15 =	sshll.u32 s0, $0xA;
	s2 =	sadd.s32 s3, s2  }
0x8d: {  	s2 =	sadd.s32 s2, s15  }
0x8e: {  	[smem:$0x3FAE] =	sst s2  }
0x8f: {  	_ = 	snop  }
0x90: {  	s2 =	sld [smem:$0x3FD0];
	_ =	sdelay $0x2  }
0x91: {  	s16 =	simm.s32 $0xD;
	s4 =	simm.s32 $0x10  }
0x92: {  	[smem:s4], [sflag:s16] =	dma.local [hbm:s2], $0x1  }
0x93: {  	_ =	swait.eq [sflag:s16], $0x1  }
0x94: {  	[sflag:s16] =	ssyncset.done $0x0  }
0x95: {  	[sflag:s16] =	ssyncadd.s32 $0xFFFFFFFF  }
0x96: {  	s17 =	sld [smem:$0x11];
	(tm) =	ssettm $0x1  }
0x97: {  	s18 =	sld [smem:$0x3FFB];
	_ =	sdelay $0x3  }
0x98: {  	_ =	strace s18  }
0x99: {  	s2 =	sld [smem:$0x3FFC];
	_ =	sdelay $0x3  }
0x9a: {  	_ =	strace s2  }
0x9b: {  	s2 =	sld [smem:$0x3FFD];
	_ =	sdelay $0x3  }
0x9c: {  	_ =	strace s2  }
0x9d: {  	_ =	strace $0x8FFFFFFF  }
0x9e: {  	s19 =	sld [smem:$0x3FDB];
	_ =	sdelay $0x1  }
0x9f: {  	s20 =	simm.s32 $_scs_section_size  }
0xa0: {  	s5 =	simm.s32 $_size__tile_overlayer_lowered;
	s6 =	simm.s32 $_tile_overlayer_lowered  }
0xa1: {  	s7 =	simm.s32 $0x1BFF;
	s21 =	sshll.u32 s6, $0x1;
	s4 =	sadd.s32 s20, s19  }
0xa2: {  	s22 =	simm.s32 $0x0;
	s5 =	sshll.u32 s5, $0x1;
	s6 =	sadd.s32 s21, s4  }
0xa3: {  	[timem:s22], [sflag:s7] =	dma.local [hbm:s6], s5  }
0xa4: {  	_ =	swait.ge [sflag:s7], s5  }
0xa5: {  	s5 =	ssub.s32 $0x0, s5;
	[sflag:s7] =	ssyncset.done $0x0  }
0xa6: {  	[sflag:s7] =	ssyncadd.s32 s5;
	_ =	sdelay $0x1  }
0xa7: {  	s23 =	simm.s32 $0x1B8B  }
0xa8: {  	_ =	swait.ge [sflag:s23], $0x1  }
0xa9: {  	[sflag:s23] =	ssyncset.done $0x0  }
0xaa: {  	[sflag:s23] =	ssyncadd.s32 $0xFFFFFFFF  }
0xab: {  	s5 =	sld [smem:$0x0]  }
0xac: {  	s6 =	sand.u32 $0xFFFFFFFE, s1  }
0xad: {  	p0 =	sne.s32 s1, s6  }
0xae: {  	s6 =	sshll.u32 @p0 s6, $0xE  }
0xaf: {  	s6 =	sadd.s32 @p0 $0x11B8D, s6;
	s7 =	sshll.u32 @p0 s5, $0x11  }
0xb0: {  	s6 =	sor.u32 @p0 s7, s6  }
0xb1: {  	[sflag:s6] =	ssyncadd.remote.s32 @p0 $0x1;
	_ =	sdelay $0x1  }
0xb2: {  	s6 =	simm.s32 @p0 $0x1B8D  }
0xb3: {  	_ =	swait.eq @p0 [sflag:s6], $0x1  }
0xb4: {  	[sflag:s6] =	ssyncadd.s32 @p0 $0xFFFFFFFF  }
0xb5: {  	s7 =	sshll.u32 @!p0 s1, $0xE  }
0xb6: {  	s7 =	sor.u32 @!p0 $0x4000, s7;
	s6 =	simm.s32 @!p0 $0x1B8D  }
0xb7: {  	s5 =	sshll.u32 @!p0 s5, $0x11;
	s7 =	sadd.s32 @!p0 $0x11B8D, s7;
	_ =	swait.eq @!p0 [sflag:s6], $0x1  }
0xb8: {  	s5 =	sor.u32 @!p0 s5, s7;
	[sflag:s6] =	ssyncadd.s32 @!p0 $0xFFFFFFFF  }
0xb9: {  	s25 =	simm.s32 $0x1B8E;
	s24 =	sld [smem:$0x3FFE];
	[sflag:s5] =	ssyncadd.remote.s32 @!p0 $0x1  }
0xba: {  	s26 =	simm.s32 $execute0_lowered;
	[smem:$0x3FD2] =	sst s25  }
0xbb: {  	s6 =	sshll.u32 s26, $0x1;
	_ =	strace $0x80000055;
	[dreg:$0x1] =	wrdreg $0xFFFFFFFF  }
0xbc: {  	s28 =	simm.s32 $_size_execute0_lowered;
	s4 =	sadd.s32 s4, s6;
	[dreg:$0x0] =	wrdreg $0x0  }
0xbd: {  	s6 =	sshll.u32 s28, $0x1;
	[dreg:$0x2] =	wrdreg s4  }
0xbe: {  	[dreg:$0x3] =	wrdreg s6  }
0xbf: {  	[dreg:$0x4] =	wrdreg $0xC0  }
0xc0: {  	_ =	task [dreg:s22], $0x5FFFF  }
0xc1: {  	[dreg:$0x1] =	wrdreg $0xFFFFFFFF  }
0xc2: {  	[dreg:$0x0] =	wrdreg $0x60  }
0xc3: {  	[dreg:$0x2] =	wrdreg s24  }
0xc4: {  	[dreg:$0x3] =	wrdreg s17  }
0xc5: {  	[dreg:$0x4] =	wrdreg $0x42680  }
0xc6: {  	[dreg:$0x5] =	wrdreg $0xC  }
0xc7: {  	_ =	task.clear_ibuf [dreg:s22], $0x6FFFF;
	_ =	strace $0x90000055  }
0xc8: {  	s29 =	simm.s32 $0xC;
	_ =	strace $0x80000057  }
0xc9: {  	_ =	swait.ge [sflag:s29], $0x1  }
0xca: {  	[sflag:s29] =	ssyncadd.s32 $0xFFFFFFFF  }
0xcb: {  	_ =	strace $0x90000057  }
0xcc: {  	_ =	sfence  }
0xcd: {  	s30 =	sld [smem:$0x0];
	_ =	sdelay $0x2  }
0xce: {  	s31 =	sshll.u32 s1, $0xD;
	s1 =	sshrl.u32 s1, $0x2  }
0xcf: {  	s4 =	sand.u32 $0x4000, s31;
	s1 =	sadd.s32 s1, s30  }
0xd0: {  	s0 =	sor.u32 s4, s0;
	s1 =	sshll.u32 s1, $0x11  }
0xd1: {  	s0 =	sor.u32 s1, s0  }
0xd2: {  	s0 =	sadd.s32 $0x8F2B, s0  }
0xd3: {  	[sflag:s0] =	ssyncadd.remote.s32 $0x1  }
0xd4: {  	_ =	sfence.sel $0xFFFF  }
0xd5: {  	[dreg:$0x0] =	wrdreg $0xFFFFFFFF;
	(pc) =	sbr.abs _section_cstart, $3  }
0xd6: {  	[dreg:$0x1] =	wrdreg $0xFFFFFFFF  }
0xd7: {  	_ =	task.clear_ibuf [dreg:s22], $0x2FFFF;
	_ =	strace $0x9FFFFFFF  }
0xd8: {  	(tm) =	ssettm $0x7FFFFFFF  }
0xd9: {  	_ =	shalt  }
tec
execute0_lowered:
.L_overlay_start_1:
0x0: {  	(tag) =	ssettag $0x1  }
0x1: {  	s19 =	rddreg [dreg:$0x0]  }
0x2: {  	s2 =	rddreg [dreg:$0x1]  }
0x3: {  	s3 =	rddreg [dreg:$0x2]  }
0x4: {  	s0 =	rddreg [dreg:$0x3]  }
0x5: {  	s4 =	simm.s32 $0x0;
	s1 =	stileid.u32;
	s5 =	srdreg.scid  }
0x6: {  	[smem:$0x7FF] =	sst s4;
	s20 =	smul.u32 $0x2800, s1  }
0x7: {  	s21 =	sand.u32 $0x1, s5;
	s26 =	sshll.u32 s1, $0x1;
	s28 =	sshll.u32 s1, $0x6  }
0x8: {  	_ =	strace $0x80000056;
	s9 =	sor.u32 s21, s26;
	s6 =	sadd.s32 s20, s3  }
0x9: {  	s5 =	sor.u32 $0x1C01, s28;
	s7 =	sshrl.u32 s6, $0x3;
	s6 =	simm.s32 $0x1  }
0xa: {  	[spmem:s7], [sflag:s5] =	dma.local [hbm:s2], $0x500  }
0xb: {  	s18 =	smul.u32 $0x1388, s9;
	_ =	swait.ge [sflag:s6], $0x500  }
0xc: {  	[sflag:s6] =	ssyncset.done $0x0  }
0xd: {  	s17 =	sadd.s32 $0x59A200, s19;
	s8 =	sshrl.u32 s18, $0x3;
	[sflag:s6] =	ssyncadd.s32 $0xFFFFFB00  }
0xe: {  	s8 =	sadd.s32 s17, s8;
	[bflag:$0x0] =	sbarrier.arrive $0xFFFF  }
0xf: {  	[tilespmem:s4], [sflag:$0x1] =	stream.linear.gather [hbm4b:s8+s4], $0x3E8, $0x38;
	[tilespmem:$0x6A68] =	vst v63  }
0x10: {  	s9 =	smul.u32 $0x2710, s9;
	_ =	swait.ge [sflag:s6], $0x3E8  }
0x11: {  	s22 =	sadd.s32 $0x282E00, s19;
	[sflag:s6] =	ssyncset.done $0x0  }
0x12: {  	s10 =	simm.s32 $0x3E8;
	s9 =	sadd.s32 s22, s9;
	[sflag:s6] =	ssyncadd.s32 $0xFFFFFC18  }
0x13: {  	[tilespmem:s10], [sflag:$0x1] =	stream.linear.gather [hbm4b:s9+s4], $0x3E80, $0x38;
	[tilespmem:$0x6A68] =	vst v63  }
0x14: {  	_ =	swait.ge [sflag:s6], $0x3E80  }
0x15: {  	[sflag:s6] =	ssyncset.done $0x0  }
0x16: {  	[sflag:s6] =	ssyncadd.s32 $0xFFFFC180  }
0x17: {  	[spmem:s3] =	stream.indirect.scatter.add.f32 [tilespmem:s10], [sflag:$0x1], $0x10, s4, s10, $0xb8;
	[tilespmem:$0x6A68] =	vst v63  }
0x18: {  	s12 =	sadd.s32 $0x3E8, s18;
	_ =	swait.ge [sflag:s6], $0x3E80  }
0x19: {  	s11 =	sshrl.u32 s12, $0x3;
	[sflag:s6] =	ssyncset.done $0x0  }
0x1a: {  	s11 =	sadd.s32 s17, s11;
	[sflag:s6] =	ssyncadd.s32 $0xFFFFC180  }
0x1b: {  	[tilespmem:s4], [sflag:$0x1] =	stream.linear.gather [hbm4b:s11+s4], $0x3E8, $0x38;
	[tilespmem:$0x6A68] =	vst v63  }
0x1c: {  	_ =	swait.ge [sflag:s6], $0x3E8  }
0x1d: {  	s12 =	sshll.u32 s12, $0x1;
	[sflag:s6] =	ssyncset.done $0x0  }
0x1e: {  	s12 =	sadd.s32 s22, s12;
	[sflag:s6] =	ssyncadd.s32 $0xFFFFFC18  }
0x1f: {  	[tilespmem:s10], [sflag:$0x1] =	stream.linear.gather [hbm4b:s12+s4], $0x3E80, $0x38;
	[tilespmem:$0x6A68] =	vst v63  }
0x20: {  	_ =	swait.ge [sflag:s6], $0x3E80  }
0x21: {  	[sflag:s6] =	ssyncset.done $0x0  }
0x22: {  	[sflag:s6] =	ssyncadd.s32 $0xFFFFC180  }
0x23: {  	[spmem:s3] =	stream.indirect.scatter.add.f32 [tilespmem:s10], [sflag:$0x1], $0x10, s4, s10, $0xb8;
	[tilespmem:$0x6A68] =	vst v63  }
0x24: {  	s14 =	sadd.s32 $0x7D0, s18;
	_ =	swait.ge [sflag:s6], $0x3E80  }
0x25: {  	s13 =	sshrl.u32 s14, $0x3;
	[sflag:s6] =	ssyncset.done $0x0  }
0x26: {  	s13 =	sadd.s32 s17, s13;
	[sflag:s6] =	ssyncadd.s32 $0xFFFFC180  }
0x27: {  	[tilespmem:s4], [sflag:$0x1] =	stream.linear.gather [hbm4b:s13+s4], $0x3E8, $0x38;
	[tilespmem:$0x6A68] =	vst v63  }
0x28: {  	_ =	swait.ge [sflag:s6], $0x3E8  }
0x29: {  	s14 =	sshll.u32 s14, $0x1;
	[sflag:s6] =	ssyncset.done $0x0  }
0x2a: {  	s14 =	sadd.s32 s22, s14;
	[sflag:s6] =	ssyncadd.s32 $0xFFFFFC18  }
0x2b: {  	[tilespmem:s10], [sflag:$0x1] =	stream.linear.gather [hbm4b:s14+s4], $0x3E80, $0x38;
	[tilespmem:$0x6A68] =	vst v63  }
0x2c: {  	_ =	swait.ge [sflag:s6], $0x3E80  }
0x2d: {  	[sflag:s6] =	ssyncset.done $0x0  }
0x2e: {  	[sflag:s6] =	ssyncadd.s32 $0xFFFFC180  }
0x2f: {  	[spmem:s3] =	stream.indirect.scatter.add.f32 [tilespmem:s10], [sflag:$0x1], $0x10, s4, s10, $0xb8;
	[tilespmem:$0x6A68] =	vst v63  }
0x30: {  	s16 =	sadd.s32 $0xBB8, s18;
	_ =	swait.ge [sflag:s6], $0x3E80  }
0x31: {  	s15 =	sshrl.u32 s16, $0x3;
	[sflag:s6] =	ssyncset.done $0x0  }
0x32: {  	s15 =	sadd.s32 s17, s15;
	[sflag:s6] =	ssyncadd.s32 $0xFFFFC180  }
0x33: {  	[tilespmem:s4], [sflag:$0x1] =	stream.linear.gather [hbm4b:s15+s4], $0x3E8, $0x38;
	[tilespmem:$0x6A68] =	vst v63  }
0x34: {  	_ =	swait.ge [sflag:s6], $0x3E8  }
0x35: {  	s16 =	sshll.u32 s16, $0x1;
	[sflag:s6] =	ssyncset.done $0x0  }
0x36: {  	s16 =	sadd.s32 s22, s16;
	[sflag:s6] =	ssyncadd.s32 $0xFFFFFC18  }
0x37: {  	[tilespmem:s10], [sflag:$0x1] =	stream.linear.gather [hbm4b:s16+s4], $0x3E80, $0x38;
	[tilespmem:$0x6A68] =	vst v63  }
0x38: {  	_ =	swait.ge [sflag:s6], $0x3E80  }
0x39: {  	[sflag:s6] =	ssyncset.done $0x0  }
0x3a: {  	[sflag:s6] =	ssyncadd.s32 $0xFFFFC180  }
0x3b: {  	[spmem:s3] =	stream.indirect.scatter.add.f32 [tilespmem:s10], [sflag:$0x1], $0x10, s4, s10, $0xb8;
	[tilespmem:$0x6A68] =	vst v63  }
0x3c: {  	s18 =	sadd.s32 $0xFA0, s18;
	_ =	swait.ge [sflag:s6], $0x3E80  }
0x3d: {  	s23 =	sshrl.u32 s18, $0x3;
	[sflag:s6] =	ssyncset.done $0x0  }
0x3e: {  	s17 =	sadd.s32 s17, s23;
	[sflag:s6] =	ssyncadd.s32 $0xFFFFC180  }
0x3f: {  	[tilespmem:s4], [sflag:$0x1] =	stream.linear.gather [hbm4b:s17+s4], $0x3E8, $0x38;
	[tilespmem:$0x6A68] =	vst v63  }
0x40: {  	_ =	swait.ge [sflag:s6], $0x3E8  }
0x41: {  	s18 =	sshll.u32 s18, $0x1;
	[sflag:s6] =	ssyncset.done $0x0  }
0x42: {  	s29 =	smul.u32 $0x28000, s21;
	s18 =	sadd.s32 s22, s18;
	[sflag:s6] =	ssyncadd.s32 $0xFFFFFC18  }
0x43: {  	[tilespmem:s10], [sflag:$0x1] =	stream.linear.gather [hbm4b:s18+s4], $0x3E80, $0x38;
	[tilespmem:$0x6A68] =	vst v63  }
0x44: {  	s21 =	ssub.s32 $0x2, s21;
	_ =	swait.ge [sflag:s6], $0x3E80  }
0x45: {  	s30 =	sshrl.u32 s21, $0x1;
	s20 =	sadd.s32 s20, s29;
	[sflag:s6] =	ssyncset.done $0x0  }
0x46: {  	s31 =	ssub.s32 s21, s30;
	s20 =	sshrl.u32 s20, $0x3;
	[sflag:s6] =	ssyncadd.s32 $0xFFFFC180  }
0x47: {  	[spmem:s3] =	stream.indirect.scatter.add.f32 [tilespmem:s10], [sflag:$0x1], $0x10, s4, s10, $0xb8;
	[tilespmem:$0x6A68] =	vst v63  }
0x48: {  	s19 =	sadd.s32 s20, s19;
	s20 =	smax.u32 s31, $0x1;
	_ =	swait.ge [sflag:s6], $0x3E80  }
0x49: {  	p0 =	sne.s32 s20, $0x1;
	[sflag:s6] =	ssyncset.done $0x0  }
.Ltmp0:
0x4a: {  	[sflag:s6] =	ssyncadd.s32 $0xFFFFC180;
	(pc) =	sbr.rel @!p0 .LBB2_2-.Ltmp0, $4  }
0x4b: {  	s19 =	sadd.s32 $0x551000, s19;
	[bflag:$0x0] =	sbarrier.arrive $0xFFFF  }
0x4c: {  	[hbm:s19], [sflag:s5] =	dma.local [spmem:s7], $0x500  }
0x4d: {  	_ =	swait.ge [sflag:s6], $0x500  }
0x4e: {  	s20 =	sadd.s32 $0xFFFFFFFF, s20;
	[sflag:s6] =	ssyncset.done $0x0  }
.LBB2_1:
0x4f: {  	p0 =	sne.s32 s20, $0x1;
	s20 =	sadd.s32 $0xFFFFFFFF, s20;
	[sflag:s6] =	ssyncadd.s32 $0xFFFFFB00  }
0x50: {  	[spmem:s7], [sflag:s5] =	dma.local [hbm:s2], $0x500  }
0x51: {  	_ =	swait.ge [sflag:s6], $0x500  }
0x52: {  	[sflag:s6] =	ssyncset.done $0x0  }
0x53: {  	[sflag:s6] =	ssyncadd.s32 $0xFFFFFB00  }
0x54: {  	[bflag:$0x0] =	sbarrier.arrive $0xFFFF  }
0x55: {  	[tilespmem:s4], [sflag:$0x1] =	stream.linear.gather [hbm4b:s8+s4], $0x3E8, $0x38;
	[tilespmem:$0x6A68] =	vst v63  }
0x56: {  	_ =	swait.ge [sflag:s6], $0x3E8  }
0x57: {  	[sflag:s6] =	ssyncset.done $0x0  }
0x58: {  	[sflag:s6] =	ssyncadd.s32 $0xFFFFFC18  }
0x59: {  	[tilespmem:s10], [sflag:$0x1] =	stream.linear.gather [hbm4b:s9+s4], $0x3E80, $0x38;
	[tilespmem:$0x6A68] =	vst v63  }
0x5a: {  	_ =	swait.ge [sflag:s6], $0x3E80  }
0x5b: {  	[sflag:s6] =	ssyncset.done $0x0  }
0x5c: {  	[sflag:s6] =	ssyncadd.s32 $0xFFFFC180  }
0x5d: {  	[spmem:s3] =	stream.indirect.scatter.add.f32 [tilespmem:s10], [sflag:$0x1], $0x10, s4, s10, $0xb8;
	[tilespmem:$0x6A68] =	vst v63  }
0x5e: {  	_ =	swait.ge [sflag:s6], $0x3E80  }
0x5f: {  	[sflag:s6] =	ssyncset.done $0x0  }
0x60: {  	[sflag:s6] =	ssyncadd.s32 $0xFFFFC180  }
0x61: {  	[tilespmem:s4], [sflag:$0x1] =	stream.linear.gather [hbm4b:s11+s4], $0x3E8, $0x38;
	[tilespmem:$0x6A68] =	vst v63  }
0x62: {  	_ =	swait.ge [sflag:s6], $0x3E8  }
0x63: {  	[sflag:s6] =	ssyncset.done $0x0  }
0x64: {  	[sflag:s6] =	ssyncadd.s32 $0xFFFFFC18  }
0x65: {  	[tilespmem:s10], [sflag:$0x1] =	stream.linear.gather [hbm4b:s12+s4], $0x3E80, $0x38;
	[tilespmem:$0x6A68] =	vst v63  }
0x66: {  	_ =	swait.ge [sflag:s6], $0x3E80  }
0x67: {  	[sflag:s6] =	ssyncset.done $0x0  }
0x68: {  	[sflag:s6] =	ssyncadd.s32 $0xFFFFC180  }
0x69: {  	[spmem:s3] =	stream.indirect.scatter.add.f32 [tilespmem:s10], [sflag:$0x1], $0x10, s4, s10, $0xb8;
	[tilespmem:$0x6A68] =	vst v63  }
0x6a: {  	_ =	swait.ge [sflag:s6], $0x3E80  }
0x6b: {  	[sflag:s6] =	ssyncset.done $0x0  }
0x6c: {  	[sflag:s6] =	ssyncadd.s32 $0xFFFFC180  }
0x6d: {  	[tilespmem:s4], [sflag:$0x1] =	stream.linear.gather [hbm4b:s13+s4], $0x3E8, $0x38;
	[tilespmem:$0x6A68] =	vst v63  }
0x6e: {  	_ =	swait.ge [sflag:s6], $0x3E8  }
0x6f: {  	[sflag:s6] =	ssyncset.done $0x0  }
0x70: {  	[sflag:s6] =	ssyncadd.s32 $0xFFFFFC18  }
0x71: {  	[tilespmem:s10], [sflag:$0x1] =	stream.linear.gather [hbm4b:s14+s4], $0x3E80, $0x38;
	[tilespmem:$0x6A68] =	vst v63  }
0x72: {  	_ =	swait.ge [sflag:s6], $0x3E80  }
0x73: {  	[sflag:s6] =	ssyncset.done $0x0  }
0x74: {  	[sflag:s6] =	ssyncadd.s32 $0xFFFFC180  }
0x75: {  	[spmem:s3] =	stream.indirect.scatter.add.f32 [tilespmem:s10], [sflag:$0x1], $0x10, s4, s10, $0xb8;
	[tilespmem:$0x6A68] =	vst v63  }
0x76: {  	_ =	swait.ge [sflag:s6], $0x3E80  }
0x77: {  	[sflag:s6] =	ssyncset.done $0x0  }
0x78: {  	[sflag:s6] =	ssyncadd.s32 $0xFFFFC180  }
0x79: {  	[tilespmem:s4], [sflag:$0x1] =	stream.linear.gather [hbm4b:s15+s4], $0x3E8, $0x38;
	[tilespmem:$0x6A68] =	vst v63  }
0x7a: {  	_ =	swait.ge [sflag:s6], $0x3E8  }
0x7b: {  	[sflag:s6] =	ssyncset.done $0x0  }
0x7c: {  	[sflag:s6] =	ssyncadd.s32 $0xFFFFFC18  }
0x7d: {  	[tilespmem:s10], [sflag:$0x1] =	stream.linear.gather [hbm4b:s16+s4], $0x3E80, $0x38;
	[tilespmem:$0x6A68] =	vst v63  }
0x7e: {  	_ =	swait.ge [sflag:s6], $0x3E80  }
0x7f: {  	[sflag:s6] =	ssyncset.done $0x0  }
0x80: {  	[sflag:s6] =	ssyncadd.s32 $0xFFFFC180  }
0x81: {  	[spmem:s3] =	stream.indirect.scatter.add.f32 [tilespmem:s10], [sflag:$0x1], $0x10, s4, s10, $0xb8;
	[tilespmem:$0x6A68] =	vst v63  }
0x82: {  	_ =	swait.ge [sflag:s6], $0x3E80  }
0x83: {  	[sflag:s6] =	ssyncset.done $0x0  }
0x84: {  	[sflag:s6] =	ssyncadd.s32 $0xFFFFC180  }
0x85: {  	[tilespmem:s4], [sflag:$0x1] =	stream.linear.gather [hbm4b:s17+s4], $0x3E8, $0x38;
	[tilespmem:$0x6A68] =	vst v63  }
0x86: {  	_ =	swait.ge [sflag:s6], $0x3E8  }
0x87: {  	[sflag:s6] =	ssyncset.done $0x0  }
0x88: {  	[sflag:s6] =	ssyncadd.s32 $0xFFFFFC18  }
0x89: {  	[tilespmem:s10], [sflag:$0x1] =	stream.linear.gather [hbm4b:s18+s4], $0x3E80, $0x38;
	[tilespmem:$0x6A68] =	vst v63  }
0x8a: {  	_ =	swait.ge [sflag:s6], $0x3E80  }
0x8b: {  	[sflag:s6] =	ssyncset.done $0x0  }
0x8c: {  	[sflag:s6] =	ssyncadd.s32 $0xFFFFC180  }
0x8d: {  	[spmem:s3] =	stream.indirect.scatter.add.f32 [tilespmem:s10], [sflag:$0x1], $0x10, s4, s10, $0xb8;
	[tilespmem:$0x6A68] =	vst v63  }
0x8e: {  	_ =	swait.ge [sflag:s6], $0x3E80  }
0x8f: {  	[sflag:s6] =	ssyncset.done $0x0  }
.Ltmp1:
0x90: {  	[sflag:s6] =	ssyncadd.s32 $0xFFFFC180;
	(pc) =	sbr.rel @p0 .LBB2_1-.Ltmp1, $4  }
0x91: {  	[bflag:$0x0] =	sbarrier.arrive $0xFFFF  }
0x92: {  	[hbm:s19], [sflag:s5] =	dma.local [spmem:s7], $0x500  }
0x93: {  	_ =	swait.ge [sflag:s6], $0x500  }
0x94: {  	[sflag:s6] =	ssyncset.done $0x0  }
.LBB2_2:
0x95: {  	[sflag:s6] =	ssyncadd.s32 $0xFFFFFB00  }
0x96: {  	_ =	sfence.sel $0x180000  }
0x97: {  	[bflag:$0x0] =	sbarrier.arrive $0xFFFF  }
0x98: {  	p0 =	sne.s32 s1, $0x0;
	_ =	strace $0x90000056  }
0x99: {  	s0 =	sadd.s32 @!p0 $0x100000, s0;
	[bflag:$0x2] =	sbarrier.arrive $0xFFFF  }
0x9a: {  	[sflag:s0] =	ssyncadd.tile.s32 @!p0 $0x1;
	_ =	shalt  }
.Lfunc_end2:
_tile_overlayer_lowered:
.L_overlay_start_2:
0x9b: {  	(tag) =	ssettag $0x2  }
0x9c: {  	s0 =	rddreg [dreg:$0x0];
	s2 =	stileid.u32  }
0x9d: {  	s1 =	rddreg [dreg:$0x1];
	p0 =	sne.s32 s2, $0x0  }
0x9e: {  	s3 =	rddreg [dreg:$0x2];
	[bflag:$0x3] =	sbarrier.arrive $0xFFFF;
	s2 =	simm.s32 @!p0 $0x1C01  }
0x9f: {  	[timem:s3], [sflag:s2] =	dma.local @!p0 [hbm:s0], s1  }
0xa0: {  	s0 =	simm.s32 @!p0 $0x1  }
0xa1: {  	_ =	swait.ge @!p0 [sflag:s0], s1  }
0xa2: {  	s1 =	ssub.s32 @!p0 $0x0, s1;
	[sflag:s0] =	ssyncset.done @!p0 $0x0  }
0xa3: {  	[sflag:s0] =	ssyncadd.s32 @!p0 s1  }
0xa4: {  	[bflag:$0x3] =	sbarrier.arrive $0xFFFF  }
0xa5: {  	_ =	shalt  }

</sc_bundles>
